<compile_context>
chip_gen: v7x
topology: tpu7x:2x2x1
jax: 0.10.2.dev20260603
libtpu: 0.0.44.dev20260713+nightly
codegen_flags: <defaults>
</compile_context>

<pallas_src>
import functools

import jax
import jax.numpy as jnp
from jax import lax
from jax.experimental import pallas as pl
from jax.experimental.pallas import tpu as pltpu
from jax.experimental.pallas import tpu_sc as plsc

NC = 2
NS = 16
NW = NC * NS
GRP = 128
GPC = 4
CHUNK = GRP * GPC


def _edge_mlp(e_r, s_p, BD1, b1t, BD2, b2t, W3s, b3t, LAT, blk):
    R, PK = e_r.shape
    E = R * 8
    DOUT = W3s.shape[1] // 8

    def body(e_ref, s_ref, w1, bb1, w2, bb2, w3, bb3, o_ref):
        x1 = jnp.maximum(
            jnp.dot(e_ref[...], w1[...], preferred_element_type=jnp.float32)
            + bb1[...] + s_ref[...],
            0.0,
        )
        x2 = jnp.maximum(
            jnp.dot(x1, w2[...], preferred_element_type=jnp.float32) + bb2[...],
            0.0,
        )
        z = jnp.dot(x2, w3[...], preferred_element_type=jnp.float32) + bb3[...]
        sg = jax.nn.sigmoid(z)
        for c in range(8):
            o_ref[:, c, :] = sg[:, c * DOUT:(c + 1) * DOUT]

    return pl.pallas_call(
        body,
        grid=(R // blk,),
        in_specs=[
            pl.BlockSpec((blk, PK), lambda i: (i, 0)),
            pl.BlockSpec((blk, PK), lambda i: (i, 0)),
            pl.BlockSpec((PK, PK), lambda i: (0, 0)),
            pl.BlockSpec((1, PK), lambda i: (0, 0)),
            pl.BlockSpec((PK, PK), lambda i: (0, 0)),
            pl.BlockSpec((1, PK), lambda i: (0, 0)),
            pl.BlockSpec((PK, 8 * DOUT), lambda i: (0, 0)),
            pl.BlockSpec((1, 8 * DOUT), lambda i: (0, 0)),
        ],
        out_specs=pl.BlockSpec((blk, 8, DOUT), lambda i: (i, 0, 0)),
        out_shape=jax.ShapeDtypeStruct((R, 8, DOUT), jnp.float32),
    )(e_r, s_p, BD1, b1t.reshape(1, PK), BD2, b2t.reshape(1, PK),
      W3s, b3t.reshape(1, 8 * DOUT)).reshape(E, DOUT)


def _node_pre(n_feats, W1e_s, W1e_d, blk):
    N, DIN = n_feats.shape
    LAT = W1e_s.shape[1]

    def body(n_ref, ws_ref, wd_ref, p_ref, q_ref):
        x = n_ref[...]
        p_ref[...] = jnp.dot(x, ws_ref[...], preferred_element_type=jnp.float32)
        q_ref[...] = jnp.dot(x, wd_ref[...], preferred_element_type=jnp.float32)

    return pl.pallas_call(
        body,
        grid=(N // blk,),
        in_specs=[
            pl.BlockSpec((blk, DIN), lambda i: (i, 0)),
            pl.BlockSpec((DIN, LAT), lambda i: (0, 0)),
            pl.BlockSpec((DIN, LAT), lambda i: (0, 0)),
        ],
        out_specs=[
            pl.BlockSpec((blk, LAT), lambda i: (i, 0)),
            pl.BlockSpec((blk, LAT), lambda i: (i, 0)),
        ],
        out_shape=[
            jax.ShapeDtypeStruct((N, LAT), jnp.float32),
            jax.ShapeDtypeStruct((N, LAT), jnp.float32),
        ],
    )(n_feats, W1e_s, W1e_d)


def _sc_gather_add(ei_r, P, Q, E):
    LAT = P.shape[1]
    PK = LAT * 8
    R = E // 8
    RPC = CHUNK // 8
    n_chunks = E // CHUNK
    iters = -(-n_chunks // NW)
    mesh = plsc.VectorSubcoreMesh(core_axis_name="c", subcore_axis_name="s")

    @functools.partial(
        pl.kernel,
        out_type=jax.ShapeDtypeStruct((R, PK), jnp.float32),
        mesh=mesh,
        scratch_types=[
            pltpu.VMEM((GPC, GRP), jnp.int32),
            pltpu.VMEM((GPC, GRP), jnp.int32),
            pltpu.VMEM((GPC, GRP), jnp.int32),
            pltpu.VMEM((GPC, GRP), jnp.int32),
            pltpu.VMEM((RPC, PK), jnp.float32),
            pltpu.VMEM((RPC, PK), jnp.float32),
            pltpu.VMEM((CHUNK, LAT), jnp.float32),
            pltpu.VMEM((CHUNK, LAT), jnp.float32),
            pltpu.VMEM((CHUNK, LAT), jnp.float32),
            pltpu.VMEM((CHUNK, LAT), jnp.float32),
            pltpu.SemaphoreType.DMA,
            pltpu.SemaphoreType.DMA,
            pltpu.SemaphoreType.DMA,
            pltpu.SemaphoreType.DMA,
        ],
        compiler_params=pltpu.CompilerParams(use_tc_tiling_on_sc=False),
    )
    def k(ei_hbm, p_hbm, q_hbm, s_hbm, isrc0, isrc1, idst0, idst1,
          sb0, sb1, pb0, pb1, qb0, qb1, semI, semG, semW0, semW1):
        wid = lax.axis_index("s") * NC + lax.axis_index("c")
        isrc = [isrc0, isrc1]
        idst = [idst0, idst1]
        sb = [sb0, sb1]
        pb = [pb0, pb1]
        qb = [qb0, qb1]
        semW = [semW0, semW1]

        def issue_idx(cid, b):
            g0 = cid * GPC
            pltpu.async_copy(ei_hbm.at[0, pl.ds(g0, GPC)], isrc[b], semI)
            pltpu.async_copy(ei_hbm.at[1, pl.ds(g0, GPC)], idst[b], semI)

        @pl.when(wid < n_chunks)
        def _():
            issue_idx(wid, 0)

        def outer(io, carry):
            for b in range(2):
                i = io * 2 + b
                cid = wid + i * NW

                @pl.when(cid < n_chunks)
                def _(i=i, b=b, cid=cid):
                    g0 = cid * GPC
                    pltpu.make_async_copy(
                        ei_hbm.at[0, pl.ds(g0, GPC)], isrc[b], semI).wait()
                    pltpu.make_async_copy(
                        ei_hbm.at[1, pl.ds(g0, GPC)], idst[b], semI).wait()
                    ncid = cid + NW

                    @pl.when(ncid < n_chunks)
                    def _():
                        issue_idx(ncid, 1 - b)

                    gs = []
                    for g in range(GPC):
                        sl = pl.ds(g * GRP, GRP)
                        gs.append(pltpu.async_copy(
                            p_hbm.at[isrc[b].at[g]], pb[b].at[sl], semG))
                        gs.append(pltpu.async_copy(
                            q_hbm.at[idst[b].at[g]], qb[b].at[sl], semG))
                    for h in gs:
                        h.wait()

                    @pl.when(i >= 2)
                    def _():
                        pltpu.make_async_copy(
                            s_hbm.at[pl.ds(0, RPC)], sb[b], semW[b]).wait()

                    def rows(j, c2):
                        for u in range(8):
                            r = j * 8 + u
                            sb[b][j, pl.ds(u * LAT, LAT)] = pb[b][r] + qb[b][r]
                        return c2

                    lax.fori_loop(0, RPC, rows, 0)
                    pltpu.async_copy(
                        sb[b], s_hbm.at[pl.ds(cid * RPC, RPC)], semW[b])

            return carry

        lax.fori_loop(0, (iters + 1) // 2, outer, 0)
        for b in range(2):
            pltpu.make_async_copy(s_hbm.at[pl.ds(0, RPC)], sb[b], semW[b]).wait()

    return k(ei_r, P, Q)


def _sc_segment_sum(ei_r, e_out, N, LAT):
    E, DOUT = e_out.shape
    HALF = DOUT // NC
    GPC2 = 4
    CH2 = GPC2 * GRP
    n_chunks = E // CH2
    iters = -(-n_chunks // NS)
    rs = (N // NS) // 8 * 8
    rs_last = N - (NS - 1) * rs
    ZR = 16
    nz = N // ZR
    mesh = plsc.VectorSubcoreMesh(core_axis_name="c", subcore_axis_name="s")

    @functools.partial(
        pl.kernel,
        out_type=[
            jax.ShapeDtypeStruct((N, DOUT), jnp.float32),
            jax.ShapeDtypeStruct((NC, N, LAT), jnp.float32),
        ],
        mesh=mesh,
        scratch_types=[
            pltpu.VMEM((GPC2, GRP), jnp.int32),
            pltpu.VMEM((GPC2, GRP), jnp.int32),
            pltpu.VMEM((CH2, HALF), jnp.float32),
            pltpu.VMEM((CH2, HALF), jnp.float32),
            pltpu.VMEM((GRP, LAT), jnp.float32),
            pltpu.VMEM((ZR, HALF), jnp.float32),
            pltpu.VMEM((ZR, LAT), jnp.float32),
            pltpu.VMEM_SHARED((N, HALF), jnp.float32),
            pltpu.VMEM_SHARED((N, LAT), jnp.float32),
            pltpu.SemaphoreType.DMA,
        ],
        compiler_params=pltpu.CompilerParams(use_tc_tiling_on_sc=False),
    )
    def k(ei_hbm, eout_hbm, sums_hbm, deg_hbm,
          idxb0, idxb1, rows0, rows1, onesb, zbs, zbd, ssh, dsh, sem):
        c = lax.axis_index("c")
        s = lax.axis_index("s")
        idxb = [idxb0, idxb1]
        rows = [rows0, rows1]

        zero16 = jnp.zeros((16,), jnp.float32)
        one16 = jnp.ones((16,), jnp.float32)
        for r in range(ZR):
            for c8 in range(HALF // 16):
                zbs[r, pl.ds(c8 * 16, 16)] = zero16
            for c8 in range(LAT // 16):
                zbd[r, pl.ds(c8 * 16, 16)] = zero16
        for r in range(GRP):
            for c8 in range(LAT // 16):
                onesb[r, pl.ds(c8 * 16, 16)] = one16

        def zbody(i, carry):
            j = s + i * NS

            @pl.when(j < nz)
            def _():
                pltpu.sync_copy(zbs, ssh.at[pl.ds(j * ZR, ZR)])
                pltpu.sync_copy(zbd, dsh.at[pl.ds(j * ZR, ZR)])

            return carry

        lax.fori_loop(0, -(-nz // NS), zbody, 0)
        plsc.subcore_barrier()

        def issue_reads(cid, b):
            g0 = cid * GPC2
            pltpu.async_copy(ei_hbm.at[1, pl.ds(g0, GPC2)], idxb[b], sem)
            pltpu.async_copy(
                eout_hbm.at[pl.ds(cid * CH2, CH2), pl.ds(c * HALF, HALF)],
                rows[b], sem)

        @pl.when(s < n_chunks)
        def _():
            issue_reads(s, 0)

        def outer(io, carry):
            for b in range(2):
                i = io * 2 + b
                cid = s + i * NS

                @pl.when(cid < n_chunks)
                def _(i=i, b=b, cid=cid):
                    g0 = cid * GPC2
                    pltpu.make_async_copy(
                        ei_hbm.at[1, pl.ds(g0, GPC2)], idxb[b], sem).wait()
                    pltpu.make_async_copy(
                        eout_hbm.at[pl.ds(cid * CH2, CH2),
                                    pl.ds(c * HALF, HALF)],
                        rows[b], sem).wait()
                    ncid = cid + NS

                    @pl.when(ncid < n_chunks)
                    def _():
                        issue_reads(ncid, 1 - b)

                    for g in range(GPC2):
                        sl = pl.ds(g * GRP, GRP)
                        pltpu.sync_copy(rows[b].at[sl], ssh.at[idxb[b].at[g]],
                                        add=True)

                    @pl.when(lax.rem(cid, NC) == c)
                    def _():
                        for g in range(GPC2):
                            pltpu.sync_copy(onesb, dsh.at[idxb[b].at[g]],
                                            add=True)

            return carry

        lax.fori_loop(0, (iters + 1) // 2, outer, 0)
        plsc.subcore_barrier()

        @pl.when(s < NS - 1)
        def _():
            pltpu.sync_copy(ssh.at[pl.ds(s * rs, rs)],
                            sums_hbm.at[pl.ds(s * rs, rs), pl.ds(c * HALF, HALF)])

        @pl.when(s == NS - 1)
        def _():
            base = (NS - 1) * rs
            pltpu.sync_copy(ssh.at[pl.ds(base, rs_last)],
                            sums_hbm.at[pl.ds(base, rs_last), pl.ds(c * HALF, HALF)])

        @pl.when(s < NS - 1)
        def _():
            pltpu.sync_copy(dsh.at[pl.ds(s * rs, rs)],
                            deg_hbm.at[c, pl.ds(s * rs, rs)])

        @pl.when(s == NS - 1)
        def _():
            base = (NS - 1) * rs
            pltpu.sync_copy(dsh.at[pl.ds(base, rs_last)],
                            deg_hbm.at[c, pl.ds(base, rs_last)])

    return k(ei_r, e_out)


def _node_mlp(sums_p, deg_p, n_feats, W1n_a, W1n_b, b1n, W2n, b2n, W3n, b3n, blk):
    N, DIN = n_feats.shape
    LAT = W1n_a.shape[1]
    DOUT = W3n.shape[1]

    def body(sp, dp, nf, w1a, w1b, b1, w2, b2, w3, b3, o_ref):
        sums = sp[...]
        deg = dp[0] + dp[1]
        hN = sums / jnp.maximum(deg[:, :1], 1.0)
        h = jnp.maximum(
            jnp.dot(nf[...], w1a[...], preferred_element_type=jnp.float32)
            + jnp.dot(hN, w1b[...], preferred_element_type=jnp.float32)
            + b1[...],
            0.0,
        )
        h = jnp.maximum(
            jnp.dot(h, w2[...], preferred_element_type=jnp.float32) + b2[...], 0.0
        )
        o_ref[...] = jax.nn.sigmoid(
            jnp.dot(h, w3[...], preferred_element_type=jnp.float32) + b3[...]
        )

    DSUM = sums_p.shape[1]
    DDEG = deg_p.shape[2]
    return pl.pallas_call(
        body,
        grid=(N // blk,),
        in_specs=[
            pl.BlockSpec((blk, DSUM), lambda i: (i, 0)),
            pl.BlockSpec((NC, blk, DDEG), lambda i: (0, i, 0)),
            pl.BlockSpec((blk, DIN), lambda i: (i, 0)),
            pl.BlockSpec((DIN, LAT), lambda i: (0, 0)),
            pl.BlockSpec((DSUM, LAT), lambda i: (0, 0)),
            pl.BlockSpec((1, LAT), lambda i: (0, 0)),
            pl.BlockSpec((LAT, LAT), lambda i: (0, 0)),
            pl.BlockSpec((1, LAT), lambda i: (0, 0)),
            pl.BlockSpec((LAT, DOUT), lambda i: (0, 0)),
            pl.BlockSpec((1, DOUT), lambda i: (0, 0)),
        ],
        out_specs=pl.BlockSpec((blk, DOUT), lambda i: (i, 0)),
        out_shape=jax.ShapeDtypeStruct((N, DOUT), jnp.float32),
    )(sums_p, deg_p, n_feats, W1n_a, W1n_b, b1n.reshape(1, LAT), W2n,
      b2n.reshape(1, LAT), W3n, b3n.reshape(1, DOUT))


def kernel(n_feats, e_feats, edge_index, W1e, b1e, W2e, b2e, W3e, b3e,
           W1n, b1n, W2n, b2n, W3n, b3n):
    N, DIN = n_feats.shape
    E, EIN = e_feats.shape
    LAT = W1e.shape[1]

    ei_r = edge_index.reshape(2, E // GRP, GRP)
    e_r = e_feats.reshape(E // 8, EIN * 8)
    W1e_e = W1e[:EIN]
    W1e_s = W1e[EIN:EIN + DIN]
    W1e_d = W1e[EIN + DIN:]
    W1n_a = W1n[:DIN]
    W1n_b = W1n[DIN:]
    eye8 = jnp.eye(8, dtype=jnp.float32)
    BD1 = jnp.kron(eye8, W1e_e)
    b1t = jnp.tile(b1e, 8)
    BD2 = jnp.kron(eye8, W2e)
    b2t = jnp.tile(b2e, 8)
    W3s = jax.scipy.linalg.block_diag(*([W3e] * 8))
    b3t = jnp.tile(b3e, 8)

    P, Q = _node_pre(n_feats, W1e_s, W1e_d, blk=1000)
    s_p = _sc_gather_add(ei_r, P, Q, E)
    e_out = _edge_mlp(e_r, s_p, BD1, b1t, BD2, b2t, W3s, b3t, LAT, blk=2000)
    sums_p, deg_p = _sc_segment_sum(ei_r, e_out, N, LAT)
    n_out = _node_mlp(sums_p, deg_p, n_feats, W1n_a, W1n_b, b1n,
                      W2n, b2n, W3n, b3n, blk=1000)
    return (n_out, e_out)

# --- scband reference (transcript-rebuilt; emitter-appended) ---
"""Pipeline reference for scband-gnblock-12309376270349 (READ-ONLY COPY).

The authoritative reference and input builder live on the scoring server;
editing this copy changes nothing except your own understanding.
"""

import jax, jax.numpy as jnp
import numpy as np

N = 10000
E = 320000
D_IN = 128
E_IN = 16
LATENT = 16
D_OUT = 128


def _mlp(x, W1, b1, W2, b2, W3, b3):
    # Sequential(Linear, ReLU, Linear, ReLU, Linear, Sigmoid)  (make_mlp with num_layers=1 default)
    h = jax.nn.relu(x @ W1 + b1)
    h = jax.nn.relu(h @ W2 + b2)
    return jax.nn.sigmoid(h @ W3 + b3)


def setup_inputs(seed: int = 0):
    key = jax.random.key(seed)
    ks = jax.random.split(key, 16)

    def w(k, shape):
        fan_in = shape[0]
        return (jax.random.normal(k, shape, dtype=jnp.float32) / np.sqrt(fan_in)).astype(jnp.float32)

    inp = {}
    inp["n_feats"] = jax.random.normal(ks[0], (N, D_IN), dtype=jnp.float32)
    inp["e_feats"] = jax.random.normal(ks[1], (E, E_IN), dtype=jnp.float32)
    inp["edge_index"] = jax.random.randint(ks[2], (2, E), 0, N, dtype=jnp.int32)
    # mlp_e: in = e_in + 2*n_in = 16 + 256 = 272 -> latent 16 -> latent 16 -> e_out 128
    inp["W1e"] = w(ks[3], (E_IN + 2 * D_IN, LATENT)); inp["b1e"] = jnp.zeros((LATENT,), jnp.float32)
    inp["W2e"] = w(ks[4], (LATENT, LATENT)); inp["b2e"] = jnp.zeros((LATENT,), jnp.float32)
    inp["W3e"] = w(ks[5], (LATENT, D_OUT)); inp["b3e"] = jnp.zeros((D_OUT,), jnp.float32)
    # mlp_n: in = n_in + e_out = 128 + 128 = 256 -> latent 16 -> latent 16 -> n_out 128
    inp["W1n"] = w(ks[6], (D_IN + D_OUT, LATENT)); inp["b1n"] = jnp.zeros((LATENT,), jnp.float32)
    inp["W2n"] = w(ks[7], (LATENT, LATENT)); inp["b2n"] = jnp.zeros((LATENT,), jnp.float32)
    inp["W3n"] = w(ks[8], (LATENT, D_OUT)); inp["b3n"] = jnp.zeros((D_OUT,), jnp.float32)
    return inp


def reference(n_feats, e_feats, edge_index, W1e, b1e, W2e, b2e, W3e, b3e,
              W1n, b1n, W2n, b2n, W3n, b3n):
    src = edge_index[0]
    dst = edge_index[1]
    # apply_edges: h_e' = mlp_e(cat[e.h, src.h, dst.h])
    eh = jnp.concatenate([e_feats, jnp.take(n_feats, src, axis=0), jnp.take(n_feats, dst, axis=0)], axis=1)
    e_out = _mlp(eh, W1e, b1e, W2e, b2e, W3e, b3e)
    # update_all: copy_edge + mean reduce by destination node (zero-degree nodes get 0)
    sums = jax.ops.segment_sum(e_out, dst, num_segments=N)
    deg = jax.ops.segment_sum(jnp.ones((e_out.shape[0], 1), jnp.float32), dst, num_segments=N)
    h_N = sums / jnp.maximum(deg, 1.0)
    # apply_nodes: h_n' = mlp_n(cat[n.h, h_N])
    nh = jnp.concatenate([n_feats, h_N], axis=1)
    n_out = _mlp(nh, W1n, b1n, W2n, b2n, W3n, b3n)
    return (n_out, e_out)

if __name__ == "__main__":
    import jax
    _d = setup_inputs()
    print(jax.jit(kernel)(*tuple(_d.values())))

</pallas_src>

<mosaic_0001>
#map = affine_map<(d0, d1) -> (0, 0, 0)>
#map1 = affine_map<(d0, d1) -> (0, 0)>
module attributes {stable_mosaic.version = 14 : i64} {
  func.func @k(%arg0: i32, %arg1: i32, %arg2: memref<2x2500x128xi32, #tpu.memory_space<hbm>>, %arg3: memref<10000x16xf32, #tpu.memory_space<hbm>>, %arg4: memref<10000x16xf32, #tpu.memory_space<hbm>>, %arg5: memref<40000x128xf32, #tpu.memory_space<hbm>>, %arg6: memref<4x128xi32, #tpu.memory_space<vmem>>, %arg7: memref<4x128xi32, #tpu.memory_space<vmem>>, %arg8: memref<4x128xi32, #tpu.memory_space<vmem>>, %arg9: memref<4x128xi32, #tpu.memory_space<vmem>>, %arg10: memref<64x128xf32, #tpu.memory_space<vmem>>, %arg11: memref<64x128xf32, #tpu.memory_space<vmem>>, %arg12: memref<512x16xf32, #tpu.memory_space<vmem>>, %arg13: memref<512x16xf32, #tpu.memory_space<vmem>>, %arg14: memref<512x16xf32, #tpu.memory_space<vmem>>, %arg15: memref<512x16xf32, #tpu.memory_space<vmem>>, %arg16: memref<!tpu.dma_semaphore, #tpu.memory_space<semaphore_mem>>, %arg17: memref<!tpu.dma_semaphore, #tpu.memory_space<semaphore_mem>>, %arg18: memref<!tpu.dma_semaphore, #tpu.memory_space<semaphore_mem>>, %arg19: memref<!tpu.dma_semaphore, #tpu.memory_space<semaphore_mem>>) attributes {dimension_semantics = [#tpu.dimension_semantics<core_parallel>, #tpu.dimension_semantics<subcore_parallel>], iteration_bounds = array<i64: 2, 16>, scalar_prefetch = 0 : i64, scratch_operands = 14 : i64, tpu.core_type = #tpu.core_type<sc_vector_subcore>, window_params = [{transform_indices = #map}, {transform_indices = #map1}, {transform_indices = #map1}, {transform_indices = #map1}]} {
    %mul3A = arith.constant 2 : i32
    %mul3A_0 = arith.muli %arg1, %mul3A : i32
    %add3A = arith.addi %mul3A_0, %arg0 : i32
    %lt3A = arith.constant 625 : i32
    %lt3A_1 = arith.cmpi slt, %add3A, %lt3A : i32
    %convert_element_type3A = arith.extui %lt3A_1 : i1 to i32
    %cond3A = arith.constant 0 : i32
    %cond3A_2 = arith.cmpi ne, %convert_element_type3A, %cond3A : i32
    scf.if %cond3A_2 {
      %mul3A_19 = arith.constant 4 : i32
      %mul3A_20 = arith.muli %add3A, %mul3A_19 : i32
      %dma_start3A = arith.constant 0 : i32
      %dma_start3A_21 = arith.constant 0 : i32
      %dma_start3A_22 = tpu.memref_slice %arg2[%dma_start3A, %mul3A_20, %dma_start3A_21] : memref<2x2500x128xi32, #tpu.memory_space<hbm>> -> memref<1x4x128xi32, #tpu.memory_space<hbm>>
      %dma_start3A_23 = tpu.memref_squeeze %dma_start3A_22 : memref<1x4x128xi32, #tpu.memory_space<hbm>> -> memref<4x128xi32, #tpu.memory_space<hbm>>
      %dma_start3A_24 = arith.constant 0 : i32
      %dma_start3A_25 = tpu.memref_slice %arg2[%dma_start3A, %mul3A_20, %dma_start3A_24] : memref<2x2500x128xi32, #tpu.memory_space<hbm>> -> memref<1x4x128xi32, #tpu.memory_space<hbm>>
      %dma_start3A_26 = tpu.memref_squeeze %dma_start3A_25 : memref<1x4x128xi32, #tpu.memory_space<hbm>> -> memref<4x128xi32, #tpu.memory_space<hbm>>
      tpu.enqueue_dma source(%dma_start3A_26 : memref<4x128xi32, #tpu.memory_space<hbm>>) target(%arg6 : memref<4x128xi32, #tpu.memory_space<vmem>>) target_semaphore(%arg16 : memref<!tpu.dma_semaphore, #tpu.memory_space<semaphore_mem>>)
      %dma_start3A_27 = arith.constant 1 : i32
      %dma_start3A_28 = arith.constant 0 : i32
      %dma_start3A_29 = tpu.memref_slice %arg2[%dma_start3A_27, %mul3A_20, %dma_start3A_28] : memref<2x2500x128xi32, #tpu.memory_space<hbm>> -> memref<1x4x128xi32, #tpu.memory_space<hbm>>
      %dma_start3A_30 = tpu.memref_squeeze %dma_start3A_29 : memref<1x4x128xi32, #tpu.memory_space<hbm>> -> memref<4x128xi32, #tpu.memory_space<hbm>>
      %dma_start3A_31 = arith.constant 0 : i32
      %dma_start3A_32 = tpu.memref_slice %arg2[%dma_start3A_27, %mul3A_20, %dma_start3A_31] : memref<2x2500x128xi32, #tpu.memory_space<hbm>> -> memref<1x4x128xi32, #tpu.memory_space<hbm>>
      %dma_start3A_33 = tpu.memref_squeeze %dma_start3A_32 : memref<1x4x128xi32, #tpu.memory_space<hbm>> -> memref<4x128xi32, #tpu.memory_space<hbm>>
      tpu.enqueue_dma source(%dma_start3A_33 : memref<4x128xi32, #tpu.memory_space<hbm>>) target(%arg8 : memref<4x128xi32, #tpu.memory_space<vmem>>) target_semaphore(%arg16 : memref<!tpu.dma_semaphore, #tpu.memory_space<semaphore_mem>>)
    } else {
    }
    %scan3A = arith.constant 0 : i32
    %scan3A_3 = arith.constant 0 : i32
    %scan3A_4 = arith.constant 10 : i32
    %scan3A_5 = arith.addi %scan3A_3, %scan3A_4 : i32
    %scan3A_6 = arith.constant 1 : i32
    scf.for %scan3A_19 = %scan3A_3 to %scan3A_5 step %scan3A_6  : i32 {
      %mul3A_20 = arith.constant 2 : i32
      %mul3A_21 = arith.muli %scan3A_19, %mul3A_20 : i32
      %add3A_22 = arith.constant 0 : i32
      %add3A_23 = arith.addi %mul3A_21, %add3A_22 : i32
      %mul3A_24 = arith.constant 32 : i32
      %mul3A_25 = arith.muli %add3A_23, %mul3A_24 : i32
      %add3A_26 = arith.addi %add3A, %mul3A_25 : i32
      %lt3A_27 = arith.constant 625 : i32
      %lt3A_28 = arith.cmpi slt, %add3A_26, %lt3A_27 : i32
      %convert_element_type3A_29 = arith.extui %lt3A_28 : i1 to i32
      %cond3A_30 = arith.constant 0 : i32
      %cond3A_31 = arith.cmpi ne, %convert_element_type3A_29, %cond3A_30 : i32
      scf.if %cond3A_31 {
        %mul3A_44 = arith.constant 4 : i32
        %mul3A_45 = arith.muli %add3A_26, %mul3A_44 : i32
        %dma_wait3A_46 = arith.constant 0 : i32
        %dma_wait3A_47 = arith.constant 0 : i32
        %dma_wait3A_48 = tpu.memref_slice %arg2[%dma_wait3A_46, %mul3A_45, %dma_wait3A_47] : memref<2x2500x128xi32, #tpu.memory_space<hbm>> -> memref<1x4x128xi32, #tpu.memory_space<hbm>>
        %dma_wait3A_49 = tpu.memref_squeeze %dma_wait3A_48 : memref<1x4x128xi32, #tpu.memory_space<hbm>> -> memref<4x128xi32, #tpu.memory_space<hbm>>
        %dma_wait3A_50 = arith.constant 0 : i32
        %dma_wait3A_51 = tpu.memref_slice %arg2[%dma_wait3A_46, %mul3A_45, %dma_wait3A_50] : memref<2x2500x128xi32, #tpu.memory_space<hbm>> -> memref<1x4x128xi32, #tpu.memory_space<hbm>>
        %dma_wait3A_52 = tpu.memref_squeeze %dma_wait3A_51 : memref<1x4x128xi32, #tpu.memory_space<hbm>> -> memref<4x128xi32, #tpu.memory_space<hbm>>
        tpu.wait_dma2 semaphore(%arg16 : memref<!tpu.dma_semaphore, #tpu.memory_space<semaphore_mem>>) src(%dma_wait3A_52 : memref<4x128xi32, #tpu.memory_space<hbm>>) dst(%arg6 : memref<4x128xi32, #tpu.memory_space<vmem>>)
        %dma_wait3A_53 = arith.constant 1 : i32
        %dma_wait3A_54 = arith.constant 0 : i32
        %dma_wait3A_55 = tpu.memref_slice %arg2[%dma_wait3A_53, %mul3A_45, %dma_wait3A_54] : memref<2x2500x128xi32, #tpu.memory_space<hbm>> -> memref<1x4x128xi32, #tpu.memory_space<hbm>>
        %dma_wait3A_56 = tpu.memref_squeeze %dma_wait3A_55 : memref<1x4x128xi32, #tpu.memory_space<hbm>> -> memref<4x128xi32, #tpu.memory_space<hbm>>
        %dma_wait3A_57 = arith.constant 0 : i32
        %dma_wait3A_58 = tpu.memref_slice %arg2[%dma_wait3A_53, %mul3A_45, %dma_wait3A_57] : memref<2x2500x128xi32, #tpu.memory_space<hbm>> -> memref<1x4x128xi32, #tpu.memory_space<hbm>>
        %dma_wait3A_59 = tpu.memref_squeeze %dma_wait3A_58 : memref<1x4x128xi32, #tpu.memory_space<hbm>> -> memref<4x128xi32, #tpu.memory_space<hbm>>
        tpu.wait_dma2 semaphore(%arg16 : memref<!tpu.dma_semaphore, #tpu.memory_space<semaphore_mem>>) src(%dma_wait3A_59 : memref<4x128xi32, #tpu.memory_space<hbm>>) dst(%arg8 : memref<4x128xi32, #tpu.memory_space<vmem>>)
        %add3A_60 = arith.constant 32 : i32
        %add3A_61 = arith.addi %add3A_26, %add3A_60 : i32
        %lt3A_62 = arith.constant 625 : i32
        %lt3A_63 = arith.cmpi slt, %add3A_61, %lt3A_62 : i32
        %convert_element_type3A_64 = arith.extui %lt3A_63 : i1 to i32
        %cond3A_65 = arith.constant 0 : i32
        %cond3A_66 = arith.cmpi ne, %convert_element_type3A_64, %cond3A_65 : i32
        scf.if %cond3A_66 {
          %mul3A_242 = arith.constant 4 : i32
          %mul3A_243 = arith.muli %add3A_61, %mul3A_242 : i32
          %dma_start3A_244 = arith.constant 0 : i32
          %dma_start3A_245 = arith.constant 0 : i32
          %dma_start3A_246 = tpu.memref_slice %arg2[%dma_start3A_244, %mul3A_243, %dma_start3A_245] : memref<2x2500x128xi32, #tpu.memory_space<hbm>> -> memref<1x4x128xi32, #tpu.memory_space<hbm>>
          %dma_start3A_247 = tpu.memref_squeeze %dma_start3A_246 : memref<1x4x128xi32, #tpu.memory_space<hbm>> -> memref<4x128xi32, #tpu.memory_space<hbm>>
          %dma_start3A_248 = arith.constant 0 : i32
          %dma_start3A_249 = tpu.memref_slice %arg2[%dma_start3A_244, %mul3A_243, %dma_start3A_248] : memref<2x2500x128xi32, #tpu.memory_space<hbm>> -> memref<1x4x128xi32, #tpu.memory_space<hbm>>
          %dma_start3A_250 = tpu.memref_squeeze %dma_start3A_249 : memref<1x4x128xi32, #tpu.memory_space<hbm>> -> memref<4x128xi32, #tpu.memory_space<hbm>>
          tpu.enqueue_dma source(%dma_start3A_250 : memref<4x128xi32, #tpu.memory_space<hbm>>) target(%arg7 : memref<4x128xi32, #tpu.memory_space<vmem>>) target_semaphore(%arg16 : memref<!tpu.dma_semaphore, #tpu.memory_space<semaphore_mem>>)
          %dma_start3A_251 = arith.constant 1 : i32
          %dma_start3A_252 = arith.constant 0 : i32
          %dma_start3A_253 = tpu.memref_slice %arg2[%dma_start3A_251, %mul3A_243, %dma_start3A_252] : memref<2x2500x128xi32, #tpu.memory_space<hbm>> -> memref<1x4x128xi32, #tpu.memory_space<hbm>>
          %dma_start3A_254 = tpu.memref_squeeze %dma_start3A_253 : memref<1x4x128xi32, #tpu.memory_space<hbm>> -> memref<4x128xi32, #tpu.memory_space<hbm>>
          %dma_start3A_255 = arith.constant 0 : i32
          %dma_start3A_256 = tpu.memref_slice %arg2[%dma_start3A_251, %mul3A_243, %dma_start3A_255] : memref<2x2500x128xi32, #tpu.memory_space<hbm>> -> memref<1x4x128xi32, #tpu.memory_space<hbm>>
          %dma_start3A_257 = tpu.memref_squeeze %dma_start3A_256 : memref<1x4x128xi32, #tpu.memory_space<hbm>> -> memref<4x128xi32, #tpu.memory_space<hbm>>
          tpu.enqueue_dma source(%dma_start3A_257 : memref<4x128xi32, #tpu.memory_space<hbm>>) target(%arg9 : memref<4x128xi32, #tpu.memory_space<vmem>>) target_semaphore(%arg16 : memref<!tpu.dma_semaphore, #tpu.memory_space<semaphore_mem>>)
        } else {
        }
        %dma_start3A = arith.constant 0 : i32
        %dma_start3A_67 = arith.constant 0 : i32
        %dma_start3A_68 = arith.constant 0 : i32
        %dma_start3A_69 = tpu.memref_slice %arg12[%dma_start3A_67, %dma_start3A_68] : memref<512x16xf32, #tpu.memory_space<vmem>> -> memref<128x16xf32, #tpu.memory_space<vmem>>
        %dma_start3A_70 = arith.constant 0 : i32
        %dma_start3A_71 = tpu.memref_slice %arg6[%dma_start3A, %dma_start3A_70] : memref<4x128xi32, #tpu.memory_space<vmem>> -> memref<1x128xi32, #tpu.memory_space<vmem>>
        %dma_start3A_72 = tpu.memref_squeeze %dma_start3A_71 : memref<1x128xi32, #tpu.memory_space<vmem>> -> memref<128xi32, #tpu.memory_space<vmem>>
        %dma_start3A_73 = arith.constant 0 : i32
        %dma_start3A_74 = arith.constant 0 : i32
        %dma_start3A_75 = tpu.memref_slice %arg3[%dma_start3A_73, %dma_start3A_74] : memref<10000x16xf32, #tpu.memory_space<hbm>> -> memref<10000x16xf32, #tpu.memory_space<hbm>>
        tpu.enqueue_indirect_dma source(%dma_start3A_75 : memref<10000x16xf32, #tpu.memory_space<hbm>>) target(%dma_start3A_69 : memref<128x16xf32, #tpu.memory_space<vmem>>) offsets(%dma_start3A_72 : memref<128xi32, #tpu.memory_space<vmem>>) semaphore(%arg17 : memref<!tpu.dma_semaphore, #tpu.memory_space<semaphore_mem>>)
        %dma_start3A_76 = arith.constant 0 : i32
        %dma_start3A_77 = arith.constant 0 : i32
        %dma_start3A_78 = arith.constant 0 : i32
        %dma_start3A_79 = tpu.memref_slice %arg14[%dma_start3A_77, %dma_start3A_78] : memref<512x16xf32, #tpu.memory_space<vmem>> -> memref<128x16xf32, #tpu.memory_space<vmem>>
        %dma_start3A_80 = arith.constant 0 : i32
        %dma_start3A_81 = tpu.memref_slice %arg8[%dma_start3A_76, %dma_start3A_80] : memref<4x128xi32, #tpu.memory_space<vmem>> -> memref<1x128xi32, #tpu.memory_space<vmem>>
        %dma_start3A_82 = tpu.memref_squeeze %dma_start3A_81 : memref<1x128xi32, #tpu.memory_space<vmem>> -> memref<128xi32, #tpu.memory_space<vmem>>
        %dma_start3A_83 = arith.constant 0 : i32
        %dma_start3A_84 = arith.constant 0 : i32
        %dma_start3A_85 = tpu.memref_slice %arg4[%dma_start3A_83, %dma_start3A_84] : memref<10000x16xf32, #tpu.memory_space<hbm>> -> memref<10000x16xf32, #tpu.memory_space<hbm>>
        tpu.enqueue_indirect_dma source(%dma_start3A_85 : memref<10000x16xf32, #tpu.memory_space<hbm>>) target(%dma_start3A_79 : memref<128x16xf32, #tpu.memory_space<vmem>>) offsets(%dma_start3A_82 : memref<128xi32, #tpu.memory_space<vmem>>) semaphore(%arg17 : memref<!tpu.dma_semaphore, #tpu.memory_space<semaphore_mem>>)
        %dma_start3A_86 = arith.constant 1 : i32
        %dma_start3A_87 = arith.constant 128 : i32
        %dma_start3A_88 = arith.constant 0 : i32
        %dma_start3A_89 = tpu.memref_slice %arg12[%dma_start3A_87, %dma_start3A_88] : memref<512x16xf32, #tpu.memory_space<vmem>> -> memref<128x16xf32, #tpu.memory_space<vmem>>
        %dma_start3A_90 = arith.constant 0 : i32
        %dma_start3A_91 = tpu.memref_slice %arg6[%dma_start3A_86, %dma_start3A_90] : memref<4x128xi32, #tpu.memory_space<vmem>> -> memref<1x128xi32, #tpu.memory_space<vmem>>
        %dma_start3A_92 = tpu.memref_squeeze %dma_start3A_91 : memref<1x128xi32, #tpu.memory_space<vmem>> -> memref<128xi32, #tpu.memory_space<vmem>>
        %dma_start3A_93 = arith.constant 0 : i32
        %dma_start3A_94 = arith.constant 0 : i32
        %dma_start3A_95 = tpu.memref_slice %arg3[%dma_start3A_93, %dma_start3A_94] : memref<10000x16xf32, #tpu.memory_space<hbm>> -> memref<10000x16xf32, #tpu.memory_space<hbm>>
        tpu.enqueue_indirect_dma source(%dma_start3A_95 : memref<10000x16xf32, #tpu.memory_space<hbm>>) target(%dma_start3A_89 : memref<128x16xf32, #tpu.memory_space<vmem>>) offsets(%dma_start3A_92 : memref<128xi32, #tpu.memory_space<vmem>>) semaphore(%arg17 : memref<!tpu.dma_semaphore, #tpu.memory_space<semaphore_mem>>)
        %dma_start3A_96 = arith.constant 1 : i32
        %dma_start3A_97 = arith.constant 128 : i32
        %dma_start3A_98 = arith.constant 0 : i32
        %dma_start3A_99 = tpu.memref_slice %arg14[%dma_start3A_97, %dma_start3A_98] : memref<512x16xf32, #tpu.memory_space<vmem>> -> memref<128x16xf32, #tpu.memory_space<vmem>>
        %dma_start3A_100 = arith.constant 0 : i32
        %dma_start3A_101 = tpu.memref_slice %arg8[%dma_start3A_96, %dma_start3A_100] : memref<4x128xi32, #tpu.memory_space<vmem>> -> memref<1x128xi32, #tpu.memory_space<vmem>>
        %dma_start3A_102 = tpu.memref_squeeze %dma_start3A_101 : memref<1x128xi32, #tpu.memory_space<vmem>> -> memref<128xi32, #tpu.memory_space<vmem>>
        %dma_start3A_103 = arith.constant 0 : i32
        %dma_start3A_104 = arith.constant 0 : i32
        %dma_start3A_105 = tpu.memref_slice %arg4[%dma_start3A_103, %dma_start3A_104] : memref<10000x16xf32, #tpu.memory_space<hbm>> -> memref<10000x16xf32, #tpu.memory_space<hbm>>
        tpu.enqueue_indirect_dma source(%dma_start3A_105 : memref<10000x16xf32, #tpu.memory_space<hbm>>) target(%dma_start3A_99 : memref<128x16xf32, #tpu.memory_space<vmem>>) offsets(%dma_start3A_102 : memref<128xi32, #tpu.memory_space<vmem>>) semaphore(%arg17 : memref<!tpu.dma_semaphore, #tpu.memory_space<semaphore_mem>>)
        %dma_start3A_106 = arith.constant 2 : i32
        %dma_start3A_107 = arith.constant 256 : i32
        %dma_start3A_108 = arith.constant 0 : i32
        %dma_start3A_109 = tpu.memref_slice %arg12[%dma_start3A_107, %dma_start3A_108] : memref<512x16xf32, #tpu.memory_space<vmem>> -> memref<128x16xf32, #tpu.memory_space<vmem>>
        %dma_start3A_110 = arith.constant 0 : i32
        %dma_start3A_111 = tpu.memref_slice %arg6[%dma_start3A_106, %dma_start3A_110] : memref<4x128xi32, #tpu.memory_space<vmem>> -> memref<1x128xi32, #tpu.memory_space<vmem>>
        %dma_start3A_112 = tpu.memref_squeeze %dma_start3A_111 : memref<1x128xi32, #tpu.memory_space<vmem>> -> memref<128xi32, #tpu.memory_space<vmem>>
        %dma_start3A_113 = arith.constant 0 : i32
        %dma_start3A_114 = arith.constant 0 : i32
        %dma_start3A_115 = tpu.memref_slice %arg3[%dma_start3A_113, %dma_start3A_114] : memref<10000x16xf32, #tpu.memory_space<hbm>> -> memref<10000x16xf32, #tpu.memory_space<hbm>>
        tpu.enqueue_indirect_dma source(%dma_start3A_115 : memref<10000x16xf32, #tpu.memory_space<hbm>>) target(%dma_start3A_109 : memref<128x16xf32, #tpu.memory_space<vmem>>) offsets(%dma_start3A_112 : memref<128xi32, #tpu.memory_space<vmem>>) semaphore(%arg17 : memref<!tpu.dma_semaphore, #tpu.memory_space<semaphore_mem>>)
        %dma_start3A_116 = arith.constant 2 : i32
        %dma_start3A_117 = arith.constant 256 : i32
        %dma_start3A_118 = arith.constant 0 : i32
        %dma_start3A_119 = tpu.memref_slice %arg14[%dma_start3A_117, %dma_start3A_118] : memref<512x16xf32, #tpu.memory_space<vmem>> -> memref<128x16xf32, #tpu.memory_space<vmem>>
        %dma_start3A_120 = arith.constant 0 : i32
        %dma_start3A_121 = tpu.memref_slice %arg8[%dma_start3A_116, %dma_start3A_120] : memref<4x128xi32, #tpu.memory_space<vmem>> -> memref<1x128xi32, #tpu.memory_space<vmem>>
        %dma_start3A_122 = tpu.memref_squeeze %dma_start3A_121 : memref<1x128xi32, #tpu.memory_space<vmem>> -> memref<128xi32, #tpu.memory_space<vmem>>
        %dma_start3A_123 = arith.constant 0 : i32
        %dma_start3A_124 = arith.constant 0 : i32
        %dma_start3A_125 = tpu.memref_slice %arg4[%dma_start3A_123, %dma_start3A_124] : memref<10000x16xf32, #tpu.memory_space<hbm>> -> memref<10000x16xf32, #tpu.memory_space<hbm>>
        tpu.enqueue_indirect_dma source(%dma_start3A_125 : memref<10000x16xf32, #tpu.memory_space<hbm>>) target(%dma_start3A_119 : memref<128x16xf32, #tpu.memory_space<vmem>>) offsets(%dma_start3A_122 : memref<128xi32, #tpu.memory_space<vmem>>) semaphore(%arg17 : memref<!tpu.dma_semaphore, #tpu.memory_space<semaphore_mem>>)
        %dma_start3A_126 = arith.constant 3 : i32
        %dma_start3A_127 = arith.constant 384 : i32
        %dma_start3A_128 = arith.constant 0 : i32
        %dma_start3A_129 = tpu.memref_slice %arg12[%dma_start3A_127, %dma_start3A_128] : memref<512x16xf32, #tpu.memory_space<vmem>> -> memref<128x16xf32, #tpu.memory_space<vmem>>
        %dma_start3A_130 = arith.constant 0 : i32
        %dma_start3A_131 = tpu.memref_slice %arg6[%dma_start3A_126, %dma_start3A_130] : memref<4x128xi32, #tpu.memory_space<vmem>> -> memref<1x128xi32, #tpu.memory_space<vmem>>
        %dma_start3A_132 = tpu.memref_squeeze %dma_start3A_131 : memref<1x128xi32, #tpu.memory_space<vmem>> -> memref<128xi32, #tpu.memory_space<vmem>>
        %dma_start3A_133 = arith.constant 0 : i32
        %dma_start3A_134 = arith.constant 0 : i32
        %dma_start3A_135 = tpu.memref_slice %arg3[%dma_start3A_133, %dma_start3A_134] : memref<10000x16xf32, #tpu.memory_space<hbm>> -> memref<10000x16xf32, #tpu.memory_space<hbm>>
        tpu.enqueue_indirect_dma source(%dma_start3A_135 : memref<10000x16xf32, #tpu.memory_space<hbm>>) target(%dma_start3A_129 : memref<128x16xf32, #tpu.memory_space<vmem>>) offsets(%dma_start3A_132 : memref<128xi32, #tpu.memory_space<vmem>>) semaphore(%arg17 : memref<!tpu.dma_semaphore, #tpu.memory_space<semaphore_mem>>)
        %dma_start3A_136 = arith.constant 3 : i32
        %dma_start3A_137 = arith.constant 384 : i32
        %dma_start3A_138 = arith.constant 0 : i32
        %dma_start3A_139 = tpu.memref_slice %arg14[%dma_start3A_137, %dma_start3A_138] : memref<512x16xf32, #tpu.memory_space<vmem>> -> memref<128x16xf32, #tpu.memory_space<vmem>>
        %dma_start3A_140 = arith.constant 0 : i32
        %dma_start3A_141 = tpu.memref_slice %arg8[%dma_start3A_136, %dma_start3A_140] : memref<4x128xi32, #tpu.memory_space<vmem>> -> memref<1x128xi32, #tpu.memory_space<vmem>>
        %dma_start3A_142 = tpu.memref_squeeze %dma_start3A_141 : memref<1x128xi32, #tpu.memory_space<vmem>> -> memref<128xi32, #tpu.memory_space<vmem>>
        %dma_start3A_143 = arith.constant 0 : i32
        %dma_start3A_144 = arith.constant 0 : i32
        %dma_start3A_145 = tpu.memref_slice %arg4[%dma_start3A_143, %dma_start3A_144] : memref<10000x16xf32, #tpu.memory_space<hbm>> -> memref<10000x16xf32, #tpu.memory_space<hbm>>
        tpu.enqueue_indirect_dma source(%dma_start3A_145 : memref<10000x16xf32, #tpu.memory_space<hbm>>) target(%dma_start3A_139 : memref<128x16xf32, #tpu.memory_space<vmem>>) offsets(%dma_start3A_142 : memref<128xi32, #tpu.memory_space<vmem>>) semaphore(%arg17 : memref<!tpu.dma_semaphore, #tpu.memory_space<semaphore_mem>>)
        %dma_wait3A_146 = arith.constant 0 : i32
        %dma_wait3A_147 = arith.constant 0 : i32
        %dma_wait3A_148 = arith.constant 0 : i32
        %dma_wait3A_149 = tpu.memref_slice %arg12[%dma_wait3A_147, %dma_wait3A_148] : memref<512x16xf32, #tpu.memory_space<vmem>> -> memref<128x16xf32, #tpu.memory_space<vmem>>
        %dma_wait3A_150 = arith.constant 0 : i32
        %dma_wait3A_151 = tpu.memref_slice %arg6[%dma_wait3A_146, %dma_wait3A_150] : memref<4x128xi32, #tpu.memory_space<vmem>> -> memref<1x128xi32, #tpu.memory_space<vmem>>
        %dma_wait3A_152 = tpu.memref_squeeze %dma_wait3A_151 : memref<1x128xi32, #tpu.memory_space<vmem>> -> memref<128xi32, #tpu.memory_space<vmem>>
        %dma_wait3A_153 = arith.constant 0 : i32
        %dma_wait3A_154 = arith.constant 0 : i32
        %dma_wait3A_155 = tpu.memref_slice %arg3[%dma_wait3A_153, %dma_wait3A_154] : memref<10000x16xf32, #tpu.memory_space<hbm>> -> memref<10000x16xf32, #tpu.memory_space<hbm>>
        tpu.wait_indirect_dma semaphore(%arg17 : memref<!tpu.dma_semaphore, #tpu.memory_space<semaphore_mem>>) src(%dma_wait3A_155 : memref<10000x16xf32, #tpu.memory_space<hbm>>) dst(%dma_wait3A_149 : memref<128x16xf32, #tpu.memory_space<vmem>>)
        %dma_wait3A_156 = arith.constant 0 : i32
        %dma_wait3A_157 = arith.constant 0 : i32
        %dma_wait3A_158 = arith.constant 0 : i32
        %dma_wait3A_159 = tpu.memref_slice %arg14[%dma_wait3A_157, %dma_wait3A_158] : memref<512x16xf32, #tpu.memory_space<vmem>> -> memref<128x16xf32, #tpu.memory_space<vmem>>
        %dma_wait3A_160 = arith.constant 0 : i32
        %dma_wait3A_161 = tpu.memref_slice %arg8[%dma_wait3A_156, %dma_wait3A_160] : memref<4x128xi32, #tpu.memory_space<vmem>> -> memref<1x128xi32, #tpu.memory_space<vmem>>
        %dma_wait3A_162 = tpu.memref_squeeze %dma_wait3A_161 : memref<1x128xi32, #tpu.memory_space<vmem>> -> memref<128xi32, #tpu.memory_space<vmem>>
        %dma_wait3A_163 = arith.constant 0 : i32
        %dma_wait3A_164 = arith.constant 0 : i32
        %dma_wait3A_165 = tpu.memref_slice %arg4[%dma_wait3A_163, %dma_wait3A_164] : memref<10000x16xf32, #tpu.memory_space<hbm>> -> memref<10000x16xf32, #tpu.memory_space<hbm>>
        tpu.wait_indirect_dma semaphore(%arg17 : memref<!tpu.dma_semaphore, #tpu.memory_space<semaphore_mem>>) src(%dma_wait3A_165 : memref<10000x16xf32, #tpu.memory_space<hbm>>) dst(%dma_wait3A_159 : memref<128x16xf32, #tpu.memory_space<vmem>>)
        %dma_wait3A_166 = arith.constant 1 : i32
        %dma_wait3A_167 = arith.constant 128 : i32
        %dma_wait3A_168 = arith.constant 0 : i32
        %dma_wait3A_169 = tpu.memref_slice %arg12[%dma_wait3A_167, %dma_wait3A_168] : memref<512x16xf32, #tpu.memory_space<vmem>> -> memref<128x16xf32, #tpu.memory_space<vmem>>
        %dma_wait3A_170 = arith.constant 0 : i32
        %dma_wait3A_171 = tpu.memref_slice %arg6[%dma_wait3A_166, %dma_wait3A_170] : memref<4x128xi32, #tpu.memory_space<vmem>> -> memref<1x128xi32, #tpu.memory_space<vmem>>
        %dma_wait3A_172 = tpu.memref_squeeze %dma_wait3A_171 : memref<1x128xi32, #tpu.memory_space<vmem>> -> memref<128xi32, #tpu.memory_space<vmem>>
        %dma_wait3A_173 = arith.constant 0 : i32
        %dma_wait3A_174 = arith.constant 0 : i32
        %dma_wait3A_175 = tpu.memref_slice %arg3[%dma_wait3A_173, %dma_wait3A_174] : memref<10000x16xf32, #tpu.memory_space<hbm>> -> memref<10000x16xf32, #tpu.memory_space<hbm>>
        tpu.wait_indirect_dma semaphore(%arg17 : memref<!tpu.dma_semaphore, #tpu.memory_space<semaphore_mem>>) src(%dma_wait3A_175 : memref<10000x16xf32, #tpu.memory_space<hbm>>) dst(%dma_wait3A_169 : memref<128x16xf32, #tpu.memory_space<vmem>>)
        %dma_wait3A_176 = arith.constant 1 : i32
        %dma_wait3A_177 = arith.constant 128 : i32
        %dma_wait3A_178 = arith.constant 0 : i32
        %dma_wait3A_179 = tpu.memref_slice %arg14[%dma_wait3A_177, %dma_wait3A_178] : memref<512x16xf32, #tpu.memory_space<vmem>> -> memref<128x16xf32, #tpu.memory_space<vmem>>
        %dma_wait3A_180 = arith.constant 0 : i32
        %dma_wait3A_181 = tpu.memref_slice %arg8[%dma_wait3A_176, %dma_wait3A_180] : memref<4x128xi32, #tpu.memory_space<vmem>> -> memref<1x128xi32, #tpu.memory_space<vmem>>
        %dma_wait3A_182 = tpu.memref_squeeze %dma_wait3A_181 : memref<1x128xi32, #tpu.memory_space<vmem>> -> memref<128xi32, #tpu.memory_space<vmem>>
        %dma_wait3A_183 = arith.constant 0 : i32
        %dma_wait3A_184 = arith.constant 0 : i32
        %dma_wait3A_185 = tpu.memref_slice %arg4[%dma_wait3A_183, %dma_wait3A_184] : memref<10000x16xf32, #tpu.memory_space<hbm>> -> memref<10000x16xf32, #tpu.memory_space<hbm>>
        tpu.wait_indirect_dma semaphore(%arg17 : memref<!tpu.dma_semaphore, #tpu.memory_space<semaphore_mem>>) src(%dma_wait3A_185 : memref<10000x16xf32, #tpu.memory_space<hbm>>) dst(%dma_wait3A_179 : memref<128x16xf32, #tpu.memory_space<vmem>>)
        %dma_wait3A_186 = arith.constant 2 : i32
        %dma_wait3A_187 = arith.constant 256 : i32
        %dma_wait3A_188 = arith.constant 0 : i32
        %dma_wait3A_189 = tpu.memref_slice %arg12[%dma_wait3A_187, %dma_wait3A_188] : memref<512x16xf32, #tpu.memory_space<vmem>> -> memref<128x16xf32, #tpu.memory_space<vmem>>
        %dma_wait3A_190 = arith.constant 0 : i32
        %dma_wait3A_191 = tpu.memref_slice %arg6[%dma_wait3A_186, %dma_wait3A_190] : memref<4x128xi32, #tpu.memory_space<vmem>> -> memref<1x128xi32, #tpu.memory_space<vmem>>
        %dma_wait3A_192 = tpu.memref_squeeze %dma_wait3A_191 : memref<1x128xi32, #tpu.memory_space<vmem>> -> memref<128xi32, #tpu.memory_space<vmem>>
        %dma_wait3A_193 = arith.constant 0 : i32
        %dma_wait3A_194 = arith.constant 0 : i32
        %dma_wait3A_195 = tpu.memref_slice %arg3[%dma_wait3A_193, %dma_wait3A_194] : memref<10000x16xf32, #tpu.memory_space<hbm>> -> memref<10000x16xf32, #tpu.memory_space<hbm>>
        tpu.wait_indirect_dma semaphore(%arg17 : memref<!tpu.dma_semaphore, #tpu.memory_space<semaphore_mem>>) src(%dma_wait3A_195 : memref<10000x16xf32, #tpu.memory_space<hbm>>) dst(%dma_wait3A_189 : memref<128x16xf32, #tpu.memory_space<vmem>>)
        %dma_wait3A_196 = arith.constant 2 : i32
        %dma_wait3A_197 = arith.constant 256 : i32
        %dma_wait3A_198 = arith.constant 0 : i32
        %dma_wait3A_199 = tpu.memref_slice %arg14[%dma_wait3A_197, %dma_wait3A_198] : memref<512x16xf32, #tpu.memory_space<vmem>> -> memref<128x16xf32, #tpu.memory_space<vmem>>
        %dma_wait3A_200 = arith.constant 0 : i32
        %dma_wait3A_201 = tpu.memref_slice %arg8[%dma_wait3A_196, %dma_wait3A_200] : memref<4x128xi32, #tpu.memory_space<vmem>> -> memref<1x128xi32, #tpu.memory_space<vmem>>
        %dma_wait3A_202 = tpu.memref_squeeze %dma_wait3A_201 : memref<1x128xi32, #tpu.memory_space<vmem>> -> memref<128xi32, #tpu.memory_space<vmem>>
        %dma_wait3A_203 = arith.constant 0 : i32
        %dma_wait3A_204 = arith.constant 0 : i32
        %dma_wait3A_205 = tpu.memref_slice %arg4[%dma_wait3A_203, %dma_wait3A_204] : memref<10000x16xf32, #tpu.memory_space<hbm>> -> memref<10000x16xf32, #tpu.memory_space<hbm>>
        tpu.wait_indirect_dma semaphore(%arg17 : memref<!tpu.dma_semaphore, #tpu.memory_space<semaphore_mem>>) src(%dma_wait3A_205 : memref<10000x16xf32, #tpu.memory_space<hbm>>) dst(%dma_wait3A_199 : memref<128x16xf32, #tpu.memory_space<vmem>>)
        %dma_wait3A_206 = arith.constant 3 : i32
        %dma_wait3A_207 = arith.constant 384 : i32
        %dma_wait3A_208 = arith.constant 0 : i32
        %dma_wait3A_209 = tpu.memref_slice %arg12[%dma_wait3A_207, %dma_wait3A_208] : memref<512x16xf32, #tpu.memory_space<vmem>> -> memref<128x16xf32, #tpu.memory_space<vmem>>
        %dma_wait3A_210 = arith.constant 0 : i32
        %dma_wait3A_211 = tpu.memref_slice %arg6[%dma_wait3A_206, %dma_wait3A_210] : memref<4x128xi32, #tpu.memory_space<vmem>> -> memref<1x128xi32, #tpu.memory_space<vmem>>
        %dma_wait3A_212 = tpu.memref_squeeze %dma_wait3A_211 : memref<1x128xi32, #tpu.memory_space<vmem>> -> memref<128xi32, #tpu.memory_space<vmem>>
        %dma_wait3A_213 = arith.constant 0 : i32
        %dma_wait3A_214 = arith.constant 0 : i32
        %dma_wait3A_215 = tpu.memref_slice %arg3[%dma_wait3A_213, %dma_wait3A_214] : memref<10000x16xf32, #tpu.memory_space<hbm>> -> memref<10000x16xf32, #tpu.memory_space<hbm>>
        tpu.wait_indirect_dma semaphore(%arg17 : memref<!tpu.dma_semaphore, #tpu.memory_space<semaphore_mem>>) src(%dma_wait3A_215 : memref<10000x16xf32, #tpu.memory_space<hbm>>) dst(%dma_wait3A_209 : memref<128x16xf32, #tpu.memory_space<vmem>>)
        %dma_wait3A_216 = arith.constant 3 : i32
        %dma_wait3A_217 = arith.constant 384 : i32
        %dma_wait3A_218 = arith.constant 0 : i32
        %dma_wait3A_219 = tpu.memref_slice %arg14[%dma_wait3A_217, %dma_wait3A_218] : memref<512x16xf32, #tpu.memory_space<vmem>> -> memref<128x16xf32, #tpu.memory_space<vmem>>
        %dma_wait3A_220 = arith.constant 0 : i32
        %dma_wait3A_221 = tpu.memref_slice %arg8[%dma_wait3A_216, %dma_wait3A_220] : memref<4x128xi32, #tpu.memory_space<vmem>> -> memref<1x128xi32, #tpu.memory_space<vmem>>
        %dma_wait3A_222 = tpu.memref_squeeze %dma_wait3A_221 : memref<1x128xi32, #tpu.memory_space<vmem>> -> memref<128xi32, #tpu.memory_space<vmem>>
        %dma_wait3A_223 = arith.constant 0 : i32
        %dma_wait3A_224 = arith.constant 0 : i32
        %dma_wait3A_225 = tpu.memref_slice %arg4[%dma_wait3A_223, %dma_wait3A_224] : memref<10000x16xf32, #tpu.memory_space<hbm>> -> memref<10000x16xf32, #tpu.memory_space<hbm>>
        tpu.wait_indirect_dma semaphore(%arg17 : memref<!tpu.dma_semaphore, #tpu.memory_space<semaphore_mem>>) src(%dma_wait3A_225 : memref<10000x16xf32, #tpu.memory_space<hbm>>) dst(%dma_wait3A_219 : memref<128x16xf32, #tpu.memory_space<vmem>>)
        %ge3A = arith.constant 2 : i32
        %ge3A_226 = arith.cmpi sge, %add3A_23, %ge3A : i32
        %convert_element_type3A_227 = arith.extui %ge3A_226 : i1 to i32
        %cond3A_228 = arith.constant 0 : i32
        %cond3A_229 = arith.cmpi ne, %convert_element_type3A_227, %cond3A_228 : i32
        scf.if %cond3A_229 {
          %dma_wait3A_242 = arith.constant 0 : i32
          %dma_wait3A_243 = arith.constant 0 : i32
          %dma_wait3A_244 = tpu.memref_slice %arg5[%dma_wait3A_242, %dma_wait3A_243] : memref<40000x128xf32, #tpu.memory_space<hbm>> -> memref<64x128xf32, #tpu.memory_space<hbm>>
          %dma_wait3A_245 = arith.constant 0 : i32
          %dma_wait3A_246 = arith.constant 0 : i32
          %dma_wait3A_247 = tpu.memref_slice %arg5[%dma_wait3A_245, %dma_wait3A_246] : memref<40000x128xf32, #tpu.memory_space<hbm>> -> memref<64x128xf32, #tpu.memory_space<hbm>>
          tpu.wait_dma2 semaphore(%arg18 : memref<!tpu.dma_semaphore, #tpu.memory_space<semaphore_mem>>) src(%dma_wait3A_247 : memref<64x128xf32, #tpu.memory_space<hbm>>) dst(%arg10 : memref<64x128xf32, #tpu.memory_space<vmem>>)
        } else {
        }
        %scan3A_230 = arith.constant 0 : i32
        %scan3A_231 = arith.constant 0 : i32
        %scan3A_232 = arith.constant 64 : i32
        %scan3A_233 = arith.addi %scan3A_231, %scan3A_232 : i32
        %scan3A_234 = arith.constant 1 : i32
        scf.for %scan3A_242 = %scan3A_231 to %scan3A_233 step %scan3A_234  : i32 {
          %mul3A_243 = arith.constant 8 : i32
          %mul3A_244 = arith.muli %scan3A_242, %mul3A_243 : i32
          %add3A_245 = arith.constant 0 : i32
          %add3A_246 = arith.addi %mul3A_244, %add3A_245 : i32
          %get3A = arith.index_cast %add3A_246 : i32 to index
          %get3A_247 = arith.constant 0 : index
          %get3A_248 = tpu.vector_load %arg12[%get3A, %get3A_247] {strides = array<i32>} : memref<512x16xf32, #tpu.memory_space<vmem>>, vector<1x16xf32>,
          %get3A_249 = vector.shape_cast %get3A_248 : vector<1x16xf32> to vector<16xf32>
          %get3A_250 = arith.index_cast %add3A_246 : i32 to index
          %get3A_251 = arith.constant 0 : index
          %get3A_252 = tpu.vector_load %arg14[%get3A_250, %get3A_251] {strides = array<i32>} : memref<512x16xf32, #tpu.memory_space<vmem>>, vector<1x16xf32>,
          %get3A_253 = vector.shape_cast %get3A_252 : vector<1x16xf32> to vector<16xf32>
          %add3A_254 = arith.addf %get3A_249, %get3A_253 : vector<16xf32>
          %swap3A = arith.index_cast %scan3A_242 : i32 to index
          %swap3A_255 = arith.constant 0 : index
          %swap3A_256 = tpu.vector_load %arg10[%swap3A, %swap3A_255] {strides = array<i32>} : memref<64x128xf32, #tpu.memory_space<vmem>>, vector<1x16xf32>,
          %swap3A_257 = vector.shape_cast %swap3A_256 : vector<1x16xf32> to vector<16xf32>
          %swap3A_258 = vector.shape_cast %add3A_254 : vector<16xf32> to vector<1x16xf32>
          tpu.vector_store %arg10[%swap3A, %swap3A_255], %swap3A_258 {strides = array<i32>} : memref<64x128xf32, #tpu.memory_space<vmem>>, vector<1x16xf32>,
          %mul3A_259 = arith.constant 8 : i32
          %mul3A_260 = arith.muli %scan3A_242, %mul3A_259 : i32
          %add3A_261 = arith.constant 1 : i32
          %add3A_262 = arith.addi %mul3A_260, %add3A_261 : i32
          %get3A_263 = arith.index_cast %add3A_262 : i32 to index
          %get3A_264 = arith.constant 0 : index
          %get3A_265 = tpu.vector_load %arg12[%get3A_263, %get3A_264] {strides = array<i32>} : memref<512x16xf32, #tpu.memory_space<vmem>>, vector<1x16xf32>,
          %get3A_266 = vector.shape_cast %get3A_265 : vector<1x16xf32> to vector<16xf32>
          %get3A_267 = arith.index_cast %add3A_262 : i32 to index
          %get3A_268 = arith.constant 0 : index
          %get3A_269 = tpu.vector_load %arg14[%get3A_267, %get3A_268] {strides = array<i32>} : memref<512x16xf32, #tpu.memory_space<vmem>>, vector<1x16xf32>,
          %get3A_270 = vector.shape_cast %get3A_269 : vector<1x16xf32> to vector<16xf32>
          %add3A_271 = arith.addf %get3A_266, %get3A_270 : vector<16xf32>
          %swap3A_272 = arith.index_cast %scan3A_242 : i32 to index
          %swap3A_273 = arith.constant 16 : index
          %swap3A_274 = tpu.vector_load %arg10[%swap3A_272, %swap3A_273] {strides = array<i32>} : memref<64x128xf32, #tpu.memory_space<vmem>>, vector<1x16xf32>,
          %swap3A_275 = vector.shape_cast %swap3A_274 : vector<1x16xf32> to vector<16xf32>
          %swap3A_276 = vector.shape_cast %add3A_271 : vector<16xf32> to vector<1x16xf32>
          tpu.vector_store %arg10[%swap3A_272, %swap3A_273], %swap3A_276 {strides = array<i32>} : memref<64x128xf32, #tpu.memory_space<vmem>>, vector<1x16xf32>,
          %mul3A_277 = arith.constant 8 : i32
          %mul3A_278 = arith.muli %scan3A_242, %mul3A_277 : i32
          %add3A_279 = arith.constant 2 : i32
          %add3A_280 = arith.addi %mul3A_278, %add3A_279 : i32
          %get3A_281 = arith.index_cast %add3A_280 : i32 to index
          %get3A_282 = arith.constant 0 : index
          %get3A_283 = tpu.vector_load %arg12[%get3A_281, %get3A_282] {strides = array<i32>} : memref<512x16xf32, #tpu.memory_space<vmem>>, vector<1x16xf32>,
          %get3A_284 = vector.shape_cast %get3A_283 : vector<1x16xf32> to vector<16xf32>
          %get3A_285 = arith.index_cast %add3A_280 : i32 to index
          %get3A_286 = arith.constant 0 : index
          %get3A_287 = tpu.vector_load %arg14[%get3A_285, %get3A_286] {strides = array<i32>} : memref<512x16xf32, #tpu.memory_space<vmem>>, vector<1x16xf32>,
          %get3A_288 = vector.shape_cast %get3A_287 : vector<1x16xf32> to vector<16xf32>
          %add3A_289 = arith.addf %get3A_284, %get3A_288 : vector<16xf32>
          %swap3A_290 = arith.index_cast %scan3A_242 : i32 to index
          %swap3A_291 = arith.constant 32 : index
          %swap3A_292 = tpu.vector_load %arg10[%swap3A_290, %swap3A_291] {strides = array<i32>} : memref<64x128xf32, #tpu.memory_space<vmem>>, vector<1x16xf32>,
          %swap3A_293 = vector.shape_cast %swap3A_292 : vector<1x16xf32> to vector<16xf32>
          %swap3A_294 = vector.shape_cast %add3A_289 : vector<16xf32> to vector<1x16xf32>
          tpu.vector_store %arg10[%swap3A_290, %swap3A_291], %swap3A_294 {strides = array<i32>} : memref<64x128xf32, #tpu.memory_space<vmem>>, vector<1x16xf32>,
          %mul3A_295 = arith.constant 8 : i32
          %mul3A_296 = arith.muli %scan3A_242, %mul3A_295 : i32
          %add3A_297 = arith.constant 3 : i32
          %add3A_298 = arith.addi %mul3A_296, %add3A_297 : i32
          %get3A_299 = arith.index_cast %add3A_298 : i32 to index
          %get3A_300 = arith.constant 0 : index
          %get3A_301 = tpu.vector_load %arg12[%get3A_299, %get3A_300] {strides = array<i32>} : memref<512x16xf32, #tpu.memory_space<vmem>>, vector<1x16xf32>,
          %get3A_302 = vector.shape_cast %get3A_301 : vector<1x16xf32> to vector<16xf32>
          %get3A_303 = arith.index_cast %add3A_298 : i32 to index
          %get3A_304 = arith.constant 0 : index
          %get3A_305 = tpu.vector_load %arg14[%get3A_303, %get3A_304] {strides = array<i32>} : memref<512x16xf32, #tpu.memory_space<vmem>>, vector<1x16xf32>,
          %get3A_306 = vector.shape_cast %get3A_305 : vector<1x16xf32> to vector<16xf32>
          %add3A_307 = arith.addf %get3A_302, %get3A_306 : vector<16xf32>
          %swap3A_308 = arith.index_cast %scan3A_242 : i32 to index
          %swap3A_309 = arith.constant 48 : index
          %swap3A_310 = tpu.vector_load %arg10[%swap3A_308, %swap3A_309] {strides = array<i32>} : memref<64x128xf32, #tpu.memory_space<vmem>>, vector<1x16xf32>,
          %swap3A_311 = vector.shape_cast %swap3A_310 : vector<1x16xf32> to vector<16xf32>
          %swap3A_312 = vector.shape_cast %add3A_307 : vector<16xf32> to vector<1x16xf32>
          tpu.vector_store %arg10[%swap3A_308, %swap3A_309], %swap3A_312 {strides = array<i32>} : memref<64x128xf32, #tpu.memory_space<vmem>>, vector<1x16xf32>,
          %mul3A_313 = arith.constant 8 : i32
          %mul3A_314 = arith.muli %scan3A_242, %mul3A_313 : i32
          %add3A_315 = arith.constant 4 : i32
          %add3A_316 = arith.addi %mul3A_314, %add3A_315 : i32
          %get3A_317 = arith.index_cast %add3A_316 : i32 to index
          %get3A_318 = arith.constant 0 : index
          %get3A_319 = tpu.vector_load %arg12[%get3A_317, %get3A_318] {strides = array<i32>} : memref<512x16xf32, #tpu.memory_space<vmem>>, vector<1x16xf32>,
          %get3A_320 = vector.shape_cast %get3A_319 : vector<1x16xf32> to vector<16xf32>
          %get3A_321 = arith.index_cast %add3A_316 : i32 to index
          %get3A_322 = arith.constant 0 : index
          %get3A_323 = tpu.vector_load %arg14[%get3A_321, %get3A_322] {strides = array<i32>} : memref<512x16xf32, #tpu.memory_space<vmem>>, vector<1x16xf32>,
          %get3A_324 = vector.shape_cast %get3A_323 : vector<1x16xf32> to vector<16xf32>
          %add3A_325 = arith.addf %get3A_320, %get3A_324 : vector<16xf32>
          %swap3A_326 = arith.index_cast %scan3A_242 : i32 to index
          %swap3A_327 = arith.constant 64 : index
          %swap3A_328 = tpu.vector_load %arg10[%swap3A_326, %swap3A_327] {strides = array<i32>} : memref<64x128xf32, #tpu.memory_space<vmem>>, vector<1x16xf32>,
          %swap3A_329 = vector.shape_cast %swap3A_328 : vector<1x16xf32> to vector<16xf32>
          %swap3A_330 = vector.shape_cast %add3A_325 : vector<16xf32> to vector<1x16xf32>
          tpu.vector_store %arg10[%swap3A_326, %swap3A_327], %swap3A_330 {strides = array<i32>} : memref<64x128xf32, #tpu.memory_space<vmem>>, vector<1x16xf32>,
          %mul3A_331 = arith.constant 8 : i32
          %mul3A_332 = arith.muli %scan3A_242, %mul3A_331 : i32
          %add3A_333 = arith.constant 5 : i32
          %add3A_334 = arith.addi %mul3A_332, %add3A_333 : i32
          %get3A_335 = arith.index_cast %add3A_334 : i32 to index
          %get3A_336 = arith.constant 0 : index
          %get3A_337 = tpu.vector_load %arg12[%get3A_335, %get3A_336] {strides = array<i32>} : memref<512x16xf32, #tpu.memory_space<vmem>>, vector<1x16xf32>,
          %get3A_338 = vector.shape_cast %get3A_337 : vector<1x16xf32> to vector<16xf32>
          %get3A_339 = arith.index_cast %add3A_334 : i32 to index
          %get3A_340 = arith.constant 0 : index
          %get3A_341 = tpu.vector_load %arg14[%get3A_339, %get3A_340] {strides = array<i32>} : memref<512x16xf32, #tpu.memory_space<vmem>>, vector<1x16xf32>,
          %get3A_342 = vector.shape_cast %get3A_341 : vector<1x16xf32> to vector<16xf32>
          %add3A_343 = arith.addf %get3A_338, %get3A_342 : vector<16xf32>
          %swap3A_344 = arith.index_cast %scan3A_242 : i32 to index
          %swap3A_345 = arith.constant 80 : index
          %swap3A_346 = tpu.vector_load %arg10[%swap3A_344, %swap3A_345] {strides = array<i32>} : memref<64x128xf32, #tpu.memory_space<vmem>>, vector<1x16xf32>,
          %swap3A_347 = vector.shape_cast %swap3A_346 : vector<1x16xf32> to vector<16xf32>
          %swap3A_348 = vector.shape_cast %add3A_343 : vector<16xf32> to vector<1x16xf32>
          tpu.vector_store %arg10[%swap3A_344, %swap3A_345], %swap3A_348 {strides = array<i32>} : memref<64x128xf32, #tpu.memory_space<vmem>>, vector<1x16xf32>,
          %mul3A_349 = arith.constant 8 : i32
          %mul3A_350 = arith.muli %scan3A_242, %mul3A_349 : i32
          %add3A_351 = arith.constant 6 : i32
          %add3A_352 = arith.addi %mul3A_350, %add3A_351 : i32
          %get3A_353 = arith.index_cast %add3A_352 : i32 to index
          %get3A_354 = arith.constant 0 : index
          %get3A_355 = tpu.vector_load %arg12[%get3A_353, %get3A_354] {strides = array<i32>} : memref<512x16xf32, #tpu.memory_space<vmem>>, vector<1x16xf32>,
          %get3A_356 = vector.shape_cast %get3A_355 : vector<1x16xf32> to vector<16xf32>
          %get3A_357 = arith.index_cast %add3A_352 : i32 to index
          %get3A_358 = arith.constant 0 : index
          %get3A_359 = tpu.vector_load %arg14[%get3A_357, %get3A_358] {strides = array<i32>} : memref<512x16xf32, #tpu.memory_space<vmem>>, vector<1x16xf32>,
          %get3A_360 = vector.shape_cast %get3A_359 : vector<1x16xf32> to vector<16xf32>
          %add3A_361 = arith.addf %get3A_356, %get3A_360 : vector<16xf32>
          %swap3A_362 = arith.index_cast %scan3A_242 : i32 to index
          %swap3A_363 = arith.constant 96 : index
          %swap3A_364 = tpu.vector_load %arg10[%swap3A_362, %swap3A_363] {strides = array<i32>} : memref<64x128xf32, #tpu.memory_space<vmem>>, vector<1x16xf32>,
          %swap3A_365 = vector.shape_cast %swap3A_364 : vector<1x16xf32> to vector<16xf32>
          %swap3A_366 = vector.shape_cast %add3A_361 : vector<16xf32> to vector<1x16xf32>
          tpu.vector_store %arg10[%swap3A_362, %swap3A_363], %swap3A_366 {strides = array<i32>} : memref<64x128xf32, #tpu.memory_space<vmem>>, vector<1x16xf32>,
          %mul3A_367 = arith.constant 8 : i32
          %mul3A_368 = arith.muli %scan3A_242, %mul3A_367 : i32
          %add3A_369 = arith.constant 7 : i32
          %add3A_370 = arith.addi %mul3A_368, %add3A_369 : i32
          %get3A_371 = arith.index_cast %add3A_370 : i32 to index
          %get3A_372 = arith.constant 0 : index
          %get3A_373 = tpu.vector_load %arg12[%get3A_371, %get3A_372] {strides = array<i32>} : memref<512x16xf32, #tpu.memory_space<vmem>>, vector<1x16xf32>,
          %get3A_374 = vector.shape_cast %get3A_373 : vector<1x16xf32> to vector<16xf32>
          %get3A_375 = arith.index_cast %add3A_370 : i32 to index
          %get3A_376 = arith.constant 0 : index
          %get3A_377 = tpu.vector_load %arg14[%get3A_375, %get3A_376] {strides = array<i32>} : memref<512x16xf32, #tpu.memory_space<vmem>>, vector<1x16xf32>,
          %get3A_378 = vector.shape_cast %get3A_377 : vector<1x16xf32> to vector<16xf32>
          %add3A_379 = arith.addf %get3A_374, %get3A_378 : vector<16xf32>
          %swap3A_380 = arith.index_cast %scan3A_242 : i32 to index
          %swap3A_381 = arith.constant 112 : index
          %swap3A_382 = tpu.vector_load %arg10[%swap3A_380, %swap3A_381] {strides = array<i32>} : memref<64x128xf32, #tpu.memory_space<vmem>>, vector<1x16xf32>,
          %swap3A_383 = vector.shape_cast %swap3A_382 : vector<1x16xf32> to vector<16xf32>
          %swap3A_384 = vector.shape_cast %add3A_379 : vector<16xf32> to vector<1x16xf32>
          tpu.vector_store %arg10[%swap3A_380, %swap3A_381], %swap3A_384 {strides = array<i32>} : memref<64x128xf32, #tpu.memory_space<vmem>>, vector<1x16xf32>,
        }
        %scan3A_235 = arith.constant 64 : i32
        %mul3A_236 = arith.constant 64 : i32
        %mul3A_237 = arith.muli %add3A_26, %mul3A_236 : i32
        %dma_start3A_238 = arith.constant 0 : i32
        %dma_start3A_239 = tpu.memref_slice %arg5[%mul3A_237, %dma_start3A_238] : memref<40000x128xf32, #tpu.memory_space<hbm>> -> memref<64x128xf32, #tpu.memory_space<hbm>>
        %dma_start3A_240 = arith.constant 0 : i32
        %dma_start3A_241 = tpu.memref_slice %arg5[%mul3A_237, %dma_start3A_240] : memref<40000x128xf32, #tpu.memory_space<hbm>> -> memref<64x128xf32, #tpu.memory_space<hbm>>
        tpu.enqueue_dma source(%arg10 : memref<64x128xf32, #tpu.memory_space<vmem>>) target(%dma_start3A_241 : memref<64x128xf32, #tpu.memory_space<hbm>>) target_semaphore(%arg18 : memref<!tpu.dma_semaphore, #tpu.memory_space<semaphore_mem>>)
      } else {
      }
      %mul3A_32 = arith.constant 2 : i32
      %mul3A_33 = arith.muli %scan3A_19, %mul3A_32 : i32
      %add3A_34 = arith.constant 1 : i32
      %add3A_35 = arith.addi %mul3A_33, %add3A_34 : i32
      %mul3A_36 = arith.constant 32 : i32
      %mul3A_37 = arith.muli %add3A_35, %mul3A_36 : i32
      %add3A_38 = arith.addi %add3A, %mul3A_37 : i32
      %lt3A_39 = arith.constant 625 : i32
      %lt3A_40 = arith.cmpi slt, %add3A_38, %lt3A_39 : i32
      %convert_element_type3A_41 = arith.extui %lt3A_40 : i1 to i32
      %cond3A_42 = arith.constant 0 : i32
      %cond3A_43 = arith.cmpi ne, %convert_element_type3A_41, %cond3A_42 : i32
      scf.if %cond3A_43 {
        %mul3A_44 = arith.constant 4 : i32
        %mul3A_45 = arith.muli %add3A_38, %mul3A_44 : i32
        %dma_wait3A_46 = arith.constant 0 : i32
        %dma_wait3A_47 = arith.constant 0 : i32
        %dma_wait3A_48 = tpu.memref_slice %arg2[%dma_wait3A_46, %mul3A_45, %dma_wait3A_47] : memref<2x2500x128xi32, #tpu.memory_space<hbm>> -> memref<1x4x128xi32, #tpu.memory_space<hbm>>
        %dma_wait3A_49 = tpu.memref_squeeze %dma_wait3A_48 : memref<1x4x128xi32, #tpu.memory_space<hbm>> -> memref<4x128xi32, #tpu.memory_space<hbm>>
        %dma_wait3A_50 = arith.constant 0 : i32
        %dma_wait3A_51 = tpu.memref_slice %arg2[%dma_wait3A_46, %mul3A_45, %dma_wait3A_50] : memref<2x2500x128xi32, #tpu.memory_space<hbm>> -> memref<1x4x128xi32, #tpu.memory_space<hbm>>
        %dma_wait3A_52 = tpu.memref_squeeze %dma_wait3A_51 : memref<1x4x128xi32, #tpu.memory_space<hbm>> -> memref<4x128xi32, #tpu.memory_space<hbm>>
        tpu.wait_dma2 semaphore(%arg16 : memref<!tpu.dma_semaphore, #tpu.memory_space<semaphore_mem>>) src(%dma_wait3A_52 : memref<4x128xi32, #tpu.memory_space<hbm>>) dst(%arg7 : memref<4x128xi32, #tpu.memory_space<vmem>>)
        %dma_wait3A_53 = arith.constant 1 : i32
        %dma_wait3A_54 = arith.constant 0 : i32
        %dma_wait3A_55 = tpu.memref_slice %arg2[%dma_wait3A_53, %mul3A_45, %dma_wait3A_54] : memref<2x2500x128xi32, #tpu.memory_space<hbm>> -> memref<1x4x128xi32, #tpu.memory_space<hbm>>
        %dma_wait3A_56 = tpu.memref_squeeze %dma_wait3A_55 : memref<1x4x128xi32, #tpu.memory_space<hbm>> -> memref<4x128xi32, #tpu.memory_space<hbm>>
        %dma_wait3A_57 = arith.constant 0 : i32
        %dma_wait3A_58 = tpu.memref_slice %arg2[%dma_wait3A_53, %mul3A_45, %dma_wait3A_57] : memref<2x2500x128xi32, #tpu.memory_space<hbm>> -> memref<1x4x128xi32, #tpu.memory_space<hbm>>
        %dma_wait3A_59 = tpu.memref_squeeze %dma_wait3A_58 : memref<1x4x128xi32, #tpu.memory_space<hbm>> -> memref<4x128xi32, #tpu.memory_space<hbm>>
        tpu.wait_dma2 semaphore(%arg16 : memref<!tpu.dma_semaphore, #tpu.memory_space<semaphore_mem>>) src(%dma_wait3A_59 : memref<4x128xi32, #tpu.memory_space<hbm>>) dst(%arg9 : memref<4x128xi32, #tpu.memory_space<vmem>>)
        %add3A_60 = arith.constant 32 : i32
        %add3A_61 = arith.addi %add3A_38, %add3A_60 : i32
        %lt3A_62 = arith.constant 625 : i32
        %lt3A_63 = arith.cmpi slt, %add3A_61, %lt3A_62 : i32
        %convert_element_type3A_64 = arith.extui %lt3A_63 : i1 to i32
        %cond3A_65 = arith.constant 0 : i32
        %cond3A_66 = arith.cmpi ne, %convert_element_type3A_64, %cond3A_65 : i32
        scf.if %cond3A_66 {
          %mul3A_242 = arith.constant 4 : i32
          %mul3A_243 = arith.muli %add3A_61, %mul3A_242 : i32
          %dma_start3A_244 = arith.constant 0 : i32
          %dma_start3A_245 = arith.constant 0 : i32
          %dma_start3A_246 = tpu.memref_slice %arg2[%dma_start3A_244, %mul3A_243, %dma_start3A_245] : memref<2x2500x128xi32, #tpu.memory_space<hbm>> -> memref<1x4x128xi32, #tpu.memory_space<hbm>>
          %dma_start3A_247 = tpu.memref_squeeze %dma_start3A_246 : memref<1x4x128xi32, #tpu.memory_space<hbm>> -> memref<4x128xi32, #tpu.memory_space<hbm>>
          %dma_start3A_248 = arith.constant 0 : i32
          %dma_start3A_249 = tpu.memref_slice %arg2[%dma_start3A_244, %mul3A_243, %dma_start3A_248] : memref<2x2500x128xi32, #tpu.memory_space<hbm>> -> memref<1x4x128xi32, #tpu.memory_space<hbm>>
          %dma_start3A_250 = tpu.memref_squeeze %dma_start3A_249 : memref<1x4x128xi32, #tpu.memory_space<hbm>> -> memref<4x128xi32, #tpu.memory_space<hbm>>
          tpu.enqueue_dma source(%dma_start3A_250 : memref<4x128xi32, #tpu.memory_space<hbm>>) target(%arg6 : memref<4x128xi32, #tpu.memory_space<vmem>>) target_semaphore(%arg16 : memref<!tpu.dma_semaphore, #tpu.memory_space<semaphore_mem>>)
          %dma_start3A_251 = arith.constant 1 : i32
          %dma_start3A_252 = arith.constant 0 : i32
          %dma_start3A_253 = tpu.memref_slice %arg2[%dma_start3A_251, %mul3A_243, %dma_start3A_252] : memref<2x2500x128xi32, #tpu.memory_space<hbm>> -> memref<1x4x128xi32, #tpu.memory_space<hbm>>
          %dma_start3A_254 = tpu.memref_squeeze %dma_start3A_253 : memref<1x4x128xi32, #tpu.memory_space<hbm>> -> memref<4x128xi32, #tpu.memory_space<hbm>>
          %dma_start3A_255 = arith.constant 0 : i32
          %dma_start3A_256 = tpu.memref_slice %arg2[%dma_start3A_251, %mul3A_243, %dma_start3A_255] : memref<2x2500x128xi32, #tpu.memory_space<hbm>> -> memref<1x4x128xi32, #tpu.memory_space<hbm>>
          %dma_start3A_257 = tpu.memref_squeeze %dma_start3A_256 : memref<1x4x128xi32, #tpu.memory_space<hbm>> -> memref<4x128xi32, #tpu.memory_space<hbm>>
          tpu.enqueue_dma source(%dma_start3A_257 : memref<4x128xi32, #tpu.memory_space<hbm>>) target(%arg8 : memref<4x128xi32, #tpu.memory_space<vmem>>) target_semaphore(%arg16 : memref<!tpu.dma_semaphore, #tpu.memory_space<semaphore_mem>>)
        } else {
        }
        %dma_start3A = arith.constant 0 : i32
        %dma_start3A_67 = arith.constant 0 : i32
        %dma_start3A_68 = arith.constant 0 : i32
        %dma_start3A_69 = tpu.memref_slice %arg13[%dma_start3A_67, %dma_start3A_68] : memref<512x16xf32, #tpu.memory_space<vmem>> -> memref<128x16xf32, #tpu.memory_space<vmem>>
        %dma_start3A_70 = arith.constant 0 : i32
        %dma_start3A_71 = tpu.memref_slice %arg7[%dma_start3A, %dma_start3A_70] : memref<4x128xi32, #tpu.memory_space<vmem>> -> memref<1x128xi32, #tpu.memory_space<vmem>>
        %dma_start3A_72 = tpu.memref_squeeze %dma_start3A_71 : memref<1x128xi32, #tpu.memory_space<vmem>> -> memref<128xi32, #tpu.memory_space<vmem>>
        %dma_start3A_73 = arith.constant 0 : i32
        %dma_start3A_74 = arith.constant 0 : i32
        %dma_start3A_75 = tpu.memref_slice %arg3[%dma_start3A_73, %dma_start3A_74] : memref<10000x16xf32, #tpu.memory_space<hbm>> -> memref<10000x16xf32, #tpu.memory_space<hbm>>
        tpu.enqueue_indirect_dma source(%dma_start3A_75 : memref<10000x16xf32, #tpu.memory_space<hbm>>) target(%dma_start3A_69 : memref<128x16xf32, #tpu.memory_space<vmem>>) offsets(%dma_start3A_72 : memref<128xi32, #tpu.memory_space<vmem>>) semaphore(%arg17 : memref<!tpu.dma_semaphore, #tpu.memory_space<semaphore_mem>>)
        %dma_start3A_76 = arith.constant 0 : i32
        %dma_start3A_77 = arith.constant 0 : i32
        %dma_start3A_78 = arith.constant 0 : i32
        %dma_start3A_79 = tpu.memref_slice %arg15[%dma_start3A_77, %dma_start3A_78] : memref<512x16xf32, #tpu.memory_space<vmem>> -> memref<128x16xf32, #tpu.memory_space<vmem>>
        %dma_start3A_80 = arith.constant 0 : i32
        %dma_start3A_81 = tpu.memref_slice %arg9[%dma_start3A_76, %dma_start3A_80] : memref<4x128xi32, #tpu.memory_space<vmem>> -> memref<1x128xi32, #tpu.memory_space<vmem>>
        %dma_start3A_82 = tpu.memref_squeeze %dma_start3A_81 : memref<1x128xi32, #tpu.memory_space<vmem>> -> memref<128xi32, #tpu.memory_space<vmem>>
        %dma_start3A_83 = arith.constant 0 : i32
        %dma_start3A_84 = arith.constant 0 : i32
        %dma_start3A_85 = tpu.memref_slice %arg4[%dma_start3A_83, %dma_start3A_84] : memref<10000x16xf32, #tpu.memory_space<hbm>> -> memref<10000x16xf32, #tpu.memory_space<hbm>>
        tpu.enqueue_indirect_dma source(%dma_start3A_85 : memref<10000x16xf32, #tpu.memory_space<hbm>>) target(%dma_start3A_79 : memref<128x16xf32, #tpu.memory_space<vmem>>) offsets(%dma_start3A_82 : memref<128xi32, #tpu.memory_space<vmem>>) semaphore(%arg17 : memref<!tpu.dma_semaphore, #tpu.memory_space<semaphore_mem>>)
        %dma_start3A_86 = arith.constant 1 : i32
        %dma_start3A_87 = arith.constant 128 : i32
        %dma_start3A_88 = arith.constant 0 : i32
        %dma_start3A_89 = tpu.memref_slice %arg13[%dma_start3A_87, %dma_start3A_88] : memref<512x16xf32, #tpu.memory_space<vmem>> -> memref<128x16xf32, #tpu.memory_space<vmem>>
        %dma_start3A_90 = arith.constant 0 : i32
        %dma_start3A_91 = tpu.memref_slice %arg7[%dma_start3A_86, %dma_start3A_90] : memref<4x128xi32, #tpu.memory_space<vmem>> -> memref<1x128xi32, #tpu.memory_space<vmem>>
        %dma_start3A_92 = tpu.memref_squeeze %dma_start3A_91 : memref<1x128xi32, #tpu.memory_space<vmem>> -> memref<128xi32, #tpu.memory_space<vmem>>
        %dma_start3A_93 = arith.constant 0 : i32
        %dma_start3A_94 = arith.constant 0 : i32
        %dma_start3A_95 = tpu.memref_slice %arg3[%dma_start3A_93, %dma_start3A_94] : memref<10000x16xf32, #tpu.memory_space<hbm>> -> memref<10000x16xf32, #tpu.memory_space<hbm>>
        tpu.enqueue_indirect_dma source(%dma_start3A_95 : memref<10000x16xf32, #tpu.memory_space<hbm>>) target(%dma_start3A_89 : memref<128x16xf32, #tpu.memory_space<vmem>>) offsets(%dma_start3A_92 : memref<128xi32, #tpu.memory_space<vmem>>) semaphore(%arg17 : memref<!tpu.dma_semaphore, #tpu.memory_space<semaphore_mem>>)
        %dma_start3A_96 = arith.constant 1 : i32
        %dma_start3A_97 = arith.constant 128 : i32
        %dma_start3A_98 = arith.constant 0 : i32
        %dma_start3A_99 = tpu.memref_slice %arg15[%dma_start3A_97, %dma_start3A_98] : memref<512x16xf32, #tpu.memory_space<vmem>> -> memref<128x16xf32, #tpu.memory_space<vmem>>
        %dma_start3A_100 = arith.constant 0 : i32
        %dma_start3A_101 = tpu.memref_slice %arg9[%dma_start3A_96, %dma_start3A_100] : memref<4x128xi32, #tpu.memory_space<vmem>> -> memref<1x128xi32, #tpu.memory_space<vmem>>
        %dma_start3A_102 = tpu.memref_squeeze %dma_start3A_101 : memref<1x128xi32, #tpu.memory_space<vmem>> -> memref<128xi32, #tpu.memory_space<vmem>>
        %dma_start3A_103 = arith.constant 0 : i32
        %dma_start3A_104 = arith.constant 0 : i32
        %dma_start3A_105 = tpu.memref_slice %arg4[%dma_start3A_103, %dma_start3A_104] : memref<10000x16xf32, #tpu.memory_space<hbm>> -> memref<10000x16xf32, #tpu.memory_space<hbm>>
        tpu.enqueue_indirect_dma source(%dma_start3A_105 : memref<10000x16xf32, #tpu.memory_space<hbm>>) target(%dma_start3A_99 : memref<128x16xf32, #tpu.memory_space<vmem>>) offsets(%dma_start3A_102 : memref<128xi32, #tpu.memory_space<vmem>>) semaphore(%arg17 : memref<!tpu.dma_semaphore, #tpu.memory_space<semaphore_mem>>)
        %dma_start3A_106 = arith.constant 2 : i32
        %dma_start3A_107 = arith.constant 256 : i32
        %dma_start3A_108 = arith.constant 0 : i32
        %dma_start3A_109 = tpu.memref_slice %arg13[%dma_start3A_107, %dma_start3A_108] : memref<512x16xf32, #tpu.memory_space<vmem>> -> memref<128x16xf32, #tpu.memory_space<vmem>>
        %dma_start3A_110 = arith.constant 0 : i32
        %dma_start3A_111 = tpu.memref_slice %arg7[%dma_start3A_106, %dma_start3A_110] : memref<4x128xi32, #tpu.memory_space<vmem>> -> memref<1x128xi32, #tpu.memory_space<vmem>>
        %dma_start3A_112 = tpu.memref_squeeze %dma_start3A_111 : memref<1x128xi32, #tpu.memory_space<vmem>> -> memref<128xi32, #tpu.memory_space<vmem>>
        %dma_start3A_113 = arith.constant 0 : i32
        %dma_start3A_114 = arith.constant 0 : i32
        %dma_start3A_115 = tpu.memref_slice %arg3[%dma_start3A_113, %dma_start3A_114] : memref<10000x16xf32, #tpu.memory_space<hbm>> -> memref<10000x16xf32, #tpu.memory_space<hbm>>
        tpu.enqueue_indirect_dma source(%dma_start3A_115 : memref<10000x16xf32, #tpu.memory_space<hbm>>) target(%dma_start3A_109 : memref<128x16xf32, #tpu.memory_space<vmem>>) offsets(%dma_start3A_112 : memref<128xi32, #tpu.memory_space<vmem>>) semaphore(%arg17 : memref<!tpu.dma_semaphore, #tpu.memory_space<semaphore_mem>>)
        %dma_start3A_116 = arith.constant 2 : i32
        %dma_start3A_117 = arith.constant 256 : i32
        %dma_start3A_118 = arith.constant 0 : i32
        %dma_start3A_119 = tpu.memref_slice %arg15[%dma_start3A_117, %dma_start3A_118] : memref<512x16xf32, #tpu.memory_space<vmem>> -> memref<128x16xf32, #tpu.memory_space<vmem>>
        %dma_start3A_120 = arith.constant 0 : i32
        %dma_start3A_121 = tpu.memref_slice %arg9[%dma_start3A_116, %dma_start3A_120] : memref<4x128xi32, #tpu.memory_space<vmem>> -> memref<1x128xi32, #tpu.memory_space<vmem>>
        %dma_start3A_122 = tpu.memref_squeeze %dma_start3A_121 : memref<1x128xi32, #tpu.memory_space<vmem>> -> memref<128xi32, #tpu.memory_space<vmem>>
        %dma_start3A_123 = arith.constant 0 : i32
        %dma_start3A_124 = arith.constant 0 : i32
        %dma_start3A_125 = tpu.memref_slice %arg4[%dma_start3A_123, %dma_start3A_124] : memref<10000x16xf32, #tpu.memory_space<hbm>> -> memref<10000x16xf32, #tpu.memory_space<hbm>>
        tpu.enqueue_indirect_dma source(%dma_start3A_125 : memref<10000x16xf32, #tpu.memory_space<hbm>>) target(%dma_start3A_119 : memref<128x16xf32, #tpu.memory_space<vmem>>) offsets(%dma_start3A_122 : memref<128xi32, #tpu.memory_space<vmem>>) semaphore(%arg17 : memref<!tpu.dma_semaphore, #tpu.memory_space<semaphore_mem>>)
        %dma_start3A_126 = arith.constant 3 : i32
        %dma_start3A_127 = arith.constant 384 : i32
        %dma_start3A_128 = arith.constant 0 : i32
        %dma_start3A_129 = tpu.memref_slice %arg13[%dma_start3A_127, %dma_start3A_128] : memref<512x16xf32, #tpu.memory_space<vmem>> -> memref<128x16xf32, #tpu.memory_space<vmem>>
        %dma_start3A_130 = arith.constant 0 : i32
        %dma_start3A_131 = tpu.memref_slice %arg7[%dma_start3A_126, %dma_start3A_130] : memref<4x128xi32, #tpu.memory_space<vmem>> -> memref<1x128xi32, #tpu.memory_space<vmem>>
        %dma_start3A_132 = tpu.memref_squeeze %dma_start3A_131 : memref<1x128xi32, #tpu.memory_space<vmem>> -> memref<128xi32, #tpu.memory_space<vmem>>
        %dma_start3A_133 = arith.constant 0 : i32
        %dma_start3A_134 = arith.constant 0 : i32
        %dma_start3A_135 = tpu.memref_slice %arg3[%dma_start3A_133, %dma_start3A_134] : memref<10000x16xf32, #tpu.memory_space<hbm>> -> memref<10000x16xf32, #tpu.memory_space<hbm>>
        tpu.enqueue_indirect_dma source(%dma_start3A_135 : memref<10000x16xf32, #tpu.memory_space<hbm>>) target(%dma_start3A_129 : memref<128x16xf32, #tpu.memory_space<vmem>>) offsets(%dma_start3A_132 : memref<128xi32, #tpu.memory_space<vmem>>) semaphore(%arg17 : memref<!tpu.dma_semaphore, #tpu.memory_space<semaphore_mem>>)
        %dma_start3A_136 = arith.constant 3 : i32
        %dma_start3A_137 = arith.constant 384 : i32
        %dma_start3A_138 = arith.constant 0 : i32
        %dma_start3A_139 = tpu.memref_slice %arg15[%dma_start3A_137, %dma_start3A_138] : memref<512x16xf32, #tpu.memory_space<vmem>> -> memref<128x16xf32, #tpu.memory_space<vmem>>
        %dma_start3A_140 = arith.constant 0 : i32
        %dma_start3A_141 = tpu.memref_slice %arg9[%dma_start3A_136, %dma_start3A_140] : memref<4x128xi32, #tpu.memory_space<vmem>> -> memref<1x128xi32, #tpu.memory_space<vmem>>
        %dma_start3A_142 = tpu.memref_squeeze %dma_start3A_141 : memref<1x128xi32, #tpu.memory_space<vmem>> -> memref<128xi32, #tpu.memory_space<vmem>>
        %dma_start3A_143 = arith.constant 0 : i32
        %dma_start3A_144 = arith.constant 0 : i32
        %dma_start3A_145 = tpu.memref_slice %arg4[%dma_start3A_143, %dma_start3A_144] : memref<10000x16xf32, #tpu.memory_space<hbm>> -> memref<10000x16xf32, #tpu.memory_space<hbm>>
        tpu.enqueue_indirect_dma source(%dma_start3A_145 : memref<10000x16xf32, #tpu.memory_space<hbm>>) target(%dma_start3A_139 : memref<128x16xf32, #tpu.memory_space<vmem>>) offsets(%dma_start3A_142 : memref<128xi32, #tpu.memory_space<vmem>>) semaphore(%arg17 : memref<!tpu.dma_semaphore, #tpu.memory_space<semaphore_mem>>)
        %dma_wait3A_146 = arith.constant 0 : i32
        %dma_wait3A_147 = arith.constant 0 : i32
        %dma_wait3A_148 = arith.constant 0 : i32
        %dma_wait3A_149 = tpu.memref_slice %arg13[%dma_wait3A_147, %dma_wait3A_148] : memref<512x16xf32, #tpu.memory_space<vmem>> -> memref<128x16xf32, #tpu.memory_space<vmem>>
        %dma_wait3A_150 = arith.constant 0 : i32
        %dma_wait3A_151 = tpu.memref_slice %arg7[%dma_wait3A_146, %dma_wait3A_150] : memref<4x128xi32, #tpu.memory_space<vmem>> -> memref<1x128xi32, #tpu.memory_space<vmem>>
        %dma_wait3A_152 = tpu.memref_squeeze %dma_wait3A_151 : memref<1x128xi32, #tpu.memory_space<vmem>> -> memref<128xi32, #tpu.memory_space<vmem>>
        %dma_wait3A_153 = arith.constant 0 : i32
        %dma_wait3A_154 = arith.constant 0 : i32
        %dma_wait3A_155 = tpu.memref_slice %arg3[%dma_wait3A_153, %dma_wait3A_154] : memref<10000x16xf32, #tpu.memory_space<hbm>> -> memref<10000x16xf32, #tpu.memory_space<hbm>>
        tpu.wait_indirect_dma semaphore(%arg17 : memref<!tpu.dma_semaphore, #tpu.memory_space<semaphore_mem>>) src(%dma_wait3A_155 : memref<10000x16xf32, #tpu.memory_space<hbm>>) dst(%dma_wait3A_149 : memref<128x16xf32, #tpu.memory_space<vmem>>)
        %dma_wait3A_156 = arith.constant 0 : i32
        %dma_wait3A_157 = arith.constant 0 : i32
        %dma_wait3A_158 = arith.constant 0 : i32
        %dma_wait3A_159 = tpu.memref_slice %arg15[%dma_wait3A_157, %dma_wait3A_158] : memref<512x16xf32, #tpu.memory_space<vmem>> -> memref<128x16xf32, #tpu.memory_space<vmem>>
        %dma_wait3A_160 = arith.constant 0 : i32
        %dma_wait3A_161 = tpu.memref_slice %arg9[%dma_wait3A_156, %dma_wait3A_160] : memref<4x128xi32, #tpu.memory_space<vmem>> -> memref<1x128xi32, #tpu.memory_space<vmem>>
        %dma_wait3A_162 = tpu.memref_squeeze %dma_wait3A_161 : memref<1x128xi32, #tpu.memory_space<vmem>> -> memref<128xi32, #tpu.memory_space<vmem>>
        %dma_wait3A_163 = arith.constant 0 : i32
        %dma_wait3A_164 = arith.constant 0 : i32
        %dma_wait3A_165 = tpu.memref_slice %arg4[%dma_wait3A_163, %dma_wait3A_164] : memref<10000x16xf32, #tpu.memory_space<hbm>> -> memref<10000x16xf32, #tpu.memory_space<hbm>>
        tpu.wait_indirect_dma semaphore(%arg17 : memref<!tpu.dma_semaphore, #tpu.memory_space<semaphore_mem>>) src(%dma_wait3A_165 : memref<10000x16xf32, #tpu.memory_space<hbm>>) dst(%dma_wait3A_159 : memref<128x16xf32, #tpu.memory_space<vmem>>)
        %dma_wait3A_166 = arith.constant 1 : i32
        %dma_wait3A_167 = arith.constant 128 : i32
        %dma_wait3A_168 = arith.constant 0 : i32
        %dma_wait3A_169 = tpu.memref_slice %arg13[%dma_wait3A_167, %dma_wait3A_168] : memref<512x16xf32, #tpu.memory_space<vmem>> -> memref<128x16xf32, #tpu.memory_space<vmem>>
        %dma_wait3A_170 = arith.constant 0 : i32
        %dma_wait3A_171 = tpu.memref_slice %arg7[%dma_wait3A_166, %dma_wait3A_170] : memref<4x128xi32, #tpu.memory_space<vmem>> -> memref<1x128xi32, #tpu.memory_space<vmem>>
        %dma_wait3A_172 = tpu.memref_squeeze %dma_wait3A_171 : memref<1x128xi32, #tpu.memory_space<vmem>> -> memref<128xi32, #tpu.memory_space<vmem>>
        %dma_wait3A_173 = arith.constant 0 : i32
        %dma_wait3A_174 = arith.constant 0 : i32
        %dma_wait3A_175 = tpu.memref_slice %arg3[%dma_wait3A_173, %dma_wait3A_174] : memref<10000x16xf32, #tpu.memory_space<hbm>> -> memref<10000x16xf32, #tpu.memory_space<hbm>>
        tpu.wait_indirect_dma semaphore(%arg17 : memref<!tpu.dma_semaphore, #tpu.memory_space<semaphore_mem>>) src(%dma_wait3A_175 : memref<10000x16xf32, #tpu.memory_space<hbm>>) dst(%dma_wait3A_169 : memref<128x16xf32, #tpu.memory_space<vmem>>)
        %dma_wait3A_176 = arith.constant 1 : i32
        %dma_wait3A_177 = arith.constant 128 : i32
        %dma_wait3A_178 = arith.constant 0 : i32
        %dma_wait3A_179 = tpu.memref_slice %arg15[%dma_wait3A_177, %dma_wait3A_178] : memref<512x16xf32, #tpu.memory_space<vmem>> -> memref<128x16xf32, #tpu.memory_space<vmem>>
        %dma_wait3A_180 = arith.constant 0 : i32
        %dma_wait3A_181 = tpu.memref_slice %arg9[%dma_wait3A_176, %dma_wait3A_180] : memref<4x128xi32, #tpu.memory_space<vmem>> -> memref<1x128xi32, #tpu.memory_space<vmem>>
        %dma_wait3A_182 = tpu.memref_squeeze %dma_wait3A_181 : memref<1x128xi32, #tpu.memory_space<vmem>> -> memref<128xi32, #tpu.memory_space<vmem>>
        %dma_wait3A_183 = arith.constant 0 : i32
        %dma_wait3A_184 = arith.constant 0 : i32
        %dma_wait3A_185 = tpu.memref_slice %arg4[%dma_wait3A_183, %dma_wait3A_184] : memref<10000x16xf32, #tpu.memory_space<hbm>> -> memref<10000x16xf32, #tpu.memory_space<hbm>>
        tpu.wait_indirect_dma semaphore(%arg17 : memref<!tpu.dma_semaphore, #tpu.memory_space<semaphore_mem>>) src(%dma_wait3A_185 : memref<10000x16xf32, #tpu.memory_space<hbm>>) dst(%dma_wait3A_179 : memref<128x16xf32, #tpu.memory_space<vmem>>)
        %dma_wait3A_186 = arith.constant 2 : i32
        %dma_wait3A_187 = arith.constant 256 : i32
        %dma_wait3A_188 = arith.constant 0 : i32
        %dma_wait3A_189 = tpu.memref_slice %arg13[%dma_wait3A_187, %dma_wait3A_188] : memref<512x16xf32, #tpu.memory_space<vmem>> -> memref<128x16xf32, #tpu.memory_space<vmem>>
        %dma_wait3A_190 = arith.constant 0 : i32
        %dma_wait3A_191 = tpu.memref_slice %arg7[%dma_wait3A_186, %dma_wait3A_190] : memref<4x128xi32, #tpu.memory_space<vmem>> -> memref<1x128xi32, #tpu.memory_space<vmem>>
        %dma_wait3A_192 = tpu.memref_squeeze %dma_wait3A_191 : memref<1x128xi32, #tpu.memory_space<vmem>> -> memref<128xi32, #tpu.memory_space<vmem>>
        %dma_wait3A_193 = arith.constant 0 : i32
        %dma_wait3A_194 = arith.constant 0 : i32
        %dma_wait3A_195 = tpu.memref_slice %arg3[%dma_wait3A_193, %dma_wait3A_194] : memref<10000x16xf32, #tpu.memory_space<hbm>> -> memref<10000x16xf32, #tpu.memory_space<hbm>>
        tpu.wait_indirect_dma semaphore(%arg17 : memref<!tpu.dma_semaphore, #tpu.memory_space<semaphore_mem>>) src(%dma_wait3A_195 : memref<10000x16xf32, #tpu.memory_space<hbm>>) dst(%dma_wait3A_189 : memref<128x16xf32, #tpu.memory_space<vmem>>)
        %dma_wait3A_196 = arith.constant 2 : i32
        %dma_wait3A_197 = arith.constant 256 : i32
        %dma_wait3A_198 = arith.constant 0 : i32
        %dma_wait3A_199 = tpu.memref_slice %arg15[%dma_wait3A_197, %dma_wait3A_198] : memref<512x16xf32, #tpu.memory_space<vmem>> -> memref<128x16xf32, #tpu.memory_space<vmem>>
        %dma_wait3A_200 = arith.constant 0 : i32
        %dma_wait3A_201 = tpu.memref_slice %arg9[%dma_wait3A_196, %dma_wait3A_200] : memref<4x128xi32, #tpu.memory_space<vmem>> -> memref<1x128xi32, #tpu.memory_space<vmem>>
        %dma_wait3A_202 = tpu.memref_squeeze %dma_wait3A_201 : memref<1x128xi32, #tpu.memory_space<vmem>> -> memref<128xi32, #tpu.memory_space<vmem>>
        %dma_wait3A_203 = arith.constant 0 : i32
        %dma_wait3A_204 = arith.constant 0 : i32
        %dma_wait3A_205 = tpu.memref_slice %arg4[%dma_wait3A_203, %dma_wait3A_204] : memref<10000x16xf32, #tpu.memory_space<hbm>> -> memref<10000x16xf32, #tpu.memory_space<hbm>>
        tpu.wait_indirect_dma semaphore(%arg17 : memref<!tpu.dma_semaphore, #tpu.memory_space<semaphore_mem>>) src(%dma_wait3A_205 : memref<10000x16xf32, #tpu.memory_space<hbm>>) dst(%dma_wait3A_199 : memref<128x16xf32, #tpu.memory_space<vmem>>)
        %dma_wait3A_206 = arith.constant 3 : i32
        %dma_wait3A_207 = arith.constant 384 : i32
        %dma_wait3A_208 = arith.constant 0 : i32
        %dma_wait3A_209 = tpu.memref_slice %arg13[%dma_wait3A_207, %dma_wait3A_208] : memref<512x16xf32, #tpu.memory_space<vmem>> -> memref<128x16xf32, #tpu.memory_space<vmem>>
        %dma_wait3A_210 = arith.constant 0 : i32
        %dma_wait3A_211 = tpu.memref_slice %arg7[%dma_wait3A_206, %dma_wait3A_210] : memref<4x128xi32, #tpu.memory_space<vmem>> -> memref<1x128xi32, #tpu.memory_space<vmem>>
        %dma_wait3A_212 = tpu.memref_squeeze %dma_wait3A_211 : memref<1x128xi32, #tpu.memory_space<vmem>> -> memref<128xi32, #tpu.memory_space<vmem>>
        %dma_wait3A_213 = arith.constant 0 : i32
        %dma_wait3A_214 = arith.constant 0 : i32
        %dma_wait3A_215 = tpu.memref_slice %arg3[%dma_wait3A_213, %dma_wait3A_214] : memref<10000x16xf32, #tpu.memory_space<hbm>> -> memref<10000x16xf32, #tpu.memory_space<hbm>>
        tpu.wait_indirect_dma semaphore(%arg17 : memref<!tpu.dma_semaphore, #tpu.memory_space<semaphore_mem>>) src(%dma_wait3A_215 : memref<10000x16xf32, #tpu.memory_space<hbm>>) dst(%dma_wait3A_209 : memref<128x16xf32, #tpu.memory_space<vmem>>)
        %dma_wait3A_216 = arith.constant 3 : i32
        %dma_wait3A_217 = arith.constant 384 : i32
        %dma_wait3A_218 = arith.constant 0 : i32
        %dma_wait3A_219 = tpu.memref_slice %arg15[%dma_wait3A_217, %dma_wait3A_218] : memref<512x16xf32, #tpu.memory_space<vmem>> -> memref<128x16xf32, #tpu.memory_space<vmem>>
        %dma_wait3A_220 = arith.constant 0 : i32
        %dma_wait3A_221 = tpu.memref_slice %arg9[%dma_wait3A_216, %dma_wait3A_220] : memref<4x128xi32, #tpu.memory_space<vmem>> -> memref<1x128xi32, #tpu.memory_space<vmem>>
        %dma_wait3A_222 = tpu.memref_squeeze %dma_wait3A_221 : memref<1x128xi32, #tpu.memory_space<vmem>> -> memref<128xi32, #tpu.memory_space<vmem>>
        %dma_wait3A_223 = arith.constant 0 : i32
        %dma_wait3A_224 = arith.constant 0 : i32
        %dma_wait3A_225 = tpu.memref_slice %arg4[%dma_wait3A_223, %dma_wait3A_224] : memref<10000x16xf32, #tpu.memory_space<hbm>> -> memref<10000x16xf32, #tpu.memory_space<hbm>>
        tpu.wait_indirect_dma semaphore(%arg17 : memref<!tpu.dma_semaphore, #tpu.memory_space<semaphore_mem>>) src(%dma_wait3A_225 : memref<10000x16xf32, #tpu.memory_space<hbm>>) dst(%dma_wait3A_219 : memref<128x16xf32, #tpu.memory_space<vmem>>)
        %ge3A = arith.constant 2 : i32
        %ge3A_226 = arith.cmpi sge, %add3A_35, %ge3A : i32
        %convert_element_type3A_227 = arith.extui %ge3A_226 : i1 to i32
        %cond3A_228 = arith.constant 0 : i32
        %cond3A_229 = arith.cmpi ne, %convert_element_type3A_227, %cond3A_228 : i32
        scf.if %cond3A_229 {
          %dma_wait3A_242 = arith.constant 0 : i32
          %dma_wait3A_243 = arith.constant 0 : i32
          %dma_wait3A_244 = tpu.memref_slice %arg5[%dma_wait3A_242, %dma_wait3A_243] : memref<40000x128xf32, #tpu.memory_space<hbm>> -> memref<64x128xf32, #tpu.memory_space<hbm>>
          %dma_wait3A_245 = arith.constant 0 : i32
          %dma_wait3A_246 = arith.constant 0 : i32
          %dma_wait3A_247 = tpu.memref_slice %arg5[%dma_wait3A_245, %dma_wait3A_246] : memref<40000x128xf32, #tpu.memory_space<hbm>> -> memref<64x128xf32, #tpu.memory_space<hbm>>
          tpu.wait_dma2 semaphore(%arg19 : memref<!tpu.dma_semaphore, #tpu.memory_space<semaphore_mem>>) src(%dma_wait3A_247 : memref<64x128xf32, #tpu.memory_space<hbm>>) dst(%arg11 : memref<64x128xf32, #tpu.memory_space<vmem>>)
        } else {
        }
        %scan3A_230 = arith.constant 0 : i32
        %scan3A_231 = arith.constant 0 : i32
        %scan3A_232 = arith.constant 64 : i32
        %scan3A_233 = arith.addi %scan3A_231, %scan3A_232 : i32
        %scan3A_234 = arith.constant 1 : i32
        scf.for %scan3A_242 = %scan3A_231 to %scan3A_233 step %scan3A_234  : i32 {
          %mul3A_243 = arith.constant 8 : i32
          %mul3A_244 = arith.muli %scan3A_242, %mul3A_243 : i32
          %add3A_245 = arith.constant 0 : i32
          %add3A_246 = arith.addi %mul3A_244, %add3A_245 : i32
          %get3A = arith.index_cast %add3A_246 : i32 to index
          %get3A_247 = arith.constant 0 : index
          %get3A_248 = tpu.vector_load %arg13[%get3A, %get3A_247] {strides = array<i32>} : memref<512x16xf32, #tpu.memory_space<vmem>>, vector<1x16xf32>,
          %get3A_249 = vector.shape_cast %get3A_248 : vector<1x16xf32> to vector<16xf32>
          %get3A_250 = arith.index_cast %add3A_246 : i32 to index
          %get3A_251 = arith.constant 0 : index
          %get3A_252 = tpu.vector_load %arg15[%get3A_250, %get3A_251] {strides = array<i32>} : memref<512x16xf32, #tpu.memory_space<vmem>>, vector<1x16xf32>,
          %get3A_253 = vector.shape_cast %get3A_252 : vector<1x16xf32> to vector<16xf32>
          %add3A_254 = arith.addf %get3A_249, %get3A_253 : vector<16xf32>
          %swap3A = arith.index_cast %scan3A_242 : i32 to index
          %swap3A_255 = arith.constant 0 : index
          %swap3A_256 = tpu.vector_load %arg11[%swap3A, %swap3A_255] {strides = array<i32>} : memref<64x128xf32, #tpu.memory_space<vmem>>, vector<1x16xf32>,
          %swap3A_257 = vector.shape_cast %swap3A_256 : vector<1x16xf32> to vector<16xf32>
          %swap3A_258 = vector.shape_cast %add3A_254 : vector<16xf32> to vector<1x16xf32>
          tpu.vector_store %arg11[%swap3A, %swap3A_255], %swap3A_258 {strides = array<i32>} : memref<64x128xf32, #tpu.memory_space<vmem>>, vector<1x16xf32>,
          %mul3A_259 = arith.constant 8 : i32
          %mul3A_260 = arith.muli %scan3A_242, %mul3A_259 : i32
          %add3A_261 = arith.constant 1 : i32
          %add3A_262 = arith.addi %mul3A_260, %add3A_261 : i32
          %get3A_263 = arith.index_cast %add3A_262 : i32 to index
          %get3A_264 = arith.constant 0 : index
          %get3A_265 = tpu.vector_load %arg13[%get3A_263, %get3A_264] {strides = array<i32>} : memref<512x16xf32, #tpu.memory_space<vmem>>, vector<1x16xf32>,
          %get3A_266 = vector.shape_cast %get3A_265 : vector<1x16xf32> to vector<16xf32>
          %get3A_267 = arith.index_cast %add3A_262 : i32 to index
          %get3A_268 = arith.constant 0 : index
          %get3A_269 = tpu.vector_load %arg15[%get3A_267, %get3A_268] {strides = array<i32>} : memref<512x16xf32, #tpu.memory_space<vmem>>, vector<1x16xf32>,
          %get3A_270 = vector.shape_cast %get3A_269 : vector<1x16xf32> to vector<16xf32>
          %add3A_271 = arith.addf %get3A_266, %get3A_270 : vector<16xf32>
          %swap3A_272 = arith.index_cast %scan3A_242 : i32 to index
          %swap3A_273 = arith.constant 16 : index
          %swap3A_274 = tpu.vector_load %arg11[%swap3A_272, %swap3A_273] {strides = array<i32>} : memref<64x128xf32, #tpu.memory_space<vmem>>, vector<1x16xf32>,
          %swap3A_275 = vector.shape_cast %swap3A_274 : vector<1x16xf32> to vector<16xf32>
          %swap3A_276 = vector.shape_cast %add3A_271 : vector<16xf32> to vector<1x16xf32>
          tpu.vector_store %arg11[%swap3A_272, %swap3A_273], %swap3A_276 {strides = array<i32>} : memref<64x128xf32, #tpu.memory_space<vmem>>, vector<1x16xf32>,
          %mul3A_277 = arith.constant 8 : i32
          %mul3A_278 = arith.muli %scan3A_242, %mul3A_277 : i32
          %add3A_279 = arith.constant 2 : i32
          %add3A_280 = arith.addi %mul3A_278, %add3A_279 : i32
          %get3A_281 = arith.index_cast %add3A_280 : i32 to index
          %get3A_282 = arith.constant 0 : index
          %get3A_283 = tpu.vector_load %arg13[%get3A_281, %get3A_282] {strides = array<i32>} : memref<512x16xf32, #tpu.memory_space<vmem>>, vector<1x16xf32>,
          %get3A_284 = vector.shape_cast %get3A_283 : vector<1x16xf32> to vector<16xf32>
          %get3A_285 = arith.index_cast %add3A_280 : i32 to index
          %get3A_286 = arith.constant 0 : index
          %get3A_287 = tpu.vector_load %arg15[%get3A_285, %get3A_286] {strides = array<i32>} : memref<512x16xf32, #tpu.memory_space<vmem>>, vector<1x16xf32>,
          %get3A_288 = vector.shape_cast %get3A_287 : vector<1x16xf32> to vector<16xf32>
          %add3A_289 = arith.addf %get3A_284, %get3A_288 : vector<16xf32>
          %swap3A_290 = arith.index_cast %scan3A_242 : i32 to index
          %swap3A_291 = arith.constant 32 : index
          %swap3A_292 = tpu.vector_load %arg11[%swap3A_290, %swap3A_291] {strides = array<i32>} : memref<64x128xf32, #tpu.memory_space<vmem>>, vector<1x16xf32>,
          %swap3A_293 = vector.shape_cast %swap3A_292 : vector<1x16xf32> to vector<16xf32>
          %swap3A_294 = vector.shape_cast %add3A_289 : vector<16xf32> to vector<1x16xf32>
          tpu.vector_store %arg11[%swap3A_290, %swap3A_291], %swap3A_294 {strides = array<i32>} : memref<64x128xf32, #tpu.memory_space<vmem>>, vector<1x16xf32>,
          %mul3A_295 = arith.constant 8 : i32
          %mul3A_296 = arith.muli %scan3A_242, %mul3A_295 : i32
          %add3A_297 = arith.constant 3 : i32
          %add3A_298 = arith.addi %mul3A_296, %add3A_297 : i32
          %get3A_299 = arith.index_cast %add3A_298 : i32 to index
          %get3A_300 = arith.constant 0 : index
          %get3A_301 = tpu.vector_load %arg13[%get3A_299, %get3A_300] {strides = array<i32>} : memref<512x16xf32, #tpu.memory_space<vmem>>, vector<1x16xf32>,
          %get3A_302 = vector.shape_cast %get3A_301 : vector<1x16xf32> to vector<16xf32>
          %get3A_303 = arith.index_cast %add3A_298 : i32 to index
          %get3A_304 = arith.constant 0 : index
          %get3A_305 = tpu.vector_load %arg15[%get3A_303, %get3A_304] {strides = array<i32>} : memref<512x16xf32, #tpu.memory_space<vmem>>, vector<1x16xf32>,
          %get3A_306 = vector.shape_cast %get3A_305 : vector<1x16xf32> to vector<16xf32>
          %add3A_307 = arith.addf %get3A_302, %get3A_306 : vector<16xf32>
          %swap3A_308 = arith.index_cast %scan3A_242 : i32 to index
          %swap3A_309 = arith.constant 48 : index
          %swap3A_310 = tpu.vector_load %arg11[%swap3A_308, %swap3A_309] {strides = array<i32>} : memref<64x128xf32, #tpu.memory_space<vmem>>, vector<1x16xf32>,
          %swap3A_311 = vector.shape_cast %swap3A_310 : vector<1x16xf32> to vector<16xf32>
          %swap3A_312 = vector.shape_cast %add3A_307 : vector<16xf32> to vector<1x16xf32>
          tpu.vector_store %arg11[%swap3A_308, %swap3A_309], %swap3A_312 {strides = array<i32>} : memref<64x128xf32, #tpu.memory_space<vmem>>, vector<1x16xf32>,
          %mul3A_313 = arith.constant 8 : i32
          %mul3A_314 = arith.muli %scan3A_242, %mul3A_313 : i32
          %add3A_315 = arith.constant 4 : i32
          %add3A_316 = arith.addi %mul3A_314, %add3A_315 : i32
          %get3A_317 = arith.index_cast %add3A_316 : i32 to index
          %get3A_318 = arith.constant 0 : index
          %get3A_319 = tpu.vector_load %arg13[%get3A_317, %get3A_318] {strides = array<i32>} : memref<512x16xf32, #tpu.memory_space<vmem>>, vector<1x16xf32>,
          %get3A_320 = vector.shape_cast %get3A_319 : vector<1x16xf32> to vector<16xf32>
          %get3A_321 = arith.index_cast %add3A_316 : i32 to index
          %get3A_322 = arith.constant 0 : index
          %get3A_323 = tpu.vector_load %arg15[%get3A_321, %get3A_322] {strides = array<i32>} : memref<512x16xf32, #tpu.memory_space<vmem>>, vector<1x16xf32>,
          %get3A_324 = vector.shape_cast %get3A_323 : vector<1x16xf32> to vector<16xf32>
          %add3A_325 = arith.addf %get3A_320, %get3A_324 : vector<16xf32>
          %swap3A_326 = arith.index_cast %scan3A_242 : i32 to index
          %swap3A_327 = arith.constant 64 : index
          %swap3A_328 = tpu.vector_load %arg11[%swap3A_326, %swap3A_327] {strides = array<i32>} : memref<64x128xf32, #tpu.memory_space<vmem>>, vector<1x16xf32>,
          %swap3A_329 = vector.shape_cast %swap3A_328 : vector<1x16xf32> to vector<16xf32>
          %swap3A_330 = vector.shape_cast %add3A_325 : vector<16xf32> to vector<1x16xf32>
          tpu.vector_store %arg11[%swap3A_326, %swap3A_327], %swap3A_330 {strides = array<i32>} : memref<64x128xf32, #tpu.memory_space<vmem>>, vector<1x16xf32>,
          %mul3A_331 = arith.constant 8 : i32
          %mul3A_332 = arith.muli %scan3A_242, %mul3A_331 : i32
          %add3A_333 = arith.constant 5 : i32
          %add3A_334 = arith.addi %mul3A_332, %add3A_333 : i32
          %get3A_335 = arith.index_cast %add3A_334 : i32 to index
          %get3A_336 = arith.constant 0 : index
          %get3A_337 = tpu.vector_load %arg13[%get3A_335, %get3A_336] {strides = array<i32>} : memref<512x16xf32, #tpu.memory_space<vmem>>, vector<1x16xf32>,
          %get3A_338 = vector.shape_cast %get3A_337 : vector<1x16xf32> to vector<16xf32>
          %get3A_339 = arith.index_cast %add3A_334 : i32 to index
          %get3A_340 = arith.constant 0 : index
          %get3A_341 = tpu.vector_load %arg15[%get3A_339, %get3A_340] {strides = array<i32>} : memref<512x16xf32, #tpu.memory_space<vmem>>, vector<1x16xf32>,
          %get3A_342 = vector.shape_cast %get3A_341 : vector<1x16xf32> to vector<16xf32>
          %add3A_343 = arith.addf %get3A_338, %get3A_342 : vector<16xf32>
          %swap3A_344 = arith.index_cast %scan3A_242 : i32 to index
          %swap3A_345 = arith.constant 80 : index
          %swap3A_346 = tpu.vector_load %arg11[%swap3A_344, %swap3A_345] {strides = array<i32>} : memref<64x128xf32, #tpu.memory_space<vmem>>, vector<1x16xf32>,
          %swap3A_347 = vector.shape_cast %swap3A_346 : vector<1x16xf32> to vector<16xf32>
          %swap3A_348 = vector.shape_cast %add3A_343 : vector<16xf32> to vector<1x16xf32>
          tpu.vector_store %arg11[%swap3A_344, %swap3A_345], %swap3A_348 {strides = array<i32>} : memref<64x128xf32, #tpu.memory_space<vmem>>, vector<1x16xf32>,
          %mul3A_349 = arith.constant 8 : i32
          %mul3A_350 = arith.muli %scan3A_242, %mul3A_349 : i32
          %add3A_351 = arith.constant 6 : i32
          %add3A_352 = arith.addi %mul3A_350, %add3A_351 : i32
          %get3A_353 = arith.index_cast %add3A_352 : i32 to index
          %get3A_354 = arith.constant 0 : index
          %get3A_355 = tpu.vector_load %arg13[%get3A_353, %get3A_354] {strides = array<i32>} : memref<512x16xf32, #tpu.memory_space<vmem>>, vector<1x16xf32>,
          %get3A_356 = vector.shape_cast %get3A_355 : vector<1x16xf32> to vector<16xf32>
          %get3A_357 = arith.index_cast %add3A_352 : i32 to index
          %get3A_358 = arith.constant 0 : index
          %get3A_359 = tpu.vector_load %arg15[%get3A_357, %get3A_358] {strides = array<i32>} : memref<512x16xf32, #tpu.memory_space<vmem>>, vector<1x16xf32>,
          %get3A_360 = vector.shape_cast %get3A_359 : vector<1x16xf32> to vector<16xf32>
          %add3A_361 = arith.addf %get3A_356, %get3A_360 : vector<16xf32>
          %swap3A_362 = arith.index_cast %scan3A_242 : i32 to index
          %swap3A_363 = arith.constant 96 : index
          %swap3A_364 = tpu.vector_load %arg11[%swap3A_362, %swap3A_363] {strides = array<i32>} : memref<64x128xf32, #tpu.memory_space<vmem>>, vector<1x16xf32>,
          %swap3A_365 = vector.shape_cast %swap3A_364 : vector<1x16xf32> to vector<16xf32>
          %swap3A_366 = vector.shape_cast %add3A_361 : vector<16xf32> to vector<1x16xf32>
          tpu.vector_store %arg11[%swap3A_362, %swap3A_363], %swap3A_366 {strides = array<i32>} : memref<64x128xf32, #tpu.memory_space<vmem>>, vector<1x16xf32>,
          %mul3A_367 = arith.constant 8 : i32
          %mul3A_368 = arith.muli %scan3A_242, %mul3A_367 : i32
          %add3A_369 = arith.constant 7 : i32
          %add3A_370 = arith.addi %mul3A_368, %add3A_369 : i32
          %get3A_371 = arith.index_cast %add3A_370 : i32 to index
          %get3A_372 = arith.constant 0 : index
          %get3A_373 = tpu.vector_load %arg13[%get3A_371, %get3A_372] {strides = array<i32>} : memref<512x16xf32, #tpu.memory_space<vmem>>, vector<1x16xf32>,
          %get3A_374 = vector.shape_cast %get3A_373 : vector<1x16xf32> to vector<16xf32>
          %get3A_375 = arith.index_cast %add3A_370 : i32 to index
          %get3A_376 = arith.constant 0 : index
          %get3A_377 = tpu.vector_load %arg15[%get3A_375, %get3A_376] {strides = array<i32>} : memref<512x16xf32, #tpu.memory_space<vmem>>, vector<1x16xf32>,
          %get3A_378 = vector.shape_cast %get3A_377 : vector<1x16xf32> to vector<16xf32>
          %add3A_379 = arith.addf %get3A_374, %get3A_378 : vector<16xf32>
          %swap3A_380 = arith.index_cast %scan3A_242 : i32 to index
          %swap3A_381 = arith.constant 112 : index
          %swap3A_382 = tpu.vector_load %arg11[%swap3A_380, %swap3A_381] {strides = array<i32>} : memref<64x128xf32, #tpu.memory_space<vmem>>, vector<1x16xf32>,
          %swap3A_383 = vector.shape_cast %swap3A_382 : vector<1x16xf32> to vector<16xf32>
          %swap3A_384 = vector.shape_cast %add3A_379 : vector<16xf32> to vector<1x16xf32>
          tpu.vector_store %arg11[%swap3A_380, %swap3A_381], %swap3A_384 {strides = array<i32>} : memref<64x128xf32, #tpu.memory_space<vmem>>, vector<1x16xf32>,
        }
        %scan3A_235 = arith.constant 64 : i32
        %mul3A_236 = arith.constant 64 : i32
        %mul3A_237 = arith.muli %add3A_38, %mul3A_236 : i32
        %dma_start3A_238 = arith.constant 0 : i32
        %dma_start3A_239 = tpu.memref_slice %arg5[%mul3A_237, %dma_start3A_238] : memref<40000x128xf32, #tpu.memory_space<hbm>> -> memref<64x128xf32, #tpu.memory_space<hbm>>
        %dma_start3A_240 = arith.constant 0 : i32
        %dma_start3A_241 = tpu.memref_slice %arg5[%mul3A_237, %dma_start3A_240] : memref<40000x128xf32, #tpu.memory_space<hbm>> -> memref<64x128xf32, #tpu.memory_space<hbm>>
        tpu.enqueue_dma source(%arg11 : memref<64x128xf32, #tpu.memory_space<vmem>>) target(%dma_start3A_241 : memref<64x128xf32, #tpu.memory_space<hbm>>) target_semaphore(%arg19 : memref<!tpu.dma_semaphore, #tpu.memory_space<semaphore_mem>>)
      } else {
      }
    }
    %scan3A_7 = arith.constant 10 : i32
    %dma_wait3A = arith.constant 0 : i32
    %dma_wait3A_8 = arith.constant 0 : i32
    %dma_wait3A_9 = tpu.memref_slice %arg5[%dma_wait3A, %dma_wait3A_8] : memref<40000x128xf32, #tpu.memory_space<hbm>> -> memref<64x128xf32, #tpu.memory_space<hbm>>
    %dma_wait3A_10 = arith.constant 0 : i32
    %dma_wait3A_11 = arith.constant 0 : i32
    %dma_wait3A_12 = tpu.memref_slice %arg5[%dma_wait3A_10, %dma_wait3A_11] : memref<40000x128xf32, #tpu.memory_space<hbm>> -> memref<64x128xf32, #tpu.memory_space<hbm>>
    tpu.wait_dma2 semaphore(%arg18 : memref<!tpu.dma_semaphore, #tpu.memory_space<semaphore_mem>>) src(%dma_wait3A_12 : memref<64x128xf32, #tpu.memory_space<hbm>>) dst(%arg10 : memref<64x128xf32, #tpu.memory_space<vmem>>)
    %dma_wait3A_13 = arith.constant 0 : i32
    %dma_wait3A_14 = arith.constant 0 : i32
    %dma_wait3A_15 = tpu.memref_slice %arg5[%dma_wait3A_13, %dma_wait3A_14] : memref<40000x128xf32, #tpu.memory_space<hbm>> -> memref<64x128xf32, #tpu.memory_space<hbm>>
    %dma_wait3A_16 = arith.constant 0 : i32
    %dma_wait3A_17 = arith.constant 0 : i32
    %dma_wait3A_18 = tpu.memref_slice %arg5[%dma_wait3A_16, %dma_wait3A_17] : memref<40000x128xf32, #tpu.memory_space<hbm>> -> memref<64x128xf32, #tpu.memory_space<hbm>>
    tpu.wait_dma2 semaphore(%arg19 : memref<!tpu.dma_semaphore, #tpu.memory_space<semaphore_mem>>) src(%dma_wait3A_18 : memref<64x128xf32, #tpu.memory_space<hbm>>) dst(%arg11 : memref<64x128xf32, #tpu.memory_space<vmem>>)
    return
  }
}

#map = affine_map<(d0, d1) -> (0, 0, 0)>
#map1 = affine_map<(d0, d1) -> (0, 0)>
module attributes {stable_mosaic.version = 14 : i64} {
  func.func @k(%arg0: i32, %arg1: i32, %arg2: memref<2x2500x128xi32, #tpu.memory_space<hbm>>, %arg3: memref<320000x128xf32, #tpu.memory_space<hbm>>, %arg4: memref<10000x128xf32, #tpu.memory_space<hbm>>, %arg5: memref<2x10000x16xf32, #tpu.memory_space<hbm>>, %arg6: memref<4x128xi32, #tpu.memory_space<vmem>>, %arg7: memref<4x128xi32, #tpu.memory_space<vmem>>, %arg8: memref<512x64xf32, #tpu.memory_space<vmem>>, %arg9: memref<512x64xf32, #tpu.memory_space<vmem>>, %arg10: memref<128x16xf32, #tpu.memory_space<vmem>>, %arg11: memref<16x64xf32, #tpu.memory_space<vmem>>, %arg12: memref<16x16xf32, #tpu.memory_space<vmem>>, %arg13: memref<10000x64xf32, #tpu.memory_space<vmem_shared>>, %arg14: memref<10000x16xf32, #tpu.memory_space<vmem_shared>>, %arg15: memref<!tpu.dma_semaphore, #tpu.memory_space<semaphore_mem>>) attributes {dimension_semantics = [#tpu.dimension_semantics<core_parallel>, #tpu.dimension_semantics<subcore_parallel>], iteration_bounds = array<i64: 2, 16>, scalar_prefetch = 0 : i64, scratch_operands = 10 : i64, tpu.core_type = #tpu.core_type<sc_vector_subcore>, window_params = [{transform_indices = #map}, {transform_indices = #map1}, {transform_indices = #map1}, {transform_indices = #map}]} {
    %broadcast_in_dim3A = arith.constant 0.000000e+00 : f32
    %broadcast_in_dim3A_0 = vector.broadcast %broadcast_in_dim3A : f32 to vector<16xf32>
    %broadcast_in_dim3A_1 = arith.constant 1.000000e+00 : f32
    %broadcast_in_dim3A_2 = vector.broadcast %broadcast_in_dim3A_1 : f32 to vector<16xf32>
    %swap3A = arith.constant 0 : i32
    %swap3A_3 = arith.index_cast %swap3A : i32 to index
    %swap3A_4 = arith.constant 0 : index
    %swap3A_5 = tpu.vector_load %arg11[%swap3A_3, %swap3A_4] {strides = array<i32>} : memref<16x64xf32, #tpu.memory_space<vmem>>, vector<1x16xf32>,
    %swap3A_6 = vector.shape_cast %swap3A_5 : vector<1x16xf32> to vector<16xf32>
    %swap3A_7 = vector.shape_cast %broadcast_in_dim3A_0 : vector<16xf32> to vector<1x16xf32>
    tpu.vector_store %arg11[%swap3A_3, %swap3A_4], %swap3A_7 {strides = array<i32>} : memref<16x64xf32, #tpu.memory_space<vmem>>, vector<1x16xf32>,
    %swap3A_8 = arith.constant 0 : i32
    %swap3A_9 = arith.index_cast %swap3A_8 : i32 to index
    %swap3A_10 = arith.constant 16 : index
    %swap3A_11 = tpu.vector_load %arg11[%swap3A_9, %swap3A_10] {strides = array<i32>} : memref<16x64xf32, #tpu.memory_space<vmem>>, vector<1x16xf32>,
    %swap3A_12 = vector.shape_cast %swap3A_11 : vector<1x16xf32> to vector<16xf32>
    %swap3A_13 = vector.shape_cast %broadcast_in_dim3A_0 : vector<16xf32> to vector<1x16xf32>
    tpu.vector_store %arg11[%swap3A_9, %swap3A_10], %swap3A_13 {strides = array<i32>} : memref<16x64xf32, #tpu.memory_space<vmem>>, vector<1x16xf32>,
    %swap3A_14 = arith.constant 0 : i32
    %swap3A_15 = arith.index_cast %swap3A_14 : i32 to index
    %swap3A_16 = arith.constant 32 : index
    %swap3A_17 = tpu.vector_load %arg11[%swap3A_15, %swap3A_16] {strides = array<i32>} : memref<16x64xf32, #tpu.memory_space<vmem>>, vector<1x16xf32>,
    %swap3A_18 = vector.shape_cast %swap3A_17 : vector<1x16xf32> to vector<16xf32>
    %swap3A_19 = vector.shape_cast %broadcast_in_dim3A_0 : vector<16xf32> to vector<1x16xf32>
    tpu.vector_store %arg11[%swap3A_15, %swap3A_16], %swap3A_19 {strides = array<i32>} : memref<16x64xf32, #tpu.memory_space<vmem>>, vector<1x16xf32>,
    %swap3A_20 = arith.constant 0 : i32
    %swap3A_21 = arith.index_cast %swap3A_20 : i32 to index
    %swap3A_22 = arith.constant 48 : index
    %swap3A_23 = tpu.vector_load %arg11[%swap3A_21, %swap3A_22] {strides = array<i32>} : memref<16x64xf32, #tpu.memory_space<vmem>>, vector<1x16xf32>,
    %swap3A_24 = vector.shape_cast %swap3A_23 : vector<1x16xf32> to vector<16xf32>
    %swap3A_25 = vector.shape_cast %broadcast_in_dim3A_0 : vector<16xf32> to vector<1x16xf32>
    tpu.vector_store %arg11[%swap3A_21, %swap3A_22], %swap3A_25 {strides = array<i32>} : memref<16x64xf32, #tpu.memory_space<vmem>>, vector<1x16xf32>,
    %swap3A_26 = arith.constant 0 : i32
    %swap3A_27 = arith.index_cast %swap3A_26 : i32 to index
    %swap3A_28 = arith.constant 0 : index
    %swap3A_29 = tpu.vector_load %arg12[%swap3A_27, %swap3A_28] {strides = array<i32>} : memref<16x16xf32, #tpu.memory_space<vmem>>, vector<1x16xf32>,
    %swap3A_30 = vector.shape_cast %swap3A_29 : vector<1x16xf32> to vector<16xf32>
    %swap3A_31 = vector.shape_cast %broadcast_in_dim3A_0 : vector<16xf32> to vector<1x16xf32>
    tpu.vector_store %arg12[%swap3A_27, %swap3A_28], %swap3A_31 {strides = array<i32>} : memref<16x16xf32, #tpu.memory_space<vmem>>, vector<1x16xf32>,
    %swap3A_32 = arith.constant 1 : i32
    %swap3A_33 = arith.index_cast %swap3A_32 : i32 to index
    %swap3A_34 = arith.constant 0 : index
    %swap3A_35 = tpu.vector_load %arg11[%swap3A_33, %swap3A_34] {strides = array<i32>} : memref<16x64xf32, #tpu.memory_space<vmem>>, vector<1x16xf32>,
    %swap3A_36 = vector.shape_cast %swap3A_35 : vector<1x16xf32> to vector<16xf32>
    %swap3A_37 = vector.shape_cast %broadcast_in_dim3A_0 : vector<16xf32> to vector<1x16xf32>
    tpu.vector_store %arg11[%swap3A_33, %swap3A_34], %swap3A_37 {strides = array<i32>} : memref<16x64xf32, #tpu.memory_space<vmem>>, vector<1x16xf32>,
    %swap3A_38 = arith.constant 1 : i32
    %swap3A_39 = arith.index_cast %swap3A_38 : i32 to index
    %swap3A_40 = arith.constant 16 : index
    %swap3A_41 = tpu.vector_load %arg11[%swap3A_39, %swap3A_40] {strides = array<i32>} : memref<16x64xf32, #tpu.memory_space<vmem>>, vector<1x16xf32>,
    %swap3A_42 = vector.shape_cast %swap3A_41 : vector<1x16xf32> to vector<16xf32>
    %swap3A_43 = vector.shape_cast %broadcast_in_dim3A_0 : vector<16xf32> to vector<1x16xf32>
    tpu.vector_store %arg11[%swap3A_39, %swap3A_40], %swap3A_43 {strides = array<i32>} : memref<16x64xf32, #tpu.memory_space<vmem>>, vector<1x16xf32>,
    %swap3A_44 = arith.constant 1 : i32
    %swap3A_45 = arith.index_cast %swap3A_44 : i32 to index
    %swap3A_46 = arith.constant 32 : index
    %swap3A_47 = tpu.vector_load %arg11[%swap3A_45, %swap3A_46] {strides = array<i32>} : memref<16x64xf32, #tpu.memory_space<vmem>>, vector<1x16xf32>,
    %swap3A_48 = vector.shape_cast %swap3A_47 : vector<1x16xf32> to vector<16xf32>
    %swap3A_49 = vector.shape_cast %broadcast_in_dim3A_0 : vector<16xf32> to vector<1x16xf32>
    tpu.vector_store %arg11[%swap3A_45, %swap3A_46], %swap3A_49 {strides = array<i32>} : memref<16x64xf32, #tpu.memory_space<vmem>>, vector<1x16xf32>,
    %swap3A_50 = arith.constant 1 : i32
    %swap3A_51 = arith.index_cast %swap3A_50 : i32 to index
    %swap3A_52 = arith.constant 48 : index
    %swap3A_53 = tpu.vector_load %arg11[%swap3A_51, %swap3A_52] {strides = array<i32>} : memref<16x64xf32, #tpu.memory_space<vmem>>, vector<1x16xf32>,
    %swap3A_54 = vector.shape_cast %swap3A_53 : vector<1x16xf32> to vector<16xf32>
    %swap3A_55 = vector.shape_cast %broadcast_in_dim3A_0 : vector<16xf32> to vector<1x16xf32>
    tpu.vector_store %arg11[%swap3A_51, %swap3A_52], %swap3A_55 {strides = array<i32>} : memref<16x64xf32, #tpu.memory_space<vmem>>, vector<1x16xf32>,
    %swap3A_56 = arith.constant 1 : i32
    %swap3A_57 = arith.index_cast %swap3A_56 : i32 to index
    %swap3A_58 = arith.constant 0 : index
    %swap3A_59 = tpu.vector_load %arg12[%swap3A_57, %swap3A_58] {strides = array<i32>} : memref<16x16xf32, #tpu.memory_space<vmem>>, vector<1x16xf32>,
    %swap3A_60 = vector.shape_cast %swap3A_59 : vector<1x16xf32> to vector<16xf32>
    %swap3A_61 = vector.shape_cast %broadcast_in_dim3A_0 : vector<16xf32> to vector<1x16xf32>
    tpu.vector_store %arg12[%swap3A_57, %swap3A_58], %swap3A_61 {strides = array<i32>} : memref<16x16xf32, #tpu.memory_space<vmem>>, vector<1x16xf32>,
    %swap3A_62 = arith.constant 2 : i32
    %swap3A_63 = arith.index_cast %swap3A_62 : i32 to index
    %swap3A_64 = arith.constant 0 : index
    %swap3A_65 = tpu.vector_load %arg11[%swap3A_63, %swap3A_64] {strides = array<i32>} : memref<16x64xf32, #tpu.memory_space<vmem>>, vector<1x16xf32>,
    %swap3A_66 = vector.shape_cast %swap3A_65 : vector<1x16xf32> to vector<16xf32>
    %swap3A_67 = vector.shape_cast %broadcast_in_dim3A_0 : vector<16xf32> to vector<1x16xf32>
    tpu.vector_store %arg11[%swap3A_63, %swap3A_64], %swap3A_67 {strides = array<i32>} : memref<16x64xf32, #tpu.memory_space<vmem>>, vector<1x16xf32>,
    %swap3A_68 = arith.constant 2 : i32
    %swap3A_69 = arith.index_cast %swap3A_68 : i32 to index
    %swap3A_70 = arith.constant 16 : index
    %swap3A_71 = tpu.vector_load %arg11[%swap3A_69, %swap3A_70] {strides = array<i32>} : memref<16x64xf32, #tpu.memory_space<vmem>>, vector<1x16xf32>,
    %swap3A_72 = vector.shape_cast %swap3A_71 : vector<1x16xf32> to vector<16xf32>
    %swap3A_73 = vector.shape_cast %broadcast_in_dim3A_0 : vector<16xf32> to vector<1x16xf32>
    tpu.vector_store %arg11[%swap3A_69, %swap3A_70], %swap3A_73 {strides = array<i32>} : memref<16x64xf32, #tpu.memory_space<vmem>>, vector<1x16xf32>,
    %swap3A_74 = arith.constant 2 : i32
    %swap3A_75 = arith.index_cast %swap3A_74 : i32 to index
    %swap3A_76 = arith.constant 32 : index
    %swap3A_77 = tpu.vector_load %arg11[%swap3A_75, %swap3A_76] {strides = array<i32>} : memref<16x64xf32, #tpu.memory_space<vmem>>, vector<1x16xf32>,
    %swap3A_78 = vector.shape_cast %swap3A_77 : vector<1x16xf32> to vector<16xf32>
    %swap3A_79 = vector.shape_cast %broadcast_in_dim3A_0 : vector<16xf32> to vector<1x16xf32>
    tpu.vector_store %arg11[%swap3A_75, %swap3A_76], %swap3A_79 {strides = array<i32>} : memref<16x64xf32, #tpu.memory_space<vmem>>, vector<1x16xf32>,
    %swap3A_80 = arith.constant 2 : i32
    %swap3A_81 = arith.index_cast %swap3A_80 : i32 to index
    %swap3A_82 = arith.constant 48 : index
    %swap3A_83 = tpu.vector_load %arg11[%swap3A_81, %swap3A_82] {strides = array<i32>} : memref<16x64xf32, #tpu.memory_space<vmem>>, vector<1x16xf32>,
    %swap3A_84 = vector.shape_cast %swap3A_83 : vector<1x16xf32> to vector<16xf32>
    %swap3A_85 = vector.shape_cast %broadcast_in_dim3A_0 : vector<16xf32> to vector<1x16xf32>
    tpu.vector_store %arg11[%swap3A_81, %swap3A_82], %swap3A_85 {strides = array<i32>} : memref<16x64xf32, #tpu.memory_space<vmem>>, vector<1x16xf32>,
    %swap3A_86 = arith.constant 2 : i32
    %swap3A_87 = arith.index_cast %swap3A_86 : i32 to index
    %swap3A_88 = arith.constant 0 : index
    %swap3A_89 = tpu.vector_load %arg12[%swap3A_87, %swap3A_88] {strides = array<i32>} : memref<16x16xf32, #tpu.memory_space<vmem>>, vector<1x16xf32>,
    %swap3A_90 = vector.shape_cast %swap3A_89 : vector<1x16xf32> to vector<16xf32>
    %swap3A_91 = vector.shape_cast %broadcast_in_dim3A_0 : vector<16xf32> to vector<1x16xf32>
    tpu.vector_store %arg12[%swap3A_87, %swap3A_88], %swap3A_91 {strides = array<i32>} : memref<16x16xf32, #tpu.memory_space<vmem>>, vector<1x16xf32>,
    %swap3A_92 = arith.constant 3 : i32
    %swap3A_93 = arith.index_cast %swap3A_92 : i32 to index
    %swap3A_94 = arith.constant 0 : index
    %swap3A_95 = tpu.vector_load %arg11[%swap3A_93, %swap3A_94] {strides = array<i32>} : memref<16x64xf32, #tpu.memory_space<vmem>>, vector<1x16xf32>,
    %swap3A_96 = vector.shape_cast %swap3A_95 : vector<1x16xf32> to vector<16xf32>
    %swap3A_97 = vector.shape_cast %broadcast_in_dim3A_0 : vector<16xf32> to vector<1x16xf32>
    tpu.vector_store %arg11[%swap3A_93, %swap3A_94], %swap3A_97 {strides = array<i32>} : memref<16x64xf32, #tpu.memory_space<vmem>>, vector<1x16xf32>,
    %swap3A_98 = arith.constant 3 : i32
    %swap3A_99 = arith.index_cast %swap3A_98 : i32 to index
    %swap3A_100 = arith.constant 16 : index
    %swap3A_101 = tpu.vector_load %arg11[%swap3A_99, %swap3A_100] {strides = array<i32>} : memref<16x64xf32, #tpu.memory_space<vmem>>, vector<1x16xf32>,
    %swap3A_102 = vector.shape_cast %swap3A_101 : vector<1x16xf32> to vector<16xf32>
    %swap3A_103 = vector.shape_cast %broadcast_in_dim3A_0 : vector<16xf32> to vector<1x16xf32>
    tpu.vector_store %arg11[%swap3A_99, %swap3A_100], %swap3A_103 {strides = array<i32>} : memref<16x64xf32, #tpu.memory_space<vmem>>, vector<1x16xf32>,
    %swap3A_104 = arith.constant 3 : i32
    %swap3A_105 = arith.index_cast %swap3A_104 : i32 to index
    %swap3A_106 = arith.constant 32 : index
    %swap3A_107 = tpu.vector_load %arg11[%swap3A_105, %swap3A_106] {strides = array<i32>} : memref<16x64xf32, #tpu.memory_space<vmem>>, vector<1x16xf32>,
    %swap3A_108 = vector.shape_cast %swap3A_107 : vector<1x16xf32> to vector<16xf32>
    %swap3A_109 = vector.shape_cast %broadcast_in_dim3A_0 : vector<16xf32> to vector<1x16xf32>
    tpu.vector_store %arg11[%swap3A_105, %swap3A_106], %swap3A_109 {strides = array<i32>} : memref<16x64xf32, #tpu.memory_space<vmem>>, vector<1x16xf32>,
    %swap3A_110 = arith.constant 3 : i32
    %swap3A_111 = arith.index_cast %swap3A_110 : i32 to index
    %swap3A_112 = arith.constant 48 : index
    %swap3A_113 = tpu.vector_load %arg11[%swap3A_111, %swap3A_112] {strides = array<i32>} : memref<16x64xf32, #tpu.memory_space<vmem>>, vector<1x16xf32>,
    %swap3A_114 = vector.shape_cast %swap3A_113 : vector<1x16xf32> to vector<16xf32>
    %swap3A_115 = vector.shape_cast %broadcast_in_dim3A_0 : vector<16xf32> to vector<1x16xf32>
    tpu.vector_store %arg11[%swap3A_111, %swap3A_112], %swap3A_115 {strides = array<i32>} : memref<16x64xf32, #tpu.memory_space<vmem>>, vector<1x16xf32>,
    %swap3A_116 = arith.constant 3 : i32
    %swap3A_117 = arith.index_cast %swap3A_116 : i32 to index
    %swap3A_118 = arith.constant 0 : index
    %swap3A_119 = tpu.vector_load %arg12[%swap3A_117, %swap3A_118] {strides = array<i32>} : memref<16x16xf32, #tpu.memory_space<vmem>>, vector<1x16xf32>,
    %swap3A_120 = vector.shape_cast %swap3A_119 : vector<1x16xf32> to vector<16xf32>
    %swap3A_121 = vector.shape_cast %broadcast_in_dim3A_0 : vector<16xf32> to vector<1x16xf32>
    tpu.vector_store %arg12[%swap3A_117, %swap3A_118], %swap3A_121 {strides = array<i32>} : memref<16x16xf32, #tpu.memory_space<vmem>>, vector<1x16xf32>,
    %swap3A_122 = arith.constant 4 : i32
    %swap3A_123 = arith.index_cast %swap3A_122 : i32 to index
    %swap3A_124 = arith.constant 0 : index
    %swap3A_125 = tpu.vector_load %arg11[%swap3A_123, %swap3A_124] {strides = array<i32>} : memref<16x64xf32, #tpu.memory_space<vmem>>, vector<1x16xf32>,
    %swap3A_126 = vector.shape_cast %swap3A_125 : vector<1x16xf32> to vector<16xf32>
    %swap3A_127 = vector.shape_cast %broadcast_in_dim3A_0 : vector<16xf32> to vector<1x16xf32>
    tpu.vector_store %arg11[%swap3A_123, %swap3A_124], %swap3A_127 {strides = array<i32>} : memref<16x64xf32, #tpu.memory_space<vmem>>, vector<1x16xf32>,
    %swap3A_128 = arith.constant 4 : i32
    %swap3A_129 = arith.index_cast %swap3A_128 : i32 to index
    %swap3A_130 = arith.constant 16 : index
    %swap3A_131 = tpu.vector_load %arg11[%swap3A_129, %swap3A_130] {strides = array<i32>} : memref<16x64xf32, #tpu.memory_space<vmem>>, vector<1x16xf32>,
    %swap3A_132 = vector.shape_cast %swap3A_131 : vector<1x16xf32> to vector<16xf32>
    %swap3A_133 = vector.shape_cast %broadcast_in_dim3A_0 : vector<16xf32> to vector<1x16xf32>
    tpu.vector_store %arg11[%swap3A_129, %swap3A_130], %swap3A_133 {strides = array<i32>} : memref<16x64xf32, #tpu.memory_space<vmem>>, vector<1x16xf32>,
    %swap3A_134 = arith.constant 4 : i32
    %swap3A_135 = arith.index_cast %swap3A_134 : i32 to index
    %swap3A_136 = arith.constant 32 : index
    %swap3A_137 = tpu.vector_load %arg11[%swap3A_135, %swap3A_136] {strides = array<i32>} : memref<16x64xf32, #tpu.memory_space<vmem>>, vector<1x16xf32>,
    %swap3A_138 = vector.shape_cast %swap3A_137 : vector<1x16xf32> to vector<16xf32>
    %swap3A_139 = vector.shape_cast %broadcast_in_dim3A_0 : vector<16xf32> to vector<1x16xf32>
    tpu.vector_store %arg11[%swap3A_135, %swap3A_136], %swap3A_139 {strides = array<i32>} : memref<16x64xf32, #tpu.memory_space<vmem>>, vector<1x16xf32>,
    %swap3A_140 = arith.constant 4 : i32
    %swap3A_141 = arith.index_cast %swap3A_140 : i32 to index
    %swap3A_142 = arith.constant 48 : index
    %swap3A_143 = tpu.vector_load %arg11[%swap3A_141, %swap3A_142] {strides = array<i32>} : memref<16x64xf32, #tpu.memory_space<vmem>>, vector<1x16xf32>,
    %swap3A_144 = vector.shape_cast %swap3A_143 : vector<1x16xf32> to vector<16xf32>
    %swap3A_145 = vector.shape_cast %broadcast_in_dim3A_0 : vector<16xf32> to vector<1x16xf32>
    tpu.vector_store %arg11[%swap3A_141, %swap3A_142], %swap3A_145 {strides = array<i32>} : memref<16x64xf32, #tpu.memory_space<vmem>>, vector<1x16xf32>,
    %swap3A_146 = arith.constant 4 : i32
    %swap3A_147 = arith.index_cast %swap3A_146 : i32 to index
    %swap3A_148 = arith.constant 0 : index
    %swap3A_149 = tpu.vector_load %arg12[%swap3A_147, %swap3A_148] {strides = array<i32>} : memref<16x16xf32, #tpu.memory_space<vmem>>, vector<1x16xf32>,
    %swap3A_150 = vector.shape_cast %swap3A_149 : vector<1x16xf32> to vector<16xf32>
    %swap3A_151 = vector.shape_cast %broadcast_in_dim3A_0 : vector<16xf32> to vector<1x16xf32>
    tpu.vector_store %arg12[%swap3A_147, %swap3A_148], %swap3A_151 {strides = array<i32>} : memref<16x16xf32, #tpu.memory_space<vmem>>, vector<1x16xf32>,
    %swap3A_152 = arith.constant 5 : i32
    %swap3A_153 = arith.index_cast %swap3A_152 : i32 to index
    %swap3A_154 = arith.constant 0 : index
    %swap3A_155 = tpu.vector_load %arg11[%swap3A_153, %swap3A_154] {strides = array<i32>} : memref<16x64xf32, #tpu.memory_space<vmem>>, vector<1x16xf32>,
    %swap3A_156 = vector.shape_cast %swap3A_155 : vector<1x16xf32> to vector<16xf32>
    %swap3A_157 = vector.shape_cast %broadcast_in_dim3A_0 : vector<16xf32> to vector<1x16xf32>
    tpu.vector_store %arg11[%swap3A_153, %swap3A_154], %swap3A_157 {strides = array<i32>} : memref<16x64xf32, #tpu.memory_space<vmem>>, vector<1x16xf32>,
    %swap3A_158 = arith.constant 5 : i32
    %swap3A_159 = arith.index_cast %swap3A_158 : i32 to index
    %swap3A_160 = arith.constant 16 : index
    %swap3A_161 = tpu.vector_load %arg11[%swap3A_159, %swap3A_160] {strides = array<i32>} : memref<16x64xf32, #tpu.memory_space<vmem>>, vector<1x16xf32>,
    %swap3A_162 = vector.shape_cast %swap3A_161 : vector<1x16xf32> to vector<16xf32>
    %swap3A_163 = vector.shape_cast %broadcast_in_dim3A_0 : vector<16xf32> to vector<1x16xf32>
    tpu.vector_store %arg11[%swap3A_159, %swap3A_160], %swap3A_163 {strides = array<i32>} : memref<16x64xf32, #tpu.memory_space<vmem>>, vector<1x16xf32>,
    %swap3A_164 = arith.constant 5 : i32
    %swap3A_165 = arith.index_cast %swap3A_164 : i32 to index
    %swap3A_166 = arith.constant 32 : index
    %swap3A_167 = tpu.vector_load %arg11[%swap3A_165, %swap3A_166] {strides = array<i32>} : memref<16x64xf32, #tpu.memory_space<vmem>>, vector<1x16xf32>,
    %swap3A_168 = vector.shape_cast %swap3A_167 : vector<1x16xf32> to vector<16xf32>
    %swap3A_169 = vector.shape_cast %broadcast_in_dim3A_0 : vector<16xf32> to vector<1x16xf32>
    tpu.vector_store %arg11[%swap3A_165, %swap3A_166], %swap3A_169 {strides = array<i32>} : memref<16x64xf32, #tpu.memory_space<vmem>>, vector<1x16xf32>,
    %swap3A_170 = arith.constant 5 : i32
    %swap3A_171 = arith.index_cast %swap3A_170 : i32 to index
    %swap3A_172 = arith.constant 48 : index
    %swap3A_173 = tpu.vector_load %arg11[%swap3A_171, %swap3A_172] {strides = array<i32>} : memref<16x64xf32, #tpu.memory_space<vmem>>, vector<1x16xf32>,
    %swap3A_174 = vector.shape_cast %swap3A_173 : vector<1x16xf32> to vector<16xf32>
    %swap3A_175 = vector.shape_cast %broadcast_in_dim3A_0 : vector<16xf32> to vector<1x16xf32>
    tpu.vector_store %arg11[%swap3A_171, %swap3A_172], %swap3A_175 {strides = array<i32>} : memref<16x64xf32, #tpu.memory_space<vmem>>, vector<1x16xf32>,
    %swap3A_176 = arith.constant 5 : i32
    %swap3A_177 = arith.index_cast %swap3A_176 : i32 to index
    %swap3A_178 = arith.constant 0 : index
    %swap3A_179 = tpu.vector_load %arg12[%swap3A_177, %swap3A_178] {strides = array<i32>} : memref<16x16xf32, #tpu.memory_space<vmem>>, vector<1x16xf32>,
    %swap3A_180 = vector.shape_cast %swap3A_179 : vector<1x16xf32> to vector<16xf32>
    %swap3A_181 = vector.shape_cast %broadcast_in_dim3A_0 : vector<16xf32> to vector<1x16xf32>
    tpu.vector_store %arg12[%swap3A_177, %swap3A_178], %swap3A_181 {strides = array<i32>} : memref<16x16xf32, #tpu.memory_space<vmem>>, vector<1x16xf32>,
    %swap3A_182 = arith.constant 6 : i32
    %swap3A_183 = arith.index_cast %swap3A_182 : i32 to index
    %swap3A_184 = arith.constant 0 : index
    %swap3A_185 = tpu.vector_load %arg11[%swap3A_183, %swap3A_184] {strides = array<i32>} : memref<16x64xf32, #tpu.memory_space<vmem>>, vector<1x16xf32>,
    %swap3A_186 = vector.shape_cast %swap3A_185 : vector<1x16xf32> to vector<16xf32>
    %swap3A_187 = vector.shape_cast %broadcast_in_dim3A_0 : vector<16xf32> to vector<1x16xf32>
    tpu.vector_store %arg11[%swap3A_183, %swap3A_184], %swap3A_187 {strides = array<i32>} : memref<16x64xf32, #tpu.memory_space<vmem>>, vector<1x16xf32>,
    %swap3A_188 = arith.constant 6 : i32
    %swap3A_189 = arith.index_cast %swap3A_188 : i32 to index
    %swap3A_190 = arith.constant 16 : index
    %swap3A_191 = tpu.vector_load %arg11[%swap3A_189, %swap3A_190] {strides = array<i32>} : memref<16x64xf32, #tpu.memory_space<vmem>>, vector<1x16xf32>,
    %swap3A_192 = vector.shape_cast %swap3A_191 : vector<1x16xf32> to vector<16xf32>
    %swap3A_193 = vector.shape_cast %broadcast_in_dim3A_0 : vector<16xf32> to vector<1x16xf32>
    tpu.vector_store %arg11[%swap3A_189, %swap3A_190], %swap3A_193 {strides = array<i32>} : memref<16x64xf32, #tpu.memory_space<vmem>>, vector<1x16xf32>,
    %swap3A_194 = arith.constant 6 : i32
    %swap3A_195 = arith.index_cast %swap3A_194 : i32 to index
    %swap3A_196 = arith.constant 32 : index
    %swap3A_197 = tpu.vector_load %arg11[%swap3A_195, %swap3A_196] {strides = array<i32>} : memref<16x64xf32, #tpu.memory_space<vmem>>, vector<1x16xf32>,
    %swap3A_198 = vector.shape_cast %swap3A_197 : vector<1x16xf32> to vector<16xf32>
    %swap3A_199 = vector.shape_cast %broadcast_in_dim3A_0 : vector<16xf32> to vector<1x16xf32>
    tpu.vector_store %arg11[%swap3A_195, %swap3A_196], %swap3A_199 {strides = array<i32>} : memref<16x64xf32, #tpu.memory_space<vmem>>, vector<1x16xf32>,
    %swap3A_200 = arith.constant 6 : i32
    %swap3A_201 = arith.index_cast %swap3A_200 : i32 to index
    %swap3A_202 = arith.constant 48 : index
    %swap3A_203 = tpu.vector_load %arg11[%swap3A_201, %swap3A_202] {strides = array<i32>} : memref<16x64xf32, #tpu.memory_space<vmem>>, vector<1x16xf32>,
    %swap3A_204 = vector.shape_cast %swap3A_203 : vector<1x16xf32> to vector<16xf32>
    %swap3A_205 = vector.shape_cast %broadcast_in_dim3A_0 : vector<16xf32> to vector<1x16xf32>
    tpu.vector_store %arg11[%swap3A_201, %swap3A_202], %swap3A_205 {strides = array<i32>} : memref<16x64xf32, #tpu.memory_space<vmem>>, vector<1x16xf32>,
    %swap3A_206 = arith.constant 6 : i32
    %swap3A_207 = arith.index_cast %swap3A_206 : i32 to index
    %swap3A_208 = arith.constant 0 : index
    %swap3A_209 = tpu.vector_load %arg12[%swap3A_207, %swap3A_208] {strides = array<i32>} : memref<16x16xf32, #tpu.memory_space<vmem>>, vector<1x16xf32>,
    %swap3A_210 = vector.shape_cast %swap3A_209 : vector<1x16xf32> to vector<16xf32>
    %swap3A_211 = vector.shape_cast %broadcast_in_dim3A_0 : vector<16xf32> to vector<1x16xf32>
    tpu.vector_store %arg12[%swap3A_207, %swap3A_208], %swap3A_211 {strides = array<i32>} : memref<16x16xf32, #tpu.memory_space<vmem>>, vector<1x16xf32>,
    %swap3A_212 = arith.constant 7 : i32
    %swap3A_213 = arith.index_cast %swap3A_212 : i32 to index
    %swap3A_214 = arith.constant 0 : index
    %swap3A_215 = tpu.vector_load %arg11[%swap3A_213, %swap3A_214] {strides = array<i32>} : memref<16x64xf32, #tpu.memory_space<vmem>>, vector<1x16xf32>,
    %swap3A_216 = vector.shape_cast %swap3A_215 : vector<1x16xf32> to vector<16xf32>
    %swap3A_217 = vector.shape_cast %broadcast_in_dim3A_0 : vector<16xf32> to vector<1x16xf32>
    tpu.vector_store %arg11[%swap3A_213, %swap3A_214], %swap3A_217 {strides = array<i32>} : memref<16x64xf32, #tpu.memory_space<vmem>>, vector<1x16xf32>,
    %swap3A_218 = arith.constant 7 : i32
    %swap3A_219 = arith.index_cast %swap3A_218 : i32 to index
    %swap3A_220 = arith.constant 16 : index
    %swap3A_221 = tpu.vector_load %arg11[%swap3A_219, %swap3A_220] {strides = array<i32>} : memref<16x64xf32, #tpu.memory_space<vmem>>, vector<1x16xf32>,
    %swap3A_222 = vector.shape_cast %swap3A_221 : vector<1x16xf32> to vector<16xf32>
    %swap3A_223 = vector.shape_cast %broadcast_in_dim3A_0 : vector<16xf32> to vector<1x16xf32>
    tpu.vector_store %arg11[%swap3A_219, %swap3A_220], %swap3A_223 {strides = array<i32>} : memref<16x64xf32, #tpu.memory_space<vmem>>, vector<1x16xf32>,
    %swap3A_224 = arith.constant 7 : i32
    %swap3A_225 = arith.index_cast %swap3A_224 : i32 to index
    %swap3A_226 = arith.constant 32 : index
    %swap3A_227 = tpu.vector_load %arg11[%swap3A_225, %swap3A_226] {strides = array<i32>} : memref<16x64xf32, #tpu.memory_space<vmem>>, vector<1x16xf32>,
    %swap3A_228 = vector.shape_cast %swap3A_227 : vector<1x16xf32> to vector<16xf32>
    %swap3A_229 = vector.shape_cast %broadcast_in_dim3A_0 : vector<16xf32> to vector<1x16xf32>
    tpu.vector_store %arg11[%swap3A_225, %swap3A_226], %swap3A_229 {strides = array<i32>} : memref<16x64xf32, #tpu.memory_space<vmem>>, vector<1x16xf32>,
    %swap3A_230 = arith.constant 7 : i32
    %swap3A_231 = arith.index_cast %swap3A_230 : i32 to index
    %swap3A_232 = arith.constant 48 : index
    %swap3A_233 = tpu.vector_load %arg11[%swap3A_231, %swap3A_232] {strides = array<i32>} : memref<16x64xf32, #tpu.memory_space<vmem>>, vector<1x16xf32>,
    %swap3A_234 = vector.shape_cast %swap3A_233 : vector<1x16xf32> to vector<16xf32>
    %swap3A_235 = vector.shape_cast %broadcast_in_dim3A_0 : vector<16xf32> to vector<1x16xf32>
    tpu.vector_store %arg11[%swap3A_231, %swap3A_232], %swap3A_235 {strides = array<i32>} : memref<16x64xf32, #tpu.memory_space<vmem>>, vector<1x16xf32>,
    %swap3A_236 = arith.constant 7 : i32
    %swap3A_237 = arith.index_cast %swap3A_236 : i32 to index
    %swap3A_238 = arith.constant 0 : index
    %swap3A_239 = tpu.vector_load %arg12[%swap3A_237, %swap3A_238] {strides = array<i32>} : memref<16x16xf32, #tpu.memory_space<vmem>>, vector<1x16xf32>,
    %swap3A_240 = vector.shape_cast %swap3A_239 : vector<1x16xf32> to vector<16xf32>
    %swap3A_241 = vector.shape_cast %broadcast_in_dim3A_0 : vector<16xf32> to vector<1x16xf32>
    tpu.vector_store %arg12[%swap3A_237, %swap3A_238], %swap3A_241 {strides = array<i32>} : memref<16x16xf32, #tpu.memory_space<vmem>>, vector<1x16xf32>,
    %swap3A_242 = arith.constant 8 : i32
    %swap3A_243 = arith.index_cast %swap3A_242 : i32 to index
    %swap3A_244 = arith.constant 0 : index
    %swap3A_245 = tpu.vector_load %arg11[%swap3A_243, %swap3A_244] {strides = array<i32>} : memref<16x64xf32, #tpu.memory_space<vmem>>, vector<1x16xf32>,
    %swap3A_246 = vector.shape_cast %swap3A_245 : vector<1x16xf32> to vector<16xf32>
    %swap3A_247 = vector.shape_cast %broadcast_in_dim3A_0 : vector<16xf32> to vector<1x16xf32>
    tpu.vector_store %arg11[%swap3A_243, %swap3A_244], %swap3A_247 {strides = array<i32>} : memref<16x64xf32, #tpu.memory_space<vmem>>, vector<1x16xf32>,
    %swap3A_248 = arith.constant 8 : i32
    %swap3A_249 = arith.index_cast %swap3A_248 : i32 to index
    %swap3A_250 = arith.constant 16 : index
    %swap3A_251 = tpu.vector_load %arg11[%swap3A_249, %swap3A_250] {strides = array<i32>} : memref<16x64xf32, #tpu.memory_space<vmem>>, vector<1x16xf32>,
    %swap3A_252 = vector.shape_cast %swap3A_251 : vector<1x16xf32> to vector<16xf32>
    %swap3A_253 = vector.shape_cast %broadcast_in_dim3A_0 : vector<16xf32> to vector<1x16xf32>
    tpu.vector_store %arg11[%swap3A_249, %swap3A_250], %swap3A_253 {strides = array<i32>} : memref<16x64xf32, #tpu.memory_space<vmem>>, vector<1x16xf32>,
    %swap3A_254 = arith.constant 8 : i32
    %swap3A_255 = arith.index_cast %swap3A_254 : i32 to index
    %swap3A_256 = arith.constant 32 : index
    %swap3A_257 = tpu.vector_load %arg11[%swap3A_255, %swap3A_256] {strides = array<i32>} : memref<16x64xf32, #tpu.memory_space<vmem>>, vector<1x16xf32>,
    %swap3A_258 = vector.shape_cast %swap3A_257 : vector<1x16xf32> to vector<16xf32>
    %swap3A_259 = vector.shape_cast %broadcast_in_dim3A_0 : vector<16xf32> to vector<1x16xf32>
    tpu.vector_store %arg11[%swap3A_255, %swap3A_256], %swap3A_259 {strides = array<i32>} : memref<16x64xf32, #tpu.memory_space<vmem>>, vector<1x16xf32>,
    %swap3A_260 = arith.constant 8 : i32
    %swap3A_261 = arith.index_cast %swap3A_260 : i32 to index
    %swap3A_262 = arith.constant 48 : index
    %swap3A_263 = tpu.vector_load %arg11[%swap3A_261, %swap3A_262] {strides = array<i32>} : memref<16x64xf32, #tpu.memory_space<vmem>>, vector<1x16xf32>,
    %swap3A_264 = vector.shape_cast %swap3A_263 : vector<1x16xf32> to vector<16xf32>
    %swap3A_265 = vector.shape_cast %broadcast_in_dim3A_0 : vector<16xf32> to vector<1x16xf32>
    tpu.vector_store %arg11[%swap3A_261, %swap3A_262], %swap3A_265 {strides = array<i32>} : memref<16x64xf32, #tpu.memory_space<vmem>>, vector<1x16xf32>,
    %swap3A_266 = arith.constant 8 : i32
    %swap3A_267 = arith.index_cast %swap3A_266 : i32 to index
    %swap3A_268 = arith.constant 0 : index
    %swap3A_269 = tpu.vector_load %arg12[%swap3A_267, %swap3A_268] {strides = array<i32>} : memref<16x16xf32, #tpu.memory_space<vmem>>, vector<1x16xf32>,
    %swap3A_270 = vector.shape_cast %swap3A_269 : vector<1x16xf32> to vector<16xf32>
    %swap3A_271 = vector.shape_cast %broadcast_in_dim3A_0 : vector<16xf32> to vector<1x16xf32>
    tpu.vector_store %arg12[%swap3A_267, %swap3A_268], %swap3A_271 {strides = array<i32>} : memref<16x16xf32, #tpu.memory_space<vmem>>, vector<1x16xf32>,
    %swap3A_272 = arith.constant 9 : i32
    %swap3A_273 = arith.index_cast %swap3A_272 : i32 to index
    %swap3A_274 = arith.constant 0 : index
    %swap3A_275 = tpu.vector_load %arg11[%swap3A_273, %swap3A_274] {strides = array<i32>} : memref<16x64xf32, #tpu.memory_space<vmem>>, vector<1x16xf32>,
    %swap3A_276 = vector.shape_cast %swap3A_275 : vector<1x16xf32> to vector<16xf32>
    %swap3A_277 = vector.shape_cast %broadcast_in_dim3A_0 : vector<16xf32> to vector<1x16xf32>
    tpu.vector_store %arg11[%swap3A_273, %swap3A_274], %swap3A_277 {strides = array<i32>} : memref<16x64xf32, #tpu.memory_space<vmem>>, vector<1x16xf32>,
    %swap3A_278 = arith.constant 9 : i32
    %swap3A_279 = arith.index_cast %swap3A_278 : i32 to index
    %swap3A_280 = arith.constant 16 : index
    %swap3A_281 = tpu.vector_load %arg11[%swap3A_279, %swap3A_280] {strides = array<i32>} : memref<16x64xf32, #tpu.memory_space<vmem>>, vector<1x16xf32>,
    %swap3A_282 = vector.shape_cast %swap3A_281 : vector<1x16xf32> to vector<16xf32>
    %swap3A_283 = vector.shape_cast %broadcast_in_dim3A_0 : vector<16xf32> to vector<1x16xf32>
    tpu.vector_store %arg11[%swap3A_279, %swap3A_280], %swap3A_283 {strides = array<i32>} : memref<16x64xf32, #tpu.memory_space<vmem>>, vector<1x16xf32>,
    %swap3A_284 = arith.constant 9 : i32
    %swap3A_285 = arith.index_cast %swap3A_284 : i32 to index
    %swap3A_286 = arith.constant 32 : index
    %swap3A_287 = tpu.vector_load %arg11[%swap3A_285, %swap3A_286] {strides = array<i32>} : memref<16x64xf32, #tpu.memory_space<vmem>>, vector<1x16xf32>,
    %swap3A_288 = vector.shape_cast %swap3A_287 : vector<1x16xf32> to vector<16xf32>
    %swap3A_289 = vector.shape_cast %broadcast_in_dim3A_0 : vector<16xf32> to vector<1x16xf32>
    tpu.vector_store %arg11[%swap3A_285, %swap3A_286], %swap3A_289 {strides = array<i32>} : memref<16x64xf32, #tpu.memory_space<vmem>>, vector<1x16xf32>,
    %swap3A_290 = arith.constant 9 : i32
    %swap3A_291 = arith.index_cast %swap3A_290 : i32 to index
    %swap3A_292 = arith.constant 48 : index
    %swap3A_293 = tpu.vector_load %arg11[%swap3A_291, %swap3A_292] {strides = array<i32>} : memref<16x64xf32, #tpu.memory_space<vmem>>, vector<1x16xf32>,
    %swap3A_294 = vector.shape_cast %swap3A_293 : vector<1x16xf32> to vector<16xf32>
    %swap3A_295 = vector.shape_cast %broadcast_in_dim3A_0 : vector<16xf32> to vector<1x16xf32>
    tpu.vector_store %arg11[%swap3A_291, %swap3A_292], %swap3A_295 {strides = array<i32>} : memref<16x64xf32, #tpu.memory_space<vmem>>, vector<1x16xf32>,
    %swap3A_296 = arith.constant 9 : i32
    %swap3A_297 = arith.index_cast %swap3A_296 : i32 to index
    %swap3A_298 = arith.constant 0 : index
    %swap3A_299 = tpu.vector_load %arg12[%swap3A_297, %swap3A_298] {strides = array<i32>} : memref<16x16xf32, #tpu.memory_space<vmem>>, vector<1x16xf32>,
    %swap3A_300 = vector.shape_cast %swap3A_299 : vector<1x16xf32> to vector<16xf32>
    %swap3A_301 = vector.shape_cast %broadcast_in_dim3A_0 : vector<16xf32> to vector<1x16xf32>
    tpu.vector_store %arg12[%swap3A_297, %swap3A_298], %swap3A_301 {strides = array<i32>} : memref<16x16xf32, #tpu.memory_space<vmem>>, vector<1x16xf32>,
    %swap3A_302 = arith.constant 10 : i32
    %swap3A_303 = arith.index_cast %swap3A_302 : i32 to index
    %swap3A_304 = arith.constant 0 : index
    %swap3A_305 = tpu.vector_load %arg11[%swap3A_303, %swap3A_304] {strides = array<i32>} : memref<16x64xf32, #tpu.memory_space<vmem>>, vector<1x16xf32>,
    %swap3A_306 = vector.shape_cast %swap3A_305 : vector<1x16xf32> to vector<16xf32>
    %swap3A_307 = vector.shape_cast %broadcast_in_dim3A_0 : vector<16xf32> to vector<1x16xf32>
    tpu.vector_store %arg11[%swap3A_303, %swap3A_304], %swap3A_307 {strides = array<i32>} : memref<16x64xf32, #tpu.memory_space<vmem>>, vector<1x16xf32>,
    %swap3A_308 = arith.constant 10 : i32
    %swap3A_309 = arith.index_cast %swap3A_308 : i32 to index
    %swap3A_310 = arith.constant 16 : index
    %swap3A_311 = tpu.vector_load %arg11[%swap3A_309, %swap3A_310] {strides = array<i32>} : memref<16x64xf32, #tpu.memory_space<vmem>>, vector<1x16xf32>,
    %swap3A_312 = vector.shape_cast %swap3A_311 : vector<1x16xf32> to vector<16xf32>
    %swap3A_313 = vector.shape_cast %broadcast_in_dim3A_0 : vector<16xf32> to vector<1x16xf32>
    tpu.vector_store %arg11[%swap3A_309, %swap3A_310], %swap3A_313 {strides = array<i32>} : memref<16x64xf32, #tpu.memory_space<vmem>>, vector<1x16xf32>,
    %swap3A_314 = arith.constant 10 : i32
    %swap3A_315 = arith.index_cast %swap3A_314 : i32 to index
    %swap3A_316 = arith.constant 32 : index
    %swap3A_317 = tpu.vector_load %arg11[%swap3A_315, %swap3A_316] {strides = array<i32>} : memref<16x64xf32, #tpu.memory_space<vmem>>, vector<1x16xf32>,
    %swap3A_318 = vector.shape_cast %swap3A_317 : vector<1x16xf32> to vector<16xf32>
    %swap3A_319 = vector.shape_cast %broadcast_in_dim3A_0 : vector<16xf32> to vector<1x16xf32>
    tpu.vector_store %arg11[%swap3A_315, %swap3A_316], %swap3A_319 {strides = array<i32>} : memref<16x64xf32, #tpu.memory_space<vmem>>, vector<1x16xf32>,
    %swap3A_320 = arith.constant 10 : i32
    %swap3A_321 = arith.index_cast %swap3A_320 : i32 to index
    %swap3A_322 = arith.constant 48 : index
    %swap3A_323 = tpu.vector_load %arg11[%swap3A_321, %swap3A_322] {strides = array<i32>} : memref<16x64xf32, #tpu.memory_space<vmem>>, vector<1x16xf32>,
    %swap3A_324 = vector.shape_cast %swap3A_323 : vector<1x16xf32> to vector<16xf32>
    %swap3A_325 = vector.shape_cast %broadcast_in_dim3A_0 : vector<16xf32> to vector<1x16xf32>
    tpu.vector_store %arg11[%swap3A_321, %swap3A_322], %swap3A_325 {strides = array<i32>} : memref<16x64xf32, #tpu.memory_space<vmem>>, vector<1x16xf32>,
    %swap3A_326 = arith.constant 10 : i32
    %swap3A_327 = arith.index_cast %swap3A_326 : i32 to index
    %swap3A_328 = arith.constant 0 : index
    %swap3A_329 = tpu.vector_load %arg12[%swap3A_327, %swap3A_328] {strides = array<i32>} : memref<16x16xf32, #tpu.memory_space<vmem>>, vector<1x16xf32>,
    %swap3A_330 = vector.shape_cast %swap3A_329 : vector<1x16xf32> to vector<16xf32>
    %swap3A_331 = vector.shape_cast %broadcast_in_dim3A_0 : vector<16xf32> to vector<1x16xf32>
    tpu.vector_store %arg12[%swap3A_327, %swap3A_328], %swap3A_331 {strides = array<i32>} : memref<16x16xf32, #tpu.memory_space<vmem>>, vector<1x16xf32>,
    %swap3A_332 = arith.constant 11 : i32
    %swap3A_333 = arith.index_cast %swap3A_332 : i32 to index
    %swap3A_334 = arith.constant 0 : index
    %swap3A_335 = tpu.vector_load %arg11[%swap3A_333, %swap3A_334] {strides = array<i32>} : memref<16x64xf32, #tpu.memory_space<vmem>>, vector<1x16xf32>,
    %swap3A_336 = vector.shape_cast %swap3A_335 : vector<1x16xf32> to vector<16xf32>
    %swap3A_337 = vector.shape_cast %broadcast_in_dim3A_0 : vector<16xf32> to vector<1x16xf32>
    tpu.vector_store %arg11[%swap3A_333, %swap3A_334], %swap3A_337 {strides = array<i32>} : memref<16x64xf32, #tpu.memory_space<vmem>>, vector<1x16xf32>,
    %swap3A_338 = arith.constant 11 : i32
    %swap3A_339 = arith.index_cast %swap3A_338 : i32 to index
    %swap3A_340 = arith.constant 16 : index
    %swap3A_341 = tpu.vector_load %arg11[%swap3A_339, %swap3A_340] {strides = array<i32>} : memref<16x64xf32, #tpu.memory_space<vmem>>, vector<1x16xf32>,
    %swap3A_342 = vector.shape_cast %swap3A_341 : vector<1x16xf32> to vector<16xf32>
    %swap3A_343 = vector.shape_cast %broadcast_in_dim3A_0 : vector<16xf32> to vector<1x16xf32>
    tpu.vector_store %arg11[%swap3A_339, %swap3A_340], %swap3A_343 {strides = array<i32>} : memref<16x64xf32, #tpu.memory_space<vmem>>, vector<1x16xf32>,
    %swap3A_344 = arith.constant 11 : i32
    %swap3A_345 = arith.index_cast %swap3A_344 : i32 to index
    %swap3A_346 = arith.constant 32 : index
    %swap3A_347 = tpu.vector_load %arg11[%swap3A_345, %swap3A_346] {strides = array<i32>} : memref<16x64xf32, #tpu.memory_space<vmem>>, vector<1x16xf32>,
    %swap3A_348 = vector.shape_cast %swap3A_347 : vector<1x16xf32> to vector<16xf32>
    %swap3A_349 = vector.shape_cast %broadcast_in_dim3A_0 : vector<16xf32> to vector<1x16xf32>
    tpu.vector_store %arg11[%swap3A_345, %swap3A_346], %swap3A_349 {strides = array<i32>} : memref<16x64xf32, #tpu.memory_space<vmem>>, vector<1x16xf32>,
    %swap3A_350 = arith.constant 11 : i32
    %swap3A_351 = arith.index_cast %swap3A_350 : i32 to index
    %swap3A_352 = arith.constant 48 : index
    %swap3A_353 = tpu.vector_load %arg11[%swap3A_351, %swap3A_352] {strides = array<i32>} : memref<16x64xf32, #tpu.memory_space<vmem>>, vector<1x16xf32>,
    %swap3A_354 = vector.shape_cast %swap3A_353 : vector<1x16xf32> to vector<16xf32>
    %swap3A_355 = vector.shape_cast %broadcast_in_dim3A_0 : vector<16xf32> to vector<1x16xf32>
    tpu.vector_store %arg11[%swap3A_351, %swap3A_352], %swap3A_355 {strides = array<i32>} : memref<16x64xf32, #tpu.memory_space<vmem>>, vector<1x16xf32>,
    %swap3A_356 = arith.constant 11 : i32
    %swap3A_357 = arith.index_cast %swap3A_356 : i32 to index
    %swap3A_358 = arith.constant 0 : index
    %swap3A_359 = tpu.vector_load %arg12[%swap3A_357, %swap3A_358] {strides = array<i32>} : memref<16x16xf32, #tpu.memory_space<vmem>>, vector<1x16xf32>,
    %swap3A_360 = vector.shape_cast %swap3A_359 : vector<1x16xf32> to vector<16xf32>
    %swap3A_361 = vector.shape_cast %broadcast_in_dim3A_0 : vector<16xf32> to vector<1x16xf32>
    tpu.vector_store %arg12[%swap3A_357, %swap3A_358], %swap3A_361 {strides = array<i32>} : memref<16x16xf32, #tpu.memory_space<vmem>>, vector<1x16xf32>,
    %swap3A_362 = arith.constant 12 : i32
    %swap3A_363 = arith.index_cast %swap3A_362 : i32 to index
    %swap3A_364 = arith.constant 0 : index
    %swap3A_365 = tpu.vector_load %arg11[%swap3A_363, %swap3A_364] {strides = array<i32>} : memref<16x64xf32, #tpu.memory_space<vmem>>, vector<1x16xf32>,
    %swap3A_366 = vector.shape_cast %swap3A_365 : vector<1x16xf32> to vector<16xf32>
    %swap3A_367 = vector.shape_cast %broadcast_in_dim3A_0 : vector<16xf32> to vector<1x16xf32>
    tpu.vector_store %arg11[%swap3A_363, %swap3A_364], %swap3A_367 {strides = array<i32>} : memref<16x64xf32, #tpu.memory_space<vmem>>, vector<1x16xf32>,
    %swap3A_368 = arith.constant 12 : i32
    %swap3A_369 = arith.index_cast %swap3A_368 : i32 to index
    %swap3A_370 = arith.constant 16 : index
    %swap3A_371 = tpu.vector_load %arg11[%swap3A_369, %swap3A_370] {strides = array<i32>} : memref<16x64xf32, #tpu.memory_space<vmem>>, vector<1x16xf32>,
    %swap3A_372 = vector.shape_cast %swap3A_371 : vector<1x16xf32> to vector<16xf32>
    %swap3A_373 = vector.shape_cast %broadcast_in_dim3A_0 : vector<16xf32> to vector<1x16xf32>
    tpu.vector_store %arg11[%swap3A_369, %swap3A_370], %swap3A_373 {strides = array<i32>} : memref<16x64xf32, #tpu.memory_space<vmem>>, vector<1x16xf32>,
    %swap3A_374 = arith.constant 12 : i32
    %swap3A_375 = arith.index_cast %swap3A_374 : i32 to index
    %swap3A_376 = arith.constant 32 : index
    %swap3A_377 = tpu.vector_load %arg11[%swap3A_375, %swap3A_376] {strides = array<i32>} : memref<16x64xf32, #tpu.memory_space<vmem>>, vector<1x16xf32>,
    %swap3A_378 = vector.shape_cast %swap3A_377 : vector<1x16xf32> to vector<16xf32>
    %swap3A_379 = vector.shape_cast %broadcast_in_dim3A_0 : vector<16xf32> to vector<1x16xf32>
    tpu.vector_store %arg11[%swap3A_375, %swap3A_376], %swap3A_379 {strides = array<i32>} : memref<16x64xf32, #tpu.memory_space<vmem>>, vector<1x16xf32>,
    %swap3A_380 = arith.constant 12 : i32
    %swap3A_381 = arith.index_cast %swap3A_380 : i32 to index
    %swap3A_382 = arith.constant 48 : index
    %swap3A_383 = tpu.vector_load %arg11[%swap3A_381, %swap3A_382] {strides = array<i32>} : memref<16x64xf32, #tpu.memory_space<vmem>>, vector<1x16xf32>,
    %swap3A_384 = vector.shape_cast %swap3A_383 : vector<1x16xf32> to vector<16xf32>
    %swap3A_385 = vector.shape_cast %broadcast_in_dim3A_0 : vector<16xf32> to vector<1x16xf32>
    tpu.vector_store %arg11[%swap3A_381, %swap3A_382], %swap3A_385 {strides = array<i32>} : memref<16x64xf32, #tpu.memory_space<vmem>>, vector<1x16xf32>,
    %swap3A_386 = arith.constant 12 : i32
    %swap3A_387 = arith.index_cast %swap3A_386 : i32 to index
    %swap3A_388 = arith.constant 0 : index
    %swap3A_389 = tpu.vector_load %arg12[%swap3A_387, %swap3A_388] {strides = array<i32>} : memref<16x16xf32, #tpu.memory_space<vmem>>, vector<1x16xf32>,
    %swap3A_390 = vector.shape_cast %swap3A_389 : vector<1x16xf32> to vector<16xf32>
    %swap3A_391 = vector.shape_cast %broadcast_in_dim3A_0 : vector<16xf32> to vector<1x16xf32>
    tpu.vector_store %arg12[%swap3A_387, %swap3A_388], %swap3A_391 {strides = array<i32>} : memref<16x16xf32, #tpu.memory_space<vmem>>, vector<1x16xf32>,
    %swap3A_392 = arith.constant 13 : i32
    %swap3A_393 = arith.index_cast %swap3A_392 : i32 to index
    %swap3A_394 = arith.constant 0 : index
    %swap3A_395 = tpu.vector_load %arg11[%swap3A_393, %swap3A_394] {strides = array<i32>} : memref<16x64xf32, #tpu.memory_space<vmem>>, vector<1x16xf32>,
    %swap3A_396 = vector.shape_cast %swap3A_395 : vector<1x16xf32> to vector<16xf32>
    %swap3A_397 = vector.shape_cast %broadcast_in_dim3A_0 : vector<16xf32> to vector<1x16xf32>
    tpu.vector_store %arg11[%swap3A_393, %swap3A_394], %swap3A_397 {strides = array<i32>} : memref<16x64xf32, #tpu.memory_space<vmem>>, vector<1x16xf32>,
    %swap3A_398 = arith.constant 13 : i32
    %swap3A_399 = arith.index_cast %swap3A_398 : i32 to index
    %swap3A_400 = arith.constant 16 : index
    %swap3A_401 = tpu.vector_load %arg11[%swap3A_399, %swap3A_400] {strides = array<i32>} : memref<16x64xf32, #tpu.memory_space<vmem>>, vector<1x16xf32>,
    %swap3A_402 = vector.shape_cast %swap3A_401 : vector<1x16xf32> to vector<16xf32>
    %swap3A_403 = vector.shape_cast %broadcast_in_dim3A_0 : vector<16xf32> to vector<1x16xf32>
    tpu.vector_store %arg11[%swap3A_399, %swap3A_400], %swap3A_403 {strides = array<i32>} : memref<16x64xf32, #tpu.memory_space<vmem>>, vector<1x16xf32>,
    %swap3A_404 = arith.constant 13 : i32
    %swap3A_405 = arith.index_cast %swap3A_404 : i32 to index
    %swap3A_406 = arith.constant 32 : index
    %swap3A_407 = tpu.vector_load %arg11[%swap3A_405, %swap3A_406] {strides = array<i32>} : memref<16x64xf32, #tpu.memory_space<vmem>>, vector<1x16xf32>,
    %swap3A_408 = vector.shape_cast %swap3A_407 : vector<1x16xf32> to vector<16xf32>
    %swap3A_409 = vector.shape_cast %broadcast_in_dim3A_0 : vector<16xf32> to vector<1x16xf32>
    tpu.vector_store %arg11[%swap3A_405, %swap3A_406], %swap3A_409 {strides = array<i32>} : memref<16x64xf32, #tpu.memory_space<vmem>>, vector<1x16xf32>,
    %swap3A_410 = arith.constant 13 : i32
    %swap3A_411 = arith.index_cast %swap3A_410 : i32 to index
    %swap3A_412 = arith.constant 48 : index
    %swap3A_413 = tpu.vector_load %arg11[%swap3A_411, %swap3A_412] {strides = array<i32>} : memref<16x64xf32, #tpu.memory_space<vmem>>, vector<1x16xf32>,
    %swap3A_414 = vector.shape_cast %swap3A_413 : vector<1x16xf32> to vector<16xf32>
    %swap3A_415 = vector.shape_cast %broadcast_in_dim3A_0 : vector<16xf32> to vector<1x16xf32>
    tpu.vector_store %arg11[%swap3A_411, %swap3A_412], %swap3A_415 {strides = array<i32>} : memref<16x64xf32, #tpu.memory_space<vmem>>, vector<1x16xf32>,
    %swap3A_416 = arith.constant 13 : i32
    %swap3A_417 = arith.index_cast %swap3A_416 : i32 to index
    %swap3A_418 = arith.constant 0 : index
    %swap3A_419 = tpu.vector_load %arg12[%swap3A_417, %swap3A_418] {strides = array<i32>} : memref<16x16xf32, #tpu.memory_space<vmem>>, vector<1x16xf32>,
    %swap3A_420 = vector.shape_cast %swap3A_419 : vector<1x16xf32> to vector<16xf32>
    %swap3A_421 = vector.shape_cast %broadcast_in_dim3A_0 : vector<16xf32> to vector<1x16xf32>
    tpu.vector_store %arg12[%swap3A_417, %swap3A_418], %swap3A_421 {strides = array<i32>} : memref<16x16xf32, #tpu.memory_space<vmem>>, vector<1x16xf32>,
    %swap3A_422 = arith.constant 14 : i32
    %swap3A_423 = arith.index_cast %swap3A_422 : i32 to index
    %swap3A_424 = arith.constant 0 : index
    %swap3A_425 = tpu.vector_load %arg11[%swap3A_423, %swap3A_424] {strides = array<i32>} : memref<16x64xf32, #tpu.memory_space<vmem>>, vector<1x16xf32>,
    %swap3A_426 = vector.shape_cast %swap3A_425 : vector<1x16xf32> to vector<16xf32>
    %swap3A_427 = vector.shape_cast %broadcast_in_dim3A_0 : vector<16xf32> to vector<1x16xf32>
    tpu.vector_store %arg11[%swap3A_423, %swap3A_424], %swap3A_427 {strides = array<i32>} : memref<16x64xf32, #tpu.memory_space<vmem>>, vector<1x16xf32>,
    %swap3A_428 = arith.constant 14 : i32
    %swap3A_429 = arith.index_cast %swap3A_428 : i32 to index
    %swap3A_430 = arith.constant 16 : index
    %swap3A_431 = tpu.vector_load %arg11[%swap3A_429, %swap3A_430] {strides = array<i32>} : memref<16x64xf32, #tpu.memory_space<vmem>>, vector<1x16xf32>,
    %swap3A_432 = vector.shape_cast %swap3A_431 : vector<1x16xf32> to vector<16xf32>
    %swap3A_433 = vector.shape_cast %broadcast_in_dim3A_0 : vector<16xf32> to vector<1x16xf32>
    tpu.vector_store %arg11[%swap3A_429, %swap3A_430], %swap3A_433 {strides = array<i32>} : memref<16x64xf32, #tpu.memory_space<vmem>>, vector<1x16xf32>,
    %swap3A_434 = arith.constant 14 : i32
    %swap3A_435 = arith.index_cast %swap3A_434 : i32 to index
    %swap3A_436 = arith.constant 32 : index
    %swap3A_437 = tpu.vector_load %arg11[%swap3A_435, %swap3A_436] {strides = array<i32>} : memref<16x64xf32, #tpu.memory_space<vmem>>, vector<1x16xf32>,
    %swap3A_438 = vector.shape_cast %swap3A_437 : vector<1x16xf32> to vector<16xf32>
    %swap3A_439 = vector.shape_cast %broadcast_in_dim3A_0 : vector<16xf32> to vector<1x16xf32>
    tpu.vector_store %arg11[%swap3A_435, %swap3A_436], %swap3A_439 {strides = array<i32>} : memref<16x64xf32, #tpu.memory_space<vmem>>, vector<1x16xf32>,
    %swap3A_440 = arith.constant 14 : i32
    %swap3A_441 = arith.index_cast %swap3A_440 : i32 to index
    %swap3A_442 = arith.constant 48 : index
    %swap3A_443 = tpu.vector_load %arg11[%swap3A_441, %swap3A_442] {strides = array<i32>} : memref<16x64xf32, #tpu.memory_space<vmem>>, vector<1x16xf32>,
    %swap3A_444 = vector.shape_cast %swap3A_443 : vector<1x16xf32> to vector<16xf32>
    %swap3A_445 = vector.shape_cast %broadcast_in_dim3A_0 : vector<16xf32> to vector<1x16xf32>
    tpu.vector_store %arg11[%swap3A_441, %swap3A_442], %swap3A_445 {strides = array<i32>} : memref<16x64xf32, #tpu.memory_space<vmem>>, vector<1x16xf32>,
    %swap3A_446 = arith.constant 14 : i32
    %swap3A_447 = arith.index_cast %swap3A_446 : i32 to index
    %swap3A_448 = arith.constant 0 : index
    %swap3A_449 = tpu.vector_load %arg12[%swap3A_447, %swap3A_448] {strides = array<i32>} : memref<16x16xf32, #tpu.memory_space<vmem>>, vector<1x16xf32>,
    %swap3A_450 = vector.shape_cast %swap3A_449 : vector<1x16xf32> to vector<16xf32>
    %swap3A_451 = vector.shape_cast %broadcast_in_dim3A_0 : vector<16xf32> to vector<1x16xf32>
    tpu.vector_store %arg12[%swap3A_447, %swap3A_448], %swap3A_451 {strides = array<i32>} : memref<16x16xf32, #tpu.memory_space<vmem>>, vector<1x16xf32>,
    %swap3A_452 = arith.constant 15 : i32
    %swap3A_453 = arith.index_cast %swap3A_452 : i32 to index
    %swap3A_454 = arith.constant 0 : index
    %swap3A_455 = tpu.vector_load %arg11[%swap3A_453, %swap3A_454] {strides = array<i32>} : memref<16x64xf32, #tpu.memory_space<vmem>>, vector<1x16xf32>,
    %swap3A_456 = vector.shape_cast %swap3A_455 : vector<1x16xf32> to vector<16xf32>
    %swap3A_457 = vector.shape_cast %broadcast_in_dim3A_0 : vector<16xf32> to vector<1x16xf32>
    tpu.vector_store %arg11[%swap3A_453, %swap3A_454], %swap3A_457 {strides = array<i32>} : memref<16x64xf32, #tpu.memory_space<vmem>>, vector<1x16xf32>,
    %swap3A_458 = arith.constant 15 : i32
    %swap3A_459 = arith.index_cast %swap3A_458 : i32 to index
    %swap3A_460 = arith.constant 16 : index
    %swap3A_461 = tpu.vector_load %arg11[%swap3A_459, %swap3A_460] {strides = array<i32>} : memref<16x64xf32, #tpu.memory_space<vmem>>, vector<1x16xf32>,
    %swap3A_462 = vector.shape_cast %swap3A_461 : vector<1x16xf32> to vector<16xf32>
    %swap3A_463 = vector.shape_cast %broadcast_in_dim3A_0 : vector<16xf32> to vector<1x16xf32>
    tpu.vector_store %arg11[%swap3A_459, %swap3A_460], %swap3A_463 {strides = array<i32>} : memref<16x64xf32, #tpu.memory_space<vmem>>, vector<1x16xf32>,
    %swap3A_464 = arith.constant 15 : i32
    %swap3A_465 = arith.index_cast %swap3A_464 : i32 to index
    %swap3A_466 = arith.constant 32 : index
    %swap3A_467 = tpu.vector_load %arg11[%swap3A_465, %swap3A_466] {strides = array<i32>} : memref<16x64xf32, #tpu.memory_space<vmem>>, vector<1x16xf32>,
    %swap3A_468 = vector.shape_cast %swap3A_467 : vector<1x16xf32> to vector<16xf32>
    %swap3A_469 = vector.shape_cast %broadcast_in_dim3A_0 : vector<16xf32> to vector<1x16xf32>
    tpu.vector_store %arg11[%swap3A_465, %swap3A_466], %swap3A_469 {strides = array<i32>} : memref<16x64xf32, #tpu.memory_space<vmem>>, vector<1x16xf32>,
    %swap3A_470 = arith.constant 15 : i32
    %swap3A_471 = arith.index_cast %swap3A_470 : i32 to index
    %swap3A_472 = arith.constant 48 : index
    %swap3A_473 = tpu.vector_load %arg11[%swap3A_471, %swap3A_472] {strides = array<i32>} : memref<16x64xf32, #tpu.memory_space<vmem>>, vector<1x16xf32>,
    %swap3A_474 = vector.shape_cast %swap3A_473 : vector<1x16xf32> to vector<16xf32>
    %swap3A_475 = vector.shape_cast %broadcast_in_dim3A_0 : vector<16xf32> to vector<1x16xf32>
    tpu.vector_store %arg11[%swap3A_471, %swap3A_472], %swap3A_475 {strides = array<i32>} : memref<16x64xf32, #tpu.memory_space<vmem>>, vector<1x16xf32>,
    %swap3A_476 = arith.constant 15 : i32
    %swap3A_477 = arith.index_cast %swap3A_476 : i32 to index
    %swap3A_478 = arith.constant 0 : index
    %swap3A_479 = tpu.vector_load %arg12[%swap3A_477, %swap3A_478] {strides = array<i32>} : memref<16x16xf32, #tpu.memory_space<vmem>>, vector<1x16xf32>,
    %swap3A_480 = vector.shape_cast %swap3A_479 : vector<1x16xf32> to vector<16xf32>
    %swap3A_481 = vector.shape_cast %broadcast_in_dim3A_0 : vector<16xf32> to vector<1x16xf32>
    tpu.vector_store %arg12[%swap3A_477, %swap3A_478], %swap3A_481 {strides = array<i32>} : memref<16x16xf32, #tpu.memory_space<vmem>>, vector<1x16xf32>,
    %swap3A_482 = arith.constant 0 : i32
    %swap3A_483 = arith.index_cast %swap3A_482 : i32 to index
    %swap3A_484 = arith.constant 0 : index
    %swap3A_485 = tpu.vector_load %arg10[%swap3A_483, %swap3A_484] {strides = array<i32>} : memref<128x16xf32, #tpu.memory_space<vmem>>, vector<1x16xf32>,
    %swap3A_486 = vector.shape_cast %swap3A_485 : vector<1x16xf32> to vector<16xf32>
    %swap3A_487 = vector.shape_cast %broadcast_in_dim3A_2 : vector<16xf32> to vector<1x16xf32>
    tpu.vector_store %arg10[%swap3A_483, %swap3A_484], %swap3A_487 {strides = array<i32>} : memref<128x16xf32, #tpu.memory_space<vmem>>, vector<1x16xf32>,
    %swap3A_488 = arith.constant 1 : i32
    %swap3A_489 = arith.index_cast %swap3A_488 : i32 to index
    %swap3A_490 = arith.constant 0 : index
    %swap3A_491 = tpu.vector_load %arg10[%swap3A_489, %swap3A_490] {strides = array<i32>} : memref<128x16xf32, #tpu.memory_space<vmem>>, vector<1x16xf32>,
    %swap3A_492 = vector.shape_cast %swap3A_491 : vector<1x16xf32> to vector<16xf32>
    %swap3A_493 = vector.shape_cast %broadcast_in_dim3A_2 : vector<16xf32> to vector<1x16xf32>
    tpu.vector_store %arg10[%swap3A_489, %swap3A_490], %swap3A_493 {strides = array<i32>} : memref<128x16xf32, #tpu.memory_space<vmem>>, vector<1x16xf32>,
    %swap3A_494 = arith.constant 2 : i32
    %swap3A_495 = arith.index_cast %swap3A_494 : i32 to index
    %swap3A_496 = arith.constant 0 : index
    %swap3A_497 = tpu.vector_load %arg10[%swap3A_495, %swap3A_496] {strides = array<i32>} : memref<128x16xf32, #tpu.memory_space<vmem>>, vector<1x16xf32>,
    %swap3A_498 = vector.shape_cast %swap3A_497 : vector<1x16xf32> to vector<16xf32>
    %swap3A_499 = vector.shape_cast %broadcast_in_dim3A_2 : vector<16xf32> to vector<1x16xf32>
    tpu.vector_store %arg10[%swap3A_495, %swap3A_496], %swap3A_499 {strides = array<i32>} : memref<128x16xf32, #tpu.memory_space<vmem>>, vector<1x16xf32>,
    %swap3A_500 = arith.constant 3 : i32
    %swap3A_501 = arith.index_cast %swap3A_500 : i32 to index
    %swap3A_502 = arith.constant 0 : index
    %swap3A_503 = tpu.vector_load %arg10[%swap3A_501, %swap3A_502] {strides = array<i32>} : memref<128x16xf32, #tpu.memory_space<vmem>>, vector<1x16xf32>,
    %swap3A_504 = vector.shape_cast %swap3A_503 : vector<1x16xf32> to vector<16xf32>
    %swap3A_505 = vector.shape_cast %broadcast_in_dim3A_2 : vector<16xf32> to vector<1x16xf32>
    tpu.vector_store %arg10[%swap3A_501, %swap3A_502], %swap3A_505 {strides = array<i32>} : memref<128x16xf32, #tpu.memory_space<vmem>>, vector<1x16xf32>,
    %swap3A_506 = arith.constant 4 : i32
    %swap3A_507 = arith.index_cast %swap3A_506 : i32 to index
    %swap3A_508 = arith.constant 0 : index
    %swap3A_509 = tpu.vector_load %arg10[%swap3A_507, %swap3A_508] {strides = array<i32>} : memref<128x16xf32, #tpu.memory_space<vmem>>, vector<1x16xf32>,
    %swap3A_510 = vector.shape_cast %swap3A_509 : vector<1x16xf32> to vector<16xf32>
    %swap3A_511 = vector.shape_cast %broadcast_in_dim3A_2 : vector<16xf32> to vector<1x16xf32>
    tpu.vector_store %arg10[%swap3A_507, %swap3A_508], %swap3A_511 {strides = array<i32>} : memref<128x16xf32, #tpu.memory_space<vmem>>, vector<1x16xf32>,
    %swap3A_512 = arith.constant 5 : i32
    %swap3A_513 = arith.index_cast %swap3A_512 : i32 to index
    %swap3A_514 = arith.constant 0 : index
    %swap3A_515 = tpu.vector_load %arg10[%swap3A_513, %swap3A_514] {strides = array<i32>} : memref<128x16xf32, #tpu.memory_space<vmem>>, vector<1x16xf32>,
    %swap3A_516 = vector.shape_cast %swap3A_515 : vector<1x16xf32> to vector<16xf32>
    %swap3A_517 = vector.shape_cast %broadcast_in_dim3A_2 : vector<16xf32> to vector<1x16xf32>
    tpu.vector_store %arg10[%swap3A_513, %swap3A_514], %swap3A_517 {strides = array<i32>} : memref<128x16xf32, #tpu.memory_space<vmem>>, vector<1x16xf32>,
    %swap3A_518 = arith.constant 6 : i32
    %swap3A_519 = arith.index_cast %swap3A_518 : i32 to index
    %swap3A_520 = arith.constant 0 : index
    %swap3A_521 = tpu.vector_load %arg10[%swap3A_519, %swap3A_520] {strides = array<i32>} : memref<128x16xf32, #tpu.memory_space<vmem>>, vector<1x16xf32>,
    %swap3A_522 = vector.shape_cast %swap3A_521 : vector<1x16xf32> to vector<16xf32>
    %swap3A_523 = vector.shape_cast %broadcast_in_dim3A_2 : vector<16xf32> to vector<1x16xf32>
    tpu.vector_store %arg10[%swap3A_519, %swap3A_520], %swap3A_523 {strides = array<i32>} : memref<128x16xf32, #tpu.memory_space<vmem>>, vector<1x16xf32>,
    %swap3A_524 = arith.constant 7 : i32
    %swap3A_525 = arith.index_cast %swap3A_524 : i32 to index
    %swap3A_526 = arith.constant 0 : index
    %swap3A_527 = tpu.vector_load %arg10[%swap3A_525, %swap3A_526] {strides = array<i32>} : memref<128x16xf32, #tpu.memory_space<vmem>>, vector<1x16xf32>,
    %swap3A_528 = vector.shape_cast %swap3A_527 : vector<1x16xf32> to vector<16xf32>
    %swap3A_529 = vector.shape_cast %broadcast_in_dim3A_2 : vector<16xf32> to vector<1x16xf32>
    tpu.vector_store %arg10[%swap3A_525, %swap3A_526], %swap3A_529 {strides = array<i32>} : memref<128x16xf32, #tpu.memory_space<vmem>>, vector<1x16xf32>,
    %swap3A_530 = arith.constant 8 : i32
    %swap3A_531 = arith.index_cast %swap3A_530 : i32 to index
    %swap3A_532 = arith.constant 0 : index
    %swap3A_533 = tpu.vector_load %arg10[%swap3A_531, %swap3A_532] {strides = array<i32>} : memref<128x16xf32, #tpu.memory_space<vmem>>, vector<1x16xf32>,
    %swap3A_534 = vector.shape_cast %swap3A_533 : vector<1x16xf32> to vector<16xf32>
    %swap3A_535 = vector.shape_cast %broadcast_in_dim3A_2 : vector<16xf32> to vector<1x16xf32>
    tpu.vector_store %arg10[%swap3A_531, %swap3A_532], %swap3A_535 {strides = array<i32>} : memref<128x16xf32, #tpu.memory_space<vmem>>, vector<1x16xf32>,
    %swap3A_536 = arith.constant 9 : i32
    %swap3A_537 = arith.index_cast %swap3A_536 : i32 to index
    %swap3A_538 = arith.constant 0 : index
    %swap3A_539 = tpu.vector_load %arg10[%swap3A_537, %swap3A_538] {strides = array<i32>} : memref<128x16xf32, #tpu.memory_space<vmem>>, vector<1x16xf32>,
    %swap3A_540 = vector.shape_cast %swap3A_539 : vector<1x16xf32> to vector<16xf32>
    %swap3A_541 = vector.shape_cast %broadcast_in_dim3A_2 : vector<16xf32> to vector<1x16xf32>
    tpu.vector_store %arg10[%swap3A_537, %swap3A_538], %swap3A_541 {strides = array<i32>} : memref<128x16xf32, #tpu.memory_space<vmem>>, vector<1x16xf32>,
    %swap3A_542 = arith.constant 10 : i32
    %swap3A_543 = arith.index_cast %swap3A_542 : i32 to index
    %swap3A_544 = arith.constant 0 : index
    %swap3A_545 = tpu.vector_load %arg10[%swap3A_543, %swap3A_544] {strides = array<i32>} : memref<128x16xf32, #tpu.memory_space<vmem>>, vector<1x16xf32>,
    %swap3A_546 = vector.shape_cast %swap3A_545 : vector<1x16xf32> to vector<16xf32>
    %swap3A_547 = vector.shape_cast %broadcast_in_dim3A_2 : vector<16xf32> to vector<1x16xf32>
    tpu.vector_store %arg10[%swap3A_543, %swap3A_544], %swap3A_547 {strides = array<i32>} : memref<128x16xf32, #tpu.memory_space<vmem>>, vector<1x16xf32>,
    %swap3A_548 = arith.constant 11 : i32
    %swap3A_549 = arith.index_cast %swap3A_548 : i32 to index
    %swap3A_550 = arith.constant 0 : index
    %swap3A_551 = tpu.vector_load %arg10[%swap3A_549, %swap3A_550] {strides = array<i32>} : memref<128x16xf32, #tpu.memory_space<vmem>>, vector<1x16xf32>,
    %swap3A_552 = vector.shape_cast %swap3A_551 : vector<1x16xf32> to vector<16xf32>
    %swap3A_553 = vector.shape_cast %broadcast_in_dim3A_2 : vector<16xf32> to vector<1x16xf32>
    tpu.vector_store %arg10[%swap3A_549, %swap3A_550], %swap3A_553 {strides = array<i32>} : memref<128x16xf32, #tpu.memory_space<vmem>>, vector<1x16xf32>,
    %swap3A_554 = arith.constant 12 : i32
    %swap3A_555 = arith.index_cast %swap3A_554 : i32 to index
    %swap3A_556 = arith.constant 0 : index
    %swap3A_557 = tpu.vector_load %arg10[%swap3A_555, %swap3A_556] {strides = array<i32>} : memref<128x16xf32, #tpu.memory_space<vmem>>, vector<1x16xf32>,
    %swap3A_558 = vector.shape_cast %swap3A_557 : vector<1x16xf32> to vector<16xf32>
    %swap3A_559 = vector.shape_cast %broadcast_in_dim3A_2 : vector<16xf32> to vector<1x16xf32>
    tpu.vector_store %arg10[%swap3A_555, %swap3A_556], %swap3A_559 {strides = array<i32>} : memref<128x16xf32, #tpu.memory_space<vmem>>, vector<1x16xf32>,
    %swap3A_560 = arith.constant 13 : i32
    %swap3A_561 = arith.index_cast %swap3A_560 : i32 to index
    %swap3A_562 = arith.constant 0 : index
    %swap3A_563 = tpu.vector_load %arg10[%swap3A_561, %swap3A_562] {strides = array<i32>} : memref<128x16xf32, #tpu.memory_space<vmem>>, vector<1x16xf32>,
    %swap3A_564 = vector.shape_cast %swap3A_563 : vector<1x16xf32> to vector<16xf32>
    %swap3A_565 = vector.shape_cast %broadcast_in_dim3A_2 : vector<16xf32> to vector<1x16xf32>
    tpu.vector_store %arg10[%swap3A_561, %swap3A_562], %swap3A_565 {strides = array<i32>} : memref<128x16xf32, #tpu.memory_space<vmem>>, vector<1x16xf32>,
    %swap3A_566 = arith.constant 14 : i32
    %swap3A_567 = arith.index_cast %swap3A_566 : i32 to index
    %swap3A_568 = arith.constant 0 : index
    %swap3A_569 = tpu.vector_load %arg10[%swap3A_567, %swap3A_568] {strides = array<i32>} : memref<128x16xf32, #tpu.memory_space<vmem>>, vector<1x16xf32>,
    %swap3A_570 = vector.shape_cast %swap3A_569 : vector<1x16xf32> to vector<16xf32>
    %swap3A_571 = vector.shape_cast %broadcast_in_dim3A_2 : vector<16xf32> to vector<1x16xf32>
    tpu.vector_store %arg10[%swap3A_567, %swap3A_568], %swap3A_571 {strides = array<i32>} : memref<128x16xf32, #tpu.memory_space<vmem>>, vector<1x16xf32>,
    %swap3A_572 = arith.constant 15 : i32
    %swap3A_573 = arith.index_cast %swap3A_572 : i32 to index
    %swap3A_574 = arith.constant 0 : index
    %swap3A_575 = tpu.vector_load %arg10[%swap3A_573, %swap3A_574] {strides = array<i32>} : memref<128x16xf32, #tpu.memory_space<vmem>>, vector<1x16xf32>,
    %swap3A_576 = vector.shape_cast %swap3A_575 : vector<1x16xf32> to vector<16xf32>
    %swap3A_577 = vector.shape_cast %broadcast_in_dim3A_2 : vector<16xf32> to vector<1x16xf32>
    tpu.vector_store %arg10[%swap3A_573, %swap3A_574], %swap3A_577 {strides = array<i32>} : memref<128x16xf32, #tpu.memory_space<vmem>>, vector<1x16xf32>,
    %swap3A_578 = arith.constant 16 : i32
    %swap3A_579 = arith.index_cast %swap3A_578 : i32 to index
    %swap3A_580 = arith.constant 0 : index
    %swap3A_581 = tpu.vector_load %arg10[%swap3A_579, %swap3A_580] {strides = array<i32>} : memref<128x16xf32, #tpu.memory_space<vmem>>, vector<1x16xf32>,
    %swap3A_582 = vector.shape_cast %swap3A_581 : vector<1x16xf32> to vector<16xf32>
    %swap3A_583 = vector.shape_cast %broadcast_in_dim3A_2 : vector<16xf32> to vector<1x16xf32>
    tpu.vector_store %arg10[%swap3A_579, %swap3A_580], %swap3A_583 {strides = array<i32>} : memref<128x16xf32, #tpu.memory_space<vmem>>, vector<1x16xf32>,
    %swap3A_584 = arith.constant 17 : i32
    %swap3A_585 = arith.index_cast %swap3A_584 : i32 to index
    %swap3A_586 = arith.constant 0 : index
    %swap3A_587 = tpu.vector_load %arg10[%swap3A_585, %swap3A_586] {strides = array<i32>} : memref<128x16xf32, #tpu.memory_space<vmem>>, vector<1x16xf32>,
    %swap3A_588 = vector.shape_cast %swap3A_587 : vector<1x16xf32> to vector<16xf32>
    %swap3A_589 = vector.shape_cast %broadcast_in_dim3A_2 : vector<16xf32> to vector<1x16xf32>
    tpu.vector_store %arg10[%swap3A_585, %swap3A_586], %swap3A_589 {strides = array<i32>} : memref<128x16xf32, #tpu.memory_space<vmem>>, vector<1x16xf32>,
    %swap3A_590 = arith.constant 18 : i32
    %swap3A_591 = arith.index_cast %swap3A_590 : i32 to index
    %swap3A_592 = arith.constant 0 : index
    %swap3A_593 = tpu.vector_load %arg10[%swap3A_591, %swap3A_592] {strides = array<i32>} : memref<128x16xf32, #tpu.memory_space<vmem>>, vector<1x16xf32>,
    %swap3A_594 = vector.shape_cast %swap3A_593 : vector<1x16xf32> to vector<16xf32>
    %swap3A_595 = vector.shape_cast %broadcast_in_dim3A_2 : vector<16xf32> to vector<1x16xf32>
    tpu.vector_store %arg10[%swap3A_591, %swap3A_592], %swap3A_595 {strides = array<i32>} : memref<128x16xf32, #tpu.memory_space<vmem>>, vector<1x16xf32>,
    %swap3A_596 = arith.constant 19 : i32
    %swap3A_597 = arith.index_cast %swap3A_596 : i32 to index
    %swap3A_598 = arith.constant 0 : index
    %swap3A_599 = tpu.vector_load %arg10[%swap3A_597, %swap3A_598] {strides = array<i32>} : memref<128x16xf32, #tpu.memory_space<vmem>>, vector<1x16xf32>,
    %swap3A_600 = vector.shape_cast %swap3A_599 : vector<1x16xf32> to vector<16xf32>
    %swap3A_601 = vector.shape_cast %broadcast_in_dim3A_2 : vector<16xf32> to vector<1x16xf32>
    tpu.vector_store %arg10[%swap3A_597, %swap3A_598], %swap3A_601 {strides = array<i32>} : memref<128x16xf32, #tpu.memory_space<vmem>>, vector<1x16xf32>,
    %swap3A_602 = arith.constant 20 : i32
    %swap3A_603 = arith.index_cast %swap3A_602 : i32 to index
    %swap3A_604 = arith.constant 0 : index
    %swap3A_605 = tpu.vector_load %arg10[%swap3A_603, %swap3A_604] {strides = array<i32>} : memref<128x16xf32, #tpu.memory_space<vmem>>, vector<1x16xf32>,
    %swap3A_606 = vector.shape_cast %swap3A_605 : vector<1x16xf32> to vector<16xf32>
    %swap3A_607 = vector.shape_cast %broadcast_in_dim3A_2 : vector<16xf32> to vector<1x16xf32>
    tpu.vector_store %arg10[%swap3A_603, %swap3A_604], %swap3A_607 {strides = array<i32>} : memref<128x16xf32, #tpu.memory_space<vmem>>, vector<1x16xf32>,
    %swap3A_608 = arith.constant 21 : i32
    %swap3A_609 = arith.index_cast %swap3A_608 : i32 to index
    %swap3A_610 = arith.constant 0 : index
    %swap3A_611 = tpu.vector_load %arg10[%swap3A_609, %swap3A_610] {strides = array<i32>} : memref<128x16xf32, #tpu.memory_space<vmem>>, vector<1x16xf32>,
    %swap3A_612 = vector.shape_cast %swap3A_611 : vector<1x16xf32> to vector<16xf32>
    %swap3A_613 = vector.shape_cast %broadcast_in_dim3A_2 : vector<16xf32> to vector<1x16xf32>
    tpu.vector_store %arg10[%swap3A_609, %swap3A_610], %swap3A_613 {strides = array<i32>} : memref<128x16xf32, #tpu.memory_space<vmem>>, vector<1x16xf32>,
    %swap3A_614 = arith.constant 22 : i32
    %swap3A_615 = arith.index_cast %swap3A_614 : i32 to index
    %swap3A_616 = arith.constant 0 : index
    %swap3A_617 = tpu.vector_load %arg10[%swap3A_615, %swap3A_616] {strides = array<i32>} : memref<128x16xf32, #tpu.memory_space<vmem>>, vector<1x16xf32>,
    %swap3A_618 = vector.shape_cast %swap3A_617 : vector<1x16xf32> to vector<16xf32>
    %swap3A_619 = vector.shape_cast %broadcast_in_dim3A_2 : vector<16xf32> to vector<1x16xf32>
    tpu.vector_store %arg10[%swap3A_615, %swap3A_616], %swap3A_619 {strides = array<i32>} : memref<128x16xf32, #tpu.memory_space<vmem>>, vector<1x16xf32>,
    %swap3A_620 = arith.constant 23 : i32
    %swap3A_621 = arith.index_cast %swap3A_620 : i32 to index
    %swap3A_622 = arith.constant 0 : index
    %swap3A_623 = tpu.vector_load %arg10[%swap3A_621, %swap3A_622] {strides = array<i32>} : memref<128x16xf32, #tpu.memory_space<vmem>>, vector<1x16xf32>,
    %swap3A_624 = vector.shape_cast %swap3A_623 : vector<1x16xf32> to vector<16xf32>
    %swap3A_625 = vector.shape_cast %broadcast_in_dim3A_2 : vector<16xf32> to vector<1x16xf32>
    tpu.vector_store %arg10[%swap3A_621, %swap3A_622], %swap3A_625 {strides = array<i32>} : memref<128x16xf32, #tpu.memory_space<vmem>>, vector<1x16xf32>,
    %swap3A_626 = arith.constant 24 : i32
    %swap3A_627 = arith.index_cast %swap3A_626 : i32 to index
    %swap3A_628 = arith.constant 0 : index
    %swap3A_629 = tpu.vector_load %arg10[%swap3A_627, %swap3A_628] {strides = array<i32>} : memref<128x16xf32, #tpu.memory_space<vmem>>, vector<1x16xf32>,
    %swap3A_630 = vector.shape_cast %swap3A_629 : vector<1x16xf32> to vector<16xf32>
    %swap3A_631 = vector.shape_cast %broadcast_in_dim3A_2 : vector<16xf32> to vector<1x16xf32>
    tpu.vector_store %arg10[%swap3A_627, %swap3A_628], %swap3A_631 {strides = array<i32>} : memref<128x16xf32, #tpu.memory_space<vmem>>, vector<1x16xf32>,
    %swap3A_632 = arith.constant 25 : i32
    %swap3A_633 = arith.index_cast %swap3A_632 : i32 to index
    %swap3A_634 = arith.constant 0 : index
    %swap3A_635 = tpu.vector_load %arg10[%swap3A_633, %swap3A_634] {strides = array<i32>} : memref<128x16xf32, #tpu.memory_space<vmem>>, vector<1x16xf32>,
    %swap3A_636 = vector.shape_cast %swap3A_635 : vector<1x16xf32> to vector<16xf32>
    %swap3A_637 = vector.shape_cast %broadcast_in_dim3A_2 : vector<16xf32> to vector<1x16xf32>
    tpu.vector_store %arg10[%swap3A_633, %swap3A_634], %swap3A_637 {strides = array<i32>} : memref<128x16xf32, #tpu.memory_space<vmem>>, vector<1x16xf32>,
    %swap3A_638 = arith.constant 26 : i32
    %swap3A_639 = arith.index_cast %swap3A_638 : i32 to index
    %swap3A_640 = arith.constant 0 : index
    %swap3A_641 = tpu.vector_load %arg10[%swap3A_639, %swap3A_640] {strides = array<i32>} : memref<128x16xf32, #tpu.memory_space<vmem>>, vector<1x16xf32>,
    %swap3A_642 = vector.shape_cast %swap3A_641 : vector<1x16xf32> to vector<16xf32>
    %swap3A_643 = vector.shape_cast %broadcast_in_dim3A_2 : vector<16xf32> to vector<1x16xf32>
    tpu.vector_store %arg10[%swap3A_639, %swap3A_640], %swap3A_643 {strides = array<i32>} : memref<128x16xf32, #tpu.memory_space<vmem>>, vector<1x16xf32>,
    %swap3A_644 = arith.constant 27 : i32
    %swap3A_645 = arith.index_cast %swap3A_644 : i32 to index
    %swap3A_646 = arith.constant 0 : index
    %swap3A_647 = tpu.vector_load %arg10[%swap3A_645, %swap3A_646] {strides = array<i32>} : memref<128x16xf32, #tpu.memory_space<vmem>>, vector<1x16xf32>,
    %swap3A_648 = vector.shape_cast %swap3A_647 : vector<1x16xf32> to vector<16xf32>
    %swap3A_649 = vector.shape_cast %broadcast_in_dim3A_2 : vector<16xf32> to vector<1x16xf32>
    tpu.vector_store %arg10[%swap3A_645, %swap3A_646], %swap3A_649 {strides = array<i32>} : memref<128x16xf32, #tpu.memory_space<vmem>>, vector<1x16xf32>,
    %swap3A_650 = arith.constant 28 : i32
    %swap3A_651 = arith.index_cast %swap3A_650 : i32 to index
    %swap3A_652 = arith.constant 0 : index
    %swap3A_653 = tpu.vector_load %arg10[%swap3A_651, %swap3A_652] {strides = array<i32>} : memref<128x16xf32, #tpu.memory_space<vmem>>, vector<1x16xf32>,
    %swap3A_654 = vector.shape_cast %swap3A_653 : vector<1x16xf32> to vector<16xf32>
    %swap3A_655 = vector.shape_cast %broadcast_in_dim3A_2 : vector<16xf32> to vector<1x16xf32>
    tpu.vector_store %arg10[%swap3A_651, %swap3A_652], %swap3A_655 {strides = array<i32>} : memref<128x16xf32, #tpu.memory_space<vmem>>, vector<1x16xf32>,
    %swap3A_656 = arith.constant 29 : i32
    %swap3A_657 = arith.index_cast %swap3A_656 : i32 to index
    %swap3A_658 = arith.constant 0 : index
    %swap3A_659 = tpu.vector_load %arg10[%swap3A_657, %swap3A_658] {strides = array<i32>} : memref<128x16xf32, #tpu.memory_space<vmem>>, vector<1x16xf32>,
    %swap3A_660 = vector.shape_cast %swap3A_659 : vector<1x16xf32> to vector<16xf32>
    %swap3A_661 = vector.shape_cast %broadcast_in_dim3A_2 : vector<16xf32> to vector<1x16xf32>
    tpu.vector_store %arg10[%swap3A_657, %swap3A_658], %swap3A_661 {strides = array<i32>} : memref<128x16xf32, #tpu.memory_space<vmem>>, vector<1x16xf32>,
    %swap3A_662 = arith.constant 30 : i32
    %swap3A_663 = arith.index_cast %swap3A_662 : i32 to index
    %swap3A_664 = arith.constant 0 : index
    %swap3A_665 = tpu.vector_load %arg10[%swap3A_663, %swap3A_664] {strides = array<i32>} : memref<128x16xf32, #tpu.memory_space<vmem>>, vector<1x16xf32>,
    %swap3A_666 = vector.shape_cast %swap3A_665 : vector<1x16xf32> to vector<16xf32>
    %swap3A_667 = vector.shape_cast %broadcast_in_dim3A_2 : vector<16xf32> to vector<1x16xf32>
    tpu.vector_store %arg10[%swap3A_663, %swap3A_664], %swap3A_667 {strides = array<i32>} : memref<128x16xf32, #tpu.memory_space<vmem>>, vector<1x16xf32>,
    %swap3A_668 = arith.constant 31 : i32
    %swap3A_669 = arith.index_cast %swap3A_668 : i32 to index
    %swap3A_670 = arith.constant 0 : index
    %swap3A_671 = tpu.vector_load %arg10[%swap3A_669, %swap3A_670] {strides = array<i32>} : memref<128x16xf32, #tpu.memory_space<vmem>>, vector<1x16xf32>,
    %swap3A_672 = vector.shape_cast %swap3A_671 : vector<1x16xf32> to vector<16xf32>
    %swap3A_673 = vector.shape_cast %broadcast_in_dim3A_2 : vector<16xf32> to vector<1x16xf32>
    tpu.vector_store %arg10[%swap3A_669, %swap3A_670], %swap3A_673 {strides = array<i32>} : memref<128x16xf32, #tpu.memory_space<vmem>>, vector<1x16xf32>,
    %swap3A_674 = arith.constant 32 : i32
    %swap3A_675 = arith.index_cast %swap3A_674 : i32 to index
    %swap3A_676 = arith.constant 0 : index
    %swap3A_677 = tpu.vector_load %arg10[%swap3A_675, %swap3A_676] {strides = array<i32>} : memref<128x16xf32, #tpu.memory_space<vmem>>, vector<1x16xf32>,
    %swap3A_678 = vector.shape_cast %swap3A_677 : vector<1x16xf32> to vector<16xf32>
    %swap3A_679 = vector.shape_cast %broadcast_in_dim3A_2 : vector<16xf32> to vector<1x16xf32>
    tpu.vector_store %arg10[%swap3A_675, %swap3A_676], %swap3A_679 {strides = array<i32>} : memref<128x16xf32, #tpu.memory_space<vmem>>, vector<1x16xf32>,
    %swap3A_680 = arith.constant 33 : i32
    %swap3A_681 = arith.index_cast %swap3A_680 : i32 to index
    %swap3A_682 = arith.constant 0 : index
    %swap3A_683 = tpu.vector_load %arg10[%swap3A_681, %swap3A_682] {strides = array<i32>} : memref<128x16xf32, #tpu.memory_space<vmem>>, vector<1x16xf32>,
    %swap3A_684 = vector.shape_cast %swap3A_683 : vector<1x16xf32> to vector<16xf32>
    %swap3A_685 = vector.shape_cast %broadcast_in_dim3A_2 : vector<16xf32> to vector<1x16xf32>
    tpu.vector_store %arg10[%swap3A_681, %swap3A_682], %swap3A_685 {strides = array<i32>} : memref<128x16xf32, #tpu.memory_space<vmem>>, vector<1x16xf32>,
    %swap3A_686 = arith.constant 34 : i32
    %swap3A_687 = arith.index_cast %swap3A_686 : i32 to index
    %swap3A_688 = arith.constant 0 : index
    %swap3A_689 = tpu.vector_load %arg10[%swap3A_687, %swap3A_688] {strides = array<i32>} : memref<128x16xf32, #tpu.memory_space<vmem>>, vector<1x16xf32>,
    %swap3A_690 = vector.shape_cast %swap3A_689 : vector<1x16xf32> to vector<16xf32>
    %swap3A_691 = vector.shape_cast %broadcast_in_dim3A_2 : vector<16xf32> to vector<1x16xf32>
    tpu.vector_store %arg10[%swap3A_687, %swap3A_688], %swap3A_691 {strides = array<i32>} : memref<128x16xf32, #tpu.memory_space<vmem>>, vector<1x16xf32>,
    %swap3A_692 = arith.constant 35 : i32
    %swap3A_693 = arith.index_cast %swap3A_692 : i32 to index
    %swap3A_694 = arith.constant 0 : index
    %swap3A_695 = tpu.vector_load %arg10[%swap3A_693, %swap3A_694] {strides = array<i32>} : memref<128x16xf32, #tpu.memory_space<vmem>>, vector<1x16xf32>,
    %swap3A_696 = vector.shape_cast %swap3A_695 : vector<1x16xf32> to vector<16xf32>
    %swap3A_697 = vector.shape_cast %broadcast_in_dim3A_2 : vector<16xf32> to vector<1x16xf32>
    tpu.vector_store %arg10[%swap3A_693, %swap3A_694], %swap3A_697 {strides = array<i32>} : memref<128x16xf32, #tpu.memory_space<vmem>>, vector<1x16xf32>,
    %swap3A_698 = arith.constant 36 : i32
    %swap3A_699 = arith.index_cast %swap3A_698 : i32 to index
    %swap3A_700 = arith.constant 0 : index
    %swap3A_701 = tpu.vector_load %arg10[%swap3A_699, %swap3A_700] {strides = array<i32>} : memref<128x16xf32, #tpu.memory_space<vmem>>, vector<1x16xf32>,
    %swap3A_702 = vector.shape_cast %swap3A_701 : vector<1x16xf32> to vector<16xf32>
    %swap3A_703 = vector.shape_cast %broadcast_in_dim3A_2 : vector<16xf32> to vector<1x16xf32>
    tpu.vector_store %arg10[%swap3A_699, %swap3A_700], %swap3A_703 {strides = array<i32>} : memref<128x16xf32, #tpu.memory_space<vmem>>, vector<1x16xf32>,
    %swap3A_704 = arith.constant 37 : i32
    %swap3A_705 = arith.index_cast %swap3A_704 : i32 to index
    %swap3A_706 = arith.constant 0 : index
    %swap3A_707 = tpu.vector_load %arg10[%swap3A_705, %swap3A_706] {strides = array<i32>} : memref<128x16xf32, #tpu.memory_space<vmem>>, vector<1x16xf32>,
    %swap3A_708 = vector.shape_cast %swap3A_707 : vector<1x16xf32> to vector<16xf32>
    %swap3A_709 = vector.shape_cast %broadcast_in_dim3A_2 : vector<16xf32> to vector<1x16xf32>
    tpu.vector_store %arg10[%swap3A_705, %swap3A_706], %swap3A_709 {strides = array<i32>} : memref<128x16xf32, #tpu.memory_space<vmem>>, vector<1x16xf32>,
    %swap3A_710 = arith.constant 38 : i32
    %swap3A_711 = arith.index_cast %swap3A_710 : i32 to index
    %swap3A_712 = arith.constant 0 : index
    %swap3A_713 = tpu.vector_load %arg10[%swap3A_711, %swap3A_712] {strides = array<i32>} : memref<128x16xf32, #tpu.memory_space<vmem>>, vector<1x16xf32>,
    %swap3A_714 = vector.shape_cast %swap3A_713 : vector<1x16xf32> to vector<16xf32>
    %swap3A_715 = vector.shape_cast %broadcast_in_dim3A_2 : vector<16xf32> to vector<1x16xf32>
    tpu.vector_store %arg10[%swap3A_711, %swap3A_712], %swap3A_715 {strides = array<i32>} : memref<128x16xf32, #tpu.memory_space<vmem>>, vector<1x16xf32>,
    %swap3A_716 = arith.constant 39 : i32
    %swap3A_717 = arith.index_cast %swap3A_716 : i32 to index
    %swap3A_718 = arith.constant 0 : index
    %swap3A_719 = tpu.vector_load %arg10[%swap3A_717, %swap3A_718] {strides = array<i32>} : memref<128x16xf32, #tpu.memory_space<vmem>>, vector<1x16xf32>,
    %swap3A_720 = vector.shape_cast %swap3A_719 : vector<1x16xf32> to vector<16xf32>
    %swap3A_721 = vector.shape_cast %broadcast_in_dim3A_2 : vector<16xf32> to vector<1x16xf32>
    tpu.vector_store %arg10[%swap3A_717, %swap3A_718], %swap3A_721 {strides = array<i32>} : memref<128x16xf32, #tpu.memory_space<vmem>>, vector<1x16xf32>,
    %swap3A_722 = arith.constant 40 : i32
    %swap3A_723 = arith.index_cast %swap3A_722 : i32 to index
    %swap3A_724 = arith.constant 0 : index
    %swap3A_725 = tpu.vector_load %arg10[%swap3A_723, %swap3A_724] {strides = array<i32>} : memref<128x16xf32, #tpu.memory_space<vmem>>, vector<1x16xf32>,
    %swap3A_726 = vector.shape_cast %swap3A_725 : vector<1x16xf32> to vector<16xf32>
    %swap3A_727 = vector.shape_cast %broadcast_in_dim3A_2 : vector<16xf32> to vector<1x16xf32>
    tpu.vector_store %arg10[%swap3A_723, %swap3A_724], %swap3A_727 {strides = array<i32>} : memref<128x16xf32, #tpu.memory_space<vmem>>, vector<1x16xf32>,
    %swap3A_728 = arith.constant 41 : i32
    %swap3A_729 = arith.index_cast %swap3A_728 : i32 to index
    %swap3A_730 = arith.constant 0 : index
    %swap3A_731 = tpu.vector_load %arg10[%swap3A_729, %swap3A_730] {strides = array<i32>} : memref<128x16xf32, #tpu.memory_space<vmem>>, vector<1x16xf32>,
    %swap3A_732 = vector.shape_cast %swap3A_731 : vector<1x16xf32> to vector<16xf32>
    %swap3A_733 = vector.shape_cast %broadcast_in_dim3A_2 : vector<16xf32> to vector<1x16xf32>
    tpu.vector_store %arg10[%swap3A_729, %swap3A_730], %swap3A_733 {strides = array<i32>} : memref<128x16xf32, #tpu.memory_space<vmem>>, vector<1x16xf32>,
    %swap3A_734 = arith.constant 42 : i32
    %swap3A_735 = arith.index_cast %swap3A_734 : i32 to index
    %swap3A_736 = arith.constant 0 : index
    %swap3A_737 = tpu.vector_load %arg10[%swap3A_735, %swap3A_736] {strides = array<i32>} : memref<128x16xf32, #tpu.memory_space<vmem>>, vector<1x16xf32>,
    %swap3A_738 = vector.shape_cast %swap3A_737 : vector<1x16xf32> to vector<16xf32>
    %swap3A_739 = vector.shape_cast %broadcast_in_dim3A_2 : vector<16xf32> to vector<1x16xf32>
    tpu.vector_store %arg10[%swap3A_735, %swap3A_736], %swap3A_739 {strides = array<i32>} : memref<128x16xf32, #tpu.memory_space<vmem>>, vector<1x16xf32>,
    %swap3A_740 = arith.constant 43 : i32
    %swap3A_741 = arith.index_cast %swap3A_740 : i32 to index
    %swap3A_742 = arith.constant 0 : index
    %swap3A_743 = tpu.vector_load %arg10[%swap3A_741, %swap3A_742] {strides = array<i32>} : memref<128x16xf32, #tpu.memory_space<vmem>>, vector<1x16xf32>,
    %swap3A_744 = vector.shape_cast %swap3A_743 : vector<1x16xf32> to vector<16xf32>
    %swap3A_745 = vector.shape_cast %broadcast_in_dim3A_2 : vector<16xf32> to vector<1x16xf32>
    tpu.vector_store %arg10[%swap3A_741, %swap3A_742], %swap3A_745 {strides = array<i32>} : memref<128x16xf32, #tpu.memory_space<vmem>>, vector<1x16xf32>,
    %swap3A_746 = arith.constant 44 : i32
    %swap3A_747 = arith.index_cast %swap3A_746 : i32 to index
    %swap3A_748 = arith.constant 0 : index
    %swap3A_749 = tpu.vector_load %arg10[%swap3A_747, %swap3A_748] {strides = array<i32>} : memref<128x16xf32, #tpu.memory_space<vmem>>, vector<1x16xf32>,
    %swap3A_750 = vector.shape_cast %swap3A_749 : vector<1x16xf32> to vector<16xf32>
    %swap3A_751 = vector.shape_cast %broadcast_in_dim3A_2 : vector<16xf32> to vector<1x16xf32>
    tpu.vector_store %arg10[%swap3A_747, %swap3A_748], %swap3A_751 {strides = array<i32>} : memref<128x16xf32, #tpu.memory_space<vmem>>, vector<1x16xf32>,
    %swap3A_752 = arith.constant 45 : i32
    %swap3A_753 = arith.index_cast %swap3A_752 : i32 to index
    %swap3A_754 = arith.constant 0 : index
    %swap3A_755 = tpu.vector_load %arg10[%swap3A_753, %swap3A_754] {strides = array<i32>} : memref<128x16xf32, #tpu.memory_space<vmem>>, vector<1x16xf32>,
    %swap3A_756 = vector.shape_cast %swap3A_755 : vector<1x16xf32> to vector<16xf32>
    %swap3A_757 = vector.shape_cast %broadcast_in_dim3A_2 : vector<16xf32> to vector<1x16xf32>
    tpu.vector_store %arg10[%swap3A_753, %swap3A_754], %swap3A_757 {strides = array<i32>} : memref<128x16xf32, #tpu.memory_space<vmem>>, vector<1x16xf32>,
    %swap3A_758 = arith.constant 46 : i32
    %swap3A_759 = arith.index_cast %swap3A_758 : i32 to index
    %swap3A_760 = arith.constant 0 : index
    %swap3A_761 = tpu.vector_load %arg10[%swap3A_759, %swap3A_760] {strides = array<i32>} : memref<128x16xf32, #tpu.memory_space<vmem>>, vector<1x16xf32>,
    %swap3A_762 = vector.shape_cast %swap3A_761 : vector<1x16xf32> to vector<16xf32>
    %swap3A_763 = vector.shape_cast %broadcast_in_dim3A_2 : vector<16xf32> to vector<1x16xf32>
    tpu.vector_store %arg10[%swap3A_759, %swap3A_760], %swap3A_763 {strides = array<i32>} : memref<128x16xf32, #tpu.memory_space<vmem>>, vector<1x16xf32>,
    %swap3A_764 = arith.constant 47 : i32
    %swap3A_765 = arith.index_cast %swap3A_764 : i32 to index
    %swap3A_766 = arith.constant 0 : index
    %swap3A_767 = tpu.vector_load %arg10[%swap3A_765, %swap3A_766] {strides = array<i32>} : memref<128x16xf32, #tpu.memory_space<vmem>>, vector<1x16xf32>,
    %swap3A_768 = vector.shape_cast %swap3A_767 : vector<1x16xf32> to vector<16xf32>
    %swap3A_769 = vector.shape_cast %broadcast_in_dim3A_2 : vector<16xf32> to vector<1x16xf32>
    tpu.vector_store %arg10[%swap3A_765, %swap3A_766], %swap3A_769 {strides = array<i32>} : memref<128x16xf32, #tpu.memory_space<vmem>>, vector<1x16xf32>,
    %swap3A_770 = arith.constant 48 : i32
    %swap3A_771 = arith.index_cast %swap3A_770 : i32 to index
    %swap3A_772 = arith.constant 0 : index
    %swap3A_773 = tpu.vector_load %arg10[%swap3A_771, %swap3A_772] {strides = array<i32>} : memref<128x16xf32, #tpu.memory_space<vmem>>, vector<1x16xf32>,
    %swap3A_774 = vector.shape_cast %swap3A_773 : vector<1x16xf32> to vector<16xf32>
    %swap3A_775 = vector.shape_cast %broadcast_in_dim3A_2 : vector<16xf32> to vector<1x16xf32>
    tpu.vector_store %arg10[%swap3A_771, %swap3A_772], %swap3A_775 {strides = array<i32>} : memref<128x16xf32, #tpu.memory_space<vmem>>, vector<1x16xf32>,
    %swap3A_776 = arith.constant 49 : i32
    %swap3A_777 = arith.index_cast %swap3A_776 : i32 to index
    %swap3A_778 = arith.constant 0 : index
    %swap3A_779 = tpu.vector_load %arg10[%swap3A_777, %swap3A_778] {strides = array<i32>} : memref<128x16xf32, #tpu.memory_space<vmem>>, vector<1x16xf32>,
    %swap3A_780 = vector.shape_cast %swap3A_779 : vector<1x16xf32> to vector<16xf32>
    %swap3A_781 = vector.shape_cast %broadcast_in_dim3A_2 : vector<16xf32> to vector<1x16xf32>
    tpu.vector_store %arg10[%swap3A_777, %swap3A_778], %swap3A_781 {strides = array<i32>} : memref<128x16xf32, #tpu.memory_space<vmem>>, vector<1x16xf32>,
    %swap3A_782 = arith.constant 50 : i32
    %swap3A_783 = arith.index_cast %swap3A_782 : i32 to index
    %swap3A_784 = arith.constant 0 : index
    %swap3A_785 = tpu.vector_load %arg10[%swap3A_783, %swap3A_784] {strides = array<i32>} : memref<128x16xf32, #tpu.memory_space<vmem>>, vector<1x16xf32>,
    %swap3A_786 = vector.shape_cast %swap3A_785 : vector<1x16xf32> to vector<16xf32>
    %swap3A_787 = vector.shape_cast %broadcast_in_dim3A_2 : vector<16xf32> to vector<1x16xf32>
    tpu.vector_store %arg10[%swap3A_783, %swap3A_784], %swap3A_787 {strides = array<i32>} : memref<128x16xf32, #tpu.memory_space<vmem>>, vector<1x16xf32>,
    %swap3A_788 = arith.constant 51 : i32
    %swap3A_789 = arith.index_cast %swap3A_788 : i32 to index
    %swap3A_790 = arith.constant 0 : index
    %swap3A_791 = tpu.vector_load %arg10[%swap3A_789, %swap3A_790] {strides = array<i32>} : memref<128x16xf32, #tpu.memory_space<vmem>>, vector<1x16xf32>,
    %swap3A_792 = vector.shape_cast %swap3A_791 : vector<1x16xf32> to vector<16xf32>
    %swap3A_793 = vector.shape_cast %broadcast_in_dim3A_2 : vector<16xf32> to vector<1x16xf32>
    tpu.vector_store %arg10[%swap3A_789, %swap3A_790], %swap3A_793 {strides = array<i32>} : memref<128x16xf32, #tpu.memory_space<vmem>>, vector<1x16xf32>,
    %swap3A_794 = arith.constant 52 : i32
    %swap3A_795 = arith.index_cast %swap3A_794 : i32 to index
    %swap3A_796 = arith.constant 0 : index
    %swap3A_797 = tpu.vector_load %arg10[%swap3A_795, %swap3A_796] {strides = array<i32>} : memref<128x16xf32, #tpu.memory_space<vmem>>, vector<1x16xf32>,
    %swap3A_798 = vector.shape_cast %swap3A_797 : vector<1x16xf32> to vector<16xf32>
    %swap3A_799 = vector.shape_cast %broadcast_in_dim3A_2 : vector<16xf32> to vector<1x16xf32>
    tpu.vector_store %arg10[%swap3A_795, %swap3A_796], %swap3A_799 {strides = array<i32>} : memref<128x16xf32, #tpu.memory_space<vmem>>, vector<1x16xf32>,
    %swap3A_800 = arith.constant 53 : i32
    %swap3A_801 = arith.index_cast %swap3A_800 : i32 to index
    %swap3A_802 = arith.constant 0 : index
    %swap3A_803 = tpu.vector_load %arg10[%swap3A_801, %swap3A_802] {strides = array<i32>} : memref<128x16xf32, #tpu.memory_space<vmem>>, vector<1x16xf32>,
    %swap3A_804 = vector.shape_cast %swap3A_803 : vector<1x16xf32> to vector<16xf32>
    %swap3A_805 = vector.shape_cast %broadcast_in_dim3A_2 : vector<16xf32> to vector<1x16xf32>
    tpu.vector_store %arg10[%swap3A_801, %swap3A_802], %swap3A_805 {strides = array<i32>} : memref<128x16xf32, #tpu.memory_space<vmem>>, vector<1x16xf32>,
    %swap3A_806 = arith.constant 54 : i32
    %swap3A_807 = arith.index_cast %swap3A_806 : i32 to index
    %swap3A_808 = arith.constant 0 : index
    %swap3A_809 = tpu.vector_load %arg10[%swap3A_807, %swap3A_808] {strides = array<i32>} : memref<128x16xf32, #tpu.memory_space<vmem>>, vector<1x16xf32>,
    %swap3A_810 = vector.shape_cast %swap3A_809 : vector<1x16xf32> to vector<16xf32>
    %swap3A_811 = vector.shape_cast %broadcast_in_dim3A_2 : vector<16xf32> to vector<1x16xf32>
    tpu.vector_store %arg10[%swap3A_807, %swap3A_808], %swap3A_811 {strides = array<i32>} : memref<128x16xf32, #tpu.memory_space<vmem>>, vector<1x16xf32>,
    %swap3A_812 = arith.constant 55 : i32
    %swap3A_813 = arith.index_cast %swap3A_812 : i32 to index
    %swap3A_814 = arith.constant 0 : index
    %swap3A_815 = tpu.vector_load %arg10[%swap3A_813, %swap3A_814] {strides = array<i32>} : memref<128x16xf32, #tpu.memory_space<vmem>>, vector<1x16xf32>,
    %swap3A_816 = vector.shape_cast %swap3A_815 : vector<1x16xf32> to vector<16xf32>
    %swap3A_817 = vector.shape_cast %broadcast_in_dim3A_2 : vector<16xf32> to vector<1x16xf32>
    tpu.vector_store %arg10[%swap3A_813, %swap3A_814], %swap3A_817 {strides = array<i32>} : memref<128x16xf32, #tpu.memory_space<vmem>>, vector<1x16xf32>,
    %swap3A_818 = arith.constant 56 : i32
    %swap3A_819 = arith.index_cast %swap3A_818 : i32 to index
    %swap3A_820 = arith.constant 0 : index
    %swap3A_821 = tpu.vector_load %arg10[%swap3A_819, %swap3A_820] {strides = array<i32>} : memref<128x16xf32, #tpu.memory_space<vmem>>, vector<1x16xf32>,
    %swap3A_822 = vector.shape_cast %swap3A_821 : vector<1x16xf32> to vector<16xf32>
    %swap3A_823 = vector.shape_cast %broadcast_in_dim3A_2 : vector<16xf32> to vector<1x16xf32>
    tpu.vector_store %arg10[%swap3A_819, %swap3A_820], %swap3A_823 {strides = array<i32>} : memref<128x16xf32, #tpu.memory_space<vmem>>, vector<1x16xf32>,
    %swap3A_824 = arith.constant 57 : i32
    %swap3A_825 = arith.index_cast %swap3A_824 : i32 to index
    %swap3A_826 = arith.constant 0 : index
    %swap3A_827 = tpu.vector_load %arg10[%swap3A_825, %swap3A_826] {strides = array<i32>} : memref<128x16xf32, #tpu.memory_space<vmem>>, vector<1x16xf32>,
    %swap3A_828 = vector.shape_cast %swap3A_827 : vector<1x16xf32> to vector<16xf32>
    %swap3A_829 = vector.shape_cast %broadcast_in_dim3A_2 : vector<16xf32> to vector<1x16xf32>
    tpu.vector_store %arg10[%swap3A_825, %swap3A_826], %swap3A_829 {strides = array<i32>} : memref<128x16xf32, #tpu.memory_space<vmem>>, vector<1x16xf32>,
    %swap3A_830 = arith.constant 58 : i32
    %swap3A_831 = arith.index_cast %swap3A_830 : i32 to index
    %swap3A_832 = arith.constant 0 : index
    %swap3A_833 = tpu.vector_load %arg10[%swap3A_831, %swap3A_832] {strides = array<i32>} : memref<128x16xf32, #tpu.memory_space<vmem>>, vector<1x16xf32>,
    %swap3A_834 = vector.shape_cast %swap3A_833 : vector<1x16xf32> to vector<16xf32>
    %swap3A_835 = vector.shape_cast %broadcast_in_dim3A_2 : vector<16xf32> to vector<1x16xf32>
    tpu.vector_store %arg10[%swap3A_831, %swap3A_832], %swap3A_835 {strides = array<i32>} : memref<128x16xf32, #tpu.memory_space<vmem>>, vector<1x16xf32>,
    %swap3A_836 = arith.constant 59 : i32
    %swap3A_837 = arith.index_cast %swap3A_836 : i32 to index
    %swap3A_838 = arith.constant 0 : index
    %swap3A_839 = tpu.vector_load %arg10[%swap3A_837, %swap3A_838] {strides = array<i32>} : memref<128x16xf32, #tpu.memory_space<vmem>>, vector<1x16xf32>,
    %swap3A_840 = vector.shape_cast %swap3A_839 : vector<1x16xf32> to vector<16xf32>
    %swap3A_841 = vector.shape_cast %broadcast_in_dim3A_2 : vector<16xf32> to vector<1x16xf32>
    tpu.vector_store %arg10[%swap3A_837, %swap3A_838], %swap3A_841 {strides = array<i32>} : memref<128x16xf32, #tpu.memory_space<vmem>>, vector<1x16xf32>,
    %swap3A_842 = arith.constant 60 : i32
    %swap3A_843 = arith.index_cast %swap3A_842 : i32 to index
    %swap3A_844 = arith.constant 0 : index
    %swap3A_845 = tpu.vector_load %arg10[%swap3A_843, %swap3A_844] {strides = array<i32>} : memref<128x16xf32, #tpu.memory_space<vmem>>, vector<1x16xf32>,
    %swap3A_846 = vector.shape_cast %swap3A_845 : vector<1x16xf32> to vector<16xf32>
    %swap3A_847 = vector.shape_cast %broadcast_in_dim3A_2 : vector<16xf32> to vector<1x16xf32>
    tpu.vector_store %arg10[%swap3A_843, %swap3A_844], %swap3A_847 {strides = array<i32>} : memref<128x16xf32, #tpu.memory_space<vmem>>, vector<1x16xf32>,
    %swap3A_848 = arith.constant 61 : i32
    %swap3A_849 = arith.index_cast %swap3A_848 : i32 to index
    %swap3A_850 = arith.constant 0 : index
    %swap3A_851 = tpu.vector_load %arg10[%swap3A_849, %swap3A_850] {strides = array<i32>} : memref<128x16xf32, #tpu.memory_space<vmem>>, vector<1x16xf32>,
    %swap3A_852 = vector.shape_cast %swap3A_851 : vector<1x16xf32> to vector<16xf32>
    %swap3A_853 = vector.shape_cast %broadcast_in_dim3A_2 : vector<16xf32> to vector<1x16xf32>
    tpu.vector_store %arg10[%swap3A_849, %swap3A_850], %swap3A_853 {strides = array<i32>} : memref<128x16xf32, #tpu.memory_space<vmem>>, vector<1x16xf32>,
    %swap3A_854 = arith.constant 62 : i32
    %swap3A_855 = arith.index_cast %swap3A_854 : i32 to index
    %swap3A_856 = arith.constant 0 : index
    %swap3A_857 = tpu.vector_load %arg10[%swap3A_855, %swap3A_856] {strides = array<i32>} : memref<128x16xf32, #tpu.memory_space<vmem>>, vector<1x16xf32>,
    %swap3A_858 = vector.shape_cast %swap3A_857 : vector<1x16xf32> to vector<16xf32>
    %swap3A_859 = vector.shape_cast %broadcast_in_dim3A_2 : vector<16xf32> to vector<1x16xf32>
    tpu.vector_store %arg10[%swap3A_855, %swap3A_856], %swap3A_859 {strides = array<i32>} : memref<128x16xf32, #tpu.memory_space<vmem>>, vector<1x16xf32>,
    %swap3A_860 = arith.constant 63 : i32
    %swap3A_861 = arith.index_cast %swap3A_860 : i32 to index
    %swap3A_862 = arith.constant 0 : index
    %swap3A_863 = tpu.vector_load %arg10[%swap3A_861, %swap3A_862] {strides = array<i32>} : memref<128x16xf32, #tpu.memory_space<vmem>>, vector<1x16xf32>,
    %swap3A_864 = vector.shape_cast %swap3A_863 : vector<1x16xf32> to vector<16xf32>
    %swap3A_865 = vector.shape_cast %broadcast_in_dim3A_2 : vector<16xf32> to vector<1x16xf32>
    tpu.vector_store %arg10[%swap3A_861, %swap3A_862], %swap3A_865 {strides = array<i32>} : memref<128x16xf32, #tpu.memory_space<vmem>>, vector<1x16xf32>,
    %swap3A_866 = arith.constant 64 : i32
    %swap3A_867 = arith.index_cast %swap3A_866 : i32 to index
    %swap3A_868 = arith.constant 0 : index
    %swap3A_869 = tpu.vector_load %arg10[%swap3A_867, %swap3A_868] {strides = array<i32>} : memref<128x16xf32, #tpu.memory_space<vmem>>, vector<1x16xf32>,
    %swap3A_870 = vector.shape_cast %swap3A_869 : vector<1x16xf32> to vector<16xf32>
    %swap3A_871 = vector.shape_cast %broadcast_in_dim3A_2 : vector<16xf32> to vector<1x16xf32>
    tpu.vector_store %arg10[%swap3A_867, %swap3A_868], %swap3A_871 {strides = array<i32>} : memref<128x16xf32, #tpu.memory_space<vmem>>, vector<1x16xf32>,
    %swap3A_872 = arith.constant 65 : i32
    %swap3A_873 = arith.index_cast %swap3A_872 : i32 to index
    %swap3A_874 = arith.constant 0 : index
    %swap3A_875 = tpu.vector_load %arg10[%swap3A_873, %swap3A_874] {strides = array<i32>} : memref<128x16xf32, #tpu.memory_space<vmem>>, vector<1x16xf32>,
    %swap3A_876 = vector.shape_cast %swap3A_875 : vector<1x16xf32> to vector<16xf32>
    %swap3A_877 = vector.shape_cast %broadcast_in_dim3A_2 : vector<16xf32> to vector<1x16xf32>
    tpu.vector_store %arg10[%swap3A_873, %swap3A_874], %swap3A_877 {strides = array<i32>} : memref<128x16xf32, #tpu.memory_space<vmem>>, vector<1x16xf32>,
    %swap3A_878 = arith.constant 66 : i32
    %swap3A_879 = arith.index_cast %swap3A_878 : i32 to index
    %swap3A_880 = arith.constant 0 : index
    %swap3A_881 = tpu.vector_load %arg10[%swap3A_879, %swap3A_880] {strides = array<i32>} : memref<128x16xf32, #tpu.memory_space<vmem>>, vector<1x16xf32>,
    %swap3A_882 = vector.shape_cast %swap3A_881 : vector<1x16xf32> to vector<16xf32>
    %swap3A_883 = vector.shape_cast %broadcast_in_dim3A_2 : vector<16xf32> to vector<1x16xf32>
    tpu.vector_store %arg10[%swap3A_879, %swap3A_880], %swap3A_883 {strides = array<i32>} : memref<128x16xf32, #tpu.memory_space<vmem>>, vector<1x16xf32>,
    %swap3A_884 = arith.constant 67 : i32
    %swap3A_885 = arith.index_cast %swap3A_884 : i32 to index
    %swap3A_886 = arith.constant 0 : index
    %swap3A_887 = tpu.vector_load %arg10[%swap3A_885, %swap3A_886] {strides = array<i32>} : memref<128x16xf32, #tpu.memory_space<vmem>>, vector<1x16xf32>,
    %swap3A_888 = vector.shape_cast %swap3A_887 : vector<1x16xf32> to vector<16xf32>
    %swap3A_889 = vector.shape_cast %broadcast_in_dim3A_2 : vector<16xf32> to vector<1x16xf32>
    tpu.vector_store %arg10[%swap3A_885, %swap3A_886], %swap3A_889 {strides = array<i32>} : memref<128x16xf32, #tpu.memory_space<vmem>>, vector<1x16xf32>,
    %swap3A_890 = arith.constant 68 : i32
    %swap3A_891 = arith.index_cast %swap3A_890 : i32 to index
    %swap3A_892 = arith.constant 0 : index
    %swap3A_893 = tpu.vector_load %arg10[%swap3A_891, %swap3A_892] {strides = array<i32>} : memref<128x16xf32, #tpu.memory_space<vmem>>, vector<1x16xf32>,
    %swap3A_894 = vector.shape_cast %swap3A_893 : vector<1x16xf32> to vector<16xf32>
    %swap3A_895 = vector.shape_cast %broadcast_in_dim3A_2 : vector<16xf32> to vector<1x16xf32>
    tpu.vector_store %arg10[%swap3A_891, %swap3A_892], %swap3A_895 {strides = array<i32>} : memref<128x16xf32, #tpu.memory_space<vmem>>, vector<1x16xf32>,
    %swap3A_896 = arith.constant 69 : i32
    %swap3A_897 = arith.index_cast %swap3A_896 : i32 to index
    %swap3A_898 = arith.constant 0 : index
    %swap3A_899 = tpu.vector_load %arg10[%swap3A_897, %swap3A_898] {strides = array<i32>} : memref<128x16xf32, #tpu.memory_space<vmem>>, vector<1x16xf32>,
    %swap3A_900 = vector.shape_cast %swap3A_899 : vector<1x16xf32> to vector<16xf32>
    %swap3A_901 = vector.shape_cast %broadcast_in_dim3A_2 : vector<16xf32> to vector<1x16xf32>
    tpu.vector_store %arg10[%swap3A_897, %swap3A_898], %swap3A_901 {strides = array<i32>} : memref<128x16xf32, #tpu.memory_space<vmem>>, vector<1x16xf32>,
    %swap3A_902 = arith.constant 70 : i32
    %swap3A_903 = arith.index_cast %swap3A_902 : i32 to index
    %swap3A_904 = arith.constant 0 : index
    %swap3A_905 = tpu.vector_load %arg10[%swap3A_903, %swap3A_904] {strides = array<i32>} : memref<128x16xf32, #tpu.memory_space<vmem>>, vector<1x16xf32>,
    %swap3A_906 = vector.shape_cast %swap3A_905 : vector<1x16xf32> to vector<16xf32>
    %swap3A_907 = vector.shape_cast %broadcast_in_dim3A_2 : vector<16xf32> to vector<1x16xf32>
    tpu.vector_store %arg10[%swap3A_903, %swap3A_904], %swap3A_907 {strides = array<i32>} : memref<128x16xf32, #tpu.memory_space<vmem>>, vector<1x16xf32>,
    %swap3A_908 = arith.constant 71 : i32
    %swap3A_909 = arith.index_cast %swap3A_908 : i32 to index
    %swap3A_910 = arith.constant 0 : index
    %swap3A_911 = tpu.vector_load %arg10[%swap3A_909, %swap3A_910] {strides = array<i32>} : memref<128x16xf32, #tpu.memory_space<vmem>>, vector<1x16xf32>,
    %swap3A_912 = vector.shape_cast %swap3A_911 : vector<1x16xf32> to vector<16xf32>
    %swap3A_913 = vector.shape_cast %broadcast_in_dim3A_2 : vector<16xf32> to vector<1x16xf32>
    tpu.vector_store %arg10[%swap3A_909, %swap3A_910], %swap3A_913 {strides = array<i32>} : memref<128x16xf32, #tpu.memory_space<vmem>>, vector<1x16xf32>,
    %swap3A_914 = arith.constant 72 : i32
    %swap3A_915 = arith.index_cast %swap3A_914 : i32 to index
    %swap3A_916 = arith.constant 0 : index
    %swap3A_917 = tpu.vector_load %arg10[%swap3A_915, %swap3A_916] {strides = array<i32>} : memref<128x16xf32, #tpu.memory_space<vmem>>, vector<1x16xf32>,
    %swap3A_918 = vector.shape_cast %swap3A_917 : vector<1x16xf32> to vector<16xf32>
    %swap3A_919 = vector.shape_cast %broadcast_in_dim3A_2 : vector<16xf32> to vector<1x16xf32>
    tpu.vector_store %arg10[%swap3A_915, %swap3A_916], %swap3A_919 {strides = array<i32>} : memref<128x16xf32, #tpu.memory_space<vmem>>, vector<1x16xf32>,
    %swap3A_920 = arith.constant 73 : i32
    %swap3A_921 = arith.index_cast %swap3A_920 : i32 to index
    %swap3A_922 = arith.constant 0 : index
    %swap3A_923 = tpu.vector_load %arg10[%swap3A_921, %swap3A_922] {strides = array<i32>} : memref<128x16xf32, #tpu.memory_space<vmem>>, vector<1x16xf32>,
    %swap3A_924 = vector.shape_cast %swap3A_923 : vector<1x16xf32> to vector<16xf32>
    %swap3A_925 = vector.shape_cast %broadcast_in_dim3A_2 : vector<16xf32> to vector<1x16xf32>
    tpu.vector_store %arg10[%swap3A_921, %swap3A_922], %swap3A_925 {strides = array<i32>} : memref<128x16xf32, #tpu.memory_space<vmem>>, vector<1x16xf32>,
    %swap3A_926 = arith.constant 74 : i32
    %swap3A_927 = arith.index_cast %swap3A_926 : i32 to index
    %swap3A_928 = arith.constant 0 : index
    %swap3A_929 = tpu.vector_load %arg10[%swap3A_927, %swap3A_928] {strides = array<i32>} : memref<128x16xf32, #tpu.memory_space<vmem>>, vector<1x16xf32>,
    %swap3A_930 = vector.shape_cast %swap3A_929 : vector<1x16xf32> to vector<16xf32>
    %swap3A_931 = vector.shape_cast %broadcast_in_dim3A_2 : vector<16xf32> to vector<1x16xf32>
    tpu.vector_store %arg10[%swap3A_927, %swap3A_928], %swap3A_931 {strides = array<i32>} : memref<128x16xf32, #tpu.memory_space<vmem>>, vector<1x16xf32>,
    %swap3A_932 = arith.constant 75 : i32
    %swap3A_933 = arith.index_cast %swap3A_932 : i32 to index
    %swap3A_934 = arith.constant 0 : index
    %swap3A_935 = tpu.vector_load %arg10[%swap3A_933, %swap3A_934] {strides = array<i32>} : memref<128x16xf32, #tpu.memory_space<vmem>>, vector<1x16xf32>,
    %swap3A_936 = vector.shape_cast %swap3A_935 : vector<1x16xf32> to vector<16xf32>
    %swap3A_937 = vector.shape_cast %broadcast_in_dim3A_2 : vector<16xf32> to vector<1x16xf32>
    tpu.vector_store %arg10[%swap3A_933, %swap3A_934], %swap3A_937 {strides = array<i32>} : memref<128x16xf32, #tpu.memory_space<vmem>>, vector<1x16xf32>,
    %swap3A_938 = arith.constant 76 : i32
    %swap3A_939 = arith.index_cast %swap3A_938 : i32 to index
    %swap3A_940 = arith.constant 0 : index
    %swap3A_941 = tpu.vector_load %arg10[%swap3A_939, %swap3A_940] {strides = array<i32>} : memref<128x16xf32, #tpu.memory_space<vmem>>, vector<1x16xf32>,
    %swap3A_942 = vector.shape_cast %swap3A_941 : vector<1x16xf32> to vector<16xf32>
    %swap3A_943 = vector.shape_cast %broadcast_in_dim3A_2 : vector<16xf32> to vector<1x16xf32>
    tpu.vector_store %arg10[%swap3A_939, %swap3A_940], %swap3A_943 {strides = array<i32>} : memref<128x16xf32, #tpu.memory_space<vmem>>, vector<1x16xf32>,
    %swap3A_944 = arith.constant 77 : i32
    %swap3A_945 = arith.index_cast %swap3A_944 : i32 to index
    %swap3A_946 = arith.constant 0 : index
    %swap3A_947 = tpu.vector_load %arg10[%swap3A_945, %swap3A_946] {strides = array<i32>} : memref<128x16xf32, #tpu.memory_space<vmem>>, vector<1x16xf32>,
    %swap3A_948 = vector.shape_cast %swap3A_947 : vector<1x16xf32> to vector<16xf32>
    %swap3A_949 = vector.shape_cast %broadcast_in_dim3A_2 : vector<16xf32> to vector<1x16xf32>
    tpu.vector_store %arg10[%swap3A_945, %swap3A_946], %swap3A_949 {strides = array<i32>} : memref<128x16xf32, #tpu.memory_space<vmem>>, vector<1x16xf32>,
    %swap3A_950 = arith.constant 78 : i32
    %swap3A_951 = arith.index_cast %swap3A_950 : i32 to index
    %swap3A_952 = arith.constant 0 : index
    %swap3A_953 = tpu.vector_load %arg10[%swap3A_951, %swap3A_952] {strides = array<i32>} : memref<128x16xf32, #tpu.memory_space<vmem>>, vector<1x16xf32>,
    %swap3A_954 = vector.shape_cast %swap3A_953 : vector<1x16xf32> to vector<16xf32>
    %swap3A_955 = vector.shape_cast %broadcast_in_dim3A_2 : vector<16xf32> to vector<1x16xf32>
    tpu.vector_store %arg10[%swap3A_951, %swap3A_952], %swap3A_955 {strides = array<i32>} : memref<128x16xf32, #tpu.memory_space<vmem>>, vector<1x16xf32>,
    %swap3A_956 = arith.constant 79 : i32
    %swap3A_957 = arith.index_cast %swap3A_956 : i32 to index
    %swap3A_958 = arith.constant 0 : index
    %swap3A_959 = tpu.vector_load %arg10[%swap3A_957, %swap3A_958] {strides = array<i32>} : memref<128x16xf32, #tpu.memory_space<vmem>>, vector<1x16xf32>,
    %swap3A_960 = vector.shape_cast %swap3A_959 : vector<1x16xf32> to vector<16xf32>
    %swap3A_961 = vector.shape_cast %broadcast_in_dim3A_2 : vector<16xf32> to vector<1x16xf32>
    tpu.vector_store %arg10[%swap3A_957, %swap3A_958], %swap3A_961 {strides = array<i32>} : memref<128x16xf32, #tpu.memory_space<vmem>>, vector<1x16xf32>,
    %swap3A_962 = arith.constant 80 : i32
    %swap3A_963 = arith.index_cast %swap3A_962 : i32 to index
    %swap3A_964 = arith.constant 0 : index
    %swap3A_965 = tpu.vector_load %arg10[%swap3A_963, %swap3A_964] {strides = array<i32>} : memref<128x16xf32, #tpu.memory_space<vmem>>, vector<1x16xf32>,
    %swap3A_966 = vector.shape_cast %swap3A_965 : vector<1x16xf32> to vector<16xf32>
    %swap3A_967 = vector.shape_cast %broadcast_in_dim3A_2 : vector<16xf32> to vector<1x16xf32>
    tpu.vector_store %arg10[%swap3A_963, %swap3A_964], %swap3A_967 {strides = array<i32>} : memref<128x16xf32, #tpu.memory_space<vmem>>, vector<1x16xf32>,
    %swap3A_968 = arith.constant 81 : i32
    %swap3A_969 = arith.index_cast %swap3A_968 : i32 to index
    %swap3A_970 = arith.constant 0 : index
    %swap3A_971 = tpu.vector_load %arg10[%swap3A_969, %swap3A_970] {strides = array<i32>} : memref<128x16xf32, #tpu.memory_space<vmem>>, vector<1x16xf32>,
    %swap3A_972 = vector.shape_cast %swap3A_971 : vector<1x16xf32> to vector<16xf32>
    %swap3A_973 = vector.shape_cast %broadcast_in_dim3A_2 : vector<16xf32> to vector<1x16xf32>
    tpu.vector_store %arg10[%swap3A_969, %swap3A_970], %swap3A_973 {strides = array<i32>} : memref<128x16xf32, #tpu.memory_space<vmem>>, vector<1x16xf32>,
    %swap3A_974 = arith.constant 82 : i32
    %swap3A_975 = arith.index_cast %swap3A_974 : i32 to index
    %swap3A_976 = arith.constant 0 : index
    %swap3A_977 = tpu.vector_load %arg10[%swap3A_975, %swap3A_976] {strides = array<i32>} : memref<128x16xf32, #tpu.memory_space<vmem>>, vector<1x16xf32>,
    %swap3A_978 = vector.shape_cast %swap3A_977 : vector<1x16xf32> to vector<16xf32>
    %swap3A_979 = vector.shape_cast %broadcast_in_dim3A_2 : vector<16xf32> to vector<1x16xf32>
    tpu.vector_store %arg10[%swap3A_975, %swap3A_976], %swap3A_979 {strides = array<i32>} : memref<128x16xf32, #tpu.memory_space<vmem>>, vector<1x16xf32>,
    %swap3A_980 = arith.constant 83 : i32
    %swap3A_981 = arith.index_cast %swap3A_980 : i32 to index
    %swap3A_982 = arith.constant 0 : index
    %swap3A_983 = tpu.vector_load %arg10[%swap3A_981, %swap3A_982] {strides = array<i32>} : memref<128x16xf32, #tpu.memory_space<vmem>>, vector<1x16xf32>,
    %swap3A_984 = vector.shape_cast %swap3A_983 : vector<1x16xf32> to vector<16xf32>
    %swap3A_985 = vector.shape_cast %broadcast_in_dim3A_2 : vector<16xf32> to vector<1x16xf32>
    tpu.vector_store %arg10[%swap3A_981, %swap3A_982], %swap3A_985 {strides = array<i32>} : memref<128x16xf32, #tpu.memory_space<vmem>>, vector<1x16xf32>,
    %swap3A_986 = arith.constant 84 : i32
    %swap3A_987 = arith.index_cast %swap3A_986 : i32 to index
    %swap3A_988 = arith.constant 0 : index
    %swap3A_989 = tpu.vector_load %arg10[%swap3A_987, %swap3A_988] {strides = array<i32>} : memref<128x16xf32, #tpu.memory_space<vmem>>, vector<1x16xf32>,
    %swap3A_990 = vector.shape_cast %swap3A_989 : vector<1x16xf32> to vector<16xf32>
    %swap3A_991 = vector.shape_cast %broadcast_in_dim3A_2 : vector<16xf32> to vector<1x16xf32>
    tpu.vector_store %arg10[%swap3A_987, %swap3A_988], %swap3A_991 {strides = array<i32>} : memref<128x16xf32, #tpu.memory_space<vmem>>, vector<1x16xf32>,
    %swap3A_992 = arith.constant 85 : i32
    %swap3A_993 = arith.index_cast %swap3A_992 : i32 to index
    %swap3A_994 = arith.constant 0 : index
    %swap3A_995 = tpu.vector_load %arg10[%swap3A_993, %swap3A_994] {strides = array<i32>} : memref<128x16xf32, #tpu.memory_space<vmem>>, vector<1x16xf32>,
    %swap3A_996 = vector.shape_cast %swap3A_995 : vector<1x16xf32> to vector<16xf32>
    %swap3A_997 = vector.shape_cast %broadcast_in_dim3A_2 : vector<16xf32> to vector<1x16xf32>
    tpu.vector_store %arg10[%swap3A_993, %swap3A_994], %swap3A_997 {strides = array<i32>} : memref<128x16xf32, #tpu.memory_space<vmem>>, vector<1x16xf32>,
    %swap3A_998 = arith.constant 86 : i32
    %swap3A_999 = arith.index_cast %swap3A_998 : i32 to index
    %swap3A_1000 = arith.constant 0 : index
    %swap3A_1001 = tpu.vector_load %arg10[%swap3A_999, %swap3A_1000] {strides = array<i32>} : memref<128x16xf32, #tpu.memory_space<vmem>>, vector<1x16xf32>,
    %swap3A_1002 = vector.shape_cast %swap3A_1001 : vector<1x16xf32> to vector<16xf32>
    %swap3A_1003 = vector.shape_cast %broadcast_in_dim3A_2 : vector<16xf32> to vector<1x16xf32>
    tpu.vector_store %arg10[%swap3A_999, %swap3A_1000], %swap3A_1003 {strides = array<i32>} : memref<128x16xf32, #tpu.memory_space<vmem>>, vector<1x16xf32>,
    %swap3A_1004 = arith.constant 87 : i32
    %swap3A_1005 = arith.index_cast %swap3A_1004 : i32 to index
    %swap3A_1006 = arith.constant 0 : index
    %swap3A_1007 = tpu.vector_load %arg10[%swap3A_1005, %swap3A_1006] {strides = array<i32>} : memref<128x16xf32, #tpu.memory_space<vmem>>, vector<1x16xf32>,
    %swap3A_1008 = vector.shape_cast %swap3A_1007 : vector<1x16xf32> to vector<16xf32>
    %swap3A_1009 = vector.shape_cast %broadcast_in_dim3A_2 : vector<16xf32> to vector<1x16xf32>
    tpu.vector_store %arg10[%swap3A_1005, %swap3A_1006], %swap3A_1009 {strides = array<i32>} : memref<128x16xf32, #tpu.memory_space<vmem>>, vector<1x16xf32>,
    %swap3A_1010 = arith.constant 88 : i32
    %swap3A_1011 = arith.index_cast %swap3A_1010 : i32 to index
    %swap3A_1012 = arith.constant 0 : index
    %swap3A_1013 = tpu.vector_load %arg10[%swap3A_1011, %swap3A_1012] {strides = array<i32>} : memref<128x16xf32, #tpu.memory_space<vmem>>, vector<1x16xf32>,
    %swap3A_1014 = vector.shape_cast %swap3A_1013 : vector<1x16xf32> to vector<16xf32>
    %swap3A_1015 = vector.shape_cast %broadcast_in_dim3A_2 : vector<16xf32> to vector<1x16xf32>
    tpu.vector_store %arg10[%swap3A_1011, %swap3A_1012], %swap3A_1015 {strides = array<i32>} : memref<128x16xf32, #tpu.memory_space<vmem>>, vector<1x16xf32>,
    %swap3A_1016 = arith.constant 89 : i32
    %swap3A_1017 = arith.index_cast %swap3A_1016 : i32 to index
    %swap3A_1018 = arith.constant 0 : index
    %swap3A_1019 = tpu.vector_load %arg10[%swap3A_1017, %swap3A_1018] {strides = array<i32>} : memref<128x16xf32, #tpu.memory_space<vmem>>, vector<1x16xf32>,
    %swap3A_1020 = vector.shape_cast %swap3A_1019 : vector<1x16xf32> to vector<16xf32>
    %swap3A_1021 = vector.shape_cast %broadcast_in_dim3A_2 : vector<16xf32> to vector<1x16xf32>
    tpu.vector_store %arg10[%swap3A_1017, %swap3A_1018], %swap3A_1021 {strides = array<i32>} : memref<128x16xf32, #tpu.memory_space<vmem>>, vector<1x16xf32>,
    %swap3A_1022 = arith.constant 90 : i32
    %swap3A_1023 = arith.index_cast %swap3A_1022 : i32 to index
    %swap3A_1024 = arith.constant 0 : index
    %swap3A_1025 = tpu.vector_load %arg10[%swap3A_1023, %swap3A_1024] {strides = array<i32>} : memref<128x16xf32, #tpu.memory_space<vmem>>, vector<1x16xf32>,
    %swap3A_1026 = vector.shape_cast %swap3A_1025 : vector<1x16xf32> to vector<16xf32>
    %swap3A_1027 = vector.shape_cast %broadcast_in_dim3A_2 : vector<16xf32> to vector<1x16xf32>
    tpu.vector_store %arg10[%swap3A_1023, %swap3A_1024], %swap3A_1027 {strides = array<i32>} : memref<128x16xf32, #tpu.memory_space<vmem>>, vector<1x16xf32>,
    %swap3A_1028 = arith.constant 91 : i32
    %swap3A_1029 = arith.index_cast %swap3A_1028 : i32 to index
    %swap3A_1030 = arith.constant 0 : index
    %swap3A_1031 = tpu.vector_load %arg10[%swap3A_1029, %swap3A_1030] {strides = array<i32>} : memref<128x16xf32, #tpu.memory_space<vmem>>, vector<1x16xf32>,
    %swap3A_1032 = vector.shape_cast %swap3A_1031 : vector<1x16xf32> to vector<16xf32>
    %swap3A_1033 = vector.shape_cast %broadcast_in_dim3A_2 : vector<16xf32> to vector<1x16xf32>
    tpu.vector_store %arg10[%swap3A_1029, %swap3A_1030], %swap3A_1033 {strides = array<i32>} : memref<128x16xf32, #tpu.memory_space<vmem>>, vector<1x16xf32>,
    %swap3A_1034 = arith.constant 92 : i32
    %swap3A_1035 = arith.index_cast %swap3A_1034 : i32 to index
    %swap3A_1036 = arith.constant 0 : index
    %swap3A_1037 = tpu.vector_load %arg10[%swap3A_1035, %swap3A_1036] {strides = array<i32>} : memref<128x16xf32, #tpu.memory_space<vmem>>, vector<1x16xf32>,
    %swap3A_1038 = vector.shape_cast %swap3A_1037 : vector<1x16xf32> to vector<16xf32>
    %swap3A_1039 = vector.shape_cast %broadcast_in_dim3A_2 : vector<16xf32> to vector<1x16xf32>
    tpu.vector_store %arg10[%swap3A_1035, %swap3A_1036], %swap3A_1039 {strides = array<i32>} : memref<128x16xf32, #tpu.memory_space<vmem>>, vector<1x16xf32>,
    %swap3A_1040 = arith.constant 93 : i32
    %swap3A_1041 = arith.index_cast %swap3A_1040 : i32 to index
    %swap3A_1042 = arith.constant 0 : index
    %swap3A_1043 = tpu.vector_load %arg10[%swap3A_1041, %swap3A_1042] {strides = array<i32>} : memref<128x16xf32, #tpu.memory_space<vmem>>, vector<1x16xf32>,
    %swap3A_1044 = vector.shape_cast %swap3A_1043 : vector<1x16xf32> to vector<16xf32>
    %swap3A_1045 = vector.shape_cast %broadcast_in_dim3A_2 : vector<16xf32> to vector<1x16xf32>
    tpu.vector_store %arg10[%swap3A_1041, %swap3A_1042], %swap3A_1045 {strides = array<i32>} : memref<128x16xf32, #tpu.memory_space<vmem>>, vector<1x16xf32>,
    %swap3A_1046 = arith.constant 94 : i32
    %swap3A_1047 = arith.index_cast %swap3A_1046 : i32 to index
    %swap3A_1048 = arith.constant 0 : index
    %swap3A_1049 = tpu.vector_load %arg10[%swap3A_1047, %swap3A_1048] {strides = array<i32>} : memref<128x16xf32, #tpu.memory_space<vmem>>, vector<1x16xf32>,
    %swap3A_1050 = vector.shape_cast %swap3A_1049 : vector<1x16xf32> to vector<16xf32>
    %swap3A_1051 = vector.shape_cast %broadcast_in_dim3A_2 : vector<16xf32> to vector<1x16xf32>
    tpu.vector_store %arg10[%swap3A_1047, %swap3A_1048], %swap3A_1051 {strides = array<i32>} : memref<128x16xf32, #tpu.memory_space<vmem>>, vector<1x16xf32>,
    %swap3A_1052 = arith.constant 95 : i32
    %swap3A_1053 = arith.index_cast %swap3A_1052 : i32 to index
    %swap3A_1054 = arith.constant 0 : index
    %swap3A_1055 = tpu.vector_load %arg10[%swap3A_1053, %swap3A_1054] {strides = array<i32>} : memref<128x16xf32, #tpu.memory_space<vmem>>, vector<1x16xf32>,
    %swap3A_1056 = vector.shape_cast %swap3A_1055 : vector<1x16xf32> to vector<16xf32>
    %swap3A_1057 = vector.shape_cast %broadcast_in_dim3A_2 : vector<16xf32> to vector<1x16xf32>
    tpu.vector_store %arg10[%swap3A_1053, %swap3A_1054], %swap3A_1057 {strides = array<i32>} : memref<128x16xf32, #tpu.memory_space<vmem>>, vector<1x16xf32>,
    %swap3A_1058 = arith.constant 96 : i32
    %swap3A_1059 = arith.index_cast %swap3A_1058 : i32 to index
    %swap3A_1060 = arith.constant 0 : index
    %swap3A_1061 = tpu.vector_load %arg10[%swap3A_1059, %swap3A_1060] {strides = array<i32>} : memref<128x16xf32, #tpu.memory_space<vmem>>, vector<1x16xf32>,
    %swap3A_1062 = vector.shape_cast %swap3A_1061 : vector<1x16xf32> to vector<16xf32>
    %swap3A_1063 = vector.shape_cast %broadcast_in_dim3A_2 : vector<16xf32> to vector<1x16xf32>
    tpu.vector_store %arg10[%swap3A_1059, %swap3A_1060], %swap3A_1063 {strides = array<i32>} : memref<128x16xf32, #tpu.memory_space<vmem>>, vector<1x16xf32>,
    %swap3A_1064 = arith.constant 97 : i32
    %swap3A_1065 = arith.index_cast %swap3A_1064 : i32 to index
    %swap3A_1066 = arith.constant 0 : index
    %swap3A_1067 = tpu.vector_load %arg10[%swap3A_1065, %swap3A_1066] {strides = array<i32>} : memref<128x16xf32, #tpu.memory_space<vmem>>, vector<1x16xf32>,
    %swap3A_1068 = vector.shape_cast %swap3A_1067 : vector<1x16xf32> to vector<16xf32>
    %swap3A_1069 = vector.shape_cast %broadcast_in_dim3A_2 : vector<16xf32> to vector<1x16xf32>
    tpu.vector_store %arg10[%swap3A_1065, %swap3A_1066], %swap3A_1069 {strides = array<i32>} : memref<128x16xf32, #tpu.memory_space<vmem>>, vector<1x16xf32>,
    %swap3A_1070 = arith.constant 98 : i32
    %swap3A_1071 = arith.index_cast %swap3A_1070 : i32 to index
    %swap3A_1072 = arith.constant 0 : index
    %swap3A_1073 = tpu.vector_load %arg10[%swap3A_1071, %swap3A_1072] {strides = array<i32>} : memref<128x16xf32, #tpu.memory_space<vmem>>, vector<1x16xf32>,
    %swap3A_1074 = vector.shape_cast %swap3A_1073 : vector<1x16xf32> to vector<16xf32>
    %swap3A_1075 = vector.shape_cast %broadcast_in_dim3A_2 : vector<16xf32> to vector<1x16xf32>
    tpu.vector_store %arg10[%swap3A_1071, %swap3A_1072], %swap3A_1075 {strides = array<i32>} : memref<128x16xf32, #tpu.memory_space<vmem>>, vector<1x16xf32>,
    %swap3A_1076 = arith.constant 99 : i32
    %swap3A_1077 = arith.index_cast %swap3A_1076 : i32 to index
    %swap3A_1078 = arith.constant 0 : index
    %swap3A_1079 = tpu.vector_load %arg10[%swap3A_1077, %swap3A_1078] {strides = array<i32>} : memref<128x16xf32, #tpu.memory_space<vmem>>, vector<1x16xf32>,
    %swap3A_1080 = vector.shape_cast %swap3A_1079 : vector<1x16xf32> to vector<16xf32>
    %swap3A_1081 = vector.shape_cast %broadcast_in_dim3A_2 : vector<16xf32> to vector<1x16xf32>
    tpu.vector_store %arg10[%swap3A_1077, %swap3A_1078], %swap3A_1081 {strides = array<i32>} : memref<128x16xf32, #tpu.memory_space<vmem>>, vector<1x16xf32>,
    %swap3A_1082 = arith.constant 100 : i32
    %swap3A_1083 = arith.index_cast %swap3A_1082 : i32 to index
    %swap3A_1084 = arith.constant 0 : index
    %swap3A_1085 = tpu.vector_load %arg10[%swap3A_1083, %swap3A_1084] {strides = array<i32>} : memref<128x16xf32, #tpu.memory_space<vmem>>, vector<1x16xf32>,
    %swap3A_1086 = vector.shape_cast %swap3A_1085 : vector<1x16xf32> to vector<16xf32>
    %swap3A_1087 = vector.shape_cast %broadcast_in_dim3A_2 : vector<16xf32> to vector<1x16xf32>
    tpu.vector_store %arg10[%swap3A_1083, %swap3A_1084], %swap3A_1087 {strides = array<i32>} : memref<128x16xf32, #tpu.memory_space<vmem>>, vector<1x16xf32>,
    %swap3A_1088 = arith.constant 101 : i32
    %swap3A_1089 = arith.index_cast %swap3A_1088 : i32 to index
    %swap3A_1090 = arith.constant 0 : index
    %swap3A_1091 = tpu.vector_load %arg10[%swap3A_1089, %swap3A_1090] {strides = array<i32>} : memref<128x16xf32, #tpu.memory_space<vmem>>, vector<1x16xf32>,
    %swap3A_1092 = vector.shape_cast %swap3A_1091 : vector<1x16xf32> to vector<16xf32>
    %swap3A_1093 = vector.shape_cast %broadcast_in_dim3A_2 : vector<16xf32> to vector<1x16xf32>
    tpu.vector_store %arg10[%swap3A_1089, %swap3A_1090], %swap3A_1093 {strides = array<i32>} : memref<128x16xf32, #tpu.memory_space<vmem>>, vector<1x16xf32>,
    %swap3A_1094 = arith.constant 102 : i32
    %swap3A_1095 = arith.index_cast %swap3A_1094 : i32 to index
    %swap3A_1096 = arith.constant 0 : index
    %swap3A_1097 = tpu.vector_load %arg10[%swap3A_1095, %swap3A_1096] {strides = array<i32>} : memref<128x16xf32, #tpu.memory_space<vmem>>, vector<1x16xf32>,
    %swap3A_1098 = vector.shape_cast %swap3A_1097 : vector<1x16xf32> to vector<16xf32>
    %swap3A_1099 = vector.shape_cast %broadcast_in_dim3A_2 : vector<16xf32> to vector<1x16xf32>
    tpu.vector_store %arg10[%swap3A_1095, %swap3A_1096], %swap3A_1099 {strides = array<i32>} : memref<128x16xf32, #tpu.memory_space<vmem>>, vector<1x16xf32>,
    %swap3A_1100 = arith.constant 103 : i32
    %swap3A_1101 = arith.index_cast %swap3A_1100 : i32 to index
    %swap3A_1102 = arith.constant 0 : index
    %swap3A_1103 = tpu.vector_load %arg10[%swap3A_1101, %swap3A_1102] {strides = array<i32>} : memref<128x16xf32, #tpu.memory_space<vmem>>, vector<1x16xf32>,
    %swap3A_1104 = vector.shape_cast %swap3A_1103 : vector<1x16xf32> to vector<16xf32>
    %swap3A_1105 = vector.shape_cast %broadcast_in_dim3A_2 : vector<16xf32> to vector<1x16xf32>
    tpu.vector_store %arg10[%swap3A_1101, %swap3A_1102], %swap3A_1105 {strides = array<i32>} : memref<128x16xf32, #tpu.memory_space<vmem>>, vector<1x16xf32>,
    %swap3A_1106 = arith.constant 104 : i32
    %swap3A_1107 = arith.index_cast %swap3A_1106 : i32 to index
    %swap3A_1108 = arith.constant 0 : index
    %swap3A_1109 = tpu.vector_load %arg10[%swap3A_1107, %swap3A_1108] {strides = array<i32>} : memref<128x16xf32, #tpu.memory_space<vmem>>, vector<1x16xf32>,
    %swap3A_1110 = vector.shape_cast %swap3A_1109 : vector<1x16xf32> to vector<16xf32>
    %swap3A_1111 = vector.shape_cast %broadcast_in_dim3A_2 : vector<16xf32> to vector<1x16xf32>
    tpu.vector_store %arg10[%swap3A_1107, %swap3A_1108], %swap3A_1111 {strides = array<i32>} : memref<128x16xf32, #tpu.memory_space<vmem>>, vector<1x16xf32>,
    %swap3A_1112 = arith.constant 105 : i32
    %swap3A_1113 = arith.index_cast %swap3A_1112 : i32 to index
    %swap3A_1114 = arith.constant 0 : index
    %swap3A_1115 = tpu.vector_load %arg10[%swap3A_1113, %swap3A_1114] {strides = array<i32>} : memref<128x16xf32, #tpu.memory_space<vmem>>, vector<1x16xf32>,
    %swap3A_1116 = vector.shape_cast %swap3A_1115 : vector<1x16xf32> to vector<16xf32>
    %swap3A_1117 = vector.shape_cast %broadcast_in_dim3A_2 : vector<16xf32> to vector<1x16xf32>
    tpu.vector_store %arg10[%swap3A_1113, %swap3A_1114], %swap3A_1117 {strides = array<i32>} : memref<128x16xf32, #tpu.memory_space<vmem>>, vector<1x16xf32>,
    %swap3A_1118 = arith.constant 106 : i32
    %swap3A_1119 = arith.index_cast %swap3A_1118 : i32 to index
    %swap3A_1120 = arith.constant 0 : index
    %swap3A_1121 = tpu.vector_load %arg10[%swap3A_1119, %swap3A_1120] {strides = array<i32>} : memref<128x16xf32, #tpu.memory_space<vmem>>, vector<1x16xf32>,
    %swap3A_1122 = vector.shape_cast %swap3A_1121 : vector<1x16xf32> to vector<16xf32>
    %swap3A_1123 = vector.shape_cast %broadcast_in_dim3A_2 : vector<16xf32> to vector<1x16xf32>
    tpu.vector_store %arg10[%swap3A_1119, %swap3A_1120], %swap3A_1123 {strides = array<i32>} : memref<128x16xf32, #tpu.memory_space<vmem>>, vector<1x16xf32>,
    %swap3A_1124 = arith.constant 107 : i32
    %swap3A_1125 = arith.index_cast %swap3A_1124 : i32 to index
    %swap3A_1126 = arith.constant 0 : index
    %swap3A_1127 = tpu.vector_load %arg10[%swap3A_1125, %swap3A_1126] {strides = array<i32>} : memref<128x16xf32, #tpu.memory_space<vmem>>, vector<1x16xf32>,
    %swap3A_1128 = vector.shape_cast %swap3A_1127 : vector<1x16xf32> to vector<16xf32>
    %swap3A_1129 = vector.shape_cast %broadcast_in_dim3A_2 : vector<16xf32> to vector<1x16xf32>
    tpu.vector_store %arg10[%swap3A_1125, %swap3A_1126], %swap3A_1129 {strides = array<i32>} : memref<128x16xf32, #tpu.memory_space<vmem>>, vector<1x16xf32>,
    %swap3A_1130 = arith.constant 108 : i32
    %swap3A_1131 = arith.index_cast %swap3A_1130 : i32 to index
    %swap3A_1132 = arith.constant 0 : index
    %swap3A_1133 = tpu.vector_load %arg10[%swap3A_1131, %swap3A_1132] {strides = array<i32>} : memref<128x16xf32, #tpu.memory_space<vmem>>, vector<1x16xf32>,
    %swap3A_1134 = vector.shape_cast %swap3A_1133 : vector<1x16xf32> to vector<16xf32>
    %swap3A_1135 = vector.shape_cast %broadcast_in_dim3A_2 : vector<16xf32> to vector<1x16xf32>
    tpu.vector_store %arg10[%swap3A_1131, %swap3A_1132], %swap3A_1135 {strides = array<i32>} : memref<128x16xf32, #tpu.memory_space<vmem>>, vector<1x16xf32>,
    %swap3A_1136 = arith.constant 109 : i32
    %swap3A_1137 = arith.index_cast %swap3A_1136 : i32 to index
    %swap3A_1138 = arith.constant 0 : index
    %swap3A_1139 = tpu.vector_load %arg10[%swap3A_1137, %swap3A_1138] {strides = array<i32>} : memref<128x16xf32, #tpu.memory_space<vmem>>, vector<1x16xf32>,
    %swap3A_1140 = vector.shape_cast %swap3A_1139 : vector<1x16xf32> to vector<16xf32>
    %swap3A_1141 = vector.shape_cast %broadcast_in_dim3A_2 : vector<16xf32> to vector<1x16xf32>
    tpu.vector_store %arg10[%swap3A_1137, %swap3A_1138], %swap3A_1141 {strides = array<i32>} : memref<128x16xf32, #tpu.memory_space<vmem>>, vector<1x16xf32>,
    %swap3A_1142 = arith.constant 110 : i32
    %swap3A_1143 = arith.index_cast %swap3A_1142 : i32 to index
    %swap3A_1144 = arith.constant 0 : index
    %swap3A_1145 = tpu.vector_load %arg10[%swap3A_1143, %swap3A_1144] {strides = array<i32>} : memref<128x16xf32, #tpu.memory_space<vmem>>, vector<1x16xf32>,
    %swap3A_1146 = vector.shape_cast %swap3A_1145 : vector<1x16xf32> to vector<16xf32>
    %swap3A_1147 = vector.shape_cast %broadcast_in_dim3A_2 : vector<16xf32> to vector<1x16xf32>
    tpu.vector_store %arg10[%swap3A_1143, %swap3A_1144], %swap3A_1147 {strides = array<i32>} : memref<128x16xf32, #tpu.memory_space<vmem>>, vector<1x16xf32>,
    %swap3A_1148 = arith.constant 111 : i32
    %swap3A_1149 = arith.index_cast %swap3A_1148 : i32 to index
    %swap3A_1150 = arith.constant 0 : index
    %swap3A_1151 = tpu.vector_load %arg10[%swap3A_1149, %swap3A_1150] {strides = array<i32>} : memref<128x16xf32, #tpu.memory_space<vmem>>, vector<1x16xf32>,
    %swap3A_1152 = vector.shape_cast %swap3A_1151 : vector<1x16xf32> to vector<16xf32>
    %swap3A_1153 = vector.shape_cast %broadcast_in_dim3A_2 : vector<16xf32> to vector<1x16xf32>
    tpu.vector_store %arg10[%swap3A_1149, %swap3A_1150], %swap3A_1153 {strides = array<i32>} : memref<128x16xf32, #tpu.memory_space<vmem>>, vector<1x16xf32>,
    %swap3A_1154 = arith.constant 112 : i32
    %swap3A_1155 = arith.index_cast %swap3A_1154 : i32 to index
    %swap3A_1156 = arith.constant 0 : index
    %swap3A_1157 = tpu.vector_load %arg10[%swap3A_1155, %swap3A_1156] {strides = array<i32>} : memref<128x16xf32, #tpu.memory_space<vmem>>, vector<1x16xf32>,
    %swap3A_1158 = vector.shape_cast %swap3A_1157 : vector<1x16xf32> to vector<16xf32>
    %swap3A_1159 = vector.shape_cast %broadcast_in_dim3A_2 : vector<16xf32> to vector<1x16xf32>
    tpu.vector_store %arg10[%swap3A_1155, %swap3A_1156], %swap3A_1159 {strides = array<i32>} : memref<128x16xf32, #tpu.memory_space<vmem>>, vector<1x16xf32>,
    %swap3A_1160 = arith.constant 113 : i32
    %swap3A_1161 = arith.index_cast %swap3A_1160 : i32 to index
    %swap3A_1162 = arith.constant 0 : index
    %swap3A_1163 = tpu.vector_load %arg10[%swap3A_1161, %swap3A_1162] {strides = array<i32>} : memref<128x16xf32, #tpu.memory_space<vmem>>, vector<1x16xf32>,
    %swap3A_1164 = vector.shape_cast %swap3A_1163 : vector<1x16xf32> to vector<16xf32>
    %swap3A_1165 = vector.shape_cast %broadcast_in_dim3A_2 : vector<16xf32> to vector<1x16xf32>
    tpu.vector_store %arg10[%swap3A_1161, %swap3A_1162], %swap3A_1165 {strides = array<i32>} : memref<128x16xf32, #tpu.memory_space<vmem>>, vector<1x16xf32>,
    %swap3A_1166 = arith.constant 114 : i32
    %swap3A_1167 = arith.index_cast %swap3A_1166 : i32 to index
    %swap3A_1168 = arith.constant 0 : index
    %swap3A_1169 = tpu.vector_load %arg10[%swap3A_1167, %swap3A_1168] {strides = array<i32>} : memref<128x16xf32, #tpu.memory_space<vmem>>, vector<1x16xf32>,
    %swap3A_1170 = vector.shape_cast %swap3A_1169 : vector<1x16xf32> to vector<16xf32>
    %swap3A_1171 = vector.shape_cast %broadcast_in_dim3A_2 : vector<16xf32> to vector<1x16xf32>
    tpu.vector_store %arg10[%swap3A_1167, %swap3A_1168], %swap3A_1171 {strides = array<i32>} : memref<128x16xf32, #tpu.memory_space<vmem>>, vector<1x16xf32>,
    %swap3A_1172 = arith.constant 115 : i32
    %swap3A_1173 = arith.index_cast %swap3A_1172 : i32 to index
    %swap3A_1174 = arith.constant 0 : index
    %swap3A_1175 = tpu.vector_load %arg10[%swap3A_1173, %swap3A_1174] {strides = array<i32>} : memref<128x16xf32, #tpu.memory_space<vmem>>, vector<1x16xf32>,
    %swap3A_1176 = vector.shape_cast %swap3A_1175 : vector<1x16xf32> to vector<16xf32>
    %swap3A_1177 = vector.shape_cast %broadcast_in_dim3A_2 : vector<16xf32> to vector<1x16xf32>
    tpu.vector_store %arg10[%swap3A_1173, %swap3A_1174], %swap3A_1177 {strides = array<i32>} : memref<128x16xf32, #tpu.memory_space<vmem>>, vector<1x16xf32>,
    %swap3A_1178 = arith.constant 116 : i32
    %swap3A_1179 = arith.index_cast %swap3A_1178 : i32 to index
    %swap3A_1180 = arith.constant 0 : index
    %swap3A_1181 = tpu.vector_load %arg10[%swap3A_1179, %swap3A_1180] {strides = array<i32>} : memref<128x16xf32, #tpu.memory_space<vmem>>, vector<1x16xf32>,
    %swap3A_1182 = vector.shape_cast %swap3A_1181 : vector<1x16xf32> to vector<16xf32>
    %swap3A_1183 = vector.shape_cast %broadcast_in_dim3A_2 : vector<16xf32> to vector<1x16xf32>
    tpu.vector_store %arg10[%swap3A_1179, %swap3A_1180], %swap3A_1183 {strides = array<i32>} : memref<128x16xf32, #tpu.memory_space<vmem>>, vector<1x16xf32>,
    %swap3A_1184 = arith.constant 117 : i32
    %swap3A_1185 = arith.index_cast %swap3A_1184 : i32 to index
    %swap3A_1186 = arith.constant 0 : index
    %swap3A_1187 = tpu.vector_load %arg10[%swap3A_1185, %swap3A_1186] {strides = array<i32>} : memref<128x16xf32, #tpu.memory_space<vmem>>, vector<1x16xf32>,
    %swap3A_1188 = vector.shape_cast %swap3A_1187 : vector<1x16xf32> to vector<16xf32>
    %swap3A_1189 = vector.shape_cast %broadcast_in_dim3A_2 : vector<16xf32> to vector<1x16xf32>
    tpu.vector_store %arg10[%swap3A_1185, %swap3A_1186], %swap3A_1189 {strides = array<i32>} : memref<128x16xf32, #tpu.memory_space<vmem>>, vector<1x16xf32>,
    %swap3A_1190 = arith.constant 118 : i32
    %swap3A_1191 = arith.index_cast %swap3A_1190 : i32 to index
    %swap3A_1192 = arith.constant 0 : index
    %swap3A_1193 = tpu.vector_load %arg10[%swap3A_1191, %swap3A_1192] {strides = array<i32>} : memref<128x16xf32, #tpu.memory_space<vmem>>, vector<1x16xf32>,
    %swap3A_1194 = vector.shape_cast %swap3A_1193 : vector<1x16xf32> to vector<16xf32>
    %swap3A_1195 = vector.shape_cast %broadcast_in_dim3A_2 : vector<16xf32> to vector<1x16xf32>
    tpu.vector_store %arg10[%swap3A_1191, %swap3A_1192], %swap3A_1195 {strides = array<i32>} : memref<128x16xf32, #tpu.memory_space<vmem>>, vector<1x16xf32>,
    %swap3A_1196 = arith.constant 119 : i32
    %swap3A_1197 = arith.index_cast %swap3A_1196 : i32 to index
    %swap3A_1198 = arith.constant 0 : index
    %swap3A_1199 = tpu.vector_load %arg10[%swap3A_1197, %swap3A_1198] {strides = array<i32>} : memref<128x16xf32, #tpu.memory_space<vmem>>, vector<1x16xf32>,
    %swap3A_1200 = vector.shape_cast %swap3A_1199 : vector<1x16xf32> to vector<16xf32>
    %swap3A_1201 = vector.shape_cast %broadcast_in_dim3A_2 : vector<16xf32> to vector<1x16xf32>
    tpu.vector_store %arg10[%swap3A_1197, %swap3A_1198], %swap3A_1201 {strides = array<i32>} : memref<128x16xf32, #tpu.memory_space<vmem>>, vector<1x16xf32>,
    %swap3A_1202 = arith.constant 120 : i32
    %swap3A_1203 = arith.index_cast %swap3A_1202 : i32 to index
    %swap3A_1204 = arith.constant 0 : index
    %swap3A_1205 = tpu.vector_load %arg10[%swap3A_1203, %swap3A_1204] {strides = array<i32>} : memref<128x16xf32, #tpu.memory_space<vmem>>, vector<1x16xf32>,
    %swap3A_1206 = vector.shape_cast %swap3A_1205 : vector<1x16xf32> to vector<16xf32>
    %swap3A_1207 = vector.shape_cast %broadcast_in_dim3A_2 : vector<16xf32> to vector<1x16xf32>
    tpu.vector_store %arg10[%swap3A_1203, %swap3A_1204], %swap3A_1207 {strides = array<i32>} : memref<128x16xf32, #tpu.memory_space<vmem>>, vector<1x16xf32>,
    %swap3A_1208 = arith.constant 121 : i32
    %swap3A_1209 = arith.index_cast %swap3A_1208 : i32 to index
    %swap3A_1210 = arith.constant 0 : index
    %swap3A_1211 = tpu.vector_load %arg10[%swap3A_1209, %swap3A_1210] {strides = array<i32>} : memref<128x16xf32, #tpu.memory_space<vmem>>, vector<1x16xf32>,
    %swap3A_1212 = vector.shape_cast %swap3A_1211 : vector<1x16xf32> to vector<16xf32>
    %swap3A_1213 = vector.shape_cast %broadcast_in_dim3A_2 : vector<16xf32> to vector<1x16xf32>
    tpu.vector_store %arg10[%swap3A_1209, %swap3A_1210], %swap3A_1213 {strides = array<i32>} : memref<128x16xf32, #tpu.memory_space<vmem>>, vector<1x16xf32>,
    %swap3A_1214 = arith.constant 122 : i32
    %swap3A_1215 = arith.index_cast %swap3A_1214 : i32 to index
    %swap3A_1216 = arith.constant 0 : index
    %swap3A_1217 = tpu.vector_load %arg10[%swap3A_1215, %swap3A_1216] {strides = array<i32>} : memref<128x16xf32, #tpu.memory_space<vmem>>, vector<1x16xf32>,
    %swap3A_1218 = vector.shape_cast %swap3A_1217 : vector<1x16xf32> to vector<16xf32>
    %swap3A_1219 = vector.shape_cast %broadcast_in_dim3A_2 : vector<16xf32> to vector<1x16xf32>
    tpu.vector_store %arg10[%swap3A_1215, %swap3A_1216], %swap3A_1219 {strides = array<i32>} : memref<128x16xf32, #tpu.memory_space<vmem>>, vector<1x16xf32>,
    %swap3A_1220 = arith.constant 123 : i32
    %swap3A_1221 = arith.index_cast %swap3A_1220 : i32 to index
    %swap3A_1222 = arith.constant 0 : index
    %swap3A_1223 = tpu.vector_load %arg10[%swap3A_1221, %swap3A_1222] {strides = array<i32>} : memref<128x16xf32, #tpu.memory_space<vmem>>, vector<1x16xf32>,
    %swap3A_1224 = vector.shape_cast %swap3A_1223 : vector<1x16xf32> to vector<16xf32>
    %swap3A_1225 = vector.shape_cast %broadcast_in_dim3A_2 : vector<16xf32> to vector<1x16xf32>
    tpu.vector_store %arg10[%swap3A_1221, %swap3A_1222], %swap3A_1225 {strides = array<i32>} : memref<128x16xf32, #tpu.memory_space<vmem>>, vector<1x16xf32>,
    %swap3A_1226 = arith.constant 124 : i32
    %swap3A_1227 = arith.index_cast %swap3A_1226 : i32 to index
    %swap3A_1228 = arith.constant 0 : index
    %swap3A_1229 = tpu.vector_load %arg10[%swap3A_1227, %swap3A_1228] {strides = array<i32>} : memref<128x16xf32, #tpu.memory_space<vmem>>, vector<1x16xf32>,
    %swap3A_1230 = vector.shape_cast %swap3A_1229 : vector<1x16xf32> to vector<16xf32>
    %swap3A_1231 = vector.shape_cast %broadcast_in_dim3A_2 : vector<16xf32> to vector<1x16xf32>
    tpu.vector_store %arg10[%swap3A_1227, %swap3A_1228], %swap3A_1231 {strides = array<i32>} : memref<128x16xf32, #tpu.memory_space<vmem>>, vector<1x16xf32>,
    %swap3A_1232 = arith.constant 125 : i32
    %swap3A_1233 = arith.index_cast %swap3A_1232 : i32 to index
    %swap3A_1234 = arith.constant 0 : index
    %swap3A_1235 = tpu.vector_load %arg10[%swap3A_1233, %swap3A_1234] {strides = array<i32>} : memref<128x16xf32, #tpu.memory_space<vmem>>, vector<1x16xf32>,
    %swap3A_1236 = vector.shape_cast %swap3A_1235 : vector<1x16xf32> to vector<16xf32>
    %swap3A_1237 = vector.shape_cast %broadcast_in_dim3A_2 : vector<16xf32> to vector<1x16xf32>
    tpu.vector_store %arg10[%swap3A_1233, %swap3A_1234], %swap3A_1237 {strides = array<i32>} : memref<128x16xf32, #tpu.memory_space<vmem>>, vector<1x16xf32>,
    %swap3A_1238 = arith.constant 126 : i32
    %swap3A_1239 = arith.index_cast %swap3A_1238 : i32 to index
    %swap3A_1240 = arith.constant 0 : index
    %swap3A_1241 = tpu.vector_load %arg10[%swap3A_1239, %swap3A_1240] {strides = array<i32>} : memref<128x16xf32, #tpu.memory_space<vmem>>, vector<1x16xf32>,
    %swap3A_1242 = vector.shape_cast %swap3A_1241 : vector<1x16xf32> to vector<16xf32>
    %swap3A_1243 = vector.shape_cast %broadcast_in_dim3A_2 : vector<16xf32> to vector<1x16xf32>
    tpu.vector_store %arg10[%swap3A_1239, %swap3A_1240], %swap3A_1243 {strides = array<i32>} : memref<128x16xf32, #tpu.memory_space<vmem>>, vector<1x16xf32>,
    %swap3A_1244 = arith.constant 127 : i32
    %swap3A_1245 = arith.index_cast %swap3A_1244 : i32 to index
    %swap3A_1246 = arith.constant 0 : index
    %swap3A_1247 = tpu.vector_load %arg10[%swap3A_1245, %swap3A_1246] {strides = array<i32>} : memref<128x16xf32, #tpu.memory_space<vmem>>, vector<1x16xf32>,
    %swap3A_1248 = vector.shape_cast %swap3A_1247 : vector<1x16xf32> to vector<16xf32>
    %swap3A_1249 = vector.shape_cast %broadcast_in_dim3A_2 : vector<16xf32> to vector<1x16xf32>
    tpu.vector_store %arg10[%swap3A_1245, %swap3A_1246], %swap3A_1249 {strides = array<i32>} : memref<128x16xf32, #tpu.memory_space<vmem>>, vector<1x16xf32>,
    %scan3A = arith.constant 0 : i32
    %scan3A_1250 = arith.constant 0 : i32
    %scan3A_1251 = arith.constant 40 : i32
    %scan3A_1252 = arith.addi %scan3A_1250, %scan3A_1251 : i32
    %scan3A_1253 = arith.constant 1 : i32
    scf.for %scan3A_1283 = %scan3A_1250 to %scan3A_1252 step %scan3A_1253  : i32 {
      %mul3A = arith.constant 16 : i32
      %mul3A_1284 = arith.muli %scan3A_1283, %mul3A : i32
      %add3A = arith.addi %arg1, %mul3A_1284 : i32
      %lt3A_1285 = arith.constant 625 : i32
      %lt3A_1286 = arith.cmpi slt, %add3A, %lt3A_1285 : i32
      %convert_element_type3A_1287 = arith.extui %lt3A_1286 : i1 to i32
      %cond3A_1288 = arith.constant 0 : i32
      %cond3A_1289 = arith.cmpi ne, %convert_element_type3A_1287, %cond3A_1288 : i32
      scf.if %cond3A_1289 {
        %mul3A_1290 = arith.constant 16 : i32
        %mul3A_1291 = arith.muli %add3A, %mul3A_1290 : i32
        "tpu.region"() ({
          %run_scoped3A = tpu.sem_alloc : memref<!tpu.dma_semaphore, #tpu.memory_space<semaphore_mem>>
          %dma_start3A = arith.constant 0 : i32
          %dma_start3A_1294 = tpu.memref_slice %arg13[%mul3A_1291, %dma_start3A] : memref<10000x64xf32, #tpu.memory_space<vmem_shared>> -> memref<16x64xf32, #tpu.memory_space<vmem_shared>>
          %dma_start3A_1295 = arith.constant 0 : i32
          %dma_start3A_1296 = tpu.memref_slice %arg13[%mul3A_1291, %dma_start3A_1295] : memref<10000x64xf32, #tpu.memory_space<vmem_shared>> -> memref<16x64xf32, #tpu.memory_space<vmem_shared>>
          tpu.enqueue_dma source(%arg11 : memref<16x64xf32, #tpu.memory_space<vmem>>) target(%dma_start3A_1296 : memref<16x64xf32, #tpu.memory_space<vmem_shared>>) target_semaphore(%run_scoped3A : memref<!tpu.dma_semaphore, #tpu.memory_space<semaphore_mem>>)
          %dma_wait3A = arith.constant 0 : i32
          %dma_wait3A_1297 = tpu.memref_slice %arg13[%mul3A_1291, %dma_wait3A] : memref<10000x64xf32, #tpu.memory_space<vmem_shared>> -> memref<16x64xf32, #tpu.memory_space<vmem_shared>>
          %dma_wait3A_1298 = arith.constant 0 : i32
          %dma_wait3A_1299 = tpu.memref_slice %arg13[%mul3A_1291, %dma_wait3A_1298] : memref<10000x64xf32, #tpu.memory_space<vmem_shared>> -> memref<16x64xf32, #tpu.memory_space<vmem_shared>>
          tpu.wait_dma2 semaphore(%run_scoped3A : memref<!tpu.dma_semaphore, #tpu.memory_space<semaphore_mem>>) src(%arg11 : memref<16x64xf32, #tpu.memory_space<vmem>>) dst(%dma_wait3A_1299 : memref<16x64xf32, #tpu.memory_space<vmem_shared>>)
          tpu.yield
        }) : () -> ()
        %mul3A_1292 = arith.constant 16 : i32
        %mul3A_1293 = arith.muli %add3A, %mul3A_1292 : i32
        "tpu.region"() ({
          %run_scoped3A = tpu.sem_alloc : memref<!tpu.dma_semaphore, #tpu.memory_space<semaphore_mem>>
          %dma_start3A = arith.constant 0 : i32
          %dma_start3A_1294 = tpu.memref_slice %arg14[%mul3A_1293, %dma_start3A] : memref<10000x16xf32, #tpu.memory_space<vmem_shared>> -> memref<16x16xf32, #tpu.memory_space<vmem_shared>>
          %dma_start3A_1295 = arith.constant 0 : i32
          %dma_start3A_1296 = tpu.memref_slice %arg14[%mul3A_1293, %dma_start3A_1295] : memref<10000x16xf32, #tpu.memory_space<vmem_shared>> -> memref<16x16xf32, #tpu.memory_space<vmem_shared>>
          tpu.enqueue_dma source(%arg12 : memref<16x16xf32, #tpu.memory_space<vmem>>) target(%dma_start3A_1296 : memref<16x16xf32, #tpu.memory_space<vmem_shared>>) target_semaphore(%run_scoped3A : memref<!tpu.dma_semaphore, #tpu.memory_space<semaphore_mem>>)
          %dma_wait3A = arith.constant 0 : i32
          %dma_wait3A_1297 = tpu.memref_slice %arg14[%mul3A_1293, %dma_wait3A] : memref<10000x16xf32, #tpu.memory_space<vmem_shared>> -> memref<16x16xf32, #tpu.memory_space<vmem_shared>>
          %dma_wait3A_1298 = arith.constant 0 : i32
          %dma_wait3A_1299 = tpu.memref_slice %arg14[%mul3A_1293, %dma_wait3A_1298] : memref<10000x16xf32, #tpu.memory_space<vmem_shared>> -> memref<16x16xf32, #tpu.memory_space<vmem_shared>>
          tpu.wait_dma2 semaphore(%run_scoped3A : memref<!tpu.dma_semaphore, #tpu.memory_space<semaphore_mem>>) src(%arg12 : memref<16x16xf32, #tpu.memory_space<vmem>>) dst(%dma_wait3A_1299 : memref<16x16xf32, #tpu.memory_space<vmem_shared>>)
          tpu.yield
        }) : () -> ()
      } else {
      }
    }
    %scan3A_1254 = arith.constant 40 : i32
    %barrier3A = arith.constant 0 : index
    tpu.barrier barrier_id(%barrier3A)
    %lt3A = arith.constant 625 : i32
    %lt3A_1255 = arith.cmpi slt, %arg1, %lt3A : i32
    %convert_element_type3A = arith.extui %lt3A_1255 : i1 to i32
    %cond3A = arith.constant 0 : i32
    %cond3A_1256 = arith.cmpi ne, %convert_element_type3A, %cond3A : i32
    scf.if %cond3A_1256 {
      %mul3A = arith.constant 4 : i32
      %mul3A_1283 = arith.muli %arg1, %mul3A : i32
      %dma_start3A = arith.constant 1 : i32
      %dma_start3A_1284 = arith.constant 0 : i32
      %dma_start3A_1285 = tpu.memref_slice %arg2[%dma_start3A, %mul3A_1283, %dma_start3A_1284] : memref<2x2500x128xi32, #tpu.memory_space<hbm>> -> memref<1x4x128xi32, #tpu.memory_space<hbm>>
      %dma_start3A_1286 = tpu.memref_squeeze %dma_start3A_1285 : memref<1x4x128xi32, #tpu.memory_space<hbm>> -> memref<4x128xi32, #tpu.memory_space<hbm>>
      %dma_start3A_1287 = arith.constant 0 : i32
      %dma_start3A_1288 = tpu.memref_slice %arg2[%dma_start3A, %mul3A_1283, %dma_start3A_1287] : memref<2x2500x128xi32, #tpu.memory_space<hbm>> -> memref<1x4x128xi32, #tpu.memory_space<hbm>>
      %dma_start3A_1289 = tpu.memref_squeeze %dma_start3A_1288 : memref<1x4x128xi32, #tpu.memory_space<hbm>> -> memref<4x128xi32, #tpu.memory_space<hbm>>
      tpu.enqueue_dma source(%dma_start3A_1289 : memref<4x128xi32, #tpu.memory_space<hbm>>) target(%arg6 : memref<4x128xi32, #tpu.memory_space<vmem>>) target_semaphore(%arg15 : memref<!tpu.dma_semaphore, #tpu.memory_space<semaphore_mem>>)
      %mul3A_1290 = arith.constant 512 : i32
      %mul3A_1291 = arith.muli %arg1, %mul3A_1290 : i32
      %mul3A_1292 = arith.constant 64 : i32
      %mul3A_1293 = arith.muli %arg0, %mul3A_1292 : i32
      %dma_start3A_1294 = tpu.memref_slice %arg3[%mul3A_1291, %mul3A_1293] : memref<320000x128xf32, #tpu.memory_space<hbm>> -> memref<512x64xf32, #tpu.memory_space<hbm>>
      %dma_start3A_1295 = tpu.memref_slice %arg3[%mul3A_1291, %mul3A_1293] : memref<320000x128xf32, #tpu.memory_space<hbm>> -> memref<512x64xf32, #tpu.memory_space<hbm>>
      tpu.enqueue_dma source(%dma_start3A_1295 : memref<512x64xf32, #tpu.memory_space<hbm>>) target(%arg8 : memref<512x64xf32, #tpu.memory_space<vmem>>) target_semaphore(%arg15 : memref<!tpu.dma_semaphore, #tpu.memory_space<semaphore_mem>>)
    } else {
    }
    %scan3A_1257 = arith.constant 0 : i32
    %scan3A_1258 = arith.constant 0 : i32
    %scan3A_1259 = arith.constant 20 : i32
    %scan3A_1260 = arith.addi %scan3A_1258, %scan3A_1259 : i32
    %scan3A_1261 = arith.constant 1 : i32
    scf.for %scan3A_1283 = %scan3A_1258 to %scan3A_1260 step %scan3A_1261  : i32 {
      %mul3A = arith.constant 2 : i32
      %mul3A_1284 = arith.muli %scan3A_1283, %mul3A : i32
      %add3A = arith.constant 0 : i32
      %add3A_1285 = arith.addi %mul3A_1284, %add3A : i32
      %mul3A_1286 = arith.constant 16 : i32
      %mul3A_1287 = arith.muli %add3A_1285, %mul3A_1286 : i32
      %add3A_1288 = arith.addi %arg1, %mul3A_1287 : i32
      %lt3A_1289 = arith.constant 625 : i32
      %lt3A_1290 = arith.cmpi slt, %add3A_1288, %lt3A_1289 : i32
      %convert_element_type3A_1291 = arith.extui %lt3A_1290 : i1 to i32
      %cond3A_1292 = arith.constant 0 : i32
      %cond3A_1293 = arith.cmpi ne, %convert_element_type3A_1291, %cond3A_1292 : i32
      scf.if %cond3A_1293 {
        %mul3A_1306 = arith.constant 4 : i32
        %mul3A_1307 = arith.muli %add3A_1288, %mul3A_1306 : i32
        %dma_wait3A = arith.constant 1 : i32
        %dma_wait3A_1308 = arith.constant 0 : i32
        %dma_wait3A_1309 = tpu.memref_slice %arg2[%dma_wait3A, %mul3A_1307, %dma_wait3A_1308] : memref<2x2500x128xi32, #tpu.memory_space<hbm>> -> memref<1x4x128xi32, #tpu.memory_space<hbm>>
        %dma_wait3A_1310 = tpu.memref_squeeze %dma_wait3A_1309 : memref<1x4x128xi32, #tpu.memory_space<hbm>> -> memref<4x128xi32, #tpu.memory_space<hbm>>
        %dma_wait3A_1311 = arith.constant 0 : i32
        %dma_wait3A_1312 = tpu.memref_slice %arg2[%dma_wait3A, %mul3A_1307, %dma_wait3A_1311] : memref<2x2500x128xi32, #tpu.memory_space<hbm>> -> memref<1x4x128xi32, #tpu.memory_space<hbm>>
        %dma_wait3A_1313 = tpu.memref_squeeze %dma_wait3A_1312 : memref<1x4x128xi32, #tpu.memory_space<hbm>> -> memref<4x128xi32, #tpu.memory_space<hbm>>
        tpu.wait_dma2 semaphore(%arg15 : memref<!tpu.dma_semaphore, #tpu.memory_space<semaphore_mem>>) src(%dma_wait3A_1313 : memref<4x128xi32, #tpu.memory_space<hbm>>) dst(%arg6 : memref<4x128xi32, #tpu.memory_space<vmem>>)
        %mul3A_1314 = arith.constant 512 : i32
        %mul3A_1315 = arith.muli %add3A_1288, %mul3A_1314 : i32
        %mul3A_1316 = arith.constant 64 : i32
        %mul3A_1317 = arith.muli %arg0, %mul3A_1316 : i32
        %dma_wait3A_1318 = tpu.memref_slice %arg3[%mul3A_1315, %mul3A_1317] : memref<320000x128xf32, #tpu.memory_space<hbm>> -> memref<512x64xf32, #tpu.memory_space<hbm>>
        %dma_wait3A_1319 = tpu.memref_slice %arg3[%mul3A_1315, %mul3A_1317] : memref<320000x128xf32, #tpu.memory_space<hbm>> -> memref<512x64xf32, #tpu.memory_space<hbm>>
        tpu.wait_dma2 semaphore(%arg15 : memref<!tpu.dma_semaphore, #tpu.memory_space<semaphore_mem>>) src(%dma_wait3A_1319 : memref<512x64xf32, #tpu.memory_space<hbm>>) dst(%arg8 : memref<512x64xf32, #tpu.memory_space<vmem>>)
        %add3A_1320 = arith.constant 16 : i32
        %add3A_1321 = arith.addi %add3A_1288, %add3A_1320 : i32
        %lt3A_1322 = arith.constant 625 : i32
        %lt3A_1323 = arith.cmpi slt, %add3A_1321, %lt3A_1322 : i32
        %convert_element_type3A_1324 = arith.extui %lt3A_1323 : i1 to i32
        %cond3A_1325 = arith.constant 0 : i32
        %cond3A_1326 = arith.cmpi ne, %convert_element_type3A_1324, %cond3A_1325 : i32
        scf.if %cond3A_1326 {
          %mul3A_1335 = arith.constant 4 : i32
          %mul3A_1336 = arith.muli %add3A_1321, %mul3A_1335 : i32
          %dma_start3A = arith.constant 1 : i32
          %dma_start3A_1337 = arith.constant 0 : i32
          %dma_start3A_1338 = tpu.memref_slice %arg2[%dma_start3A, %mul3A_1336, %dma_start3A_1337] : memref<2x2500x128xi32, #tpu.memory_space<hbm>> -> memref<1x4x128xi32, #tpu.memory_space<hbm>>
          %dma_start3A_1339 = tpu.memref_squeeze %dma_start3A_1338 : memref<1x4x128xi32, #tpu.memory_space<hbm>> -> memref<4x128xi32, #tpu.memory_space<hbm>>
          %dma_start3A_1340 = arith.constant 0 : i32
          %dma_start3A_1341 = tpu.memref_slice %arg2[%dma_start3A, %mul3A_1336, %dma_start3A_1340] : memref<2x2500x128xi32, #tpu.memory_space<hbm>> -> memref<1x4x128xi32, #tpu.memory_space<hbm>>
          %dma_start3A_1342 = tpu.memref_squeeze %dma_start3A_1341 : memref<1x4x128xi32, #tpu.memory_space<hbm>> -> memref<4x128xi32, #tpu.memory_space<hbm>>
          tpu.enqueue_dma source(%dma_start3A_1342 : memref<4x128xi32, #tpu.memory_space<hbm>>) target(%arg7 : memref<4x128xi32, #tpu.memory_space<vmem>>) target_semaphore(%arg15 : memref<!tpu.dma_semaphore, #tpu.memory_space<semaphore_mem>>)
          %mul3A_1343 = arith.constant 512 : i32
          %mul3A_1344 = arith.muli %add3A_1321, %mul3A_1343 : i32
          %mul3A_1345 = arith.constant 64 : i32
          %mul3A_1346 = arith.muli %arg0, %mul3A_1345 : i32
          %dma_start3A_1347 = tpu.memref_slice %arg3[%mul3A_1344, %mul3A_1346] : memref<320000x128xf32, #tpu.memory_space<hbm>> -> memref<512x64xf32, #tpu.memory_space<hbm>>
          %dma_start3A_1348 = tpu.memref_slice %arg3[%mul3A_1344, %mul3A_1346] : memref<320000x128xf32, #tpu.memory_space<hbm>> -> memref<512x64xf32, #tpu.memory_space<hbm>>
          tpu.enqueue_dma source(%dma_start3A_1348 : memref<512x64xf32, #tpu.memory_space<hbm>>) target(%arg9 : memref<512x64xf32, #tpu.memory_space<vmem>>) target_semaphore(%arg15 : memref<!tpu.dma_semaphore, #tpu.memory_space<semaphore_mem>>)
        } else {
        }
        %run_scoped3A = arith.constant 0 : i32
        "tpu.region"() ({
          %run_scoped3A_1335 = tpu.sem_alloc : memref<!tpu.dma_semaphore, #tpu.memory_space<semaphore_mem>>
          %dma_start3A = arith.constant 0 : i32
          %dma_start3A_1336 = arith.constant 0 : i32
          %dma_start3A_1337 = tpu.memref_slice %arg8[%dma_start3A, %dma_start3A_1336] : memref<512x64xf32, #tpu.memory_space<vmem>> -> memref<128x64xf32, #tpu.memory_space<vmem>>
          %dma_start3A_1338 = arith.constant 0 : i32
          %dma_start3A_1339 = tpu.memref_slice %arg6[%run_scoped3A, %dma_start3A_1338] : memref<4x128xi32, #tpu.memory_space<vmem>> -> memref<1x128xi32, #tpu.memory_space<vmem>>
          %dma_start3A_1340 = tpu.memref_squeeze %dma_start3A_1339 : memref<1x128xi32, #tpu.memory_space<vmem>> -> memref<128xi32, #tpu.memory_space<vmem>>
          %dma_start3A_1341 = arith.constant 0 : i32
          %dma_start3A_1342 = arith.constant 0 : i32
          %dma_start3A_1343 = tpu.memref_slice %arg13[%dma_start3A_1341, %dma_start3A_1342] : memref<10000x64xf32, #tpu.memory_space<vmem_shared>> -> memref<10000x64xf32, #tpu.memory_space<vmem_shared>>
          tpu.enqueue_indirect_dma source(%dma_start3A_1337 : memref<128x64xf32, #tpu.memory_space<vmem>>) target(%dma_start3A_1343 : memref<10000x64xf32, #tpu.memory_space<vmem_shared>>) offsets(%dma_start3A_1340 : memref<128xi32, #tpu.memory_space<vmem>>) semaphore(%run_scoped3A_1335 : memref<!tpu.dma_semaphore, #tpu.memory_space<semaphore_mem>>) {add = true}
          %dma_wait3A_1344 = arith.constant 0 : i32
          %dma_wait3A_1345 = arith.constant 0 : i32
          %dma_wait3A_1346 = tpu.memref_slice %arg8[%dma_wait3A_1344, %dma_wait3A_1345] : memref<512x64xf32, #tpu.memory_space<vmem>> -> memref<128x64xf32, #tpu.memory_space<vmem>>
          %dma_wait3A_1347 = arith.constant 0 : i32
          %dma_wait3A_1348 = tpu.memref_slice %arg6[%run_scoped3A, %dma_wait3A_1347] : memref<4x128xi32, #tpu.memory_space<vmem>> -> memref<1x128xi32, #tpu.memory_space<vmem>>
          %dma_wait3A_1349 = tpu.memref_squeeze %dma_wait3A_1348 : memref<1x128xi32, #tpu.memory_space<vmem>> -> memref<128xi32, #tpu.memory_space<vmem>>
          %dma_wait3A_1350 = arith.constant 0 : i32
          %dma_wait3A_1351 = arith.constant 0 : i32
          %dma_wait3A_1352 = tpu.memref_slice %arg13[%dma_wait3A_1350, %dma_wait3A_1351] : memref<10000x64xf32, #tpu.memory_space<vmem_shared>> -> memref<10000x64xf32, #tpu.memory_space<vmem_shared>>
          tpu.wait_indirect_dma semaphore(%run_scoped3A_1335 : memref<!tpu.dma_semaphore, #tpu.memory_space<semaphore_mem>>) src(%dma_wait3A_1346 : memref<128x64xf32, #tpu.memory_space<vmem>>) dst(%dma_wait3A_1352 : memref<10000x64xf32, #tpu.memory_space<vmem_shared>>)
          tpu.yield
        }) : () -> ()
        %run_scoped3A_1327 = arith.constant 1 : i32
        "tpu.region"() ({
          %run_scoped3A_1335 = tpu.sem_alloc : memref<!tpu.dma_semaphore, #tpu.memory_space<semaphore_mem>>
          %dma_start3A = arith.constant 128 : i32
          %dma_start3A_1336 = arith.constant 0 : i32
          %dma_start3A_1337 = tpu.memref_slice %arg8[%dma_start3A, %dma_start3A_1336] : memref<512x64xf32, #tpu.memory_space<vmem>> -> memref<128x64xf32, #tpu.memory_space<vmem>>
          %dma_start3A_1338 = arith.constant 0 : i32
          %dma_start3A_1339 = tpu.memref_slice %arg6[%run_scoped3A_1327, %dma_start3A_1338] : memref<4x128xi32, #tpu.memory_space<vmem>> -> memref<1x128xi32, #tpu.memory_space<vmem>>
          %dma_start3A_1340 = tpu.memref_squeeze %dma_start3A_1339 : memref<1x128xi32, #tpu.memory_space<vmem>> -> memref<128xi32, #tpu.memory_space<vmem>>
          %dma_start3A_1341 = arith.constant 0 : i32
          %dma_start3A_1342 = arith.constant 0 : i32
          %dma_start3A_1343 = tpu.memref_slice %arg13[%dma_start3A_1341, %dma_start3A_1342] : memref<10000x64xf32, #tpu.memory_space<vmem_shared>> -> memref<10000x64xf32, #tpu.memory_space<vmem_shared>>
          tpu.enqueue_indirect_dma source(%dma_start3A_1337 : memref<128x64xf32, #tpu.memory_space<vmem>>) target(%dma_start3A_1343 : memref<10000x64xf32, #tpu.memory_space<vmem_shared>>) offsets(%dma_start3A_1340 : memref<128xi32, #tpu.memory_space<vmem>>) semaphore(%run_scoped3A_1335 : memref<!tpu.dma_semaphore, #tpu.memory_space<semaphore_mem>>) {add = true}
          %dma_wait3A_1344 = arith.constant 128 : i32
          %dma_wait3A_1345 = arith.constant 0 : i32
          %dma_wait3A_1346 = tpu.memref_slice %arg8[%dma_wait3A_1344, %dma_wait3A_1345] : memref<512x64xf32, #tpu.memory_space<vmem>> -> memref<128x64xf32, #tpu.memory_space<vmem>>
          %dma_wait3A_1347 = arith.constant 0 : i32
          %dma_wait3A_1348 = tpu.memref_slice %arg6[%run_scoped3A_1327, %dma_wait3A_1347] : memref<4x128xi32, #tpu.memory_space<vmem>> -> memref<1x128xi32, #tpu.memory_space<vmem>>
          %dma_wait3A_1349 = tpu.memref_squeeze %dma_wait3A_1348 : memref<1x128xi32, #tpu.memory_space<vmem>> -> memref<128xi32, #tpu.memory_space<vmem>>
          %dma_wait3A_1350 = arith.constant 0 : i32
          %dma_wait3A_1351 = arith.constant 0 : i32
          %dma_wait3A_1352 = tpu.memref_slice %arg13[%dma_wait3A_1350, %dma_wait3A_1351] : memref<10000x64xf32, #tpu.memory_space<vmem_shared>> -> memref<10000x64xf32, #tpu.memory_space<vmem_shared>>
          tpu.wait_indirect_dma semaphore(%run_scoped3A_1335 : memref<!tpu.dma_semaphore, #tpu.memory_space<semaphore_mem>>) src(%dma_wait3A_1346 : memref<128x64xf32, #tpu.memory_space<vmem>>) dst(%dma_wait3A_1352 : memref<10000x64xf32, #tpu.memory_space<vmem_shared>>)
          tpu.yield
        }) : () -> ()
        %run_scoped3A_1328 = arith.constant 2 : i32
        "tpu.region"() ({
          %run_scoped3A_1335 = tpu.sem_alloc : memref<!tpu.dma_semaphore, #tpu.memory_space<semaphore_mem>>
          %dma_start3A = arith.constant 256 : i32
          %dma_start3A_1336 = arith.constant 0 : i32
          %dma_start3A_1337 = tpu.memref_slice %arg8[%dma_start3A, %dma_start3A_1336] : memref<512x64xf32, #tpu.memory_space<vmem>> -> memref<128x64xf32, #tpu.memory_space<vmem>>
          %dma_start3A_1338 = arith.constant 0 : i32
          %dma_start3A_1339 = tpu.memref_slice %arg6[%run_scoped3A_1328, %dma_start3A_1338] : memref<4x128xi32, #tpu.memory_space<vmem>> -> memref<1x128xi32, #tpu.memory_space<vmem>>
          %dma_start3A_1340 = tpu.memref_squeeze %dma_start3A_1339 : memref<1x128xi32, #tpu.memory_space<vmem>> -> memref<128xi32, #tpu.memory_space<vmem>>
          %dma_start3A_1341 = arith.constant 0 : i32
          %dma_start3A_1342 = arith.constant 0 : i32
          %dma_start3A_1343 = tpu.memref_slice %arg13[%dma_start3A_1341, %dma_start3A_1342] : memref<10000x64xf32, #tpu.memory_space<vmem_shared>> -> memref<10000x64xf32, #tpu.memory_space<vmem_shared>>
          tpu.enqueue_indirect_dma source(%dma_start3A_1337 : memref<128x64xf32, #tpu.memory_space<vmem>>) target(%dma_start3A_1343 : memref<10000x64xf32, #tpu.memory_space<vmem_shared>>) offsets(%dma_start3A_1340 : memref<128xi32, #tpu.memory_space<vmem>>) semaphore(%run_scoped3A_1335 : memref<!tpu.dma_semaphore, #tpu.memory_space<semaphore_mem>>) {add = true}
          %dma_wait3A_1344 = arith.constant 256 : i32
          %dma_wait3A_1345 = arith.constant 0 : i32
          %dma_wait3A_1346 = tpu.memref_slice %arg8[%dma_wait3A_1344, %dma_wait3A_1345] : memref<512x64xf32, #tpu.memory_space<vmem>> -> memref<128x64xf32, #tpu.memory_space<vmem>>
          %dma_wait3A_1347 = arith.constant 0 : i32
          %dma_wait3A_1348 = tpu.memref_slice %arg6[%run_scoped3A_1328, %dma_wait3A_1347] : memref<4x128xi32, #tpu.memory_space<vmem>> -> memref<1x128xi32, #tpu.memory_space<vmem>>
          %dma_wait3A_1349 = tpu.memref_squeeze %dma_wait3A_1348 : memref<1x128xi32, #tpu.memory_space<vmem>> -> memref<128xi32, #tpu.memory_space<vmem>>
          %dma_wait3A_1350 = arith.constant 0 : i32
          %dma_wait3A_1351 = arith.constant 0 : i32
          %dma_wait3A_1352 = tpu.memref_slice %arg13[%dma_wait3A_1350, %dma_wait3A_1351] : memref<10000x64xf32, #tpu.memory_space<vmem_shared>> -> memref<10000x64xf32, #tpu.memory_space<vmem_shared>>
          tpu.wait_indirect_dma semaphore(%run_scoped3A_1335 : memref<!tpu.dma_semaphore, #tpu.memory_space<semaphore_mem>>) src(%dma_wait3A_1346 : memref<128x64xf32, #tpu.memory_space<vmem>>) dst(%dma_wait3A_1352 : memref<10000x64xf32, #tpu.memory_space<vmem_shared>>)
          tpu.yield
        }) : () -> ()
        %run_scoped3A_1329 = arith.constant 3 : i32
        "tpu.region"() ({
          %run_scoped3A_1335 = tpu.sem_alloc : memref<!tpu.dma_semaphore, #tpu.memory_space<semaphore_mem>>
          %dma_start3A = arith.constant 384 : i32
          %dma_start3A_1336 = arith.constant 0 : i32
          %dma_start3A_1337 = tpu.memref_slice %arg8[%dma_start3A, %dma_start3A_1336] : memref<512x64xf32, #tpu.memory_space<vmem>> -> memref<128x64xf32, #tpu.memory_space<vmem>>
          %dma_start3A_1338 = arith.constant 0 : i32
          %dma_start3A_1339 = tpu.memref_slice %arg6[%run_scoped3A_1329, %dma_start3A_1338] : memref<4x128xi32, #tpu.memory_space<vmem>> -> memref<1x128xi32, #tpu.memory_space<vmem>>
          %dma_start3A_1340 = tpu.memref_squeeze %dma_start3A_1339 : memref<1x128xi32, #tpu.memory_space<vmem>> -> memref<128xi32, #tpu.memory_space<vmem>>
          %dma_start3A_1341 = arith.constant 0 : i32
          %dma_start3A_1342 = arith.constant 0 : i32
          %dma_start3A_1343 = tpu.memref_slice %arg13[%dma_start3A_1341, %dma_start3A_1342] : memref<10000x64xf32, #tpu.memory_space<vmem_shared>> -> memref<10000x64xf32, #tpu.memory_space<vmem_shared>>
          tpu.enqueue_indirect_dma source(%dma_start3A_1337 : memref<128x64xf32, #tpu.memory_space<vmem>>) target(%dma_start3A_1343 : memref<10000x64xf32, #tpu.memory_space<vmem_shared>>) offsets(%dma_start3A_1340 : memref<128xi32, #tpu.memory_space<vmem>>) semaphore(%run_scoped3A_1335 : memref<!tpu.dma_semaphore, #tpu.memory_space<semaphore_mem>>) {add = true}
          %dma_wait3A_1344 = arith.constant 384 : i32
          %dma_wait3A_1345 = arith.constant 0 : i32
          %dma_wait3A_1346 = tpu.memref_slice %arg8[%dma_wait3A_1344, %dma_wait3A_1345] : memref<512x64xf32, #tpu.memory_space<vmem>> -> memref<128x64xf32, #tpu.memory_space<vmem>>
          %dma_wait3A_1347 = arith.constant 0 : i32
          %dma_wait3A_1348 = tpu.memref_slice %arg6[%run_scoped3A_1329, %dma_wait3A_1347] : memref<4x128xi32, #tpu.memory_space<vmem>> -> memref<1x128xi32, #tpu.memory_space<vmem>>
          %dma_wait3A_1349 = tpu.memref_squeeze %dma_wait3A_1348 : memref<1x128xi32, #tpu.memory_space<vmem>> -> memref<128xi32, #tpu.memory_space<vmem>>
          %dma_wait3A_1350 = arith.constant 0 : i32
          %dma_wait3A_1351 = arith.constant 0 : i32
          %dma_wait3A_1352 = tpu.memref_slice %arg13[%dma_wait3A_1350, %dma_wait3A_1351] : memref<10000x64xf32, #tpu.memory_space<vmem_shared>> -> memref<10000x64xf32, #tpu.memory_space<vmem_shared>>
          tpu.wait_indirect_dma semaphore(%run_scoped3A_1335 : memref<!tpu.dma_semaphore, #tpu.memory_space<semaphore_mem>>) src(%dma_wait3A_1346 : memref<128x64xf32, #tpu.memory_space<vmem>>) dst(%dma_wait3A_1352 : memref<10000x64xf32, #tpu.memory_space<vmem_shared>>)
          tpu.yield
        }) : () -> ()
        %rem3A = arith.constant 2 : i32
        %rem3A_1330 = arith.remsi %add3A_1288, %rem3A : i32
        %eq3A_1331 = arith.cmpi eq, %rem3A_1330, %arg0 : i32
        %convert_element_type3A_1332 = arith.extui %eq3A_1331 : i1 to i32
        %cond3A_1333 = arith.constant 0 : i32
        %cond3A_1334 = arith.cmpi ne, %convert_element_type3A_1332, %cond3A_1333 : i32
        scf.if %cond3A_1334 {
          %run_scoped3A_1335 = arith.constant 0 : i32
          "tpu.region"() ({
            %run_scoped3A_1339 = tpu.sem_alloc : memref<!tpu.dma_semaphore, #tpu.memory_space<semaphore_mem>>
            %dma_start3A = arith.constant 0 : i32
            %dma_start3A_1340 = tpu.memref_slice %arg6[%run_scoped3A_1335, %dma_start3A] : memref<4x128xi32, #tpu.memory_space<vmem>> -> memref<1x128xi32, #tpu.memory_space<vmem>>
            %dma_start3A_1341 = tpu.memref_squeeze %dma_start3A_1340 : memref<1x128xi32, #tpu.memory_space<vmem>> -> memref<128xi32, #tpu.memory_space<vmem>>
            %dma_start3A_1342 = arith.constant 0 : i32
            %dma_start3A_1343 = arith.constant 0 : i32
            %dma_start3A_1344 = tpu.memref_slice %arg14[%dma_start3A_1342, %dma_start3A_1343] : memref<10000x16xf32, #tpu.memory_space<vmem_shared>> -> memref<10000x16xf32, #tpu.memory_space<vmem_shared>>
            tpu.enqueue_indirect_dma source(%arg10 : memref<128x16xf32, #tpu.memory_space<vmem>>) target(%dma_start3A_1344 : memref<10000x16xf32, #tpu.memory_space<vmem_shared>>) offsets(%dma_start3A_1341 : memref<128xi32, #tpu.memory_space<vmem>>) semaphore(%run_scoped3A_1339 : memref<!tpu.dma_semaphore, #tpu.memory_space<semaphore_mem>>) {add = true}
            %dma_wait3A_1345 = arith.constant 0 : i32
            %dma_wait3A_1346 = tpu.memref_slice %arg6[%run_scoped3A_1335, %dma_wait3A_1345] : memref<4x128xi32, #tpu.memory_space<vmem>> -> memref<1x128xi32, #tpu.memory_space<vmem>>
            %dma_wait3A_1347 = tpu.memref_squeeze %dma_wait3A_1346 : memref<1x128xi32, #tpu.memory_space<vmem>> -> memref<128xi32, #tpu.memory_space<vmem>>
            %dma_wait3A_1348 = arith.constant 0 : i32
            %dma_wait3A_1349 = arith.constant 0 : i32
            %dma_wait3A_1350 = tpu.memref_slice %arg14[%dma_wait3A_1348, %dma_wait3A_1349] : memref<10000x16xf32, #tpu.memory_space<vmem_shared>> -> memref<10000x16xf32, #tpu.memory_space<vmem_shared>>
            tpu.wait_indirect_dma semaphore(%run_scoped3A_1339 : memref<!tpu.dma_semaphore, #tpu.memory_space<semaphore_mem>>) src(%arg10 : memref<128x16xf32, #tpu.memory_space<vmem>>) dst(%dma_wait3A_1350 : memref<10000x16xf32, #tpu.memory_space<vmem_shared>>)
            tpu.yield
          }) : () -> ()
          %run_scoped3A_1336 = arith.constant 1 : i32
          "tpu.region"() ({
            %run_scoped3A_1339 = tpu.sem_alloc : memref<!tpu.dma_semaphore, #tpu.memory_space<semaphore_mem>>
            %dma_start3A = arith.constant 0 : i32
            %dma_start3A_1340 = tpu.memref_slice %arg6[%run_scoped3A_1336, %dma_start3A] : memref<4x128xi32, #tpu.memory_space<vmem>> -> memref<1x128xi32, #tpu.memory_space<vmem>>
            %dma_start3A_1341 = tpu.memref_squeeze %dma_start3A_1340 : memref<1x128xi32, #tpu.memory_space<vmem>> -> memref<128xi32, #tpu.memory_space<vmem>>
            %dma_start3A_1342 = arith.constant 0 : i32
            %dma_start3A_1343 = arith.constant 0 : i32
            %dma_start3A_1344 = tpu.memref_slice %arg14[%dma_start3A_1342, %dma_start3A_1343] : memref<10000x16xf32, #tpu.memory_space<vmem_shared>> -> memref<10000x16xf32, #tpu.memory_space<vmem_shared>>
            tpu.enqueue_indirect_dma source(%arg10 : memref<128x16xf32, #tpu.memory_space<vmem>>) target(%dma_start3A_1344 : memref<10000x16xf32, #tpu.memory_space<vmem_shared>>) offsets(%dma_start3A_1341 : memref<128xi32, #tpu.memory_space<vmem>>) semaphore(%run_scoped3A_1339 : memref<!tpu.dma_semaphore, #tpu.memory_space<semaphore_mem>>) {add = true}
            %dma_wait3A_1345 = arith.constant 0 : i32
            %dma_wait3A_1346 = tpu.memref_slice %arg6[%run_scoped3A_1336, %dma_wait3A_1345] : memref<4x128xi32, #tpu.memory_space<vmem>> -> memref<1x128xi32, #tpu.memory_space<vmem>>
            %dma_wait3A_1347 = tpu.memref_squeeze %dma_wait3A_1346 : memref<1x128xi32, #tpu.memory_space<vmem>> -> memref<128xi32, #tpu.memory_space<vmem>>
            %dma_wait3A_1348 = arith.constant 0 : i32
            %dma_wait3A_1349 = arith.constant 0 : i32
            %dma_wait3A_1350 = tpu.memref_slice %arg14[%dma_wait3A_1348, %dma_wait3A_1349] : memref<10000x16xf32, #tpu.memory_space<vmem_shared>> -> memref<10000x16xf32, #tpu.memory_space<vmem_shared>>
            tpu.wait_indirect_dma semaphore(%run_scoped3A_1339 : memref<!tpu.dma_semaphore, #tpu.memory_space<semaphore_mem>>) src(%arg10 : memref<128x16xf32, #tpu.memory_space<vmem>>) dst(%dma_wait3A_1350 : memref<10000x16xf32, #tpu.memory_space<vmem_shared>>)
            tpu.yield
          }) : () -> ()
          %run_scoped3A_1337 = arith.constant 2 : i32
          "tpu.region"() ({
            %run_scoped3A_1339 = tpu.sem_alloc : memref<!tpu.dma_semaphore, #tpu.memory_space<semaphore_mem>>
            %dma_start3A = arith.constant 0 : i32
            %dma_start3A_1340 = tpu.memref_slice %arg6[%run_scoped3A_1337, %dma_start3A] : memref<4x128xi32, #tpu.memory_space<vmem>> -> memref<1x128xi32, #tpu.memory_space<vmem>>
            %dma_start3A_1341 = tpu.memref_squeeze %dma_start3A_1340 : memref<1x128xi32, #tpu.memory_space<vmem>> -> memref<128xi32, #tpu.memory_space<vmem>>
            %dma_start3A_1342 = arith.constant 0 : i32
            %dma_start3A_1343 = arith.constant 0 : i32
            %dma_start3A_1344 = tpu.memref_slice %arg14[%dma_start3A_1342, %dma_start3A_1343] : memref<10000x16xf32, #tpu.memory_space<vmem_shared>> -> memref<10000x16xf32, #tpu.memory_space<vmem_shared>>
            tpu.enqueue_indirect_dma source(%arg10 : memref<128x16xf32, #tpu.memory_space<vmem>>) target(%dma_start3A_1344 : memref<10000x16xf32, #tpu.memory_space<vmem_shared>>) offsets(%dma_start3A_1341 : memref<128xi32, #tpu.memory_space<vmem>>) semaphore(%run_scoped3A_1339 : memref<!tpu.dma_semaphore, #tpu.memory_space<semaphore_mem>>) {add = true}
            %dma_wait3A_1345 = arith.constant 0 : i32
            %dma_wait3A_1346 = tpu.memref_slice %arg6[%run_scoped3A_1337, %dma_wait3A_1345] : memref<4x128xi32, #tpu.memory_space<vmem>> -> memref<1x128xi32, #tpu.memory_space<vmem>>
            %dma_wait3A_1347 = tpu.memref_squeeze %dma_wait3A_1346 : memref<1x128xi32, #tpu.memory_space<vmem>> -> memref<128xi32, #tpu.memory_space<vmem>>
            %dma_wait3A_1348 = arith.constant 0 : i32
            %dma_wait3A_1349 = arith.constant 0 : i32
            %dma_wait3A_1350 = tpu.memref_slice %arg14[%dma_wait3A_1348, %dma_wait3A_1349] : memref<10000x16xf32, #tpu.memory_space<vmem_shared>> -> memref<10000x16xf32, #tpu.memory_space<vmem_shared>>
            tpu.wait_indirect_dma semaphore(%run_scoped3A_1339 : memref<!tpu.dma_semaphore, #tpu.memory_space<semaphore_mem>>) src(%arg10 : memref<128x16xf32, #tpu.memory_space<vmem>>) dst(%dma_wait3A_1350 : memref<10000x16xf32, #tpu.memory_space<vmem_shared>>)
            tpu.yield
          }) : () -> ()
          %run_scoped3A_1338 = arith.constant 3 : i32
          "tpu.region"() ({
            %run_scoped3A_1339 = tpu.sem_alloc : memref<!tpu.dma_semaphore, #tpu.memory_space<semaphore_mem>>
            %dma_start3A = arith.constant 0 : i32
            %dma_start3A_1340 = tpu.memref_slice %arg6[%run_scoped3A_1338, %dma_start3A] : memref<4x128xi32, #tpu.memory_space<vmem>> -> memref<1x128xi32, #tpu.memory_space<vmem>>
            %dma_start3A_1341 = tpu.memref_squeeze %dma_start3A_1340 : memref<1x128xi32, #tpu.memory_space<vmem>> -> memref<128xi32, #tpu.memory_space<vmem>>
            %dma_start3A_1342 = arith.constant 0 : i32
            %dma_start3A_1343 = arith.constant 0 : i32
            %dma_start3A_1344 = tpu.memref_slice %arg14[%dma_start3A_1342, %dma_start3A_1343] : memref<10000x16xf32, #tpu.memory_space<vmem_shared>> -> memref<10000x16xf32, #tpu.memory_space<vmem_shared>>
            tpu.enqueue_indirect_dma source(%arg10 : memref<128x16xf32, #tpu.memory_space<vmem>>) target(%dma_start3A_1344 : memref<10000x16xf32, #tpu.memory_space<vmem_shared>>) offsets(%dma_start3A_1341 : memref<128xi32, #tpu.memory_space<vmem>>) semaphore(%run_scoped3A_1339 : memref<!tpu.dma_semaphore, #tpu.memory_space<semaphore_mem>>) {add = true}
            %dma_wait3A_1345 = arith.constant 0 : i32
            %dma_wait3A_1346 = tpu.memref_slice %arg6[%run_scoped3A_1338, %dma_wait3A_1345] : memref<4x128xi32, #tpu.memory_space<vmem>> -> memref<1x128xi32, #tpu.memory_space<vmem>>
            %dma_wait3A_1347 = tpu.memref_squeeze %dma_wait3A_1346 : memref<1x128xi32, #tpu.memory_space<vmem>> -> memref<128xi32, #tpu.memory_space<vmem>>
            %dma_wait3A_1348 = arith.constant 0 : i32
            %dma_wait3A_1349 = arith.constant 0 : i32
            %dma_wait3A_1350 = tpu.memref_slice %arg14[%dma_wait3A_1348, %dma_wait3A_1349] : memref<10000x16xf32, #tpu.memory_space<vmem_shared>> -> memref<10000x16xf32, #tpu.memory_space<vmem_shared>>
            tpu.wait_indirect_dma semaphore(%run_scoped3A_1339 : memref<!tpu.dma_semaphore, #tpu.memory_space<semaphore_mem>>) src(%arg10 : memref<128x16xf32, #tpu.memory_space<vmem>>) dst(%dma_wait3A_1350 : memref<10000x16xf32, #tpu.memory_space<vmem_shared>>)
            tpu.yield
          }) : () -> ()
        } else {
        }
      } else {
      }
      %mul3A_1294 = arith.constant 2 : i32
      %mul3A_1295 = arith.muli %scan3A_1283, %mul3A_1294 : i32
      %add3A_1296 = arith.constant 1 : i32
      %add3A_1297 = arith.addi %mul3A_1295, %add3A_1296 : i32
      %mul3A_1298 = arith.constant 16 : i32
      %mul3A_1299 = arith.muli %add3A_1297, %mul3A_1298 : i32
      %add3A_1300 = arith.addi %arg1, %mul3A_1299 : i32
      %lt3A_1301 = arith.constant 625 : i32
      %lt3A_1302 = arith.cmpi slt, %add3A_1300, %lt3A_1301 : i32
      %convert_element_type3A_1303 = arith.extui %lt3A_1302 : i1 to i32
      %cond3A_1304 = arith.constant 0 : i32
      %cond3A_1305 = arith.cmpi ne, %convert_element_type3A_1303, %cond3A_1304 : i32
      scf.if %cond3A_1305 {
        %mul3A_1306 = arith.constant 4 : i32
        %mul3A_1307 = arith.muli %add3A_1300, %mul3A_1306 : i32
        %dma_wait3A = arith.constant 1 : i32
        %dma_wait3A_1308 = arith.constant 0 : i32
        %dma_wait3A_1309 = tpu.memref_slice %arg2[%dma_wait3A, %mul3A_1307, %dma_wait3A_1308] : memref<2x2500x128xi32, #tpu.memory_space<hbm>> -> memref<1x4x128xi32, #tpu.memory_space<hbm>>
        %dma_wait3A_1310 = tpu.memref_squeeze %dma_wait3A_1309 : memref<1x4x128xi32, #tpu.memory_space<hbm>> -> memref<4x128xi32, #tpu.memory_space<hbm>>
        %dma_wait3A_1311 = arith.constant 0 : i32
        %dma_wait3A_1312 = tpu.memref_slice %arg2[%dma_wait3A, %mul3A_1307, %dma_wait3A_1311] : memref<2x2500x128xi32, #tpu.memory_space<hbm>> -> memref<1x4x128xi32, #tpu.memory_space<hbm>>
        %dma_wait3A_1313 = tpu.memref_squeeze %dma_wait3A_1312 : memref<1x4x128xi32, #tpu.memory_space<hbm>> -> memref<4x128xi32, #tpu.memory_space<hbm>>
        tpu.wait_dma2 semaphore(%arg15 : memref<!tpu.dma_semaphore, #tpu.memory_space<semaphore_mem>>) src(%dma_wait3A_1313 : memref<4x128xi32, #tpu.memory_space<hbm>>) dst(%arg7 : memref<4x128xi32, #tpu.memory_space<vmem>>)
        %mul3A_1314 = arith.constant 512 : i32
        %mul3A_1315 = arith.muli %add3A_1300, %mul3A_1314 : i32
        %mul3A_1316 = arith.constant 64 : i32
        %mul3A_1317 = arith.muli %arg0, %mul3A_1316 : i32
        %dma_wait3A_1318 = tpu.memref_slice %arg3[%mul3A_1315, %mul3A_1317] : memref<320000x128xf32, #tpu.memory_space<hbm>> -> memref<512x64xf32, #tpu.memory_space<hbm>>
        %dma_wait3A_1319 = tpu.memref_slice %arg3[%mul3A_1315, %mul3A_1317] : memref<320000x128xf32, #tpu.memory_space<hbm>> -> memref<512x64xf32, #tpu.memory_space<hbm>>
        tpu.wait_dma2 semaphore(%arg15 : memref<!tpu.dma_semaphore, #tpu.memory_space<semaphore_mem>>) src(%dma_wait3A_1319 : memref<512x64xf32, #tpu.memory_space<hbm>>) dst(%arg9 : memref<512x64xf32, #tpu.memory_space<vmem>>)
        %add3A_1320 = arith.constant 16 : i32
        %add3A_1321 = arith.addi %add3A_1300, %add3A_1320 : i32
        %lt3A_1322 = arith.constant 625 : i32
        %lt3A_1323 = arith.cmpi slt, %add3A_1321, %lt3A_1322 : i32
        %convert_element_type3A_1324 = arith.extui %lt3A_1323 : i1 to i32
        %cond3A_1325 = arith.constant 0 : i32
        %cond3A_1326 = arith.cmpi ne, %convert_element_type3A_1324, %cond3A_1325 : i32
        scf.if %cond3A_1326 {
          %mul3A_1335 = arith.constant 4 : i32
          %mul3A_1336 = arith.muli %add3A_1321, %mul3A_1335 : i32
          %dma_start3A = arith.constant 1 : i32
          %dma_start3A_1337 = arith.constant 0 : i32
          %dma_start3A_1338 = tpu.memref_slice %arg2[%dma_start3A, %mul3A_1336, %dma_start3A_1337] : memref<2x2500x128xi32, #tpu.memory_space<hbm>> -> memref<1x4x128xi32, #tpu.memory_space<hbm>>
          %dma_start3A_1339 = tpu.memref_squeeze %dma_start3A_1338 : memref<1x4x128xi32, #tpu.memory_space<hbm>> -> memref<4x128xi32, #tpu.memory_space<hbm>>
          %dma_start3A_1340 = arith.constant 0 : i32
          %dma_start3A_1341 = tpu.memref_slice %arg2[%dma_start3A, %mul3A_1336, %dma_start3A_1340] : memref<2x2500x128xi32, #tpu.memory_space<hbm>> -> memref<1x4x128xi32, #tpu.memory_space<hbm>>
          %dma_start3A_1342 = tpu.memref_squeeze %dma_start3A_1341 : memref<1x4x128xi32, #tpu.memory_space<hbm>> -> memref<4x128xi32, #tpu.memory_space<hbm>>
          tpu.enqueue_dma source(%dma_start3A_1342 : memref<4x128xi32, #tpu.memory_space<hbm>>) target(%arg6 : memref<4x128xi32, #tpu.memory_space<vmem>>) target_semaphore(%arg15 : memref<!tpu.dma_semaphore, #tpu.memory_space<semaphore_mem>>)
          %mul3A_1343 = arith.constant 512 : i32
          %mul3A_1344 = arith.muli %add3A_1321, %mul3A_1343 : i32
          %mul3A_1345 = arith.constant 64 : i32
          %mul3A_1346 = arith.muli %arg0, %mul3A_1345 : i32
          %dma_start3A_1347 = tpu.memref_slice %arg3[%mul3A_1344, %mul3A_1346] : memref<320000x128xf32, #tpu.memory_space<hbm>> -> memref<512x64xf32, #tpu.memory_space<hbm>>
          %dma_start3A_1348 = tpu.memref_slice %arg3[%mul3A_1344, %mul3A_1346] : memref<320000x128xf32, #tpu.memory_space<hbm>> -> memref<512x64xf32, #tpu.memory_space<hbm>>
          tpu.enqueue_dma source(%dma_start3A_1348 : memref<512x64xf32, #tpu.memory_space<hbm>>) target(%arg8 : memref<512x64xf32, #tpu.memory_space<vmem>>) target_semaphore(%arg15 : memref<!tpu.dma_semaphore, #tpu.memory_space<semaphore_mem>>)
        } else {
        }
        %run_scoped3A = arith.constant 0 : i32
        "tpu.region"() ({
          %run_scoped3A_1335 = tpu.sem_alloc : memref<!tpu.dma_semaphore, #tpu.memory_space<semaphore_mem>>
          %dma_start3A = arith.constant 0 : i32
          %dma_start3A_1336 = arith.constant 0 : i32
          %dma_start3A_1337 = tpu.memref_slice %arg9[%dma_start3A, %dma_start3A_1336] : memref<512x64xf32, #tpu.memory_space<vmem>> -> memref<128x64xf32, #tpu.memory_space<vmem>>
          %dma_start3A_1338 = arith.constant 0 : i32
          %dma_start3A_1339 = tpu.memref_slice %arg7[%run_scoped3A, %dma_start3A_1338] : memref<4x128xi32, #tpu.memory_space<vmem>> -> memref<1x128xi32, #tpu.memory_space<vmem>>
          %dma_start3A_1340 = tpu.memref_squeeze %dma_start3A_1339 : memref<1x128xi32, #tpu.memory_space<vmem>> -> memref<128xi32, #tpu.memory_space<vmem>>
          %dma_start3A_1341 = arith.constant 0 : i32
          %dma_start3A_1342 = arith.constant 0 : i32
          %dma_start3A_1343 = tpu.memref_slice %arg13[%dma_start3A_1341, %dma_start3A_1342] : memref<10000x64xf32, #tpu.memory_space<vmem_shared>> -> memref<10000x64xf32, #tpu.memory_space<vmem_shared>>
          tpu.enqueue_indirect_dma source(%dma_start3A_1337 : memref<128x64xf32, #tpu.memory_space<vmem>>) target(%dma_start3A_1343 : memref<10000x64xf32, #tpu.memory_space<vmem_shared>>) offsets(%dma_start3A_1340 : memref<128xi32, #tpu.memory_space<vmem>>) semaphore(%run_scoped3A_1335 : memref<!tpu.dma_semaphore, #tpu.memory_space<semaphore_mem>>) {add = true}
          %dma_wait3A_1344 = arith.constant 0 : i32
          %dma_wait3A_1345 = arith.constant 0 : i32
          %dma_wait3A_1346 = tpu.memref_slice %arg9[%dma_wait3A_1344, %dma_wait3A_1345] : memref<512x64xf32, #tpu.memory_space<vmem>> -> memref<128x64xf32, #tpu.memory_space<vmem>>
          %dma_wait3A_1347 = arith.constant 0 : i32
          %dma_wait3A_1348 = tpu.memref_slice %arg7[%run_scoped3A, %dma_wait3A_1347] : memref<4x128xi32, #tpu.memory_space<vmem>> -> memref<1x128xi32, #tpu.memory_space<vmem>>
          %dma_wait3A_1349 = tpu.memref_squeeze %dma_wait3A_1348 : memref<1x128xi32, #tpu.memory_space<vmem>> -> memref<128xi32, #tpu.memory_space<vmem>>
          %dma_wait3A_1350 = arith.constant 0 : i32
          %dma_wait3A_1351 = arith.constant 0 : i32
          %dma_wait3A_1352 = tpu.memref_slice %arg13[%dma_wait3A_1350, %dma_wait3A_1351] : memref<10000x64xf32, #tpu.memory_space<vmem_shared>> -> memref<10000x64xf32, #tpu.memory_space<vmem_shared>>
          tpu.wait_indirect_dma semaphore(%run_scoped3A_1335 : memref<!tpu.dma_semaphore, #tpu.memory_space<semaphore_mem>>) src(%dma_wait3A_1346 : memref<128x64xf32, #tpu.memory_space<vmem>>) dst(%dma_wait3A_1352 : memref<10000x64xf32, #tpu.memory_space<vmem_shared>>)
          tpu.yield
        }) : () -> ()
        %run_scoped3A_1327 = arith.constant 1 : i32
        "tpu.region"() ({
          %run_scoped3A_1335 = tpu.sem_alloc : memref<!tpu.dma_semaphore, #tpu.memory_space<semaphore_mem>>
          %dma_start3A = arith.constant 128 : i32
          %dma_start3A_1336 = arith.constant 0 : i32
          %dma_start3A_1337 = tpu.memref_slice %arg9[%dma_start3A, %dma_start3A_1336] : memref<512x64xf32, #tpu.memory_space<vmem>> -> memref<128x64xf32, #tpu.memory_space<vmem>>
          %dma_start3A_1338 = arith.constant 0 : i32
          %dma_start3A_1339 = tpu.memref_slice %arg7[%run_scoped3A_1327, %dma_start3A_1338] : memref<4x128xi32, #tpu.memory_space<vmem>> -> memref<1x128xi32, #tpu.memory_space<vmem>>
          %dma_start3A_1340 = tpu.memref_squeeze %dma_start3A_1339 : memref<1x128xi32, #tpu.memory_space<vmem>> -> memref<128xi32, #tpu.memory_space<vmem>>
          %dma_start3A_1341 = arith.constant 0 : i32
          %dma_start3A_1342 = arith.constant 0 : i32
          %dma_start3A_1343 = tpu.memref_slice %arg13[%dma_start3A_1341, %dma_start3A_1342] : memref<10000x64xf32, #tpu.memory_space<vmem_shared>> -> memref<10000x64xf32, #tpu.memory_space<vmem_shared>>
          tpu.enqueue_indirect_dma source(%dma_start3A_1337 : memref<128x64xf32, #tpu.memory_space<vmem>>) target(%dma_start3A_1343 : memref<10000x64xf32, #tpu.memory_space<vmem_shared>>) offsets(%dma_start3A_1340 : memref<128xi32, #tpu.memory_space<vmem>>) semaphore(%run_scoped3A_1335 : memref<!tpu.dma_semaphore, #tpu.memory_space<semaphore_mem>>) {add = true}
          %dma_wait3A_1344 = arith.constant 128 : i32
          %dma_wait3A_1345 = arith.constant 0 : i32
          %dma_wait3A_1346 = tpu.memref_slice %arg9[%dma_wait3A_1344, %dma_wait3A_1345] : memref<512x64xf32, #tpu.memory_space<vmem>> -> memref<128x64xf32, #tpu.memory_space<vmem>>
          %dma_wait3A_1347 = arith.constant 0 : i32
          %dma_wait3A_1348 = tpu.memref_slice %arg7[%run_scoped3A_1327, %dma_wait3A_1347] : memref<4x128xi32, #tpu.memory_space<vmem>> -> memref<1x128xi32, #tpu.memory_space<vmem>>
          %dma_wait3A_1349 = tpu.memref_squeeze %dma_wait3A_1348 : memref<1x128xi32, #tpu.memory_space<vmem>> -> memref<128xi32, #tpu.memory_space<vmem>>
          %dma_wait3A_1350 = arith.constant 0 : i32
          %dma_wait3A_1351 = arith.constant 0 : i32
          %dma_wait3A_1352 = tpu.memref_slice %arg13[%dma_wait3A_1350, %dma_wait3A_1351] : memref<10000x64xf32, #tpu.memory_space<vmem_shared>> -> memref<10000x64xf32, #tpu.memory_space<vmem_shared>>
          tpu.wait_indirect_dma semaphore(%run_scoped3A_1335 : memref<!tpu.dma_semaphore, #tpu.memory_space<semaphore_mem>>) src(%dma_wait3A_1346 : memref<128x64xf32, #tpu.memory_space<vmem>>) dst(%dma_wait3A_1352 : memref<10000x64xf32, #tpu.memory_space<vmem_shared>>)
          tpu.yield
        }) : () -> ()
        %run_scoped3A_1328 = arith.constant 2 : i32
        "tpu.region"() ({
          %run_scoped3A_1335 = tpu.sem_alloc : memref<!tpu.dma_semaphore, #tpu.memory_space<semaphore_mem>>
          %dma_start3A = arith.constant 256 : i32
          %dma_start3A_1336 = arith.constant 0 : i32
          %dma_start3A_1337 = tpu.memref_slice %arg9[%dma_start3A, %dma_start3A_1336] : memref<512x64xf32, #tpu.memory_space<vmem>> -> memref<128x64xf32, #tpu.memory_space<vmem>>
          %dma_start3A_1338 = arith.constant 0 : i32
          %dma_start3A_1339 = tpu.memref_slice %arg7[%run_scoped3A_1328, %dma_start3A_1338] : memref<4x128xi32, #tpu.memory_space<vmem>> -> memref<1x128xi32, #tpu.memory_space<vmem>>
          %dma_start3A_1340 = tpu.memref_squeeze %dma_start3A_1339 : memref<1x128xi32, #tpu.memory_space<vmem>> -> memref<128xi32, #tpu.memory_space<vmem>>
          %dma_start3A_1341 = arith.constant 0 : i32
          %dma_start3A_1342 = arith.constant 0 : i32
          %dma_start3A_1343 = tpu.memref_slice %arg13[%dma_start3A_1341, %dma_start3A_1342] : memref<10000x64xf32, #tpu.memory_space<vmem_shared>> -> memref<10000x64xf32, #tpu.memory_space<vmem_shared>>
          tpu.enqueue_indirect_dma source(%dma_start3A_1337 : memref<128x64xf32, #tpu.memory_space<vmem>>) target(%dma_start3A_1343 : memref<10000x64xf32, #tpu.memory_space<vmem_shared>>) offsets(%dma_start3A_1340 : memref<128xi32, #tpu.memory_space<vmem>>) semaphore(%run_scoped3A_1335 : memref<!tpu.dma_semaphore, #tpu.memory_space<semaphore_mem>>) {add = true}
          %dma_wait3A_1344 = arith.constant 256 : i32
          %dma_wait3A_1345 = arith.constant 0 : i32
          %dma_wait3A_1346 = tpu.memref_slice %arg9[%dma_wait3A_1344, %dma_wait3A_1345] : memref<512x64xf32, #tpu.memory_space<vmem>> -> memref<128x64xf32, #tpu.memory_space<vmem>>
          %dma_wait3A_1347 = arith.constant 0 : i32
          %dma_wait3A_1348 = tpu.memref_slice %arg7[%run_scoped3A_1328, %dma_wait3A_1347] : memref<4x128xi32, #tpu.memory_space<vmem>> -> memref<1x128xi32, #tpu.memory_space<vmem>>
          %dma_wait3A_1349 = tpu.memref_squeeze %dma_wait3A_1348 : memref<1x128xi32, #tpu.memory_space<vmem>> -> memref<128xi32, #tpu.memory_space<vmem>>
          %dma_wait3A_1350 = arith.constant 0 : i32
          %dma_wait3A_1351 = arith.constant 0 : i32
          %dma_wait3A_1352 = tpu.memref_slice %arg13[%dma_wait3A_1350, %dma_wait3A_1351] : memref<10000x64xf32, #tpu.memory_space<vmem_shared>> -> memref<10000x64xf32, #tpu.memory_space<vmem_shared>>
          tpu.wait_indirect_dma semaphore(%run_scoped3A_1335 : memref<!tpu.dma_semaphore, #tpu.memory_space<semaphore_mem>>) src(%dma_wait3A_1346 : memref<128x64xf32, #tpu.memory_space<vmem>>) dst(%dma_wait3A_1352 : memref<10000x64xf32, #tpu.memory_space<vmem_shared>>)
          tpu.yield
        }) : () -> ()
        %run_scoped3A_1329 = arith.constant 3 : i32
        "tpu.region"() ({
          %run_scoped3A_1335 = tpu.sem_alloc : memref<!tpu.dma_semaphore, #tpu.memory_space<semaphore_mem>>
          %dma_start3A = arith.constant 384 : i32
          %dma_start3A_1336 = arith.constant 0 : i32
          %dma_start3A_1337 = tpu.memref_slice %arg9[%dma_start3A, %dma_start3A_1336] : memref<512x64xf32, #tpu.memory_space<vmem>> -> memref<128x64xf32, #tpu.memory_space<vmem>>
          %dma_start3A_1338 = arith.constant 0 : i32
          %dma_start3A_1339 = tpu.memref_slice %arg7[%run_scoped3A_1329, %dma_start3A_1338] : memref<4x128xi32, #tpu.memory_space<vmem>> -> memref<1x128xi32, #tpu.memory_space<vmem>>
          %dma_start3A_1340 = tpu.memref_squeeze %dma_start3A_1339 : memref<1x128xi32, #tpu.memory_space<vmem>> -> memref<128xi32, #tpu.memory_space<vmem>>
          %dma_start3A_1341 = arith.constant 0 : i32
          %dma_start3A_1342 = arith.constant 0 : i32
          %dma_start3A_1343 = tpu.memref_slice %arg13[%dma_start3A_1341, %dma_start3A_1342] : memref<10000x64xf32, #tpu.memory_space<vmem_shared>> -> memref<10000x64xf32, #tpu.memory_space<vmem_shared>>
          tpu.enqueue_indirect_dma source(%dma_start3A_1337 : memref<128x64xf32, #tpu.memory_space<vmem>>) target(%dma_start3A_1343 : memref<10000x64xf32, #tpu.memory_space<vmem_shared>>) offsets(%dma_start3A_1340 : memref<128xi32, #tpu.memory_space<vmem>>) semaphore(%run_scoped3A_1335 : memref<!tpu.dma_semaphore, #tpu.memory_space<semaphore_mem>>) {add = true}
          %dma_wait3A_1344 = arith.constant 384 : i32
          %dma_wait3A_1345 = arith.constant 0 : i32
          %dma_wait3A_1346 = tpu.memref_slice %arg9[%dma_wait3A_1344, %dma_wait3A_1345] : memref<512x64xf32, #tpu.memory_space<vmem>> -> memref<128x64xf32, #tpu.memory_space<vmem>>
          %dma_wait3A_1347 = arith.constant 0 : i32
          %dma_wait3A_1348 = tpu.memref_slice %arg7[%run_scoped3A_1329, %dma_wait3A_1347] : memref<4x128xi32, #tpu.memory_space<vmem>> -> memref<1x128xi32, #tpu.memory_space<vmem>>
          %dma_wait3A_1349 = tpu.memref_squeeze %dma_wait3A_1348 : memref<1x128xi32, #tpu.memory_space<vmem>> -> memref<128xi32, #tpu.memory_space<vmem>>
          %dma_wait3A_1350 = arith.constant 0 : i32
          %dma_wait3A_1351 = arith.constant 0 : i32
          %dma_wait3A_1352 = tpu.memref_slice %arg13[%dma_wait3A_1350, %dma_wait3A_1351] : memref<10000x64xf32, #tpu.memory_space<vmem_shared>> -> memref<10000x64xf32, #tpu.memory_space<vmem_shared>>
          tpu.wait_indirect_dma semaphore(%run_scoped3A_1335 : memref<!tpu.dma_semaphore, #tpu.memory_space<semaphore_mem>>) src(%dma_wait3A_1346 : memref<128x64xf32, #tpu.memory_space<vmem>>) dst(%dma_wait3A_1352 : memref<10000x64xf32, #tpu.memory_space<vmem_shared>>)
          tpu.yield
        }) : () -> ()
        %rem3A = arith.constant 2 : i32
        %rem3A_1330 = arith.remsi %add3A_1300, %rem3A : i32
        %eq3A_1331 = arith.cmpi eq, %rem3A_1330, %arg0 : i32
        %convert_element_type3A_1332 = arith.extui %eq3A_1331 : i1 to i32
        %cond3A_1333 = arith.constant 0 : i32
        %cond3A_1334 = arith.cmpi ne, %convert_element_type3A_1332, %cond3A_1333 : i32
        scf.if %cond3A_1334 {
          %run_scoped3A_1335 = arith.constant 0 : i32
          "tpu.region"() ({
            %run_scoped3A_1339 = tpu.sem_alloc : memref<!tpu.dma_semaphore, #tpu.memory_space<semaphore_mem>>
            %dma_start3A = arith.constant 0 : i32
            %dma_start3A_1340 = tpu.memref_slice %arg7[%run_scoped3A_1335, %dma_start3A] : memref<4x128xi32, #tpu.memory_space<vmem>> -> memref<1x128xi32, #tpu.memory_space<vmem>>
            %dma_start3A_1341 = tpu.memref_squeeze %dma_start3A_1340 : memref<1x128xi32, #tpu.memory_space<vmem>> -> memref<128xi32, #tpu.memory_space<vmem>>
            %dma_start3A_1342 = arith.constant 0 : i32
            %dma_start3A_1343 = arith.constant 0 : i32
            %dma_start3A_1344 = tpu.memref_slice %arg14[%dma_start3A_1342, %dma_start3A_1343] : memref<10000x16xf32, #tpu.memory_space<vmem_shared>> -> memref<10000x16xf32, #tpu.memory_space<vmem_shared>>
            tpu.enqueue_indirect_dma source(%arg10 : memref<128x16xf32, #tpu.memory_space<vmem>>) target(%dma_start3A_1344 : memref<10000x16xf32, #tpu.memory_space<vmem_shared>>) offsets(%dma_start3A_1341 : memref<128xi32, #tpu.memory_space<vmem>>) semaphore(%run_scoped3A_1339 : memref<!tpu.dma_semaphore, #tpu.memory_space<semaphore_mem>>) {add = true}
            %dma_wait3A_1345 = arith.constant 0 : i32
            %dma_wait3A_1346 = tpu.memref_slice %arg7[%run_scoped3A_1335, %dma_wait3A_1345] : memref<4x128xi32, #tpu.memory_space<vmem>> -> memref<1x128xi32, #tpu.memory_space<vmem>>
            %dma_wait3A_1347 = tpu.memref_squeeze %dma_wait3A_1346 : memref<1x128xi32, #tpu.memory_space<vmem>> -> memref<128xi32, #tpu.memory_space<vmem>>
            %dma_wait3A_1348 = arith.constant 0 : i32
            %dma_wait3A_1349 = arith.constant 0 : i32
            %dma_wait3A_1350 = tpu.memref_slice %arg14[%dma_wait3A_1348, %dma_wait3A_1349] : memref<10000x16xf32, #tpu.memory_space<vmem_shared>> -> memref<10000x16xf32, #tpu.memory_space<vmem_shared>>
            tpu.wait_indirect_dma semaphore(%run_scoped3A_1339 : memref<!tpu.dma_semaphore, #tpu.memory_space<semaphore_mem>>) src(%arg10 : memref<128x16xf32, #tpu.memory_space<vmem>>) dst(%dma_wait3A_1350 : memref<10000x16xf32, #tpu.memory_space<vmem_shared>>)
            tpu.yield
          }) : () -> ()
          %run_scoped3A_1336 = arith.constant 1 : i32
          "tpu.region"() ({
            %run_scoped3A_1339 = tpu.sem_alloc : memref<!tpu.dma_semaphore, #tpu.memory_space<semaphore_mem>>
            %dma_start3A = arith.constant 0 : i32
            %dma_start3A_1340 = tpu.memref_slice %arg7[%run_scoped3A_1336, %dma_start3A] : memref<4x128xi32, #tpu.memory_space<vmem>> -> memref<1x128xi32, #tpu.memory_space<vmem>>
            %dma_start3A_1341 = tpu.memref_squeeze %dma_start3A_1340 : memref<1x128xi32, #tpu.memory_space<vmem>> -> memref<128xi32, #tpu.memory_space<vmem>>
            %dma_start3A_1342 = arith.constant 0 : i32
            %dma_start3A_1343 = arith.constant 0 : i32
            %dma_start3A_1344 = tpu.memref_slice %arg14[%dma_start3A_1342, %dma_start3A_1343] : memref<10000x16xf32, #tpu.memory_space<vmem_shared>> -> memref<10000x16xf32, #tpu.memory_space<vmem_shared>>
            tpu.enqueue_indirect_dma source(%arg10 : memref<128x16xf32, #tpu.memory_space<vmem>>) target(%dma_start3A_1344 : memref<10000x16xf32, #tpu.memory_space<vmem_shared>>) offsets(%dma_start3A_1341 : memref<128xi32, #tpu.memory_space<vmem>>) semaphore(%run_scoped3A_1339 : memref<!tpu.dma_semaphore, #tpu.memory_space<semaphore_mem>>) {add = true}
            %dma_wait3A_1345 = arith.constant 0 : i32
            %dma_wait3A_1346 = tpu.memref_slice %arg7[%run_scoped3A_1336, %dma_wait3A_1345] : memref<4x128xi32, #tpu.memory_space<vmem>> -> memref<1x128xi32, #tpu.memory_space<vmem>>
            %dma_wait3A_1347 = tpu.memref_squeeze %dma_wait3A_1346 : memref<1x128xi32, #tpu.memory_space<vmem>> -> memref<128xi32, #tpu.memory_space<vmem>>
            %dma_wait3A_1348 = arith.constant 0 : i32
            %dma_wait3A_1349 = arith.constant 0 : i32
            %dma_wait3A_1350 = tpu.memref_slice %arg14[%dma_wait3A_1348, %dma_wait3A_1349] : memref<10000x16xf32, #tpu.memory_space<vmem_shared>> -> memref<10000x16xf32, #tpu.memory_space<vmem_shared>>
            tpu.wait_indirect_dma semaphore(%run_scoped3A_1339 : memref<!tpu.dma_semaphore, #tpu.memory_space<semaphore_mem>>) src(%arg10 : memref<128x16xf32, #tpu.memory_space<vmem>>) dst(%dma_wait3A_1350 : memref<10000x16xf32, #tpu.memory_space<vmem_shared>>)
            tpu.yield
          }) : () -> ()
          %run_scoped3A_1337 = arith.constant 2 : i32
          "tpu.region"() ({
            %run_scoped3A_1339 = tpu.sem_alloc : memref<!tpu.dma_semaphore, #tpu.memory_space<semaphore_mem>>
            %dma_start3A = arith.constant 0 : i32
            %dma_start3A_1340 = tpu.memref_slice %arg7[%run_scoped3A_1337, %dma_start3A] : memref<4x128xi32, #tpu.memory_space<vmem>> -> memref<1x128xi32, #tpu.memory_space<vmem>>
            %dma_start3A_1341 = tpu.memref_squeeze %dma_start3A_1340 : memref<1x128xi32, #tpu.memory_space<vmem>> -> memref<128xi32, #tpu.memory_space<vmem>>
            %dma_start3A_1342 = arith.constant 0 : i32
            %dma_start3A_1343 = arith.constant 0 : i32
            %dma_start3A_1344 = tpu.memref_slice %arg14[%dma_start3A_1342, %dma_start3A_1343] : memref<10000x16xf32, #tpu.memory_space<vmem_shared>> -> memref<10000x16xf32, #tpu.memory_space<vmem_shared>>
            tpu.enqueue_indirect_dma source(%arg10 : memref<128x16xf32, #tpu.memory_space<vmem>>) target(%dma_start3A_1344 : memref<10000x16xf32, #tpu.memory_space<vmem_shared>>) offsets(%dma_start3A_1341 : memref<128xi32, #tpu.memory_space<vmem>>) semaphore(%run_scoped3A_1339 : memref<!tpu.dma_semaphore, #tpu.memory_space<semaphore_mem>>) {add = true}
            %dma_wait3A_1345 = arith.constant 0 : i32
            %dma_wait3A_1346 = tpu.memref_slice %arg7[%run_scoped3A_1337, %dma_wait3A_1345] : memref<4x128xi32, #tpu.memory_space<vmem>> -> memref<1x128xi32, #tpu.memory_space<vmem>>
            %dma_wait3A_1347 = tpu.memref_squeeze %dma_wait3A_1346 : memref<1x128xi32, #tpu.memory_space<vmem>> -> memref<128xi32, #tpu.memory_space<vmem>>
            %dma_wait3A_1348 = arith.constant 0 : i32
            %dma_wait3A_1349 = arith.constant 0 : i32
            %dma_wait3A_1350 = tpu.memref_slice %arg14[%dma_wait3A_1348, %dma_wait3A_1349] : memref<10000x16xf32, #tpu.memory_space<vmem_shared>> -> memref<10000x16xf32, #tpu.memory_space<vmem_shared>>
            tpu.wait_indirect_dma semaphore(%run_scoped3A_1339 : memref<!tpu.dma_semaphore, #tpu.memory_space<semaphore_mem>>) src(%arg10 : memref<128x16xf32, #tpu.memory_space<vmem>>) dst(%dma_wait3A_1350 : memref<10000x16xf32, #tpu.memory_space<vmem_shared>>)
            tpu.yield
          }) : () -> ()
          %run_scoped3A_1338 = arith.constant 3 : i32
          "tpu.region"() ({
            %run_scoped3A_1339 = tpu.sem_alloc : memref<!tpu.dma_semaphore, #tpu.memory_space<semaphore_mem>>
            %dma_start3A = arith.constant 0 : i32
            %dma_start3A_1340 = tpu.memref_slice %arg7[%run_scoped3A_1338, %dma_start3A] : memref<4x128xi32, #tpu.memory_space<vmem>> -> memref<1x128xi32, #tpu.memory_space<vmem>>
            %dma_start3A_1341 = tpu.memref_squeeze %dma_start3A_1340 : memref<1x128xi32, #tpu.memory_space<vmem>> -> memref<128xi32, #tpu.memory_space<vmem>>
            %dma_start3A_1342 = arith.constant 0 : i32
            %dma_start3A_1343 = arith.constant 0 : i32
            %dma_start3A_1344 = tpu.memref_slice %arg14[%dma_start3A_1342, %dma_start3A_1343] : memref<10000x16xf32, #tpu.memory_space<vmem_shared>> -> memref<10000x16xf32, #tpu.memory_space<vmem_shared>>
            tpu.enqueue_indirect_dma source(%arg10 : memref<128x16xf32, #tpu.memory_space<vmem>>) target(%dma_start3A_1344 : memref<10000x16xf32, #tpu.memory_space<vmem_shared>>) offsets(%dma_start3A_1341 : memref<128xi32, #tpu.memory_space<vmem>>) semaphore(%run_scoped3A_1339 : memref<!tpu.dma_semaphore, #tpu.memory_space<semaphore_mem>>) {add = true}
            %dma_wait3A_1345 = arith.constant 0 : i32
            %dma_wait3A_1346 = tpu.memref_slice %arg7[%run_scoped3A_1338, %dma_wait3A_1345] : memref<4x128xi32, #tpu.memory_space<vmem>> -> memref<1x128xi32, #tpu.memory_space<vmem>>
            %dma_wait3A_1347 = tpu.memref_squeeze %dma_wait3A_1346 : memref<1x128xi32, #tpu.memory_space<vmem>> -> memref<128xi32, #tpu.memory_space<vmem>>
            %dma_wait3A_1348 = arith.constant 0 : i32
            %dma_wait3A_1349 = arith.constant 0 : i32
            %dma_wait3A_1350 = tpu.memref_slice %arg14[%dma_wait3A_1348, %dma_wait3A_1349] : memref<10000x16xf32, #tpu.memory_space<vmem_shared>> -> memref<10000x16xf32, #tpu.memory_space<vmem_shared>>
            tpu.wait_indirect_dma semaphore(%run_scoped3A_1339 : memref<!tpu.dma_semaphore, #tpu.memory_space<semaphore_mem>>) src(%arg10 : memref<128x16xf32, #tpu.memory_space<vmem>>) dst(%dma_wait3A_1350 : memref<10000x16xf32, #tpu.memory_space<vmem_shared>>)
            tpu.yield
          }) : () -> ()
        } else {
        }
      } else {
      }
    }
    %scan3A_1262 = arith.constant 20 : i32
    %barrier3A_1263 = arith.constant 0 : index
    tpu.barrier barrier_id(%barrier3A_1263)
    %lt3A_1264 = arith.constant 15 : i32
    %lt3A_1265 = arith.cmpi slt, %arg1, %lt3A_1264 : i32
    %convert_element_type3A_1266 = arith.extui %lt3A_1265 : i1 to i32
    %cond3A_1267 = arith.constant 0 : i32
    %cond3A_1268 = arith.cmpi ne, %convert_element_type3A_1266, %cond3A_1267 : i32
    scf.if %cond3A_1268 {
      %mul3A = arith.constant 624 : i32
      %mul3A_1283 = arith.muli %arg1, %mul3A : i32
      %mul3A_1284 = arith.constant 624 : i32
      %mul3A_1285 = arith.muli %arg1, %mul3A_1284 : i32
      %mul3A_1286 = arith.constant 64 : i32
      %mul3A_1287 = arith.muli %arg0, %mul3A_1286 : i32
      "tpu.region"() ({
        %run_scoped3A = tpu.sem_alloc : memref<!tpu.dma_semaphore, #tpu.memory_space<semaphore_mem>>
        %dma_start3A = tpu.memref_slice %arg4[%mul3A_1285, %mul3A_1287] : memref<10000x128xf32, #tpu.memory_space<hbm>> -> memref<624x64xf32, #tpu.memory_space<hbm>>
        %dma_start3A_1288 = arith.constant 0 : i32
        %dma_start3A_1289 = tpu.memref_slice %arg13[%mul3A_1283, %dma_start3A_1288] : memref<10000x64xf32, #tpu.memory_space<vmem_shared>> -> memref<624x64xf32, #tpu.memory_space<vmem_shared>>
        tpu.enqueue_dma source(%dma_start3A_1289 : memref<624x64xf32, #tpu.memory_space<vmem_shared>>) target(%dma_start3A : memref<624x64xf32, #tpu.memory_space<hbm>>) target_semaphore(%run_scoped3A : memref<!tpu.dma_semaphore, #tpu.memory_space<semaphore_mem>>)
        %dma_wait3A = tpu.memref_slice %arg4[%mul3A_1285, %mul3A_1287] : memref<10000x128xf32, #tpu.memory_space<hbm>> -> memref<624x64xf32, #tpu.memory_space<hbm>>
        %dma_wait3A_1290 = arith.constant 0 : i32
        %dma_wait3A_1291 = tpu.memref_slice %arg13[%mul3A_1283, %dma_wait3A_1290] : memref<10000x64xf32, #tpu.memory_space<vmem_shared>> -> memref<624x64xf32, #tpu.memory_space<vmem_shared>>
        tpu.wait_dma2 semaphore(%run_scoped3A : memref<!tpu.dma_semaphore, #tpu.memory_space<semaphore_mem>>) src(%dma_wait3A_1291 : memref<624x64xf32, #tpu.memory_space<vmem_shared>>) dst(%dma_wait3A : memref<624x64xf32, #tpu.memory_space<hbm>>)
        tpu.yield
      }) : () -> ()
    } else {
    }
    %eq3A = arith.constant 15 : i32
    %eq3A_1269 = arith.cmpi eq, %arg1, %eq3A : i32
    %convert_element_type3A_1270 = arith.extui %eq3A_1269 : i1 to i32
    %cond3A_1271 = arith.constant 0 : i32
    %cond3A_1272 = arith.cmpi ne, %convert_element_type3A_1270, %cond3A_1271 : i32
    scf.if %cond3A_1272 {
      %mul3A = arith.constant 64 : i32
      %mul3A_1283 = arith.muli %arg0, %mul3A : i32
      "tpu.region"() ({
        %run_scoped3A = tpu.sem_alloc : memref<!tpu.dma_semaphore, #tpu.memory_space<semaphore_mem>>
        %dma_start3A = arith.constant 9360 : i32
        %dma_start3A_1284 = tpu.memref_slice %arg4[%dma_start3A, %mul3A_1283] : memref<10000x128xf32, #tpu.memory_space<hbm>> -> memref<640x64xf32, #tpu.memory_space<hbm>>
        %dma_start3A_1285 = arith.constant 9360 : i32
        %dma_start3A_1286 = arith.constant 0 : i32
        %dma_start3A_1287 = tpu.memref_slice %arg13[%dma_start3A_1285, %dma_start3A_1286] : memref<10000x64xf32, #tpu.memory_space<vmem_shared>> -> memref<640x64xf32, #tpu.memory_space<vmem_shared>>
        tpu.enqueue_dma source(%dma_start3A_1287 : memref<640x64xf32, #tpu.memory_space<vmem_shared>>) target(%dma_start3A_1284 : memref<640x64xf32, #tpu.memory_space<hbm>>) target_semaphore(%run_scoped3A : memref<!tpu.dma_semaphore, #tpu.memory_space<semaphore_mem>>)
        %dma_wait3A = arith.constant 9360 : i32
        %dma_wait3A_1288 = tpu.memref_slice %arg4[%dma_wait3A, %mul3A_1283] : memref<10000x128xf32, #tpu.memory_space<hbm>> -> memref<640x64xf32, #tpu.memory_space<hbm>>
        %dma_wait3A_1289 = arith.constant 9360 : i32
        %dma_wait3A_1290 = arith.constant 0 : i32
        %dma_wait3A_1291 = tpu.memref_slice %arg13[%dma_wait3A_1289, %dma_wait3A_1290] : memref<10000x64xf32, #tpu.memory_space<vmem_shared>> -> memref<640x64xf32, #tpu.memory_space<vmem_shared>>
        tpu.wait_dma2 semaphore(%run_scoped3A : memref<!tpu.dma_semaphore, #tpu.memory_space<semaphore_mem>>) src(%dma_wait3A_1291 : memref<640x64xf32, #tpu.memory_space<vmem_shared>>) dst(%dma_wait3A_1288 : memref<640x64xf32, #tpu.memory_space<hbm>>)
        tpu.yield
      }) : () -> ()
    } else {
    }
    %lt3A_1273 = arith.constant 15 : i32
    %lt3A_1274 = arith.cmpi slt, %arg1, %lt3A_1273 : i32
    %convert_element_type3A_1275 = arith.extui %lt3A_1274 : i1 to i32
    %cond3A_1276 = arith.constant 0 : i32
    %cond3A_1277 = arith.cmpi ne, %convert_element_type3A_1275, %cond3A_1276 : i32
    scf.if %cond3A_1277 {
      %mul3A = arith.constant 624 : i32
      %mul3A_1283 = arith.muli %arg1, %mul3A : i32
      %mul3A_1284 = arith.constant 624 : i32
      %mul3A_1285 = arith.muli %arg1, %mul3A_1284 : i32
      "tpu.region"() ({
        %run_scoped3A = tpu.sem_alloc : memref<!tpu.dma_semaphore, #tpu.memory_space<semaphore_mem>>
        %dma_start3A = arith.constant 0 : i32
        %dma_start3A_1286 = tpu.memref_slice %arg5[%arg0, %mul3A_1285, %dma_start3A] : memref<2x10000x16xf32, #tpu.memory_space<hbm>> -> memref<1x624x16xf32, #tpu.memory_space<hbm>>
        %dma_start3A_1287 = tpu.memref_squeeze %dma_start3A_1286 : memref<1x624x16xf32, #tpu.memory_space<hbm>> -> memref<624x16xf32, #tpu.memory_space<hbm>>
        %dma_start3A_1288 = arith.constant 0 : i32
        %dma_start3A_1289 = tpu.memref_slice %arg14[%mul3A_1283, %dma_start3A_1288] : memref<10000x16xf32, #tpu.memory_space<vmem_shared>> -> memref<624x16xf32, #tpu.memory_space<vmem_shared>>
        tpu.enqueue_dma source(%dma_start3A_1289 : memref<624x16xf32, #tpu.memory_space<vmem_shared>>) target(%dma_start3A_1287 : memref<624x16xf32, #tpu.memory_space<hbm>>) target_semaphore(%run_scoped3A : memref<!tpu.dma_semaphore, #tpu.memory_space<semaphore_mem>>)
        %dma_wait3A = arith.constant 0 : i32
        %dma_wait3A_1290 = tpu.memref_slice %arg5[%arg0, %mul3A_1285, %dma_wait3A] : memref<2x10000x16xf32, #tpu.memory_space<hbm>> -> memref<1x624x16xf32, #tpu.memory_space<hbm>>
        %dma_wait3A_1291 = tpu.memref_squeeze %dma_wait3A_1290 : memref<1x624x16xf32, #tpu.memory_space<hbm>> -> memref<624x16xf32, #tpu.memory_space<hbm>>
        %dma_wait3A_1292 = arith.constant 0 : i32
        %dma_wait3A_1293 = tpu.memref_slice %arg14[%mul3A_1283, %dma_wait3A_1292] : memref<10000x16xf32, #tpu.memory_space<vmem_shared>> -> memref<624x16xf32, #tpu.memory_space<vmem_shared>>
        tpu.wait_dma2 semaphore(%run_scoped3A : memref<!tpu.dma_semaphore, #tpu.memory_space<semaphore_mem>>) src(%dma_wait3A_1293 : memref<624x16xf32, #tpu.memory_space<vmem_shared>>) dst(%dma_wait3A_1291 : memref<624x16xf32, #tpu.memory_space<hbm>>)
        tpu.yield
      }) : () -> ()
    } else {
    }
    %eq3A_1278 = arith.constant 15 : i32
    %eq3A_1279 = arith.cmpi eq, %arg1, %eq3A_1278 : i32
    %convert_element_type3A_1280 = arith.extui %eq3A_1279 : i1 to i32
    %cond3A_1281 = arith.constant 0 : i32
    %cond3A_1282 = arith.cmpi ne, %convert_element_type3A_1280, %cond3A_1281 : i32
    scf.if %cond3A_1282 {
      "tpu.region"() ({
        %run_scoped3A = tpu.sem_alloc : memref<!tpu.dma_semaphore, #tpu.memory_space<semaphore_mem>>
        %dma_start3A = arith.constant 9360 : i32
        %dma_start3A_1283 = arith.constant 0 : i32
        %dma_start3A_1284 = tpu.memref_slice %arg5[%arg0, %dma_start3A, %dma_start3A_1283] : memref<2x10000x16xf32, #tpu.memory_space<hbm>> -> memref<1x640x16xf32, #tpu.memory_space<hbm>>
        %dma_start3A_1285 = tpu.memref_squeeze %dma_start3A_1284 : memref<1x640x16xf32, #tpu.memory_space<hbm>> -> memref<640x16xf32, #tpu.memory_space<hbm>>
        %dma_start3A_1286 = arith.constant 9360 : i32
        %dma_start3A_1287 = arith.constant 0 : i32
        %dma_start3A_1288 = tpu.memref_slice %arg14[%dma_start3A_1286, %dma_start3A_1287] : memref<10000x16xf32, #tpu.memory_space<vmem_shared>> -> memref<640x16xf32, #tpu.memory_space<vmem_shared>>
        tpu.enqueue_dma source(%dma_start3A_1288 : memref<640x16xf32, #tpu.memory_space<vmem_shared>>) target(%dma_start3A_1285 : memref<640x16xf32, #tpu.memory_space<hbm>>) target_semaphore(%run_scoped3A : memref<!tpu.dma_semaphore, #tpu.memory_space<semaphore_mem>>)
        %dma_wait3A = arith.constant 9360 : i32
        %dma_wait3A_1289 = arith.constant 0 : i32
        %dma_wait3A_1290 = tpu.memref_slice %arg5[%arg0, %dma_wait3A, %dma_wait3A_1289] : memref<2x10000x16xf32, #tpu.memory_space<hbm>> -> memref<1x640x16xf32, #tpu.memory_space<hbm>>
        %dma_wait3A_1291 = tpu.memref_squeeze %dma_wait3A_1290 : memref<1x640x16xf32, #tpu.memory_space<hbm>> -> memref<640x16xf32, #tpu.memory_space<hbm>>
        %dma_wait3A_1292 = arith.constant 9360 : i32
        %dma_wait3A_1293 = arith.constant 0 : i32
        %dma_wait3A_1294 = tpu.memref_slice %arg14[%dma_wait3A_1292, %dma_wait3A_1293] : memref<10000x16xf32, #tpu.memory_space<vmem_shared>> -> memref<640x16xf32, #tpu.memory_space<vmem_shared>>
        tpu.wait_dma2 semaphore(%run_scoped3A : memref<!tpu.dma_semaphore, #tpu.memory_space<semaphore_mem>>) src(%dma_wait3A_1294 : memref<640x16xf32, #tpu.memory_space<vmem_shared>>) dst(%dma_wait3A_1291 : memref<640x16xf32, #tpu.memory_space<hbm>>)
        tpu.yield
      }) : () -> ()
    } else {
    }
    return
  }
}

module attributes {stable_mosaic.version = 14 : i64} {
  func.func @body(%arg0: i32, %arg1: memref<1000x128xf32, #tpu.memory_space<vmem>>, %arg2: memref<128x16xf32, #tpu.memory_space<vmem>>, %arg3: memref<128x16xf32, #tpu.memory_space<vmem>>, %arg4: memref<1000x16xf32, #tpu.memory_space<vmem>>, %arg5: memref<1000x16xf32, #tpu.memory_space<vmem>>) attributes {dimension_semantics = [#tpu.dimension_semantics<arbitrary>], iteration_bounds = array<i64: 10>, scalar_prefetch = 0 : i64, scratch_operands = 0 : i64, tpu.core_type = #tpu.core_type<tc>, window_params = [{transform_indices = @transform_0, window_bounds = array<i64: 1000, 128>}, {pipeline_mode = #tpu.pipeline_mode<synchronous>, transform_indices = @transform_1, window_bounds = array<i64: 128, 16>}, {pipeline_mode = #tpu.pipeline_mode<synchronous>, transform_indices = @transform_2, window_bounds = array<i64: 128, 16>}, {transform_indices = @transform_3, window_bounds = array<i64: 1000, 16>}, {transform_indices = @transform_4, window_bounds = array<i64: 1000, 16>}]} {
    %get3A = arith.constant 0 : index
    %get3A_0 = arith.constant 0 : index
    %get3A_1 = vector.load %arg1[%get3A, %get3A_0] : memref<1000x128xf32, #tpu.memory_space<vmem>>, vector<1000x128xf32>
    %get3A_2 = arith.constant 0 : index
    %get3A_3 = arith.constant 0 : index
    %get3A_4 = vector.load %arg2[%get3A_2, %get3A_3] : memref<128x16xf32, #tpu.memory_space<vmem>>, vector<128x16xf32>
    %dot_general3A = arith.constant dense<0.000000e+00> : vector<1000x16xf32>
    %dot_general3A_5 = tpu.matmul %get3A_1, %get3A_4, %dot_general3A {dimension_numbers = #tpu.dot_dimension_numbers<[1], [0], [0], [1], [0, 0, 1, 1], [], []>, transpose_lhs_hint = false} : vector<1000x128xf32>, vector<128x16xf32>, vector<1000x16xf32> -> vector<1000x16xf32>
    %swap3A = arith.constant 0 : index
    %swap3A_6 = arith.constant 0 : index
    %swap3A_7 = vector.load %arg4[%swap3A, %swap3A_6] : memref<1000x16xf32, #tpu.memory_space<vmem>>, vector<1000x16xf32>
    tpu.vector_store %arg4[%swap3A, %swap3A_6], %dot_general3A_5 {strides = array<i32>} : memref<1000x16xf32, #tpu.memory_space<vmem>>, vector<1000x16xf32>,
    %get3A_8 = arith.constant 0 : index
    %get3A_9 = arith.constant 0 : index
    %get3A_10 = vector.load %arg3[%get3A_8, %get3A_9] : memref<128x16xf32, #tpu.memory_space<vmem>>, vector<128x16xf32>
    %dot_general3A_11 = arith.constant dense<0.000000e+00> : vector<1000x16xf32>
    %dot_general3A_12 = tpu.matmul %get3A_1, %get3A_10, %dot_general3A_11 {dimension_numbers = #tpu.dot_dimension_numbers<[1], [0], [0], [1], [0, 0, 1, 1], [], []>, transpose_lhs_hint = false} : vector<1000x128xf32>, vector<128x16xf32>, vector<1000x16xf32> -> vector<1000x16xf32>
    %swap3A_13 = arith.constant 0 : index
    %swap3A_14 = arith.constant 0 : index
    %swap3A_15 = vector.load %arg5[%swap3A_13, %swap3A_14] : memref<1000x16xf32, #tpu.memory_space<vmem>>, vector<1000x16xf32>
    tpu.vector_store %arg5[%swap3A_13, %swap3A_14], %dot_general3A_12 {strides = array<i32>} : memref<1000x16xf32, #tpu.memory_space<vmem>>, vector<1000x16xf32>,
    return
  }
  func.func @transform_0(%arg0: i32) -> (i32, i32) {
    %c0_i32 = arith.constant 0 : i32
    %c0_i32_0 = arith.constant 0 : i32
    return %arg0, %c0_i32 : i32, i32
  }
  func.func @transform_1(%arg0: i32) -> (i32, i32) {
    %c0_i32 = arith.constant 0 : i32
    %c0_i32_0 = arith.constant 0 : i32
    %c0_i32_1 = arith.constant 0 : i32
    return %c0_i32, %c0_i32_0 : i32, i32
  }
  func.func @transform_2(%arg0: i32) -> (i32, i32) {
    %c0_i32 = arith.constant 0 : i32
    %c0_i32_0 = arith.constant 0 : i32
    %c0_i32_1 = arith.constant 0 : i32
    return %c0_i32, %c0_i32_0 : i32, i32
  }
  func.func @transform_3(%arg0: i32) -> (i32, i32) {
    %c0_i32 = arith.constant 0 : i32
    %c0_i32_0 = arith.constant 0 : i32
    return %arg0, %c0_i32 : i32, i32
  }
  func.func @transform_4(%arg0: i32) -> (i32, i32) {
    %c0_i32 = arith.constant 0 : i32
    %c0_i32_0 = arith.constant 0 : i32
    return %arg0, %c0_i32 : i32, i32
  }
}

module attributes {stable_mosaic.version = 14 : i64} {
  func.func @body(%arg0: i32, %arg1: memref<2000x128xf32, #tpu.memory_space<vmem>>, %arg2: memref<2000x128xf32, #tpu.memory_space<vmem>>, %arg3: memref<128x128xf32, #tpu.memory_space<vmem>>, %arg4: memref<1x128xf32, #tpu.memory_space<vmem>>, %arg5: memref<128x128xf32, #tpu.memory_space<vmem>>, %arg6: memref<1x128xf32, #tpu.memory_space<vmem>>, %arg7: memref<128x1024xf32, #tpu.memory_space<vmem>>, %arg8: memref<1x1024xf32, #tpu.memory_space<vmem>>, %arg9: memref<2000x8x128xf32, #tpu.memory_space<vmem>>) attributes {dimension_semantics = [#tpu.dimension_semantics<arbitrary>], iteration_bounds = array<i64: 20>, scalar_prefetch = 0 : i64, scratch_operands = 0 : i64, tpu.core_type = #tpu.core_type<tc>, window_params = [{transform_indices = @transform_0, window_bounds = array<i64: 2000, 128>}, {transform_indices = @transform_1, window_bounds = array<i64: 2000, 128>}, {pipeline_mode = #tpu.pipeline_mode<synchronous>, transform_indices = @transform_2, window_bounds = array<i64: 128, 128>}, {pipeline_mode = #tpu.pipeline_mode<synchronous>, transform_indices = @transform_3, window_bounds = array<i64: 1, 128>}, {pipeline_mode = #tpu.pipeline_mode<synchronous>, transform_indices = @transform_4, window_bounds = array<i64: 128, 128>}, {pipeline_mode = #tpu.pipeline_mode<synchronous>, transform_indices = @transform_5, window_bounds = array<i64: 1, 128>}, {pipeline_mode = #tpu.pipeline_mode<synchronous>, transform_indices = @transform_6, window_bounds = array<i64: 128, 1024>}, {pipeline_mode = #tpu.pipeline_mode<synchronous>, transform_indices = @transform_7, window_bounds = array<i64: 1, 1024>}, {transform_indices = @transform_8, window_bounds = array<i64: 2000, 8, 128>}]} {
    %get3A = arith.constant 0 : index
    %get3A_0 = arith.constant 0 : index
    %get3A_1 = vector.load %arg1[%get3A, %get3A_0] : memref<2000x128xf32, #tpu.memory_space<vmem>>, vector<2000x128xf32>
    %get3A_2 = arith.constant 0 : index
    %get3A_3 = arith.constant 0 : index
    %get3A_4 = vector.load %arg3[%get3A_2, %get3A_3] : memref<128x128xf32, #tpu.memory_space<vmem>>, vector<128x128xf32>
    %dot_general3A = arith.constant dense<0.000000e+00> : vector<2000x128xf32>
    %dot_general3A_5 = tpu.matmul %get3A_1, %get3A_4, %dot_general3A {dimension_numbers = #tpu.dot_dimension_numbers<[1], [0], [0], [1], [0, 0, 1, 1], [], []>, transpose_lhs_hint = false} : vector<2000x128xf32>, vector<128x128xf32>, vector<2000x128xf32> -> vector<2000x128xf32>
    %get3A_6 = arith.constant 0 : index
    %get3A_7 = arith.constant 0 : index
    %get3A_8 = vector.load %arg4[%get3A_6, %get3A_7] : memref<1x128xf32, #tpu.memory_space<vmem>>, vector<1x128xf32>
    %add3A = vector.broadcast %get3A_8 : vector<1x128xf32> to vector<2000x128xf32>
    %add3A_9 = arith.addf %dot_general3A_5, %add3A : vector<2000x128xf32>
    %get3A_10 = arith.constant 0 : index
    %get3A_11 = arith.constant 0 : index
    %get3A_12 = vector.load %arg2[%get3A_10, %get3A_11] : memref<2000x128xf32, #tpu.memory_space<vmem>>, vector<2000x128xf32>
    %add3A_13 = arith.addf %add3A_9, %get3A_12 : vector<2000x128xf32>
    %max3A = arith.constant 0.000000e+00 : f32
    %max3A_14 = vector.broadcast %max3A : f32 to vector<2000x128xf32>
    %max3A_15 = arith.maximumf %add3A_13, %max3A_14 : vector<2000x128xf32>
    %get3A_16 = arith.constant 0 : index
    %get3A_17 = arith.constant 0 : index
    %get3A_18 = vector.load %arg5[%get3A_16, %get3A_17] : memref<128x128xf32, #tpu.memory_space<vmem>>, vector<128x128xf32>
    %dot_general3A_19 = arith.constant dense<0.000000e+00> : vector<2000x128xf32>
    %dot_general3A_20 = tpu.matmul %max3A_15, %get3A_18, %dot_general3A_19 {dimension_numbers = #tpu.dot_dimension_numbers<[1], [0], [0], [1], [0, 0, 1, 1], [], []>, transpose_lhs_hint = false} : vector<2000x128xf32>, vector<128x128xf32>, vector<2000x128xf32> -> vector<2000x128xf32>
    %get3A_21 = arith.constant 0 : index
    %get3A_22 = arith.constant 0 : index
    %get3A_23 = vector.load %arg6[%get3A_21, %get3A_22] : memref<1x128xf32, #tpu.memory_space<vmem>>, vector<1x128xf32>
    %add3A_24 = vector.broadcast %get3A_23 : vector<1x128xf32> to vector<2000x128xf32>
    %add3A_25 = arith.addf %dot_general3A_20, %add3A_24 : vector<2000x128xf32>
    %max3A_26 = arith.constant 0.000000e+00 : f32
    %max3A_27 = vector.broadcast %max3A_26 : f32 to vector<2000x128xf32>
    %max3A_28 = arith.maximumf %add3A_25, %max3A_27 : vector<2000x128xf32>
    %get3A_29 = arith.constant 0 : index
    %get3A_30 = arith.constant 0 : index
    %get3A_31 = vector.load %arg7[%get3A_29, %get3A_30] : memref<128x1024xf32, #tpu.memory_space<vmem>>, vector<128x1024xf32>
    %dot_general3A_32 = arith.constant dense<0.000000e+00> : vector<2000x1024xf32>
    %dot_general3A_33 = tpu.matmul %max3A_28, %get3A_31, %dot_general3A_32 {dimension_numbers = #tpu.dot_dimension_numbers<[1], [0], [0], [1], [0, 0, 1, 1], [], []>, transpose_lhs_hint = false} : vector<2000x128xf32>, vector<128x1024xf32>, vector<2000x1024xf32> -> vector<2000x1024xf32>
    %get3A_34 = arith.constant 0 : index
    %get3A_35 = arith.constant 0 : index
    %get3A_36 = vector.load %arg8[%get3A_34, %get3A_35] : memref<1x1024xf32, #tpu.memory_space<vmem>>, vector<1x1024xf32>
    %add3A_37 = vector.broadcast %get3A_36 : vector<1x1024xf32> to vector<2000x1024xf32>
    %add3A_38 = arith.addf %dot_general3A_33, %add3A_37 : vector<2000x1024xf32>
    %logistic3A = arith.negf %add3A_38 : vector<2000x1024xf32>
    %logistic3A_39 = math.exp %logistic3A : vector<2000x1024xf32>
    %logistic3A_40 = arith.constant 1.000000e+00 : f32
    %logistic3A_41 = vector.broadcast %logistic3A_40 : f32 to vector<2000x1024xf32>
    %logistic3A_42 = arith.addf %logistic3A_41, %logistic3A_39 : vector<2000x1024xf32>
    %logistic3A_43 = arith.divf %logistic3A_41, %logistic3A_42 : vector<2000x1024xf32>
    %slice3A = vector.extract_strided_slice %logistic3A_43 {offsets = [0, 0], sizes = [2000, 128], strides = [1, 1]} : vector<2000x1024xf32> to vector<2000x128xf32>
    %swap3A = arith.constant 0 : index
    %swap3A_44 = arith.constant 0 : index
    %swap3A_45 = arith.constant 0 : index
    %swap3A_46 = vector.load %arg9[%swap3A, %swap3A_44, %swap3A_45] : memref<2000x8x128xf32, #tpu.memory_space<vmem>>, vector<2000x1x128xf32>
    %swap3A_47 = vector.shape_cast %swap3A_46 : vector<2000x1x128xf32> to vector<2000x128xf32>
    %swap3A_48 = vector.shape_cast %slice3A : vector<2000x128xf32> to vector<2000x1x128xf32>
    tpu.vector_store %arg9[%swap3A, %swap3A_44, %swap3A_45], %swap3A_48 {strides = array<i32>} : memref<2000x8x128xf32, #tpu.memory_space<vmem>>, vector<2000x1x128xf32>,
    %slice3A_49 = vector.extract_strided_slice %logistic3A_43 {offsets = [0, 128], sizes = [2000, 128], strides = [1, 1]} : vector<2000x1024xf32> to vector<2000x128xf32>
    %swap3A_50 = arith.constant 0 : index
    %swap3A_51 = arith.constant 1 : index
    %swap3A_52 = arith.constant 0 : index
    %swap3A_53 = vector.load %arg9[%swap3A_50, %swap3A_51, %swap3A_52] : memref<2000x8x128xf32, #tpu.memory_space<vmem>>, vector<2000x1x128xf32>
    %swap3A_54 = vector.shape_cast %swap3A_53 : vector<2000x1x128xf32> to vector<2000x128xf32>
    %swap3A_55 = vector.shape_cast %slice3A_49 : vector<2000x128xf32> to vector<2000x1x128xf32>
    tpu.vector_store %arg9[%swap3A_50, %swap3A_51, %swap3A_52], %swap3A_55 {strides = array<i32>} : memref<2000x8x128xf32, #tpu.memory_space<vmem>>, vector<2000x1x128xf32>,
    %slice3A_56 = vector.extract_strided_slice %logistic3A_43 {offsets = [0, 256], sizes = [2000, 128], strides = [1, 1]} : vector<2000x1024xf32> to vector<2000x128xf32>
    %swap3A_57 = arith.constant 0 : index
    %swap3A_58 = arith.constant 2 : index
    %swap3A_59 = arith.constant 0 : index
    %swap3A_60 = vector.load %arg9[%swap3A_57, %swap3A_58, %swap3A_59] : memref<2000x8x128xf32, #tpu.memory_space<vmem>>, vector<2000x1x128xf32>
    %swap3A_61 = vector.shape_cast %swap3A_60 : vector<2000x1x128xf32> to vector<2000x128xf32>
    %swap3A_62 = vector.shape_cast %slice3A_56 : vector<2000x128xf32> to vector<2000x1x128xf32>
    tpu.vector_store %arg9[%swap3A_57, %swap3A_58, %swap3A_59], %swap3A_62 {strides = array<i32>} : memref<2000x8x128xf32, #tpu.memory_space<vmem>>, vector<2000x1x128xf32>,
    %slice3A_63 = vector.extract_strided_slice %logistic3A_43 {offsets = [0, 384], sizes = [2000, 128], strides = [1, 1]} : vector<2000x1024xf32> to vector<2000x128xf32>
    %swap3A_64 = arith.constant 0 : index
    %swap3A_65 = arith.constant 3 : index
    %swap3A_66 = arith.constant 0 : index
    %swap3A_67 = vector.load %arg9[%swap3A_64, %swap3A_65, %swap3A_66] : memref<2000x8x128xf32, #tpu.memory_space<vmem>>, vector<2000x1x128xf32>
    %swap3A_68 = vector.shape_cast %swap3A_67 : vector<2000x1x128xf32> to vector<2000x128xf32>
    %swap3A_69 = vector.shape_cast %slice3A_63 : vector<2000x128xf32> to vector<2000x1x128xf32>
    tpu.vector_store %arg9[%swap3A_64, %swap3A_65, %swap3A_66], %swap3A_69 {strides = array<i32>} : memref<2000x8x128xf32, #tpu.memory_space<vmem>>, vector<2000x1x128xf32>,
    %slice3A_70 = vector.extract_strided_slice %logistic3A_43 {offsets = [0, 512], sizes = [2000, 128], strides = [1, 1]} : vector<2000x1024xf32> to vector<2000x128xf32>
    %swap3A_71 = arith.constant 0 : index
    %swap3A_72 = arith.constant 4 : index
    %swap3A_73 = arith.constant 0 : index
    %swap3A_74 = vector.load %arg9[%swap3A_71, %swap3A_72, %swap3A_73] : memref<2000x8x128xf32, #tpu.memory_space<vmem>>, vector<2000x1x128xf32>
    %swap3A_75 = vector.shape_cast %swap3A_74 : vector<2000x1x128xf32> to vector<2000x128xf32>
    %swap3A_76 = vector.shape_cast %slice3A_70 : vector<2000x128xf32> to vector<2000x1x128xf32>
    tpu.vector_store %arg9[%swap3A_71, %swap3A_72, %swap3A_73], %swap3A_76 {strides = array<i32>} : memref<2000x8x128xf32, #tpu.memory_space<vmem>>, vector<2000x1x128xf32>,
    %slice3A_77 = vector.extract_strided_slice %logistic3A_43 {offsets = [0, 640], sizes = [2000, 128], strides = [1, 1]} : vector<2000x1024xf32> to vector<2000x128xf32>
    %swap3A_78 = arith.constant 0 : index
    %swap3A_79 = arith.constant 5 : index
    %swap3A_80 = arith.constant 0 : index
    %swap3A_81 = vector.load %arg9[%swap3A_78, %swap3A_79, %swap3A_80] : memref<2000x8x128xf32, #tpu.memory_space<vmem>>, vector<2000x1x128xf32>
    %swap3A_82 = vector.shape_cast %swap3A_81 : vector<2000x1x128xf32> to vector<2000x128xf32>
    %swap3A_83 = vector.shape_cast %slice3A_77 : vector<2000x128xf32> to vector<2000x1x128xf32>
    tpu.vector_store %arg9[%swap3A_78, %swap3A_79, %swap3A_80], %swap3A_83 {strides = array<i32>} : memref<2000x8x128xf32, #tpu.memory_space<vmem>>, vector<2000x1x128xf32>,
    %slice3A_84 = vector.extract_strided_slice %logistic3A_43 {offsets = [0, 768], sizes = [2000, 128], strides = [1, 1]} : vector<2000x1024xf32> to vector<2000x128xf32>
    %swap3A_85 = arith.constant 0 : index
    %swap3A_86 = arith.constant 6 : index
    %swap3A_87 = arith.constant 0 : index
    %swap3A_88 = vector.load %arg9[%swap3A_85, %swap3A_86, %swap3A_87] : memref<2000x8x128xf32, #tpu.memory_space<vmem>>, vector<2000x1x128xf32>
    %swap3A_89 = vector.shape_cast %swap3A_88 : vector<2000x1x128xf32> to vector<2000x128xf32>
    %swap3A_90 = vector.shape_cast %slice3A_84 : vector<2000x128xf32> to vector<2000x1x128xf32>
    tpu.vector_store %arg9[%swap3A_85, %swap3A_86, %swap3A_87], %swap3A_90 {strides = array<i32>} : memref<2000x8x128xf32, #tpu.memory_space<vmem>>, vector<2000x1x128xf32>,
    %slice3A_91 = vector.extract_strided_slice %logistic3A_43 {offsets = [0, 896], sizes = [2000, 128], strides = [1, 1]} : vector<2000x1024xf32> to vector<2000x128xf32>
    %swap3A_92 = arith.constant 0 : index
    %swap3A_93 = arith.constant 7 : index
    %swap3A_94 = arith.constant 0 : index
    %swap3A_95 = vector.load %arg9[%swap3A_92, %swap3A_93, %swap3A_94] : memref<2000x8x128xf32, #tpu.memory_space<vmem>>, vector<2000x1x128xf32>
    %swap3A_96 = vector.shape_cast %swap3A_95 : vector<2000x1x128xf32> to vector<2000x128xf32>
    %swap3A_97 = vector.shape_cast %slice3A_91 : vector<2000x128xf32> to vector<2000x1x128xf32>
    tpu.vector_store %arg9[%swap3A_92, %swap3A_93, %swap3A_94], %swap3A_97 {strides = array<i32>} : memref<2000x8x128xf32, #tpu.memory_space<vmem>>, vector<2000x1x128xf32>,
    return
  }
  func.func @transform_0(%arg0: i32) -> (i32, i32) {
    %c0_i32 = arith.constant 0 : i32
    %c0_i32_0 = arith.constant 0 : i32
    return %arg0, %c0_i32 : i32, i32
  }
  func.func @transform_1(%arg0: i32) -> (i32, i32) {
    %c0_i32 = arith.constant 0 : i32
    %c0_i32_0 = arith.constant 0 : i32
    return %arg0, %c0_i32 : i32, i32
  }
  func.func @transform_2(%arg0: i32) -> (i32, i32) {
    %c0_i32 = arith.constant 0 : i32
    %c0_i32_0 = arith.constant 0 : i32
    %c0_i32_1 = arith.constant 0 : i32
    return %c0_i32, %c0_i32_0 : i32, i32
  }
  func.func @transform_3(%arg0: i32) -> (i32, i32) {
    %c0_i32 = arith.constant 0 : i32
    %c0_i32_0 = arith.constant 0 : i32
    %c0_i32_1 = arith.constant 0 : i32
    return %c0_i32, %c0_i32_0 : i32, i32
  }
  func.func @transform_4(%arg0: i32) -> (i32, i32) {
    %c0_i32 = arith.constant 0 : i32
    %c0_i32_0 = arith.constant 0 : i32
    %c0_i32_1 = arith.constant 0 : i32
    return %c0_i32, %c0_i32_0 : i32, i32
  }
  func.func @transform_5(%arg0: i32) -> (i32, i32) {
    %c0_i32 = arith.constant 0 : i32
    %c0_i32_0 = arith.constant 0 : i32
    %c0_i32_1 = arith.constant 0 : i32
    return %c0_i32, %c0_i32_0 : i32, i32
  }
  func.func @transform_6(%arg0: i32) -> (i32, i32) {
    %c0_i32 = arith.constant 0 : i32
    %c0_i32_0 = arith.constant 0 : i32
    %c0_i32_1 = arith.constant 0 : i32
    return %c0_i32, %c0_i32_0 : i32, i32
  }
  func.func @transform_7(%arg0: i32) -> (i32, i32) {
    %c0_i32 = arith.constant 0 : i32
    %c0_i32_0 = arith.constant 0 : i32
    %c0_i32_1 = arith.constant 0 : i32
    return %c0_i32, %c0_i32_0 : i32, i32
  }
  func.func @transform_8(%arg0: i32) -> (i32, i32, i32) {
    %c0_i32 = arith.constant 0 : i32
    %c0_i32_0 = arith.constant 0 : i32
    %c0_i32_1 = arith.constant 0 : i32
    return %arg0, %c0_i32, %c0_i32_0 : i32, i32, i32
  }
}

module attributes {stable_mosaic.version = 14 : i64} {
  func.func @body(%arg0: i32, %arg1: memref<1000x128xf32, #tpu.memory_space<vmem>>, %arg2: memref<2x1000x16xf32, #tpu.memory_space<vmem>>, %arg3: memref<1000x128xf32, #tpu.memory_space<vmem>>, %arg4: memref<128x16xf32, #tpu.memory_space<vmem>>, %arg5: memref<128x16xf32, #tpu.memory_space<vmem>>, %arg6: memref<1x16xf32, #tpu.memory_space<vmem>>, %arg7: memref<16x16xf32, #tpu.memory_space<vmem>>, %arg8: memref<1x16xf32, #tpu.memory_space<vmem>>, %arg9: memref<16x128xf32, #tpu.memory_space<vmem>>, %arg10: memref<1x128xf32, #tpu.memory_space<vmem>>, %arg11: memref<1000x128xf32, #tpu.memory_space<vmem>>) attributes {dimension_semantics = [#tpu.dimension_semantics<arbitrary>], iteration_bounds = array<i64: 10>, scalar_prefetch = 0 : i64, scratch_operands = 0 : i64, tpu.core_type = #tpu.core_type<tc>, window_params = [{transform_indices = @transform_0, window_bounds = array<i64: 1000, 128>}, {transform_indices = @transform_1, window_bounds = array<i64: 2, 1000, 16>}, {transform_indices = @transform_2, window_bounds = array<i64: 1000, 128>}, {pipeline_mode = #tpu.pipeline_mode<synchronous>, transform_indices = @transform_3, window_bounds = array<i64: 128, 16>}, {pipeline_mode = #tpu.pipeline_mode<synchronous>, transform_indices = @transform_4, window_bounds = array<i64: 128, 16>}, {pipeline_mode = #tpu.pipeline_mode<synchronous>, transform_indices = @transform_5, window_bounds = array<i64: 1, 16>}, {pipeline_mode = #tpu.pipeline_mode<synchronous>, transform_indices = @transform_6, window_bounds = array<i64: 16, 16>}, {pipeline_mode = #tpu.pipeline_mode<synchronous>, transform_indices = @transform_7, window_bounds = array<i64: 1, 16>}, {pipeline_mode = #tpu.pipeline_mode<synchronous>, transform_indices = @transform_8, window_bounds = array<i64: 16, 128>}, {pipeline_mode = #tpu.pipeline_mode<synchronous>, transform_indices = @transform_9, window_bounds = array<i64: 1, 128>}, {transform_indices = @transform_10, window_bounds = array<i64: 1000, 128>}]} {
    %get3A = arith.constant 0 : index
    %get3A_0 = arith.constant 0 : index
    %get3A_1 = vector.load %arg1[%get3A, %get3A_0] : memref<1000x128xf32, #tpu.memory_space<vmem>>, vector<1000x128xf32>
    %get3A_2 = arith.constant 0 : index
    %get3A_3 = arith.constant 0 : index
    %get3A_4 = arith.constant 0 : index
    %get3A_5 = vector.load %arg2[%get3A_2, %get3A_3, %get3A_4] : memref<2x1000x16xf32, #tpu.memory_space<vmem>>, vector<1x1000x16xf32>
    %get3A_6 = vector.shape_cast %get3A_5 : vector<1x1000x16xf32> to vector<1000x16xf32>
    %get3A_7 = arith.constant 1 : index
    %get3A_8 = arith.constant 0 : index
    %get3A_9 = arith.constant 0 : index
    %get3A_10 = vector.load %arg2[%get3A_7, %get3A_8, %get3A_9] : memref<2x1000x16xf32, #tpu.memory_space<vmem>>, vector<1x1000x16xf32>
    %get3A_11 = vector.shape_cast %get3A_10 : vector<1x1000x16xf32> to vector<1000x16xf32>
    %add3A = arith.addf %get3A_6, %get3A_11 : vector<1000x16xf32>
    %slice3A = vector.extract_strided_slice %add3A {offsets = [0, 0], sizes = [1000, 1], strides = [1, 1]} : vector<1000x16xf32> to vector<1000x1xf32>
    %max3A = arith.constant 1.000000e+00 : f32
    %max3A_12 = vector.broadcast %max3A : f32 to vector<1000x1xf32>
    %max3A_13 = arith.maximumf %slice3A, %max3A_12 : vector<1000x1xf32>
    %div3A = vector.broadcast %max3A_13 : vector<1000x1xf32> to vector<1000x128xf32>
    %div3A_14 = arith.divf %get3A_1, %div3A : vector<1000x128xf32>
    %get3A_15 = arith.constant 0 : index
    %get3A_16 = arith.constant 0 : index
    %get3A_17 = vector.load %arg3[%get3A_15, %get3A_16] : memref<1000x128xf32, #tpu.memory_space<vmem>>, vector<1000x128xf32>
    %get3A_18 = arith.constant 0 : index
    %get3A_19 = arith.constant 0 : index
    %get3A_20 = vector.load %arg4[%get3A_18, %get3A_19] : memref<128x16xf32, #tpu.memory_space<vmem>>, vector<128x16xf32>
    %dot_general3A = arith.constant dense<0.000000e+00> : vector<1000x16xf32>
    %dot_general3A_21 = tpu.matmul %get3A_17, %get3A_20, %dot_general3A {dimension_numbers = #tpu.dot_dimension_numbers<[1], [0], [0], [1], [0, 0, 1, 1], [], []>, transpose_lhs_hint = false} : vector<1000x128xf32>, vector<128x16xf32>, vector<1000x16xf32> -> vector<1000x16xf32>
    %get3A_22 = arith.constant 0 : index
    %get3A_23 = arith.constant 0 : index
    %get3A_24 = vector.load %arg5[%get3A_22, %get3A_23] : memref<128x16xf32, #tpu.memory_space<vmem>>, vector<128x16xf32>
    %dot_general3A_25 = arith.constant dense<0.000000e+00> : vector<1000x16xf32>
    %dot_general3A_26 = tpu.matmul %div3A_14, %get3A_24, %dot_general3A_25 {dimension_numbers = #tpu.dot_dimension_numbers<[1], [0], [0], [1], [0, 0, 1, 1], [], []>, transpose_lhs_hint = false} : vector<1000x128xf32>, vector<128x16xf32>, vector<1000x16xf32> -> vector<1000x16xf32>
    %add3A_27 = arith.addf %dot_general3A_21, %dot_general3A_26 : vector<1000x16xf32>
    %get3A_28 = arith.constant 0 : index
    %get3A_29 = arith.constant 0 : index
    %get3A_30 = vector.load %arg6[%get3A_28, %get3A_29] : memref<1x16xf32, #tpu.memory_space<vmem>>, vector<1x16xf32>
    %add3A_31 = vector.broadcast %get3A_30 : vector<1x16xf32> to vector<1000x16xf32>
    %add3A_32 = arith.addf %add3A_27, %add3A_31 : vector<1000x16xf32>
    %max3A_33 = arith.constant 0.000000e+00 : f32
    %max3A_34 = vector.broadcast %max3A_33 : f32 to vector<1000x16xf32>
    %max3A_35 = arith.maximumf %add3A_32, %max3A_34 : vector<1000x16xf32>
    %get3A_36 = arith.constant 0 : index
    %get3A_37 = arith.constant 0 : index
    %get3A_38 = vector.load %arg7[%get3A_36, %get3A_37] : memref<16x16xf32, #tpu.memory_space<vmem>>, vector<16x16xf32>
    %dot_general3A_39 = arith.constant dense<0.000000e+00> : vector<1000x16xf32>
    %dot_general3A_40 = tpu.matmul %max3A_35, %get3A_38, %dot_general3A_39 {dimension_numbers = #tpu.dot_dimension_numbers<[1], [0], [0], [1], [0, 0, 1, 1], [], []>, transpose_lhs_hint = false} : vector<1000x16xf32>, vector<16x16xf32>, vector<1000x16xf32> -> vector<1000x16xf32>
    %get3A_41 = arith.constant 0 : index
    %get3A_42 = arith.constant 0 : index
    %get3A_43 = vector.load %arg8[%get3A_41, %get3A_42] : memref<1x16xf32, #tpu.memory_space<vmem>>, vector<1x16xf32>
    %add3A_44 = vector.broadcast %get3A_43 : vector<1x16xf32> to vector<1000x16xf32>
    %add3A_45 = arith.addf %dot_general3A_40, %add3A_44 : vector<1000x16xf32>
    %max3A_46 = arith.constant 0.000000e+00 : f32
    %max3A_47 = vector.broadcast %max3A_46 : f32 to vector<1000x16xf32>
    %max3A_48 = arith.maximumf %add3A_45, %max3A_47 : vector<1000x16xf32>
    %get3A_49 = arith.constant 0 : index
    %get3A_50 = arith.constant 0 : index
    %get3A_51 = vector.load %arg9[%get3A_49, %get3A_50] : memref<16x128xf32, #tpu.memory_space<vmem>>, vector<16x128xf32>
    %dot_general3A_52 = arith.constant dense<0.000000e+00> : vector<1000x128xf32>
    %dot_general3A_53 = tpu.matmul %max3A_48, %get3A_51, %dot_general3A_52 {dimension_numbers = #tpu.dot_dimension_numbers<[1], [0], [0], [1], [0, 0, 1, 1], [], []>, transpose_lhs_hint = false} : vector<1000x16xf32>, vector<16x128xf32>, vector<1000x128xf32> -> vector<1000x128xf32>
    %get3A_54 = arith.constant 0 : index
    %get3A_55 = arith.constant 0 : index
    %get3A_56 = vector.load %arg10[%get3A_54, %get3A_55] : memref<1x128xf32, #tpu.memory_space<vmem>>, vector<1x128xf32>
    %add3A_57 = vector.broadcast %get3A_56 : vector<1x128xf32> to vector<1000x128xf32>
    %add3A_58 = arith.addf %dot_general3A_53, %add3A_57 : vector<1000x128xf32>
    %logistic3A = arith.negf %add3A_58 : vector<1000x128xf32>
    %logistic3A_59 = math.exp %logistic3A : vector<1000x128xf32>
    %logistic3A_60 = arith.constant 1.000000e+00 : f32
    %logistic3A_61 = vector.broadcast %logistic3A_60 : f32 to vector<1000x128xf32>
    %logistic3A_62 = arith.addf %logistic3A_61, %logistic3A_59 : vector<1000x128xf32>
    %logistic3A_63 = arith.divf %logistic3A_61, %logistic3A_62 : vector<1000x128xf32>
    %swap3A = arith.constant 0 : index
    %swap3A_64 = arith.constant 0 : index
    %swap3A_65 = vector.load %arg11[%swap3A, %swap3A_64] : memref<1000x128xf32, #tpu.memory_space<vmem>>, vector<1000x128xf32>
    tpu.vector_store %arg11[%swap3A, %swap3A_64], %logistic3A_63 {strides = array<i32>} : memref<1000x128xf32, #tpu.memory_space<vmem>>, vector<1000x128xf32>,
    return
  }
  func.func @transform_0(%arg0: i32) -> (i32, i32) {
    %c0_i32 = arith.constant 0 : i32
    %c0_i32_0 = arith.constant 0 : i32
    return %arg0, %c0_i32 : i32, i32
  }
  func.func @transform_1(%arg0: i32) -> (i32, i32, i32) {
    %c0_i32 = arith.constant 0 : i32
    %c0_i32_0 = arith.constant 0 : i32
    %c0_i32_1 = arith.constant 0 : i32
    return %c0_i32, %arg0, %c0_i32_0 : i32, i32, i32
  }
  func.func @transform_2(%arg0: i32) -> (i32, i32) {
    %c0_i32 = arith.constant 0 : i32
    %c0_i32_0 = arith.constant 0 : i32
    return %arg0, %c0_i32 : i32, i32
  }
  func.func @transform_3(%arg0: i32) -> (i32, i32) {
    %c0_i32 = arith.constant 0 : i32
    %c0_i32_0 = arith.constant 0 : i32
    %c0_i32_1 = arith.constant 0 : i32
    return %c0_i32, %c0_i32_0 : i32, i32
  }
  func.func @transform_4(%arg0: i32) -> (i32, i32) {
    %c0_i32 = arith.constant 0 : i32
    %c0_i32_0 = arith.constant 0 : i32
    %c0_i32_1 = arith.constant 0 : i32
    return %c0_i32, %c0_i32_0 : i32, i32
  }
  func.func @transform_5(%arg0: i32) -> (i32, i32) {
    %c0_i32 = arith.constant 0 : i32
    %c0_i32_0 = arith.constant 0 : i32
    %c0_i32_1 = arith.constant 0 : i32
    return %c0_i32, %c0_i32_0 : i32, i32
  }
  func.func @transform_6(%arg0: i32) -> (i32, i32) {
    %c0_i32 = arith.constant 0 : i32
    %c0_i32_0 = arith.constant 0 : i32
    %c0_i32_1 = arith.constant 0 : i32
    return %c0_i32, %c0_i32_0 : i32, i32
  }
  func.func @transform_7(%arg0: i32) -> (i32, i32) {
    %c0_i32 = arith.constant 0 : i32
    %c0_i32_0 = arith.constant 0 : i32
    %c0_i32_1 = arith.constant 0 : i32
    return %c0_i32, %c0_i32_0 : i32, i32
  }
  func.func @transform_8(%arg0: i32) -> (i32, i32) {
    %c0_i32 = arith.constant 0 : i32
    %c0_i32_0 = arith.constant 0 : i32
    %c0_i32_1 = arith.constant 0 : i32
    return %c0_i32, %c0_i32_0 : i32, i32
  }
  func.func @transform_9(%arg0: i32) -> (i32, i32) {
    %c0_i32 = arith.constant 0 : i32
    %c0_i32_0 = arith.constant 0 : i32
    %c0_i32_1 = arith.constant 0 : i32
    return %c0_i32, %c0_i32_0 : i32, i32
  }
  func.func @transform_10(%arg0: i32) -> (i32, i32) {
    %c0_i32 = arith.constant 0 : i32
    %c0_i32_0 = arith.constant 0 : i32
    return %arg0, %c0_i32 : i32, i32
  }
}

</mosaic_0001>

<sc_bundles>
// kernel: kernel.10.cloned.1.call-start
scs
__scs_entry_jumppad:
0x0: {  	(pc) =	sbr.rel $0x88, $3  }
0x1: {  	(tag) =	ssettag $0x0;
	lr =	simm.s32 $0x1  }
0x2: {  	[smem:$0x3F92] =	sst lr;
	_ =	strace $0xD0000000  }
0x3: {  	_ = 	snop  }
0x4: {  	_ = 	snop  }
0x5: {  	_ = 	snop  }
0x6: {  	_ = 	snop  }
0x7: {  	_ = 	snop  }
__scs_overlays_trampoline_lowered:
0x8: {  	[smem:$0x3FA1] =	sst s0  }
0x9: {  	[smem:$0x3FA2] =	sst s1  }
0xa: {  	[smem:$0x3FA3] =	sst s2  }
0xb: {  	[smem:$0x3FA4] =	sst s3  }
0xc: {  	[smem:$0x3FA5] =	sst s4  }
0xd: {  	[smem:$0x3FA6] =	sst s5  }
0xe: {  	[smem:$0x3FA7] =	sst s6  }
0xf: {  	[smem:$0x3FA8] =	sst s7  }
0x10: {  	[smem:$0x3FA9] =	sst s8  }
0x11: {  	[smem:$0x3FAA] =	sst s9;
	s0 =	simm.s32 @!p0 $0x0  }
0x12: {  	s1 =	sld [smem:$0x3F90];
	s0 =	simm.s32 @p0 $0x1  }
0x13: {  	[smem:$0x3FAB] =	sst s0;
	s0 =	simm.s32 @!p1 $0x0  }
0x14: {  	s2 =	sld [smem:$0x3F8F];
	s0 =	simm.s32 @p1 $0x1  }
0x15: {  	[smem:$0x3FAC] =	sst s0;
	s0 =	simm.s32 @!p2 $0x0  }
0x16: {  	s3 =	sld [smem:$0x3FDB];
	s0 =	simm.s32 @p2 $0x1  }
0x17: {  	s4 =	simm.s32 $0x1BF5;
	[smem:$0x3FAE] =	sst s0  }
0x18: {  	s0 =	sld [smem:$0x3F91];
	_ =	swait.ge [sflag:s4], $0x0  }
0x19: {  	s7 =	sld [smem:$0x3F92]  }
0x1a: {  	s8 =	sadd.s32 $0xFFFFE003, lr  }
0x1b: {  	s9 =	sadd.s32 $0xFFFFFEF7, lr;
	s5 =	simm.s32 $0xFFFFFFFF;
	p2 =	slt.u32 s8, $0xFFFFF086  }
0x1c: {  	p1 =	slt.u32 s9, $0xF7A;
	s5 =	simm.s32 @!p2 $0x0  }
0x1d: {  	s5 =	simm.s32 @p1 $0x1;
	p0 =	seq.s32 s7, s2  }
0x1e: {  	s7 =	smul.u32 @!p0 $0xF7A, s2;
	p2 =	seq.s32 @!p0 s5, $0x0  }
0x1f: {  	s9 =	smul.u32 $0xF7A, s1;
	s8 =	simm.s32 @!p0 $0x1BF5;
	p2 =	por !p2, p0  }
0x20: {  	[sflag:s8] =	ssyncset.s32 @!p0 $0xFFFFF086;
	s6 =	sadd.s32 @!p0 s3, s7;
	s7 =	simm.s32 @!p0 $0x108  }
0x21: {  	s3 =	sadd.s32 s3, s9;
	s6 =	sadd.s32 @!p0 $0x88, s6;
	s7 =	simm.s32 @p2 $0x1082  }
0x22: {  	[simem:s7], [sflag:s8] =	dma.local @!p0 [hbm:s6], $0xF7A  }
0x23: {  	s9 =	sor.u32 $0xD0000000, s2;
	s6 =	simm.s32 $0x108;
	_ =	swait.ge @!p0 [sflag:s8], $0x0  }
0x24: {  	s3 =	sadd.s32 $0x88, s3;
	s6 =	simm.s32 @!p1 $0x1082;
	[sflag:s4] =	ssyncset.s32 $0xFFFFF086  }
0x25: {  	[simem:s6], [sflag:s4] =	dma.local [hbm:s3], $0xF7A  }
0x26: {  	[smem:$0x3F92] =	sst s1;
	(tag) =	ssettag s2;
	_ =	strace s9  }
0x27: {  	s1 =	sld [smem:$0x3FA2]  }
0x28: {  	s2 =	sld [smem:$0x3FA3]  }
0x29: {  	s4 =	sld [smem:$0x3FA5]  }
0x2a: {  	p0 =	seq.s32 s5, $0x0;
	s5 =	sld [smem:$0x3FA6]  }
0x2b: {  	s6 =	sld [smem:$0x3FA7]  }
0x2c: {  	s7 =	sld [smem:$0x3FA8]  }
0x2d: {  	s3 =	simm.s32 $0x108;
	s8 =	sld [smem:$0x3FA9]  }
0x2e: {  	s3 =	simm.s32 @!p0 $0x1082;
	s9 =	sld [smem:$0x3FAA]  }
0x2f: {  	lr =	sadd.s32 s0, s3;
	s0 =	sld [smem:$0x3FA1]  }
0x30: {  	s3 =	sld [smem:$0x3FA4]  }
0x31: {  	[smem:$0x3FAD] =	sst s10  }
0x32: {  	s10 =	sld [smem:$0x3FAB];
	_ =	sdelay $0x3  }
0x33: {  	p0 =	seq.s32 s10, $0x1;
	s10 =	sld [smem:$0x3FAD];
	_ =	sdelay $0x3  }
0x34: {  	[smem:$0x3FAD] =	sst s10  }
0x35: {  	s10 =	sld [smem:$0x3FAC];
	_ =	sdelay $0x3  }
0x36: {  	p1 =	seq.s32 s10, $0x1;
	s10 =	sld [smem:$0x3FAD];
	_ =	sdelay $0x3  }
0x37: {  	[smem:$0x3FAD] =	sst s10  }
0x38: {  	s10 =	sld [smem:$0x3FAE]  }
0x39: {  	_ = 	snop;
	(pc) =	sbr.ind lr, $3  }
0x3a: {  	_ = 	snop  }
0x3b: {  	_ = 	snop  }
0x3c: {  	p2 =	seq.s32 s10, $0x1;
	s10 =	sld [smem:$0x3FAD]  }
0x3d: {  	_ =	shalt  }
0x3e: {  	_ =	shalt  }
0x3f: {  	_ =	shalt  }
0x40: {  	_ =	shalt  }
0x41: {  	_ =	shalt  }
0x42: {  	_ =	shalt  }
0x43: {  	_ =	shalt  }
0x44: {  	_ =	shalt  }
0x45: {  	_ =	shalt  }
0x46: {  	_ =	shalt  }
0x47: {  	_ =	shalt  }
0x48: {  	_ =	shalt  }
0x49: {  	_ =	shalt  }
0x4a: {  	_ =	shalt  }
0x4b: {  	_ =	shalt  }
0x4c: {  	_ =	shalt  }
0x4d: {  	_ =	shalt  }
0x4e: {  	_ =	shalt  }
0x4f: {  	_ =	shalt  }
0x50: {  	_ =	shalt  }
0x51: {  	_ =	shalt  }
0x52: {  	_ =	shalt  }
0x53: {  	_ =	shalt  }
0x54: {  	_ =	shalt  }
0x55: {  	_ =	shalt  }
0x56: {  	_ =	shalt  }
0x57: {  	_ =	shalt  }
0x58: {  	_ =	shalt  }
0x59: {  	_ =	shalt  }
0x5a: {  	_ =	shalt  }
0x5b: {  	_ =	shalt  }
0x5c: {  	_ =	shalt  }
0x5d: {  	_ =	shalt  }
0x5e: {  	_ =	shalt  }
0x5f: {  	_ =	shalt  }
0x60: {  	_ =	shalt  }
0x61: {  	_ =	shalt  }
0x62: {  	_ =	shalt  }
0x63: {  	_ =	shalt  }
0x64: {  	_ =	shalt  }
0x65: {  	_ =	shalt  }
0x66: {  	_ =	shalt  }
0x67: {  	_ =	shalt  }
0x68: {  	_ =	shalt  }
0x69: {  	_ =	shalt  }
0x6a: {  	_ =	shalt  }
0x6b: {  	_ =	shalt  }
0x6c: {  	_ =	shalt  }
0x6d: {  	_ =	shalt  }
0x6e: {  	_ =	shalt  }
0x6f: {  	_ =	shalt  }
0x70: {  	_ =	shalt  }
0x71: {  	_ =	shalt  }
0x72: {  	_ =	shalt  }
0x73: {  	_ =	shalt  }
0x74: {  	_ =	shalt  }
0x75: {  	_ =	shalt  }
0x76: {  	_ =	shalt  }
0x77: {  	_ =	shalt  }
0x78: {  	_ =	shalt  }
0x79: {  	_ =	shalt  }
0x7a: {  	_ =	shalt  }
0x7b: {  	_ =	shalt  }
0x7c: {  	_ =	shalt  }
0x7d: {  	_ =	shalt  }
0x7e: {  	_ =	shalt  }
0x7f: {  	_ =	shalt  }
0x80: {  	_ =	shalt  }
0x81: {  	_ =	shalt  }
0x82: {  	_ =	shalt  }
0x83: {  	_ =	shalt  }
0x84: {  	_ =	shalt  }
0x85: {  	_ =	shalt  }
0x86: {  	_ =	shalt  }
0x87: {  	_ =	shalt  }
.Lfunc_end0:
.L_simem_size_0:
called_computation.1_lowered:
.L_overlay_start_0:
0x88: {  	s2 =	sld [smem:$0x3FD9]  }
0x89: {  	s3 =	sld [smem:$0x3FFE];
	_ =	sdelay $0x1  }
0x8a: {  	s1 =	srdreg.scid  }
0x8b: {  	s0 =	sand.u32 $0x1, s1  }
0x8c: {  	s14 =	sshll.u32 s0, $0xA;
	s2 =	sadd.s32 s3, s2  }
0x8d: {  	s2 =	sadd.s32 s2, s14  }
0x8e: {  	[smem:$0x3FB9] =	sst s2  }
0x8f: {  	_ = 	snop  }
0x90: {  	s2 =	sld [smem:$0x3FD0];
	_ =	sdelay $0x2  }
0x91: {  	s15 =	simm.s32 $0xA;
	s4 =	simm.s32 $0x10  }
0x92: {  	[smem:s4], [sflag:s15] =	dma.local [hbm:s2], $0x1  }
0x93: {  	_ =	swait.eq [sflag:s15], $0x1  }
0x94: {  	[sflag:s15] =	ssyncset.done $0x0  }
0x95: {  	s16 =	sld [smem:$0x10];
	[sflag:s15] =	ssyncadd.s32 $0xFFFFFFFF  }
0x96: {  	s17 =	sld [smem:$0x11];
	(tm) =	ssettm $0x1  }
0x97: {  	s18 =	sld [smem:$0x3FFB];
	_ =	sdelay $0x3  }
0x98: {  	_ =	strace s18  }
0x99: {  	s4 =	sld [smem:$0x3FFC];
	_ =	sdelay $0x3  }
0x9a: {  	_ =	strace s4  }
0x9b: {  	s4 =	sld [smem:$0x3FFD];
	_ =	sdelay $0x3  }
0x9c: {  	_ =	strace s4  }
0x9d: {  	_ =	strace $0x8FFFFFFF  }
0x9e: {  	s19 =	sld [smem:$0x3FDB];
	_ =	sdelay $0x1  }
0x9f: {  	s5 =	simm.s32 $_scs_section_size  }
0xa0: {  	s6 =	simm.s32 $_size__tile_overlayer_lowered;
	s7 =	simm.s32 $_tile_overlayer_lowered  }
0xa1: {  	s22 =	simm.s32 $0x1BFF;
	s21 =	sshll.u32 s7, $0x1;
	s4 =	sadd.s32 s5, s19  }
0xa2: {  	s8 =	simm.s32 $0x0;
	s20 =	sshll.u32 s6, $0x1;
	s6 =	sadd.s32 s21, s4  }
0xa3: {  	[timem:s8], [sflag:s22] =	dma.local [hbm:s6], s20  }
0xa4: {  	_ =	swait.ge [sflag:s22], s20  }
0xa5: {  	s5 =	ssub.s32 $0x0, s20;
	[sflag:s22] =	ssyncset.done $0x0  }
0xa6: {  	[sflag:s22] =	ssyncadd.s32 s5;
	_ =	sdelay $0x1  }
0xa7: {  	s23 =	simm.s32 $0x1B8B  }
0xa8: {  	_ =	swait.ge [sflag:s23], $0x1  }
0xa9: {  	[sflag:s23] =	ssyncset.done $0x0  }
0xaa: {  	s25 =	simm.s32 $0x1B8E;
	s24 =	sld [smem:$0x3FFE];
	[sflag:s23] =	ssyncadd.s32 $0xFFFFFFFF  }
0xab: {  	s26 =	simm.s32 $execute0_lowered;
	[smem:$0x3FD2] =	sst s25  }
0xac: {  	s6 =	sshll.u32 s26, $0x1;
	_ =	strace $0x80000049;
	[dreg:$0x1] =	wrdreg $0xFFFFFFFF  }
0xad: {  	s28 =	simm.s32 $_size_execute0_lowered;
	s4 =	sadd.s32 s4, s6;
	[dreg:$0x0] =	wrdreg $0x0  }
0xae: {  	s6 =	sshll.u32 s28, $0x1;
	[dreg:$0x2] =	wrdreg s4  }
0xaf: {  	[dreg:$0x3] =	wrdreg s6  }
0xb0: {  	[dreg:$0x4] =	wrdreg $0xC0  }
0xb1: {  	_ =	task [dreg:s8], $0x5FFFF  }
0xb2: {  	[dreg:$0x1] =	wrdreg $0xFFFFFFFF  }
0xb3: {  	[dreg:$0x0] =	wrdreg $0x60  }
0xb4: {  	[dreg:$0x2] =	wrdreg s24  }
0xb5: {  	[dreg:$0x3] =	wrdreg s17  }
0xb6: {  	[dreg:$0x4] =	wrdreg s16  }
0xb7: {  	[dreg:$0x5] =	wrdreg $0x111000  }
0xb8: {  	[dreg:$0x6] =	wrdreg $0x1AD400  }
0xb9: {  	[dreg:$0x7] =	wrdreg $0x9  }
0xba: {  	_ =	task.clear_ibuf [dreg:s8], $0x8FFFF;
	_ =	strace $0x90000049  }
0xbb: {  	s29 =	simm.s32 $0x9;
	_ =	strace $0x8000004B  }
0xbc: {  	_ =	swait.ge [sflag:s29], $0x1  }
0xbd: {  	[sflag:s29] =	ssyncadd.s32 $0xFFFFFFFF  }
0xbe: {  	_ =	strace $0x9000004B  }
0xbf: {  	_ =	sfence  }
0xc0: {  	s30 =	sld [smem:$0x0];
	_ =	sdelay $0x2  }
0xc1: {  	s31 =	sshll.u32 s1, $0xD;
	s1 =	sshrl.u32 s1, $0x2  }
0xc2: {  	s3 =	sand.u32 $0x4000, s31;
	s1 =	sadd.s32 s1, s30  }
0xc3: {  	s0 =	sor.u32 s3, s0;
	s1 =	sshll.u32 s1, $0x11  }
0xc4: {  	s0 =	sor.u32 s1, s0  }
0xc5: {  	s0 =	sadd.s32 $0x8F2B, s0  }
0xc6: {  	[sflag:s0] =	ssyncadd.remote.s32 $0x1  }
0xc7: {  	_ =	sfence.sel $0xFFFF  }
0xc8: {  	[dreg:$0x0] =	wrdreg $0xFFFFFFFF;
	(pc) =	sbr.abs _section_cstart, $3  }
0xc9: {  	[dreg:$0x1] =	wrdreg $0xFFFFFFFF  }
0xca: {  	_ =	task.clear_ibuf [dreg:s8], $0x2FFFF;
	_ =	strace $0x9FFFFFFF  }
0xcb: {  	(tm) =	ssettm $0x7FFFFFFF  }
tec
execute0_lowered:
.L_overlay_start_1:
0x0: {  	(tag) =	ssettag $0x1  }
0x1: {  	s0 =	rddreg [dreg:$0x0]  }
0x2: {  	s5 =	rddreg [dreg:$0x1]  }
0x3: {  	s6 =	rddreg [dreg:$0x2]  }
0x4: {  	s1 =	rddreg [dreg:$0x3]  }
0x5: {  	s3 =	rddreg [dreg:$0x4];
	s4 =	simm.s32 $0x0  }
0x6: {  	s2 =	stileid.u32;
	s7 =	srdreg.scid;
	s28 =	simm.s32 $0x100  }
0x7: {  	s29 =	simm.s32 $0x4400;
	s30 =	simm.s32 $0x180;
	s31 =	simm.s32 $0x6400  }
0x8: {  	[smem:$0x7FF] =	sst s4;
	s8 =	sshll.u32 s2, $0x6;
	s12 =	smul.u32 $0x13800, s2  }
0x9: {  	s7 =	sand.u32 $0x1, s7;
	s10 =	sshll.u32 s2, $0x10;
	s14 =	smul.u32 $0x27000, s2  }
0xa: {  	s17 =	smul.u32 $0x2700, s2;
	s16 =	sand.u32 $0x1, s2;
	s23 =	sshll.u32 s2, $0xA  }
0xb: {  	s24 =	sshll.u32 s2, $0xD;
	s25 =	sshll.u32 s2, $0x8;
	p1 =	seq.s32 s2, $0xF  }
0xc: {  	_ =	strace $0x8000004A;
	s8 =	sadd.s32 s8, s0;
	s0 =	sadd.s32 $0x1D400, s0  }
0xd: {  	s9 =	ssub.s32 $0x2, s7;
	s11 =	sshll.u32 s7, $0x6;
	s26 =	smul.u32 $0x27100, s7  }
0xe: {  	s18 =	sshll.u32 s7, $0x3;
	p0 =	sne.s32 s16, s7;
	s7 =	simm.s32 $0x300  }
0xf: {  	s13 =	sshrl.u32 s9, $0x1;
	s10 =	sor.u32 s11, s10;
	s15 =	sadd.s32 $0x13640, s8  }
0x10: {  	s11 =	sor.u32 s11, s12;
	s19 =	sshrl.u32 s14, $0x2;
	s14 =	sadd.s32 $0x9A00, s8  }
0x11: {  	s8 =	simm.s32 $0xC400;
	s9 =	ssub.s32 s9, s13;
	s10 =	sshrl.u32 s10, $0x3  }
0x12: {  	[dreg:$0x6] =	wrdreg s15;
	s11 =	sshrl.u32 s11, $0x3;
	s20 =	sadd.s32 s17, s26  }
0x13: {  	s22 =	sshrl.u32 s26, $0x3;
	s26 =	sor.u32 $0x10, s2;
	s13 =	simm.s32 $0x0  }
0x14: {  	s10 =	sadd.s32 s5, s10;
	s11 =	sadd.s32 s6, s11;
	s21 =	sshrl.u32 s20, $0x3  }
0x15: {  	s6 =	sadd.s32 s18, s6;
	s9 =	smax.u32 s9, $0x1;
	[dreg:$0x10] =	wrdreg s26  }
0x16: {  	s5 =	sadd.s32 s24, s5;
	s20 =	simm.s32 $0x1;
	[dreg:$0x7] =	wrdreg s10  }
0x17: {  	s26 =	simm.s32 $0x2400;
	[dreg:$0x8] =	wrdreg s11;
	s11 =	sadd.s32 s19, s1  }
0x18: {  	s12 =	sadd.s32 s0, s21;
	s10 =	sadd.s32 s17, s3;
	s6 =	sadd.s32 $0x24900, s6  }
0x19: {  	s0 =	sadd.s32 s0, s22;
	[dreg:$0xc] =	wrdreg s9;
	s9 =	sadd.s32 s23, s1  }
0x1a: {  	s5 =	sadd.s32 s18, s5;
	s18 =	simm.s32 $0x80;
	[dreg:$0x9] =	wrdreg s12  }
0x1b: {  	s19 =	simm.s32 $0x400;
	s21 =	simm.s32 $0x3;
	[dreg:$0xa] =	wrdreg s6  }
0x1c: {  	s17 =	simm.s32 $0x8400;
	s0 =	sadd.s32 $0x4920, s0;
	[dreg:$0xd] =	wrdreg s9  }
0x1d: {  	s6 =	sadd.s32 $0x92400, s1;
	s9 =	sadd.s32 s25, s3;
	[dreg:$0xb] =	wrdreg s0  }
0x1e: {  	s5 =	sadd.s32 $0x40000, s5;
	s0 =	sadd.s32 $0x24900, s3;
	[dreg:$0xe] =	wrdreg s9  }
.Ltmp0:
0x1f: {  	[dreg:$0xf] =	wrdreg s5;
	s5 =	sshrl.u32 @p1 s6, $0x3;
	(pc) =	sbr.rel .LBB2_1-.Ltmp0, $4  }
0x20: {  	s6 =	simm.s32 $0xA400;
	[dreg:$0x11] =	wrdreg s5;
	s0 =	sshrl.u32 @p1 s0, $0x3  }
0x21: {  	s9 =	simm.s32 $0x380;
	[dreg:$0x12] =	wrdreg s0;
	s0 =	sshrl.u32 @!p1 s11, $0x3  }
0x22: {  	s5 =	simm.s32 $0x280;
	[dreg:$0x13] =	wrdreg s0;
	s0 =	sshrl.u32 @!p1 s10, $0x3  }
0x23: {  	v0 =	vimm.f32 $0.0e+00;
	v1 =	vimm.f32 $1.000000000e+00;
	s10 =	simm.s32 $0xE400;
	[dreg:$0x14] =	wrdreg s0;
	s0 =	simm.s32 $0x200  }
.LBB2_7:
0x24: {  	[bflag:$0x0] =	sbarrier.arrive $0xFFFF  }
0x25: {  	s11 =	simm.s32 @p1 $0x1;
	s12 =	simm.s32 @p1 $0x10;
	s16 =	rddreg [dreg:$0xa]  }
0x26: {  	s13 =	simm.s32 @p1 $0x8;
	s15 =	simm.s32 @p1 $0x1FC2;
	s22 =	rddreg [dreg:$0x11]  }
0x27: {  	[hbm:s16@s12], [sflag:s15] =	dma.strided @p1 [spmem:s22@s13], $0x1400, s11, $0x8   }
0x28: {  	s11 =	simm.s32 @p1 $0x2  }
0x29: {  	_ =	swait.ge @p1 [sflag:s11], $0x1400  }
0x2a: {  	[sflag:s11] =	ssyncset.done @p1 $0x0;
	s12 =	rddreg [dreg:$0xb]  }
0x2b: {  	s13 =	rddreg [dreg:$0x12];
	[sflag:s11] =	ssyncadd.s32 @p1 $0xFFFFEC00  }
0x2c: {  	[hbm:s12], [sflag:s15] =	dma.local @p1 [spmem:s13], $0x500  }
0x2d: {  	_ =	swait.ge @p1 [sflag:s11], $0x500  }
0x2e: {  	s12 =	sshll.u32 @!p1 s2, $0x6;
	s13 =	simm.s32 @!p1 $0x10;
	s16 =	rddreg [dreg:$0x8]  }
0x2f: {  	s15 =	simm.s32 @!p1 $0x8;
	[sflag:s11] =	ssyncset.done @p1 $0x0;
	s22 =	rddreg [dreg:$0x13]  }
0x30: {  	[sflag:s11] =	ssyncadd.s32 @p1 $0xFFFFFB00;
	s11 =	sor.u32 @!p1 $0x1C02, s12;
	s12 =	simm.s32 @!p1 $0x1  }
0x31: {  	[hbm:s16@s13], [sflag:s11] =	dma.strided @!p1 [spmem:s22@s15], $0x1380, s12, $0x8   }
0x32: {  	s12 =	simm.s32 @!p1 $0x2  }
0x33: {  	_ =	swait.ge @!p1 [sflag:s12], $0x1380  }
0x34: {  	[sflag:s12] =	ssyncset.done @!p1 $0x0;
	s13 =	rddreg [dreg:$0x9]  }
0x35: {  	s15 =	rddreg [dreg:$0x14];
	[sflag:s12] =	ssyncadd.s32 @!p1 $0xFFFFEC80  }
0x36: {  	[hbm:s13], [sflag:s11] =	dma.local @!p1 [spmem:s15], $0x4E0  }
0x37: {  	_ =	swait.ge @!p1 [sflag:s12], $0x4E0  }
0x38: {  	s24 =	rddreg [dreg:$0x15]  }
0x39: {  	s25 =	rddreg [dreg:$0xc];
	s13 =	sadd.s32 $0x1, s24  }
0x3a: {  	p2 =	sne.s32 s13, s25  }
.Ltmp1:
0x3b: {  	_ = 	snop;
	(pc) =	sbr.rel @!p2 .LBB2_8-.Ltmp1, $3  }
0x3c: {  	_ =	sdelay $0x1  }
0x3d: {  	[sflag:s12] =	ssyncset.done @!p1 $0x0  }
0x3e: {  	[sflag:s12] =	ssyncadd.s32 @!p1 $0xFFFFFB20  }
.LBB2_1:
0x3f: {  	[tilespmem:$0x10C00] =	vst v0  }
0x40: {  	[tilespmem:$0x10C10] =	vst v0  }
0x41: {  	[tilespmem:$0x10C20] =	vst v0  }
0x42: {  	[tilespmem:$0x10C30] =	vst v0  }
0x43: {  	[tilespmem:$0x11000] =	vst v0  }
0x44: {  	[tilespmem:$0x10C40] =	vst v0  }
0x45: {  	[tilespmem:$0x10C50] =	vst v0  }
0x46: {  	[tilespmem:$0x10C60] =	vst v0  }
0x47: {  	[tilespmem:$0x10C70] =	vst v0  }
0x48: {  	[tilespmem:$0x11010] =	vst v0  }
0x49: {  	[tilespmem:$0x10C80] =	vst v0  }
0x4a: {  	[tilespmem:$0x10C90] =	vst v0  }
0x4b: {  	[tilespmem:$0x10CA0] =	vst v0  }
0x4c: {  	[tilespmem:$0x10CB0] =	vst v0  }
0x4d: {  	[tilespmem:$0x11020] =	vst v0  }
0x4e: {  	[tilespmem:$0x10CC0] =	vst v0  }
0x4f: {  	[tilespmem:$0x10CD0] =	vst v0  }
0x50: {  	[tilespmem:$0x10CE0] =	vst v0  }
0x51: {  	[tilespmem:$0x10CF0] =	vst v0  }
0x52: {  	[tilespmem:$0x11030] =	vst v0  }
0x53: {  	[tilespmem:$0x10D00] =	vst v0  }
0x54: {  	[tilespmem:$0x10D10] =	vst v0  }
0x55: {  	[tilespmem:$0x10D20] =	vst v0  }
0x56: {  	[tilespmem:$0x10D30] =	vst v0  }
0x57: {  	[tilespmem:$0x11040] =	vst v0  }
0x58: {  	[tilespmem:$0x10D40] =	vst v0  }
0x59: {  	[tilespmem:$0x10D50] =	vst v0  }
0x5a: {  	[tilespmem:$0x10D60] =	vst v0  }
0x5b: {  	[tilespmem:$0x10D70] =	vst v0  }
0x5c: {  	[tilespmem:$0x11050] =	vst v0  }
0x5d: {  	[tilespmem:$0x10D80] =	vst v0  }
0x5e: {  	[tilespmem:$0x10D90] =	vst v0  }
0x5f: {  	[tilespmem:$0x10DA0] =	vst v0  }
0x60: {  	[tilespmem:$0x10DB0] =	vst v0  }
0x61: {  	[tilespmem:$0x11060] =	vst v0  }
0x62: {  	[tilespmem:$0x10DC0] =	vst v0  }
0x63: {  	[tilespmem:$0x10DD0] =	vst v0  }
0x64: {  	[tilespmem:$0x10DE0] =	vst v0  }
0x65: {  	[tilespmem:$0x10DF0] =	vst v0  }
0x66: {  	[tilespmem:$0x11070] =	vst v0  }
0x67: {  	[tilespmem:$0x10E00] =	vst v0  }
0x68: {  	[tilespmem:$0x10E10] =	vst v0  }
0x69: {  	[tilespmem:$0x10E20] =	vst v0  }
0x6a: {  	[tilespmem:$0x10E30] =	vst v0  }
0x6b: {  	[tilespmem:$0x11080] =	vst v0  }
0x6c: {  	[tilespmem:$0x10E40] =	vst v0  }
0x6d: {  	[tilespmem:$0x10E50] =	vst v0  }
0x6e: {  	[tilespmem:$0x10E60] =	vst v0  }
0x6f: {  	[tilespmem:$0x10E70] =	vst v0  }
0x70: {  	[tilespmem:$0x11090] =	vst v0  }
0x71: {  	[tilespmem:$0x10E80] =	vst v0  }
0x72: {  	[tilespmem:$0x10E90] =	vst v0  }
0x73: {  	[tilespmem:$0x10EA0] =	vst v0  }
0x74: {  	[tilespmem:$0x10EB0] =	vst v0  }
0x75: {  	[tilespmem:$0x110A0] =	vst v0  }
0x76: {  	[tilespmem:$0x10EC0] =	vst v0  }
0x77: {  	[tilespmem:$0x10ED0] =	vst v0  }
0x78: {  	[tilespmem:$0x10EE0] =	vst v0  }
0x79: {  	[tilespmem:$0x10EF0] =	vst v0  }
0x7a: {  	[tilespmem:$0x110B0] =	vst v0  }
0x7b: {  	[tilespmem:$0x10F00] =	vst v0  }
0x7c: {  	[tilespmem:$0x10F10] =	vst v0  }
0x7d: {  	[tilespmem:$0x10F20] =	vst v0  }
0x7e: {  	[tilespmem:$0x10F30] =	vst v0  }
0x7f: {  	[tilespmem:$0x110C0] =	vst v0  }
0x80: {  	[tilespmem:$0x10F40] =	vst v0  }
0x81: {  	[tilespmem:$0x10F50] =	vst v0  }
0x82: {  	[tilespmem:$0x10F60] =	vst v0  }
0x83: {  	[tilespmem:$0x10F70] =	vst v0  }
0x84: {  	[tilespmem:$0x110D0] =	vst v0  }
0x85: {  	[tilespmem:$0x10F80] =	vst v0  }
0x86: {  	[tilespmem:$0x10F90] =	vst v0  }
0x87: {  	[tilespmem:$0x10FA0] =	vst v0  }
0x88: {  	[tilespmem:$0x10FB0] =	vst v0  }
0x89: {  	[tilespmem:$0x110E0] =	vst v0  }
0x8a: {  	[tilespmem:$0x10FC0] =	vst v0  }
0x8b: {  	[tilespmem:$0x10FD0] =	vst v0  }
0x8c: {  	[tilespmem:$0x10FE0] =	vst v0  }
0x8d: {  	[tilespmem:$0x10FF0] =	vst v0  }
0x8e: {  	[tilespmem:$0x110F0] =	vst v0  }
0x8f: {  	[tilespmem:$0x10400] =	vst v1  }
0x90: {  	[tilespmem:$0x10410] =	vst v1  }
0x91: {  	[tilespmem:$0x10420] =	vst v1  }
0x92: {  	[tilespmem:$0x10430] =	vst v1  }
0x93: {  	[tilespmem:$0x10440] =	vst v1  }
0x94: {  	[tilespmem:$0x10450] =	vst v1  }
0x95: {  	[tilespmem:$0x10460] =	vst v1  }
0x96: {  	[tilespmem:$0x10470] =	vst v1  }
0x97: {  	[tilespmem:$0x10480] =	vst v1  }
0x98: {  	[tilespmem:$0x10490] =	vst v1  }
0x99: {  	[tilespmem:$0x104A0] =	vst v1  }
0x9a: {  	[tilespmem:$0x104B0] =	vst v1  }
0x9b: {  	[tilespmem:$0x104C0] =	vst v1  }
0x9c: {  	[tilespmem:$0x104D0] =	vst v1  }
0x9d: {  	[tilespmem:$0x104E0] =	vst v1  }
0x9e: {  	[tilespmem:$0x104F0] =	vst v1  }
0x9f: {  	[tilespmem:$0x10500] =	vst v1  }
0xa0: {  	[tilespmem:$0x10510] =	vst v1  }
0xa1: {  	[tilespmem:$0x10520] =	vst v1  }
0xa2: {  	[tilespmem:$0x10530] =	vst v1  }
0xa3: {  	[tilespmem:$0x10540] =	vst v1  }
0xa4: {  	[tilespmem:$0x10550] =	vst v1  }
0xa5: {  	[tilespmem:$0x10560] =	vst v1  }
0xa6: {  	[tilespmem:$0x10570] =	vst v1  }
0xa7: {  	[tilespmem:$0x10580] =	vst v1  }
0xa8: {  	[tilespmem:$0x10590] =	vst v1  }
0xa9: {  	[tilespmem:$0x105A0] =	vst v1  }
0xaa: {  	[tilespmem:$0x105B0] =	vst v1  }
0xab: {  	[tilespmem:$0x105C0] =	vst v1  }
0xac: {  	[tilespmem:$0x105D0] =	vst v1  }
0xad: {  	[tilespmem:$0x105E0] =	vst v1  }
0xae: {  	[tilespmem:$0x105F0] =	vst v1  }
0xaf: {  	[tilespmem:$0x10600] =	vst v1  }
0xb0: {  	[tilespmem:$0x10610] =	vst v1  }
0xb1: {  	[tilespmem:$0x10620] =	vst v1  }
0xb2: {  	[tilespmem:$0x10630] =	vst v1  }
0xb3: {  	[tilespmem:$0x10640] =	vst v1  }
0xb4: {  	[tilespmem:$0x10650] =	vst v1  }
0xb5: {  	[tilespmem:$0x10660] =	vst v1  }
0xb6: {  	[tilespmem:$0x10670] =	vst v1  }
0xb7: {  	[tilespmem:$0x10680] =	vst v1  }
0xb8: {  	[tilespmem:$0x10690] =	vst v1  }
0xb9: {  	[tilespmem:$0x106A0] =	vst v1  }
0xba: {  	[tilespmem:$0x106B0] =	vst v1  }
0xbb: {  	[tilespmem:$0x106C0] =	vst v1  }
0xbc: {  	[tilespmem:$0x106D0] =	vst v1  }
0xbd: {  	[tilespmem:$0x106E0] =	vst v1  }
0xbe: {  	[tilespmem:$0x106F0] =	vst v1  }
0xbf: {  	[tilespmem:$0x10700] =	vst v1  }
0xc0: {  	[tilespmem:$0x10710] =	vst v1  }
0xc1: {  	[tilespmem:$0x10720] =	vst v1  }
0xc2: {  	[tilespmem:$0x10730] =	vst v1  }
0xc3: {  	[tilespmem:$0x10740] =	vst v1  }
0xc4: {  	[tilespmem:$0x10750] =	vst v1  }
0xc5: {  	[tilespmem:$0x10760] =	vst v1  }
0xc6: {  	[tilespmem:$0x10770] =	vst v1  }
0xc7: {  	[tilespmem:$0x10780] =	vst v1  }
0xc8: {  	[tilespmem:$0x10790] =	vst v1  }
0xc9: {  	[tilespmem:$0x107A0] =	vst v1  }
0xca: {  	[tilespmem:$0x107B0] =	vst v1  }
0xcb: {  	[tilespmem:$0x107C0] =	vst v1  }
0xcc: {  	[tilespmem:$0x107D0] =	vst v1  }
0xcd: {  	[tilespmem:$0x107E0] =	vst v1  }
0xce: {  	[tilespmem:$0x107F0] =	vst v1  }
0xcf: {  	[tilespmem:$0x10800] =	vst v1  }
0xd0: {  	[tilespmem:$0x10810] =	vst v1  }
0xd1: {  	[tilespmem:$0x10820] =	vst v1  }
0xd2: {  	[tilespmem:$0x10830] =	vst v1  }
0xd3: {  	[tilespmem:$0x10840] =	vst v1  }
0xd4: {  	[tilespmem:$0x10850] =	vst v1  }
0xd5: {  	[tilespmem:$0x10860] =	vst v1  }
0xd6: {  	[tilespmem:$0x10870] =	vst v1  }
0xd7: {  	[tilespmem:$0x10880] =	vst v1  }
0xd8: {  	[tilespmem:$0x10890] =	vst v1  }
0xd9: {  	[tilespmem:$0x108A0] =	vst v1  }
0xda: {  	[tilespmem:$0x108B0] =	vst v1  }
0xdb: {  	[tilespmem:$0x108C0] =	vst v1  }
0xdc: {  	[tilespmem:$0x108D0] =	vst v1  }
0xdd: {  	[tilespmem:$0x108E0] =	vst v1  }
0xde: {  	[tilespmem:$0x108F0] =	vst v1  }
0xdf: {  	[tilespmem:$0x10900] =	vst v1  }
0xe0: {  	[tilespmem:$0x10910] =	vst v1  }
0xe1: {  	[tilespmem:$0x10920] =	vst v1  }
0xe2: {  	[tilespmem:$0x10930] =	vst v1  }
0xe3: {  	[tilespmem:$0x10940] =	vst v1  }
0xe4: {  	[tilespmem:$0x10950] =	vst v1  }
0xe5: {  	[tilespmem:$0x10960] =	vst v1  }
0xe6: {  	[tilespmem:$0x10970] =	vst v1  }
0xe7: {  	[tilespmem:$0x10980] =	vst v1  }
0xe8: {  	[tilespmem:$0x10990] =	vst v1  }
0xe9: {  	[tilespmem:$0x109A0] =	vst v1  }
0xea: {  	[tilespmem:$0x109B0] =	vst v1  }
0xeb: {  	[tilespmem:$0x109C0] =	vst v1  }
0xec: {  	[tilespmem:$0x109D0] =	vst v1  }
0xed: {  	[tilespmem:$0x109E0] =	vst v1  }
0xee: {  	[tilespmem:$0x109F0] =	vst v1  }
0xef: {  	[tilespmem:$0x10A00] =	vst v1  }
0xf0: {  	[tilespmem:$0x10A10] =	vst v1  }
0xf1: {  	[tilespmem:$0x10A20] =	vst v1  }
0xf2: {  	[tilespmem:$0x10A30] =	vst v1  }
0xf3: {  	[tilespmem:$0x10A40] =	vst v1  }
0xf4: {  	[tilespmem:$0x10A50] =	vst v1  }
0xf5: {  	[tilespmem:$0x10A60] =	vst v1  }
0xf6: {  	[tilespmem:$0x10A70] =	vst v1  }
0xf7: {  	[tilespmem:$0x10A80] =	vst v1  }
0xf8: {  	[tilespmem:$0x10A90] =	vst v1  }
0xf9: {  	[tilespmem:$0x10AA0] =	vst v1  }
0xfa: {  	[tilespmem:$0x10AB0] =	vst v1  }
0xfb: {  	[tilespmem:$0x10AC0] =	vst v1  }
0xfc: {  	[tilespmem:$0x10AD0] =	vst v1  }
0xfd: {  	[tilespmem:$0x10AE0] =	vst v1  }
0xfe: {  	[tilespmem:$0x10AF0] =	vst v1  }
0xff: {  	[tilespmem:$0x10B00] =	vst v1  }
0x100: {  	[tilespmem:$0x10B10] =	vst v1  }
0x101: {  	[tilespmem:$0x10B20] =	vst v1  }
0x102: {  	[tilespmem:$0x10B30] =	vst v1  }
0x103: {  	[tilespmem:$0x10B40] =	vst v1  }
0x104: {  	[tilespmem:$0x10B50] =	vst v1  }
0x105: {  	[tilespmem:$0x10B60] =	vst v1  }
0x106: {  	[tilespmem:$0x10B70] =	vst v1  }
0x107: {  	[tilespmem:$0x10B80] =	vst v1  }
0x108: {  	[tilespmem:$0x10B90] =	vst v1  }
0x109: {  	[tilespmem:$0x10BA0] =	vst v1  }
0x10a: {  	[tilespmem:$0x10BB0] =	vst v1  }
0x10b: {  	[tilespmem:$0x10BC0] =	vst v1  }
0x10c: {  	[tilespmem:$0x10BD0] =	vst v1;
	s15 =	sadd.s32 $0x0, s2  }
0x10d: {  	[tilespmem:$0x10BE0] =	vst v1;
	s11 =	rddreg [dreg:$0xd];
	p2 =	sgt.u32 s15, $0x270  }
0x10e: {  	[tilespmem:$0x10BF0] =	vst v1;
	s15 =	simm.s32 @!p2 $0x10C00;
	s22 =	simm.s32 @!p2 $0x3;
	p2 =	por p2, p2  }
0x10f: {  	[spmem:s11] =	stream.linear.scatter @!p2 [tilespmem:s15], [sflag:$0x3], $0x400, $0x38;
	[tilespmem:$0x1D450] =	vst v63  }
0x110: {  	_ =	swait.ge @!p2 [sflag:s22], $0x400  }
0x111: {  	s25 =	sadd.s32 $0x10, s2;
	s15 =	simm.s32 @!p2 $0x11000;
	[sflag:s22] =	ssyncset.done @!p2 $0x0  }
0x112: {  	s23 =	simm.s32 @!p2 $0x2;
	s12 =	rddreg [dreg:$0xe];
	[sflag:s22] =	ssyncadd.s32 @!p2 $0xFFFFFC00  }
0x113: {  	[spmem:s12] =	stream.linear.scatter @!p2 [tilespmem:s15], [sflag:$0x2], $0x100, $0x38;
	[tilespmem:$0x1D450] =	vst v63  }
0x114: {  	s16 =	simm.s32 $0x20;
	p3 =	sgt.u32 s25, $0x270;
	_ =	swait.ge @!p2 [sflag:s23], $0x100  }
0x115: {  	s22 =	sadd.s32 $0x4000, s11;
	s15 =	sadd.s32 $0x1000, s12;
	[sflag:s23] =	ssyncset.done @!p2 $0x0  }
.LBB2_2:
0x116: {  	s24 =	simm.s32 @!p3 $0x10C00;
	s25 =	simm.s32 @!p3 $0x3;
	[sflag:s23] =	ssyncadd.s32 @!p2 $0xFFFFFF00  }
0x117: {  	s12 =	smov.u32 s16;
	p2 =	por p3, p3;
	s16 =	sadd.s32 $0x10, s16  }
0x118: {  	[spmem:s22] =	stream.linear.scatter @!p2 [tilespmem:s24], [sflag:$0x3], $0x400, $0x38;
	[tilespmem:$0x1D450] =	vst v63  }
0x119: {  	p4 =	sne.s32 s16, $0x280;
	_ =	swait.ge @!p2 [sflag:s25], $0x400  }
.Ltmp2:
0x11a: {  	[sflag:s25] =	ssyncset.done @!p2 $0x0;
	(pc) =	sbr.rel @p4 .LBB2_2-.Ltmp2, $4  }
0x11b: {  	s24 =	simm.s32 @!p2 $0x11000;
	s23 =	simm.s32 @!p2 $0x2;
	[sflag:s25] =	ssyncadd.s32 @!p2 $0xFFFFFC00  }
0x11c: {  	[spmem:s15] =	stream.linear.scatter @!p2 [tilespmem:s24], [sflag:$0x2], $0x100, $0x38;
	[tilespmem:$0x1D450] =	vst v63  }
0x11d: {  	s12 =	sadd.s32 s12, s2;
	s15 =	sadd.s32 $0x1000, s15;
	_ =	swait.ge @!p2 [sflag:s23], $0x100  }
0x11e: {  	s22 =	sadd.s32 $0x4000, s22;
	p3 =	sgt.u32 s12, $0x270;
	[sflag:s23] =	ssyncset.done @!p2 $0x0  }
0x11f: {  	[dreg:$0x15] =	wrdreg s13;
	s12 =	simm.s32 @!p3 $0x10C00  }
0x120: {  	s16 =	simm.s32 @!p3 $0x3;
	[sflag:s23] =	ssyncadd.s32 @!p2 $0xFFFFFF00;
	p2 =	por p3, p3  }
0x121: {  	[spmem:s22] =	stream.linear.scatter @!p2 [tilespmem:s12], [sflag:$0x3], $0x400, $0x38;
	[tilespmem:$0x1D450] =	vst v63  }
0x122: {  	_ =	swait.ge @!p2 [sflag:s16], $0x400  }
0x123: {  	[sflag:s16] =	ssyncset.done @!p2 $0x0  }
0x124: {  	s12 =	simm.s32 @!p2 $0x11000;
	[sflag:s16] =	ssyncadd.s32 @!p2 $0xFFFFFC00;
	s16 =	simm.s32 @!p2 $0x2  }
0x125: {  	[spmem:s15] =	stream.linear.scatter @!p2 [tilespmem:s12], [sflag:$0x2], $0x100, $0x38;
	[tilespmem:$0x1D450] =	vst v63  }
0x126: {  	_ =	swait.ge @!p2 [sflag:s16], $0x100  }
0x127: {  	[sflag:s16] =	ssyncset.done @!p2 $0x0  }
0x128: {  	[sflag:s16] =	ssyncadd.s32 @!p2 $0xFFFFFF00  }
0x129: {  	[bflag:$0x0] =	sbarrier.arrive $0xFFFF  }
0x12a: {  	s11 =	rddreg [dreg:$0x6]  }
.Ltmp3:
0x12b: {  	s24 =	rddreg [dreg:$0x7];
	(pc) =	sbr.rel .LBB2_4-.Ltmp3, $4  }
0x12c: {  	s15 =	simm.s32 $0x0;
	s16 =	rddreg [dreg:$0x10]  }
0x12d: {  	[tilespmem:s15], [sflag:$0x1] =	stream.linear.gather [hbm4b:s11+s15], $0x200, $0x38;
	[tilespmem:$0x1D450] =	vst v63  }
0x12e: {  	s25 =	simm.s32 $0x40;
	s22 =	rddreg [dreg:$0xf]  }
0x12f: {  	[tilespmem:s19], [sflag:$0x1] =	stream.strided.gather [hbm4b:s24+s25], $0x8000, s18, s25, $0x38;
	[tilespmem:$0x1D450] =	vst v63  }
.LBB2_6:
0x130: {  	s15 =	sadd.s32 $0x800, s15  }
0x131: {  	p2 =	sne.s32 s15, $0xA000  }
.Ltmp4:
0x132: {  	_ = 	snop;
	(pc) =	sbr.rel @!p2 .LBB2_7-.Ltmp4, $2  }
0x133: {  	_ =	sdelay $0x2  }
0x134: {  	s22 =	sadd.s32 $0x40000, s22;
	s16 =	sadd.s32 $0x20, s16  }
.LBB2_4:
0x135: {  	_ =	swait.ge [sflag:s20], $0x200  }
0x136: {  	[sflag:s20] =	ssyncset.done $0x0  }
0x137: {  	p2 =	sgt.u32 s16, $0x270;
	[sflag:s20] =	ssyncadd.s32 $0xFFFFFE00  }
0x138: {  	s12 =	sadd.s32 @!p2 s15, s14;
	_ =	swait.ge [sflag:s20], $0x8000  }
0x139: {  	s23 =	simm.s32 @!p2 $0x0;
	s24 =	simm.s32 @!p2 $0x200;
	[sflag:s20] =	ssyncset.done $0x0  }
0x13a: {  	s25 =	simm.s32 @!p2 $0x8400;
	s12 =	sadd.s32 @!p2 $0xA040, s12;
	[sflag:s20] =	ssyncadd.s32 $0xFFFF8000  }
0x13b: {  	[tilespmem:s24], [sflag:$0x1] =	stream.linear.gather @!p2 [hbm4b:s12+s23], $0x200, $0x38;
	[tilespmem:$0x1D450] =	vst v63  }
0x13c: {  	s12 =	sadd.s32 @!p2 $0xFFFE0000, s22;
	s23 =	simm.s32 @!p2 $0x40;
	s24 =	simm.s32 @!p2 $0x80  }
0x13d: {  	[tilespmem:s25], [sflag:$0x1] =	stream.strided.gather @!p2 [hbm4b:s12+s23], $0x8000, s24, s23, $0x38;
	[tilespmem:$0x1D450] =	vst v63  }
0x13e: {  	_ = 	snop  }
0x13f: {  	[spmem:s1] =	stream.indirect.scatter.add.f32 [tilespmem:s19], [sflag:$0x3], $0x40, s4, s18, $0xb8;
	[tilespmem:$0x1D450] =	vst v63  }
0x140: {  	_ =	swait.ge [sflag:s21], $0x2000  }
0x141: {  	[sflag:s21] =	ssyncset.done $0x0  }
0x142: {  	[sflag:s21] =	ssyncadd.s32 $0xFFFFE000  }
0x143: {  	[spmem:s1] =	stream.indirect.scatter.add.f32 [tilespmem:s26], [sflag:$0x3], $0x40, s18, s18, $0xb8;
	[tilespmem:$0x1D450] =	vst v63  }
0x144: {  	_ =	swait.ge [sflag:s21], $0x2000  }
0x145: {  	[sflag:s21] =	ssyncset.done $0x0  }
0x146: {  	[sflag:s21] =	ssyncadd.s32 $0xFFFFE000  }
0x147: {  	[spmem:s1] =	stream.indirect.scatter.add.f32 [tilespmem:s29], [sflag:$0x3], $0x40, s28, s18, $0xb8;
	[tilespmem:$0x1D450] =	vst v63  }
0x148: {  	_ =	swait.ge [sflag:s21], $0x2000  }
0x149: {  	[sflag:s21] =	ssyncset.done $0x0  }
0x14a: {  	[sflag:s21] =	ssyncadd.s32 $0xFFFFE000  }
0x14b: {  	[spmem:s1] =	stream.indirect.scatter.add.f32 [tilespmem:s31], [sflag:$0x3], $0x40, s30, s18, $0xb8;
	[tilespmem:$0x1D450] =	vst v63  }
0x14c: {  	_ =	swait.ge [sflag:s21], $0x2000  }
0x14d: {  	s23 =	simm.s32 @!p0 $0x80;
	s12 =	simm.s32 @!p0 $0x0;
	[sflag:s21] =	ssyncset.done $0x0  }
0x14e: {  	s24 =	simm.s32 @!p0 $0x10400;
	s25 =	simm.s32 @!p0 $0x3;
	[sflag:s21] =	ssyncadd.s32 $0xFFFFE000  }
0x14f: {  	[spmem:s3] =	stream.indirect.scatter.add.f32 @!p0 [tilespmem:s24], [sflag:$0x3], $0x10, s12, s23, $0xb8;
	[tilespmem:$0x1D450] =	vst v63  }
0x150: {  	_ =	swait.ge @!p0 [sflag:s25], $0x800  }
0x151: {  	[sflag:s25] =	ssyncset.done @!p0 $0x0  }
0x152: {  	[sflag:s25] =	ssyncadd.s32 @!p0 $0xFFFFF800  }
0x153: {  	[spmem:s3] =	stream.indirect.scatter.add.f32 @!p0 [tilespmem:s24], [sflag:$0x3], $0x10, s23, s23, $0xb8;
	[tilespmem:$0x1D450] =	vst v63  }
0x154: {  	_ =	swait.ge @!p0 [sflag:s25], $0x800  }
0x155: {  	[sflag:s25] =	ssyncset.done @!p0 $0x0  }
0x156: {  	s12 =	simm.s32 @!p0 $0x100;
	[sflag:s25] =	ssyncadd.s32 @!p0 $0xFFFFF800  }
0x157: {  	[spmem:s3] =	stream.indirect.scatter.add.f32 @!p0 [tilespmem:s24], [sflag:$0x3], $0x10, s12, s23, $0xb8;
	[tilespmem:$0x1D450] =	vst v63  }
0x158: {  	_ =	swait.ge @!p0 [sflag:s25], $0x800  }
0x159: {  	[sflag:s25] =	ssyncset.done @!p0 $0x0  }
.Ltmp5:
0x15a: {  	s12 =	simm.s32 @!p0 $0x180;
	[sflag:s25] =	ssyncadd.s32 @!p0 $0xFFFFF800;
	(pc) =	sbr.rel @p2 .LBB2_6-.Ltmp5, $4  }
0x15b: {  	[spmem:s3] =	stream.indirect.scatter.add.f32 @!p0 [tilespmem:s24], [sflag:$0x3], $0x10, s12, s23, $0xb8;
	[tilespmem:$0x1D450] =	vst v63  }
0x15c: {  	_ =	swait.ge @!p0 [sflag:s25], $0x800  }
0x15d: {  	[sflag:s25] =	ssyncset.done @!p0 $0x0  }
0x15e: {  	[sflag:s25] =	ssyncadd.s32 @!p0 $0xFFFFF800  }
0x15f: {  	_ =	swait.ge [sflag:s20], $0x200  }
0x160: {  	[sflag:s20] =	ssyncset.done $0x0  }
0x161: {  	[sflag:s20] =	ssyncadd.s32 $0xFFFFFE00  }
0x162: {  	p2 =	sgt.u32 s16, $0x260;
	_ =	swait.ge [sflag:s20], $0x8000  }
0x163: {  	s12 =	sadd.s32 @!p2 s15, s14;
	[sflag:s20] =	ssyncset.done $0x0  }
0x164: {  	s13 =	simm.s32 @!p2 $0x0;
	s12 =	sadd.s32 @!p2 $0xA440, s12;
	[sflag:s20] =	ssyncadd.s32 $0xFFFF8000  }
0x165: {  	[tilespmem:s13], [sflag:$0x1] =	stream.linear.gather @!p2 [hbm4b:s12+s13], $0x200, $0x38;
	[tilespmem:$0x1D450] =	vst v63  }
0x166: {  	s11 =	simm.s32 @!p2 $0x400;
	s12 =	simm.s32 @!p2 $0x40;
	s13 =	simm.s32 @!p2 $0x80  }
0x167: {  	[tilespmem:s11], [sflag:$0x1] =	stream.strided.gather @!p2 [hbm4b:s22+s12], $0x8000, s13, s12, $0x38;
	[tilespmem:$0x1D450] =	vst v63  }
0x168: {  	_ = 	snop  }
0x169: {  	[spmem:s1] =	stream.indirect.scatter.add.f32 [tilespmem:s17], [sflag:$0x3], $0x40, s0, s18, $0xb8;
	[tilespmem:$0x1D450] =	vst v63  }
0x16a: {  	_ =	swait.ge [sflag:s21], $0x2000  }
0x16b: {  	[sflag:s21] =	ssyncset.done $0x0  }
0x16c: {  	[sflag:s21] =	ssyncadd.s32 $0xFFFFE000  }
0x16d: {  	[spmem:s1] =	stream.indirect.scatter.add.f32 [tilespmem:s6], [sflag:$0x3], $0x40, s5, s18, $0xb8;
	[tilespmem:$0x1D450] =	vst v63  }
0x16e: {  	_ =	swait.ge [sflag:s21], $0x2000  }
0x16f: {  	[sflag:s21] =	ssyncset.done $0x0  }
0x170: {  	[sflag:s21] =	ssyncadd.s32 $0xFFFFE000  }
0x171: {  	[spmem:s1] =	stream.indirect.scatter.add.f32 [tilespmem:s8], [sflag:$0x3], $0x40, s7, s18, $0xb8;
	[tilespmem:$0x1D450] =	vst v63  }
0x172: {  	_ =	swait.ge [sflag:s21], $0x2000  }
0x173: {  	[sflag:s21] =	ssyncset.done $0x0  }
0x174: {  	[sflag:s21] =	ssyncadd.s32 $0xFFFFE000  }
0x175: {  	[spmem:s1] =	stream.indirect.scatter.add.f32 [tilespmem:s10], [sflag:$0x3], $0x40, s9, s18, $0xb8;
	[tilespmem:$0x1D450] =	vst v63  }
0x176: {  	_ =	swait.ge [sflag:s21], $0x2000  }
0x177: {  	[sflag:s21] =	ssyncset.done $0x0  }
0x178: {  	s11 =	simm.s32 @!p0 $0x200;
	[sflag:s21] =	ssyncadd.s32 $0xFFFFE000  }
0x179: {  	[spmem:s3] =	stream.indirect.scatter.add.f32 @!p0 [tilespmem:s24], [sflag:$0x3], $0x10, s11, s23, $0xb8;
	[tilespmem:$0x1D450] =	vst v63  }
0x17a: {  	_ =	swait.ge @!p0 [sflag:s25], $0x800  }
0x17b: {  	[sflag:s25] =	ssyncset.done @!p0 $0x0  }
0x17c: {  	s11 =	simm.s32 @!p0 $0x280;
	[sflag:s25] =	ssyncadd.s32 @!p0 $0xFFFFF800  }
0x17d: {  	[spmem:s3] =	stream.indirect.scatter.add.f32 @!p0 [tilespmem:s24], [sflag:$0x3], $0x10, s11, s23, $0xb8;
	[tilespmem:$0x1D450] =	vst v63  }
0x17e: {  	_ =	swait.ge @!p0 [sflag:s25], $0x800  }
0x17f: {  	[sflag:s25] =	ssyncset.done @!p0 $0x0  }
0x180: {  	s11 =	simm.s32 @!p0 $0x300;
	[sflag:s25] =	ssyncadd.s32 @!p0 $0xFFFFF800  }
0x181: {  	[spmem:s3] =	stream.indirect.scatter.add.f32 @!p0 [tilespmem:s24], [sflag:$0x3], $0x10, s11, s23, $0xb8;
	[tilespmem:$0x1D450] =	vst v63  }
0x182: {  	_ =	swait.ge @!p0 [sflag:s25], $0x800  }
0x183: {  	[sflag:s25] =	ssyncset.done @!p0 $0x0  }
0x184: {  	s11 =	simm.s32 @!p0 $0x380;
	[sflag:s25] =	ssyncadd.s32 @!p0 $0xFFFFF800  }
0x185: {  	[spmem:s3] =	stream.indirect.scatter.add.f32 @!p0 [tilespmem:s24], [sflag:$0x2], $0x10, s11, s23, $0xb8;
	[tilespmem:$0x1D450] =	vst v63  }
.Ltmp6:
0x186: {  	_ = 	snop;
	(pc) =	sbr.rel .LBB2_6-.Ltmp6, $4  }
0x187: {  	s11 =	simm.s32 @!p0 $0x2  }
0x188: {  	_ =	swait.ge @!p0 [sflag:s11], $0x800  }
0x189: {  	[sflag:s11] =	ssyncset.done @!p0 $0x0  }
0x18a: {  	[sflag:s11] =	ssyncadd.s32 @!p0 $0xFFFFF800  }
.LBB2_8:
0x18b: {  	_ =	sfence.sel $0x180000  }
0x18c: {  	[bflag:$0x0] =	sbarrier.arrive $0xFFFF  }
0x18d: {  	_ =	strace $0x9000004A  }
0x18e: {  	[bflag:$0x2] =	sbarrier.arrive $0xFFFF  }
0x18f: {  	p0 =	sne.s32 s2, $0x0;
	s0 =	rddreg [dreg:$0x5]  }
0x190: {  	s0 =	sadd.s32 @!p0 $0x100000, s0  }
0x191: {  	[sflag:s0] =	ssyncadd.tile.s32 @!p0 $0x1;
	_ =	shalt  }
.Lfunc_end2:
_tile_overlayer_lowered:
.L_overlay_start_2:
0x192: {  	(tag) =	ssettag $0x2  }
0x193: {  	s0 =	rddreg [dreg:$0x0];
	s2 =	stileid.u32  }
0x194: {  	s1 =	rddreg [dreg:$0x1];
	p0 =	sne.s32 s2, $0x0  }
0x195: {  	s3 =	rddreg [dreg:$0x2];
	[bflag:$0x3] =	sbarrier.arrive $0xFFFF;
	s2 =	simm.s32 @!p0 $0x1C02  }
0x196: {  	[timem:s3], [sflag:s2] =	dma.local @!p0 [hbm:s0], s1  }
0x197: {  	s0 =	simm.s32 @!p0 $0x2  }
0x198: {  	_ =	swait.ge @!p0 [sflag:s0], s1  }
0x199: {  	s1 =	ssub.s32 @!p0 $0x0, s1;
	[sflag:s0] =	ssyncset.done @!p0 $0x0  }
0x19a: {  	[sflag:s0] =	ssyncadd.s32 @!p0 s1  }
0x19b: {  	[bflag:$0x3] =	sbarrier.arrive $0xFFFF  }
0x19c: {  	_ =	shalt  }

// kernel: kernel.7.cloned.1.call-start
scs
__scs_entry_jumppad:
0x0: {  	(pc) =	sbr.rel $0x88, $3  }
0x1: {  	(tag) =	ssettag $0x0;
	lr =	simm.s32 $0x1  }
0x2: {  	[smem:$0x3F92] =	sst lr;
	_ =	strace $0xD0000000  }
0x3: {  	_ = 	snop  }
0x4: {  	_ = 	snop  }
0x5: {  	_ = 	snop  }
0x6: {  	_ = 	snop  }
0x7: {  	_ = 	snop  }
__scs_overlays_trampoline_lowered:
0x8: {  	[smem:$0x3FA1] =	sst s0  }
0x9: {  	[smem:$0x3FA2] =	sst s1  }
0xa: {  	[smem:$0x3FA3] =	sst s2  }
0xb: {  	[smem:$0x3FA4] =	sst s3  }
0xc: {  	[smem:$0x3FA5] =	sst s4  }
0xd: {  	[smem:$0x3FA6] =	sst s5  }
0xe: {  	[smem:$0x3FA7] =	sst s6  }
0xf: {  	[smem:$0x3FA8] =	sst s7  }
0x10: {  	[smem:$0x3FA9] =	sst s8  }
0x11: {  	[smem:$0x3FAA] =	sst s9;
	s0 =	simm.s32 @!p0 $0x0  }
0x12: {  	s1 =	sld [smem:$0x3F90];
	s0 =	simm.s32 @p0 $0x1  }
0x13: {  	[smem:$0x3FAB] =	sst s0;
	s0 =	simm.s32 @!p1 $0x0  }
0x14: {  	s2 =	sld [smem:$0x3F8F];
	s0 =	simm.s32 @p1 $0x1  }
0x15: {  	[smem:$0x3FAC] =	sst s0;
	s0 =	simm.s32 @!p2 $0x0  }
0x16: {  	s3 =	sld [smem:$0x3FDB];
	s0 =	simm.s32 @p2 $0x1  }
0x17: {  	s4 =	simm.s32 $0x1BF5;
	[smem:$0x3FAE] =	sst s0  }
0x18: {  	s0 =	sld [smem:$0x3F91];
	_ =	swait.ge [sflag:s4], $0x0  }
0x19: {  	s7 =	sld [smem:$0x3F92]  }
0x1a: {  	s8 =	sadd.s32 $0xFFFFE003, lr  }
0x1b: {  	s9 =	sadd.s32 $0xFFFFFEF7, lr;
	s5 =	simm.s32 $0xFFFFFFFF;
	p2 =	slt.u32 s8, $0xFFFFF086  }
0x1c: {  	p1 =	slt.u32 s9, $0xF7A;
	s5 =	simm.s32 @!p2 $0x0  }
0x1d: {  	s5 =	simm.s32 @p1 $0x1;
	p0 =	seq.s32 s7, s2  }
0x1e: {  	s7 =	smul.u32 @!p0 $0xF7A, s2;
	p2 =	seq.s32 @!p0 s5, $0x0  }
0x1f: {  	s9 =	smul.u32 $0xF7A, s1;
	s8 =	simm.s32 @!p0 $0x1BF5;
	p2 =	por !p2, p0  }
0x20: {  	[sflag:s8] =	ssyncset.s32 @!p0 $0xFFFFF086;
	s6 =	sadd.s32 @!p0 s3, s7;
	s7 =	simm.s32 @!p0 $0x108  }
0x21: {  	s3 =	sadd.s32 s3, s9;
	s6 =	sadd.s32 @!p0 $0x88, s6;
	s7 =	simm.s32 @p2 $0x1082  }
0x22: {  	[simem:s7], [sflag:s8] =	dma.local @!p0 [hbm:s6], $0xF7A  }
0x23: {  	s9 =	sor.u32 $0xD0000000, s2;
	s6 =	simm.s32 $0x108;
	_ =	swait.ge @!p0 [sflag:s8], $0x0  }
0x24: {  	s3 =	sadd.s32 $0x88, s3;
	s6 =	simm.s32 @!p1 $0x1082;
	[sflag:s4] =	ssyncset.s32 $0xFFFFF086  }
0x25: {  	[simem:s6], [sflag:s4] =	dma.local [hbm:s3], $0xF7A  }
0x26: {  	[smem:$0x3F92] =	sst s1;
	(tag) =	ssettag s2;
	_ =	strace s9  }
0x27: {  	s1 =	sld [smem:$0x3FA2]  }
0x28: {  	s2 =	sld [smem:$0x3FA3]  }
0x29: {  	s4 =	sld [smem:$0x3FA5]  }
0x2a: {  	p0 =	seq.s32 s5, $0x0;
	s5 =	sld [smem:$0x3FA6]  }
0x2b: {  	s6 =	sld [smem:$0x3FA7]  }
0x2c: {  	s7 =	sld [smem:$0x3FA8]  }
0x2d: {  	s3 =	simm.s32 $0x108;
	s8 =	sld [smem:$0x3FA9]  }
0x2e: {  	s3 =	simm.s32 @!p0 $0x1082;
	s9 =	sld [smem:$0x3FAA]  }
0x2f: {  	lr =	sadd.s32 s0, s3;
	s0 =	sld [smem:$0x3FA1]  }
0x30: {  	s3 =	sld [smem:$0x3FA4]  }
0x31: {  	[smem:$0x3FAD] =	sst s10  }
0x32: {  	s10 =	sld [smem:$0x3FAB];
	_ =	sdelay $0x3  }
0x33: {  	p0 =	seq.s32 s10, $0x1;
	s10 =	sld [smem:$0x3FAD];
	_ =	sdelay $0x3  }
0x34: {  	[smem:$0x3FAD] =	sst s10  }
0x35: {  	s10 =	sld [smem:$0x3FAC];
	_ =	sdelay $0x3  }
0x36: {  	p1 =	seq.s32 s10, $0x1;
	s10 =	sld [smem:$0x3FAD];
	_ =	sdelay $0x3  }
0x37: {  	[smem:$0x3FAD] =	sst s10  }
0x38: {  	s10 =	sld [smem:$0x3FAE]  }
0x39: {  	_ = 	snop;
	(pc) =	sbr.ind lr, $3  }
0x3a: {  	_ = 	snop  }
0x3b: {  	_ = 	snop  }
0x3c: {  	p2 =	seq.s32 s10, $0x1;
	s10 =	sld [smem:$0x3FAD]  }
0x3d: {  	_ =	shalt  }
0x3e: {  	_ =	shalt  }
0x3f: {  	_ =	shalt  }
0x40: {  	_ =	shalt  }
0x41: {  	_ =	shalt  }
0x42: {  	_ =	shalt  }
0x43: {  	_ =	shalt  }
0x44: {  	_ =	shalt  }
0x45: {  	_ =	shalt  }
0x46: {  	_ =	shalt  }
0x47: {  	_ =	shalt  }
0x48: {  	_ =	shalt  }
0x49: {  	_ =	shalt  }
0x4a: {  	_ =	shalt  }
0x4b: {  	_ =	shalt  }
0x4c: {  	_ =	shalt  }
0x4d: {  	_ =	shalt  }
0x4e: {  	_ =	shalt  }
0x4f: {  	_ =	shalt  }
0x50: {  	_ =	shalt  }
0x51: {  	_ =	shalt  }
0x52: {  	_ =	shalt  }
0x53: {  	_ =	shalt  }
0x54: {  	_ =	shalt  }
0x55: {  	_ =	shalt  }
0x56: {  	_ =	shalt  }
0x57: {  	_ =	shalt  }
0x58: {  	_ =	shalt  }
0x59: {  	_ =	shalt  }
0x5a: {  	_ =	shalt  }
0x5b: {  	_ =	shalt  }
0x5c: {  	_ =	shalt  }
0x5d: {  	_ =	shalt  }
0x5e: {  	_ =	shalt  }
0x5f: {  	_ =	shalt  }
0x60: {  	_ =	shalt  }
0x61: {  	_ =	shalt  }
0x62: {  	_ =	shalt  }
0x63: {  	_ =	shalt  }
0x64: {  	_ =	shalt  }
0x65: {  	_ =	shalt  }
0x66: {  	_ =	shalt  }
0x67: {  	_ =	shalt  }
0x68: {  	_ =	shalt  }
0x69: {  	_ =	shalt  }
0x6a: {  	_ =	shalt  }
0x6b: {  	_ =	shalt  }
0x6c: {  	_ =	shalt  }
0x6d: {  	_ =	shalt  }
0x6e: {  	_ =	shalt  }
0x6f: {  	_ =	shalt  }
0x70: {  	_ =	shalt  }
0x71: {  	_ =	shalt  }
0x72: {  	_ =	shalt  }
0x73: {  	_ =	shalt  }
0x74: {  	_ =	shalt  }
0x75: {  	_ =	shalt  }
0x76: {  	_ =	shalt  }
0x77: {  	_ =	shalt  }
0x78: {  	_ =	shalt  }
0x79: {  	_ =	shalt  }
0x7a: {  	_ =	shalt  }
0x7b: {  	_ =	shalt  }
0x7c: {  	_ =	shalt  }
0x7d: {  	_ =	shalt  }
0x7e: {  	_ =	shalt  }
0x7f: {  	_ =	shalt  }
0x80: {  	_ =	shalt  }
0x81: {  	_ =	shalt  }
0x82: {  	_ =	shalt  }
0x83: {  	_ =	shalt  }
0x84: {  	_ =	shalt  }
0x85: {  	_ =	shalt  }
0x86: {  	_ =	shalt  }
0x87: {  	_ =	shalt  }
.Lfunc_end0:
.L_simem_size_0:
called_computation_lowered:
.L_overlay_start_0:
0x88: {  	s2 =	sld [smem:$0x3FD9]  }
0x89: {  	s3 =	sld [smem:$0x3FFE];
	_ =	sdelay $0x1  }
0x8a: {  	s1 =	srdreg.scid  }
0x8b: {  	s0 =	sand.u32 $0x1, s1  }
0x8c: {  	s14 =	sshll.u32 s0, $0xA;
	s2 =	sadd.s32 s3, s2  }
0x8d: {  	s2 =	sadd.s32 s2, s14  }
0x8e: {  	[smem:$0x3FB9] =	sst s2  }
0x8f: {  	_ = 	snop  }
0x90: {  	s2 =	sld [smem:$0x3FD0];
	_ =	sdelay $0x2  }
0x91: {  	s15 =	simm.s32 $0xA;
	s4 =	simm.s32 $0x10  }
0x92: {  	[smem:s4], [sflag:s15] =	dma.local [hbm:s2], $0x1  }
0x93: {  	_ =	swait.eq [sflag:s15], $0x1  }
0x94: {  	[sflag:s15] =	ssyncset.done $0x0  }
0x95: {  	[sflag:s15] =	ssyncadd.s32 $0xFFFFFFFF  }
0x96: {  	s16 =	sld [smem:$0x10];
	(tm) =	ssettm $0x1  }
0x97: {  	s17 =	sld [smem:$0x3FFB];
	_ =	sdelay $0x3  }
0x98: {  	_ =	strace s17  }
0x99: {  	s3 =	sld [smem:$0x3FFC];
	_ =	sdelay $0x3  }
0x9a: {  	_ =	strace s3  }
0x9b: {  	s3 =	sld [smem:$0x3FFD];
	_ =	sdelay $0x3  }
0x9c: {  	_ =	strace s3  }
0x9d: {  	_ =	strace $0x8FFFFFFF  }
0x9e: {  	s18 =	sld [smem:$0x3FDB];
	_ =	sdelay $0x1  }
0x9f: {  	s19 =	simm.s32 $_scs_section_size  }
0xa0: {  	s5 =	simm.s32 $_size__tile_overlayer_lowered;
	s6 =	simm.s32 $_tile_overlayer_lowered  }
0xa1: {  	s22 =	simm.s32 $0x1BFF;
	s21 =	sshll.u32 s6, $0x1;
	s3 =	sadd.s32 s19, s18  }
0xa2: {  	s7 =	simm.s32 $0x0;
	s20 =	sshll.u32 s5, $0x1;
	s5 =	sadd.s32 s21, s3  }
0xa3: {  	[timem:s7], [sflag:s22] =	dma.local [hbm:s5], s20  }
0xa4: {  	_ =	swait.ge [sflag:s22], s20  }
0xa5: {  	s4 =	ssub.s32 $0x0, s20;
	[sflag:s22] =	ssyncset.done $0x0  }
0xa6: {  	[sflag:s22] =	ssyncadd.s32 s4;
	_ =	sdelay $0x1  }
0xa7: {  	s23 =	simm.s32 $0x1B8B  }
0xa8: {  	_ =	swait.ge [sflag:s23], $0x1  }
0xa9: {  	[sflag:s23] =	ssyncset.done $0x0  }
0xaa: {  	s25 =	simm.s32 $0x1B8E;
	s24 =	sld [smem:$0x3FFE];
	[sflag:s23] =	ssyncadd.s32 $0xFFFFFFFF  }
0xab: {  	s26 =	simm.s32 $execute0_lowered;
	[smem:$0x3FD2] =	sst s25  }
0xac: {  	s5 =	sshll.u32 s26, $0x1;
	_ =	strace $0x80000046;
	[dreg:$0x1] =	wrdreg $0xFFFFFFFF  }
0xad: {  	s28 =	simm.s32 $_size_execute0_lowered;
	s3 =	sadd.s32 s3, s5;
	[dreg:$0x0] =	wrdreg $0x0  }
0xae: {  	s5 =	sshll.u32 s28, $0x1;
	[dreg:$0x2] =	wrdreg s3  }
0xaf: {  	[dreg:$0x3] =	wrdreg s5  }
0xb0: {  	[dreg:$0x4] =	wrdreg $0xC0  }
0xb1: {  	_ =	task [dreg:s7], $0x5FFFF  }
0xb2: {  	[dreg:$0x1] =	wrdreg $0xFFFFFFFF  }
0xb3: {  	[dreg:$0x0] =	wrdreg $0x60  }
0xb4: {  	[dreg:$0x2] =	wrdreg s24  }
0xb5: {  	[dreg:$0x3] =	wrdreg s16  }
0xb6: {  	[dreg:$0x4] =	wrdreg $0x9  }
0xb7: {  	_ =	task.clear_ibuf [dreg:s7], $0x5FFFF;
	_ =	strace $0x90000046  }
0xb8: {  	s29 =	simm.s32 $0x9;
	_ =	strace $0x80000048  }
0xb9: {  	_ =	swait.ge [sflag:s29], $0x1  }
0xba: {  	[sflag:s29] =	ssyncadd.s32 $0xFFFFFFFF  }
0xbb: {  	_ =	strace $0x90000048  }
0xbc: {  	_ =	sfence  }
0xbd: {  	s30 =	sld [smem:$0x0];
	_ =	sdelay $0x2  }
0xbe: {  	s31 =	sshll.u32 s1, $0xD;
	s1 =	sshrl.u32 s1, $0x2  }
0xbf: {  	s3 =	sand.u32 $0x4000, s31;
	s1 =	sadd.s32 s1, s30  }
0xc0: {  	s0 =	sor.u32 s3, s0;
	s1 =	sshll.u32 s1, $0x11  }
0xc1: {  	s0 =	sor.u32 s1, s0  }
0xc2: {  	s0 =	sadd.s32 $0x8F2B, s0  }
0xc3: {  	[sflag:s0] =	ssyncadd.remote.s32 $0x1  }
0xc4: {  	_ =	sfence.sel $0xFFFF  }
0xc5: {  	[dreg:$0x0] =	wrdreg $0xFFFFFFFF;
	(pc) =	sbr.abs _section_cstart, $3  }
0xc6: {  	[dreg:$0x1] =	wrdreg $0xFFFFFFFF  }
0xc7: {  	_ =	task.clear_ibuf [dreg:s7], $0x2FFFF;
	_ =	strace $0x9FFFFFFF  }
0xc8: {  	(tm) =	ssettm $0x7FFFFFFF  }
0xc9: {  	_ =	shalt  }
tec
execute0_lowered:
.L_overlay_start_1:
0x0: {  	(tag) =	ssettag $0x1  }
0x1: {  	s0 =	rddreg [dreg:$0x0]  }
0x2: {  	s1 =	rddreg [dreg:$0x1];
	s2 =	simm.s32 $0x0;
	s3 =	srdreg.scid  }
0x3: {  	s6 =	stileid.u32;
	s12 =	simm.s32 $0x400;
	s13 =	simm.s32 $0x1  }
0x4: {  	s14 =	simm.s32 $0x80;
	s16 =	simm.s32 $0x8800;
	s17 =	simm.s32 $0x5000  }
0x5: {  	s18 =	simm.s32 $0x480;
	s19 =	simm.s32 $0x9000;
	s20 =	simm.s32 $0x100  }
0x6: {  	s21 =	simm.s32 $0x5800;
	s22 =	simm.s32 $0x500;
	s23 =	simm.s32 $0x9800  }
0x7: {  	s28 =	simm.s32 $0xA000;
	s29 =	simm.s32 $0x2;
	s30 =	simm.s32 $0x800  }
0x8: {  	[smem:$0x7FF] =	sst s2;
	s4 =	sadd.s32 $0x9A00, s0;
	s5 =	sadd.s32 $0x4A00, s0  }
0x9: {  	s3 =	sand.u32 $0x1, s3;
	s7 =	sshll.u32 s6, $0x1;
	s6 =	sadd.s32 $0x1D400, s0  }
0xa: {  	s8 =	sadd.s32 $0x13640, s0;
	s9 =	ssub.s32 $0x2, s3;
	s7 =	sor.u32 s3, s7  }
.Ltmp0:
0xb: {  	s24 =	sshrl.u32 s9, $0x1;
	s10 =	sshll.u32 s7, $0x6;
	(pc) =	sbr.rel .LBB2_1-.Ltmp0, $4  }
0xc: {  	_ =	strace $0x80000047;
	s25 =	ssub.s32 s9, s24;
	s26 =	sadd.s32 s4, s10  }
0xd: {  	s31 =	sadd.s32 s10, s8;
	s24 =	simm.s32 $0x180;
	[dreg:$0x3] =	wrdreg s26  }
0xe: {  	s9 =	simm.s32 $0x0;
	[dreg:$0x4] =	wrdreg s31;
	s0 =	smax.u32 s25, $0x1  }
0xf: {  	s25 =	simm.s32 $0x6000;
	s26 =	simm.s32 $0x580;
	[dreg:$0x5] =	wrdreg s0  }
.LBB2_9:
0x10: {  	s0 =	simm.s32 $0x3  }
0x11: {  	_ =	swait.ge [sflag:s0], $0x2000  }
0x12: {  	[sflag:s0] =	ssyncset.done $0x0  }
0x13: {  	s3 =	simm.s32 $0x4;
	[sflag:s0] =	ssyncadd.s32 $0xFFFFE000  }
0x14: {  	_ =	swait.ge [sflag:s3], $0x2000  }
0x15: {  	s9 =	rddreg [dreg:$0x6]  }
0x16: {  	s31 =	rddreg [dreg:$0x5];
	s9 =	sadd.s32 $0x1, s9  }
0x17: {  	p0 =	sne.s32 s9, s31  }
.Ltmp1:
0x18: {  	_ = 	snop;
	(pc) =	sbr.rel @!p0 .LBB2_10-.Ltmp1, $3  }
0x19: {  	_ =	sdelay $0x1  }
0x1a: {  	[sflag:s3] =	ssyncset.done $0x0  }
0x1b: {  	[sflag:s3] =	ssyncadd.s32 $0xFFFFE000  }
.LBB2_1:
.Ltmp2:
0x1c: {  	[dreg:$0x6] =	wrdreg s9;
	(pc) =	sbr.rel .LBB2_2-.Ltmp2, $4  }
0x1d: {  	s0 =	rddreg [dreg:$0x3]  }
0x1e: {  	[tilespmem:s2], [sflag:$0x1] =	stream.linear.gather [hbm4b:s0+s2], $0x200, $0x38;
	[tilespmem:$0xC800] =	vst v63  }
0x1f: {  	s31 =	rddreg [dreg:$0x4];
	s11 =	simm.s32 $0x0  }
0x20: {  	[tilespmem:s12], [sflag:$0x1] =	stream.linear.gather [hbm4b:s31+s2], $0x200, $0x38;
	[tilespmem:$0xC800] =	vst v63  }
.LBB2_8:
0x21: {  	s11 =	sadd.s32 $0x1, s11  }
0x22: {  	p0 =	sne.s32 s11, $0xA  }
.Ltmp3:
0x23: {  	_ = 	snop;
	(pc) =	sbr.rel @!p0 .LBB2_9-.Ltmp3, $1  }
0x24: {  	_ =	sdelay $0x3  }
.LBB2_2:
0x25: {  	_ =	swait.ge [sflag:s13], $0x200;
	s0 =	sshll.u32 s11, $0x6  }
0x26: {  	[sflag:s13] =	ssyncset.done $0x0;
	s0 =	sor.u32 s7, s0  }
0x27: {  	[sflag:s13] =	ssyncadd.s32 $0xFFFFFE00;
	s31 =	sor.u32 $0x20, s0  }
0x28: {  	_ =	swait.ge [sflag:s13], $0x200;
	p1 =	sgt.u32 s31, $0x270  }
0x29: {  	[sflag:s13] =	ssyncset.done $0x0;
	s3 =	sshll.u32 @!p1 s31, $0x6;
	s10 =	simm.s32 @!p1 $0x0  }
0x2a: {  	s15 =	simm.s32 @!p1 $0x200;
	[sflag:s13] =	ssyncadd.s32 $0xFFFFFE00;
	s9 =	sadd.s32 @!p1 s4, s3  }
0x2b: {  	[tilespmem:s15], [sflag:$0x1] =	stream.linear.gather @!p1 [hbm4b:s9+s10], $0x200, $0x38;
	[tilespmem:$0xC800] =	vst v63  }
0x2c: {  	s3 =	sadd.s32 @!p1 s3, s8;
	s9 =	simm.s32 @!p1 $0x600  }
0x2d: {  	[tilespmem:s9], [sflag:$0x1] =	stream.linear.gather @!p1 [hbm4b:s3+s10], $0x200, $0x38;
	[tilespmem:$0xC800] =	vst v63  }
0x2e: {  	s15 =	simm.s32 $0x4800  }
0x2f: {  	[tilespmem:s15], [sflag:$0x2] =	stream.indirect.gather [hbm4b:s1+s14], $0x10, s2, s14, $0xb8;
	[tilespmem:$0xC800] =	vst v63  }
0x30: {  	_ = 	snop  }
0x31: {  	[tilespmem:s16], [sflag:$0x2] =	stream.indirect.gather [hbm4b:s5+s14], $0x10, s12, s14, $0xb8;
	[tilespmem:$0xC800] =	vst v63  }
0x32: {  	_ = 	snop  }
0x33: {  	[tilespmem:s17], [sflag:$0x2] =	stream.indirect.gather [hbm4b:s1+s14], $0x10, s14, s14, $0xb8;
	[tilespmem:$0xC800] =	vst v63  }
0x34: {  	_ = 	snop  }
0x35: {  	[tilespmem:s19], [sflag:$0x2] =	stream.indirect.gather [hbm4b:s5+s14], $0x10, s18, s14, $0xb8;
	[tilespmem:$0xC800] =	vst v63  }
0x36: {  	_ = 	snop  }
0x37: {  	[tilespmem:s21], [sflag:$0x2] =	stream.indirect.gather [hbm4b:s1+s14], $0x10, s20, s14, $0xb8;
	[tilespmem:$0xC800] =	vst v63  }
0x38: {  	_ = 	snop  }
0x39: {  	[tilespmem:s23], [sflag:$0x2] =	stream.indirect.gather [hbm4b:s5+s14], $0x10, s22, s14, $0xb8;
	[tilespmem:$0xC800] =	vst v63  }
0x3a: {  	_ = 	snop  }
0x3b: {  	[tilespmem:s25], [sflag:$0x2] =	stream.indirect.gather [hbm4b:s1+s14], $0x10, s24, s14, $0xb8;
	[tilespmem:$0xC800] =	vst v63  }
0x3c: {  	_ = 	snop  }
0x3d: {  	[tilespmem:s28], [sflag:$0x2] =	stream.indirect.gather [hbm4b:s5+s14], $0x10, s26, s14, $0xb8;
	[tilespmem:$0xC800] =	vst v63  }
0x3e: {  	_ =	swait.ge [sflag:s29], $0x800  }
0x3f: {  	[sflag:s29] =	ssyncset.done $0x0  }
0x40: {  	[sflag:s29] =	ssyncadd.s32 $0xFFFFF800  }
0x41: {  	_ =	swait.ge [sflag:s29], $0x800  }
0x42: {  	[sflag:s29] =	ssyncset.done $0x0  }
0x43: {  	[sflag:s29] =	ssyncadd.s32 $0xFFFFF800  }
0x44: {  	_ =	swait.ge [sflag:s29], $0x800  }
0x45: {  	[sflag:s29] =	ssyncset.done $0x0  }
0x46: {  	[sflag:s29] =	ssyncadd.s32 $0xFFFFF800  }
0x47: {  	_ =	swait.ge [sflag:s29], $0x800  }
0x48: {  	[sflag:s29] =	ssyncset.done $0x0  }
0x49: {  	[sflag:s29] =	ssyncadd.s32 $0xFFFFF800  }
0x4a: {  	_ =	swait.ge [sflag:s29], $0x800  }
0x4b: {  	[sflag:s29] =	ssyncset.done $0x0  }
0x4c: {  	[sflag:s29] =	ssyncadd.s32 $0xFFFFF800  }
0x4d: {  	_ =	swait.ge [sflag:s29], $0x800  }
0x4e: {  	[sflag:s29] =	ssyncset.done $0x0  }
0x4f: {  	[sflag:s29] =	ssyncadd.s32 $0xFFFFF800  }
0x50: {  	_ =	swait.ge [sflag:s29], $0x800  }
0x51: {  	[sflag:s29] =	ssyncset.done $0x0  }
0x52: {  	[sflag:s29] =	ssyncadd.s32 $0xFFFFF800  }
0x53: {  	_ =	swait.ge [sflag:s29], $0x800  }
0x54: {  	p0 =	seq.s32 s11, $0x0;
	[sflag:s29] =	ssyncset.done $0x0  }
0x55: {  	s3 =	simm.s32 @!p0 $0x3;
	[sflag:s29] =	ssyncadd.s32 $0xFFFFF800  }
0x56: {  	_ =	swait.ge @!p0 [sflag:s3], $0x2000  }
0x57: {  	[sflag:s3] =	ssyncset.done @!p0 $0x0  }
0x58: {  	[sflag:s3] =	ssyncadd.s32 @!p0 $0xFFFFE000;
	s3 =	simm.s32 $0x0  }
0x59: {  	v0 =	vld [tilespmem:s3+$0x4870]  }
0x5a: {  	v1 =	vld [tilespmem:s3+$0x8870]  }
0x5b: {  	v2 =	vld [tilespmem:s3+$0x4800]  }
0x5c: {  	v3 =	vld [tilespmem:s3+$0x8800]  }
0x5d: {  	v4 =	vld [tilespmem:s3+$0x4810]  }
0x5e: {  	v5 =	vld [tilespmem:s3+$0x8810]  }
0x5f: {  	v6 =	vld [tilespmem:s3+$0x4820]  }
0x60: {  	v7 =	vld [tilespmem:s3+$0x4830]  }
0x61: {  	v0 =	vadd.f32 v1, v0;
	v1 =	vld [tilespmem:s3+$0x8820]  }
0x62: {  	v8 =	vld [tilespmem:s3+$0x8830]  }
0x63: {  	v9 =	vld [tilespmem:s3+$0x8840];
	v2 =	vadd.f32 v3, v2  }
0x64: {  	[tilespmem:s3+$0x870] =	vst v0;
	v0 =	vadd.f32 v5, v4;
	v5 =	vld [tilespmem:s3+$0x4840]  }
0x65: {  	v3 =	vld [tilespmem:s3+$0x8850];
	[tilespmem:s3+$0x800] =	vst v2  }
0x66: {  	v2 =	vld [tilespmem:s3+$0x4850];
	[tilespmem:s3+$0x810] =	vst v0;
	v0 =	vadd.f32 v1, v6  }
0x67: {  	v4 =	vld [tilespmem:s3+$0x8860];
	v6 =	vadd.f32 v8, v7  }
0x68: {  	s9 =	simm.s32 $0x80;
	[tilespmem:s3+$0x820] =	vst v0;
	v0 =	vld [tilespmem:s3+$0x4860]  }
0x69: {  	s10 =	simm.s32 $0x400;
	v5 =	vadd.f32 v9, v5;
	v1 =	vld [tilespmem:s9+$0x4870];
	[tilespmem:s3+$0x830] =	vst v6  }
.LBB2_3:
0x6a: {  	p2 =	sne.s32 s10, $0x7E00;
	v6 =	vld [tilespmem:s9+$0x8870]  }
0x6b: {  	v7 =	vld [tilespmem:s9+$0x4800];
	[tilespmem:s3+$0x840] =	vst v5;
	v2 =	vadd.f32 v3, v2  }
0x6c: {  	v3 =	vld [tilespmem:s9+$0x8800]  }
0x6d: {  	v5 =	vld [tilespmem:s9+$0x4810];
	[tilespmem:s3+$0x850] =	vst v2;
	v0 =	vadd.f32 v4, v0  }
0x6e: {  	v2 =	vld [tilespmem:s9+$0x8810]  }
0x6f: {  	v4 =	vld [tilespmem:s9+$0x4820];
	v1 =	vadd.f32 v6, v1;
	[tilespmem:s3+$0x860] =	vst v0;
	s3 =	smov.u32 s9  }
0x70: {  	v0 =	vld [tilespmem:s3+$0x8820]  }
0x71: {  	v3 =	vadd.f32 v3, v7;
	v6 =	vld [tilespmem:s3+$0x4830];
	[tilespmem:s3+$0x870] =	vst v1  }
0x72: {  	v1 =	vld [tilespmem:s3+$0x8830]  }
0x73: {  	[tilespmem:s3+$0x800] =	vst v3;
	v2 =	vadd.f32 v2, v5;
	v5 =	vld [tilespmem:s3+$0x4840]  }
0x74: {  	v7 =	vld [tilespmem:s3+$0x8840]  }
.Ltmp4:
0x75: {  	[tilespmem:s3+$0x810] =	vst v2;
	v0 =	vadd.f32 v0, v4;
	v2 =	vld [tilespmem:s3+$0x4850];
	(pc) =	sbr.rel @p2 .LBB2_3-.Ltmp4, $4  }
0x76: {  	v3 =	vld [tilespmem:s3+$0x8850]  }
0x77: {  	[tilespmem:s3+$0x820] =	vst v0;
	v6 =	vadd.f32 v1, v6;
	v0 =	vld [tilespmem:s3+$0x4860]  }
0x78: {  	s9 =	sshra.s32 s10, $0x2;
	v4 =	vld [tilespmem:s3+$0x8860]  }
0x79: {  	s10 =	sadd.s32 $0x200, s10;
	v1 =	vld [tilespmem:s9+$0x4870];
	[tilespmem:s3+$0x830] =	vst v6;
	v5 =	vadd.f32 v7, v5  }
0x7a: {  	v6 =	vld [tilespmem:s9+$0x8870]  }
0x7b: {  	v7 =	vld [tilespmem:s9+$0x4800];
	[tilespmem:s3+$0x840] =	vst v5;
	v2 =	vadd.f32 v3, v2  }
0x7c: {  	v51 =	vld [tilespmem:s9+$0x8800]  }
0x7d: {  	v5 =	vld [tilespmem:s9+$0x4810];
	[tilespmem:s3+$0x850] =	vst v2;
	v0 =	vadd.f32 v4, v0  }
0x7e: {  	v2 =	vld [tilespmem:s9+$0x8810]  }
0x7f: {  	v52 =	vld [tilespmem:s9+$0x4820];
	[tilespmem:s3+$0x860] =	vst v0  }
0x80: {  	v54 =	vld [tilespmem:s9+$0x8820]  }
0x81: {  	v55 =	vld [tilespmem:s9+$0x4830]  }
0x82: {  	v56 =	vld [tilespmem:s9+$0x8830]  }
0x83: {  	v57 =	vld [tilespmem:s9+$0x4840]  }
0x84: {  	v58 =	vld [tilespmem:s9+$0x8840]  }
0x85: {  	v59 =	vld [tilespmem:s9+$0x4850]  }
0x86: {  	v53 =	vadd.f32 v6, v1;
	v60 =	vld [tilespmem:s9+$0x8850]  }
0x87: {  	v61 =	vld [tilespmem:s9+$0x4860];
	v3 =	vadd.f32 v51, v7  }
0x88: {  	v62 =	vld [tilespmem:s9+$0x8860];
	[tilespmem:s9+$0x870] =	vst v53;
	v2 =	vadd.f32 v2, v5  }
0x89: {  	[tilespmem:s9+$0x800] =	vst v3;
	v1 =	vadd.f32 v54, v52  }
0x8a: {  	[tilespmem:s9+$0x810] =	vst v2;
	v0 =	vadd.f32 v56, v55  }
0x8b: {  	v3 =	vadd.f32 v58, v57;
	[tilespmem:s9+$0x820] =	vst v1  }
.Ltmp5:
0x8c: {  	v63 =	vadd.f32 v60, v59;
	[tilespmem:s9+$0x830] =	vst v0;
	(pc) =	sbr.rel @p1 .LBB2_8-.Ltmp5, $4  }
0x8d: {  	[tilespmem:s9+$0x840] =	vst v3;
	v1 =	vadd.f32 v62, v61  }
0x8e: {  	s0 =	sshll.u32 s0, $0xA;
	[tilespmem:s9+$0x850] =	vst v63  }
0x8f: {  	s0 =	sadd.s32 s6, s0;
	[tilespmem:s9+$0x860] =	vst v1  }
0x90: {  	[hbm4b:s0+s2] =	stream.linear.scatter [tilespmem:s30], [sflag:$0x3], $0x2000, $0x38;
	[tilespmem:$0xC800] =	vst v63  }
0x91: {  	_ =	swait.ge [sflag:s13], $0x200  }
0x92: {  	p1 =	sgt.u32 s31, $0x250;
	[sflag:s13] =	ssyncset.done $0x0  }
0x93: {  	s0 =	sshll.u32 @!p1 s31, $0x6;
	[sflag:s13] =	ssyncadd.s32 $0xFFFFFE00  }
0x94: {  	s0 =	sand.u32 @!p1 $0x1FFFFFC0, s0;
	_ =	swait.ge [sflag:s13], $0x200  }
0x95: {  	s0 =	sadd.s32 @!p1 s4, s0;
	[sflag:s13] =	ssyncset.done $0x0  }
0x96: {  	s9 =	simm.s32 @!p1 $0x0;
	s3 =	sadd.s32 @!p1 $0x800, s0;
	[sflag:s13] =	ssyncadd.s32 $0xFFFFFE00  }
0x97: {  	[tilespmem:s9], [sflag:$0x1] =	stream.linear.gather @!p1 [hbm4b:s3+s9], $0x200, $0x38;
	[tilespmem:$0xC800] =	vst v63  }
0x98: {  	s0 =	sadd.s32 @!p1 $0xA440, s0;
	s3 =	simm.s32 @!p1 $0x400  }
0x99: {  	[tilespmem:s3], [sflag:$0x1] =	stream.linear.gather @!p1 [hbm4b:s0+s9], $0x200, $0x38;
	[tilespmem:$0xC800] =	vst v63  }
0x9a: {  	s3 =	simm.s32 $0x200;
	s9 =	simm.s32 $0x6800  }
0x9b: {  	[tilespmem:s9], [sflag:$0x2] =	stream.indirect.gather [hbm4b:s1+s14], $0x10, s3, s14, $0xb8;
	[tilespmem:$0xC800] =	vst v63  }
0x9c: {  	s10 =	simm.s32 $0x600;
	s15 =	simm.s32 $0xA800  }
0x9d: {  	[tilespmem:s15], [sflag:$0x2] =	stream.indirect.gather [hbm4b:s5+s14], $0x10, s10, s14, $0xb8;
	[tilespmem:$0xC800] =	vst v63  }
0x9e: {  	s3 =	simm.s32 $0x280;
	s9 =	simm.s32 $0x7000  }
0x9f: {  	[tilespmem:s9], [sflag:$0x2] =	stream.indirect.gather [hbm4b:s1+s14], $0x10, s3, s14, $0xb8;
	[tilespmem:$0xC800] =	vst v63  }
0xa0: {  	s10 =	simm.s32 $0x680;
	s15 =	simm.s32 $0xB000  }
0xa1: {  	[tilespmem:s15], [sflag:$0x2] =	stream.indirect.gather [hbm4b:s5+s14], $0x10, s10, s14, $0xb8;
	[tilespmem:$0xC800] =	vst v63  }
0xa2: {  	s3 =	simm.s32 $0x300;
	s9 =	simm.s32 $0x7800  }
0xa3: {  	[tilespmem:s9], [sflag:$0x2] =	stream.indirect.gather [hbm4b:s1+s14], $0x10, s3, s14, $0xb8;
	[tilespmem:$0xC800] =	vst v63  }
0xa4: {  	s10 =	simm.s32 $0x700;
	s15 =	simm.s32 $0xB800  }
0xa5: {  	[tilespmem:s15], [sflag:$0x2] =	stream.indirect.gather [hbm4b:s5+s14], $0x10, s10, s14, $0xb8;
	[tilespmem:$0xC800] =	vst v63  }
0xa6: {  	s3 =	simm.s32 $0x380;
	s9 =	simm.s32 $0x8000  }
0xa7: {  	[tilespmem:s9], [sflag:$0x2] =	stream.indirect.gather [hbm4b:s1+s14], $0x10, s3, s14, $0xb8;
	[tilespmem:$0xC800] =	vst v63  }
0xa8: {  	s10 =	simm.s32 $0x780;
	s15 =	simm.s32 $0xC000  }
0xa9: {  	[tilespmem:s15], [sflag:$0x2] =	stream.indirect.gather [hbm4b:s5+s14], $0x10, s10, s14, $0xb8;
	[tilespmem:$0xC800] =	vst v63  }
0xaa: {  	_ =	swait.ge [sflag:s29], $0x800  }
0xab: {  	[sflag:s29] =	ssyncset.done $0x0  }
0xac: {  	[sflag:s29] =	ssyncadd.s32 $0xFFFFF800  }
0xad: {  	_ =	swait.ge [sflag:s29], $0x800  }
0xae: {  	[sflag:s29] =	ssyncset.done $0x0  }
0xaf: {  	[sflag:s29] =	ssyncadd.s32 $0xFFFFF800  }
0xb0: {  	_ =	swait.ge [sflag:s29], $0x800  }
0xb1: {  	[sflag:s29] =	ssyncset.done $0x0  }
0xb2: {  	[sflag:s29] =	ssyncadd.s32 $0xFFFFF800  }
0xb3: {  	_ =	swait.ge [sflag:s29], $0x800  }
0xb4: {  	[sflag:s29] =	ssyncset.done $0x0  }
0xb5: {  	[sflag:s29] =	ssyncadd.s32 $0xFFFFF800  }
0xb6: {  	_ =	swait.ge [sflag:s29], $0x800  }
0xb7: {  	[sflag:s29] =	ssyncset.done $0x0  }
0xb8: {  	[sflag:s29] =	ssyncadd.s32 $0xFFFFF800  }
0xb9: {  	_ =	swait.ge [sflag:s29], $0x800  }
0xba: {  	[sflag:s29] =	ssyncset.done $0x0  }
0xbb: {  	[sflag:s29] =	ssyncadd.s32 $0xFFFFF800  }
0xbc: {  	_ =	swait.ge [sflag:s29], $0x800  }
0xbd: {  	[sflag:s29] =	ssyncset.done $0x0  }
0xbe: {  	[sflag:s29] =	ssyncadd.s32 $0xFFFFF800  }
0xbf: {  	_ =	swait.ge [sflag:s29], $0x800  }
0xc0: {  	[sflag:s29] =	ssyncset.done $0x0  }
0xc1: {  	s0 =	simm.s32 @!p0 $0x4;
	[sflag:s29] =	ssyncadd.s32 $0xFFFFF800  }
0xc2: {  	_ =	swait.ge @!p0 [sflag:s0], $0x2000  }
0xc3: {  	[sflag:s0] =	ssyncset.done @!p0 $0x0  }
0xc4: {  	[sflag:s0] =	ssyncadd.s32 @!p0 $0xFFFFE000;
	s0 =	simm.s32 $0x0  }
0xc5: {  	v0 =	vld [tilespmem:s0+$0x6870]  }
0xc6: {  	v1 =	vld [tilespmem:s0+$0xA870]  }
0xc7: {  	v2 =	vld [tilespmem:s0+$0x6800]  }
0xc8: {  	v3 =	vld [tilespmem:s0+$0xA800]  }
0xc9: {  	v4 =	vld [tilespmem:s0+$0x6810]  }
0xca: {  	v5 =	vld [tilespmem:s0+$0xA810]  }
0xcb: {  	v6 =	vld [tilespmem:s0+$0x6820]  }
0xcc: {  	v7 =	vld [tilespmem:s0+$0x6830]  }
0xcd: {  	v0 =	vadd.f32 v1, v0;
	v1 =	vld [tilespmem:s0+$0xA820]  }
0xce: {  	v8 =	vld [tilespmem:s0+$0xA830]  }
0xcf: {  	v9 =	vld [tilespmem:s0+$0xA840];
	v2 =	vadd.f32 v3, v2  }
0xd0: {  	[tilespmem:s0+$0x2870] =	vst v0;
	v0 =	vadd.f32 v5, v4;
	v5 =	vld [tilespmem:s0+$0x6840]  }
0xd1: {  	v3 =	vld [tilespmem:s0+$0xA850];
	[tilespmem:s0+$0x2800] =	vst v2  }
0xd2: {  	v2 =	vld [tilespmem:s0+$0x6850];
	[tilespmem:s0+$0x2810] =	vst v0;
	v0 =	vadd.f32 v1, v6  }
0xd3: {  	v4 =	vld [tilespmem:s0+$0xA860];
	v6 =	vadd.f32 v8, v7  }
0xd4: {  	s3 =	simm.s32 $0x80;
	[tilespmem:s0+$0x2820] =	vst v0;
	v0 =	vld [tilespmem:s0+$0x6860]  }
0xd5: {  	s9 =	simm.s32 $0x400;
	v5 =	vadd.f32 v9, v5;
	v1 =	vld [tilespmem:s3+$0x6870];
	[tilespmem:s0+$0x2830] =	vst v6  }
.LBB2_6:
0xd6: {  	p0 =	sne.s32 s9, $0x7E00;
	v6 =	vld [tilespmem:s3+$0xA870]  }
0xd7: {  	v7 =	vld [tilespmem:s3+$0x6800];
	[tilespmem:s0+$0x2840] =	vst v5;
	v2 =	vadd.f32 v3, v2  }
0xd8: {  	v3 =	vld [tilespmem:s3+$0xA800]  }
0xd9: {  	v5 =	vld [tilespmem:s3+$0x6810];
	[tilespmem:s0+$0x2850] =	vst v2;
	v0 =	vadd.f32 v4, v0  }
0xda: {  	v2 =	vld [tilespmem:s3+$0xA810]  }
0xdb: {  	v4 =	vld [tilespmem:s3+$0x6820];
	v1 =	vadd.f32 v6, v1;
	[tilespmem:s0+$0x2860] =	vst v0;
	s0 =	smov.u32 s3  }
0xdc: {  	v0 =	vld [tilespmem:s0+$0xA820]  }
0xdd: {  	v3 =	vadd.f32 v3, v7;
	v6 =	vld [tilespmem:s0+$0x6830];
	[tilespmem:s0+$0x2870] =	vst v1  }
0xde: {  	v1 =	vld [tilespmem:s0+$0xA830]  }
0xdf: {  	[tilespmem:s0+$0x2800] =	vst v3;
	v2 =	vadd.f32 v2, v5;
	v5 =	vld [tilespmem:s0+$0x6840]  }
0xe0: {  	v7 =	vld [tilespmem:s0+$0xA840]  }
.Ltmp6:
0xe1: {  	[tilespmem:s0+$0x2810] =	vst v2;
	v0 =	vadd.f32 v0, v4;
	v2 =	vld [tilespmem:s0+$0x6850];
	(pc) =	sbr.rel @p0 .LBB2_6-.Ltmp6, $4  }
0xe2: {  	v3 =	vld [tilespmem:s0+$0xA850]  }
0xe3: {  	[tilespmem:s0+$0x2820] =	vst v0;
	v6 =	vadd.f32 v1, v6;
	v0 =	vld [tilespmem:s0+$0x6860]  }
0xe4: {  	s3 =	sshra.s32 s9, $0x2;
	v4 =	vld [tilespmem:s0+$0xA860]  }
0xe5: {  	s9 =	sadd.s32 $0x200, s9;
	v1 =	vld [tilespmem:s3+$0x6870];
	[tilespmem:s0+$0x2830] =	vst v6;
	v5 =	vadd.f32 v7, v5  }
0xe6: {  	v6 =	vld [tilespmem:s3+$0xA870]  }
0xe7: {  	v7 =	vld [tilespmem:s3+$0x6800];
	[tilespmem:s0+$0x2840] =	vst v5;
	v2 =	vadd.f32 v3, v2  }
0xe8: {  	v51 =	vld [tilespmem:s3+$0xA800]  }
0xe9: {  	v5 =	vld [tilespmem:s3+$0x6810];
	[tilespmem:s0+$0x2850] =	vst v2;
	v0 =	vadd.f32 v4, v0  }
0xea: {  	v2 =	vld [tilespmem:s3+$0xA810]  }
0xeb: {  	v52 =	vld [tilespmem:s3+$0x6820];
	[tilespmem:s0+$0x2860] =	vst v0  }
0xec: {  	v54 =	vld [tilespmem:s3+$0xA820]  }
0xed: {  	v55 =	vld [tilespmem:s3+$0x6830]  }
0xee: {  	v56 =	vld [tilespmem:s3+$0xA830]  }
0xef: {  	v57 =	vld [tilespmem:s3+$0x6840]  }
0xf0: {  	v58 =	vld [tilespmem:s3+$0xA840]  }
0xf1: {  	v59 =	vld [tilespmem:s3+$0x6850]  }
0xf2: {  	v53 =	vadd.f32 v6, v1;
	v60 =	vld [tilespmem:s3+$0xA850]  }
0xf3: {  	v61 =	vld [tilespmem:s3+$0x6860];
	v3 =	vadd.f32 v51, v7  }
0xf4: {  	v62 =	vld [tilespmem:s3+$0xA860];
	[tilespmem:s3+$0x2870] =	vst v53;
	v2 =	vadd.f32 v2, v5  }
0xf5: {  	[tilespmem:s3+$0x2800] =	vst v3;
	v1 =	vadd.f32 v54, v52  }
0xf6: {  	[tilespmem:s3+$0x2810] =	vst v2;
	v0 =	vadd.f32 v56, v55  }
0xf7: {  	v3 =	vadd.f32 v58, v57;
	[tilespmem:s3+$0x2820] =	vst v1  }
.Ltmp7:
0xf8: {  	v63 =	vadd.f32 v60, v59;
	[tilespmem:s3+$0x2830] =	vst v0;
	(pc) =	sbr.rel .LBB2_8-.Ltmp7, $4  }
0xf9: {  	[tilespmem:s3+$0x2840] =	vst v3;
	v1 =	vadd.f32 v62, v61  }
0xfa: {  	s15 =	sshll.u32 s31, $0xA;
	[tilespmem:s3+$0x2850] =	vst v63  }
0xfb: {  	s31 =	simm.s32 $0x2800;
	s0 =	sadd.s32 s6, s15;
	[tilespmem:s3+$0x2860] =	vst v1  }
0xfc: {  	[hbm4b:s0+s2] =	stream.linear.scatter [tilespmem:s31], [sflag:$0x4], $0x2000, $0x38;
	[tilespmem:$0xC800] =	vst v63  }
.LBB2_10:
0xfd: {  	_ =	sfence.sel $0x180000  }
0xfe: {  	[bflag:$0x0] =	sbarrier.arrive $0xFFFF  }
0xff: {  	_ =	strace $0x90000047  }
0x100: {  	s0 =	stileid.u32;
	[bflag:$0x2] =	sbarrier.arrive $0xFFFF  }
0x101: {  	p0 =	sne.s32 s0, $0x0;
	s0 =	rddreg [dreg:$0x2]  }
0x102: {  	s0 =	sadd.s32 @!p0 $0x100000, s0  }
0x103: {  	[sflag:s0] =	ssyncadd.tile.s32 @!p0 $0x1;
	_ =	shalt  }
.Lfunc_end2:
_tile_overlayer_lowered:
.L_overlay_start_2:
0x104: {  	(tag) =	ssettag $0x2  }
0x105: {  	s0 =	rddreg [dreg:$0x0];
	s2 =	stileid.u32  }
0x106: {  	s1 =	rddreg [dreg:$0x1];
	p0 =	sne.s32 s2, $0x0  }
0x107: {  	s3 =	rddreg [dreg:$0x2];
	[bflag:$0x3] =	sbarrier.arrive $0xFFFF;
	s2 =	simm.s32 @!p0 $0x1C05  }
0x108: {  	[timem:s3], [sflag:s2] =	dma.local @!p0 [hbm:s0], s1  }
0x109: {  	s0 =	simm.s32 @!p0 $0x5  }
0x10a: {  	_ =	swait.ge @!p0 [sflag:s0], s1  }
0x10b: {  	s1 =	ssub.s32 @!p0 $0x0, s1;
	[sflag:s0] =	ssyncset.done @!p0 $0x0  }
0x10c: {  	[sflag:s0] =	ssyncadd.s32 @!p0 s1  }
0x10d: {  	[bflag:$0x3] =	sbarrier.arrive $0xFFFF  }
0x10e: {  	_ =	shalt  }

</sc_bundles>
